<compile_context>
chip_gen: v7x
topology: tpu7x:2x2x1
jax: 0.10.2.dev20260603
libtpu: 0.0.44.dev20260713+nightly
codegen_flags: <defaults>
</compile_context>

<pallas_src>
import jax
import jax.numpy as jnp
from jax import lax
from jax.experimental import pallas as pl
from jax.experimental.pallas import tpu as pltpu
from jax.experimental.pallas import tpu_sc as plsc

_BS = 4
_SX = 64
_BLK_SZ = _SX * _SX * _SX
_NW = 32
_C = 2048
_L = 16


def _make_mesh():
    return plsc.VectorSubcoreMesh(core_axis_name="c", subcore_axis_name="s")


def _hist_body(x_hbm, y_hbm, z_hbm, prm_hbm, hist_o,
               xs_v, ys_v, zs_v, cnt_v, prm_v):
    cid = lax.axis_index("c")
    sid = lax.axis_index("s")
    fid = cid * 16 + sid
    n_pts = x_hbm.shape[0]
    npt = n_pts // _NW
    nch = npt // _C
    pltpu.sync_copy(prm_hbm, prm_v)
    zero16 = jnp.full((_L,), 0, jnp.int32)
    for g in range(4):
        cnt_v[pl.ds(g * _L, _L)] = zero16
    ones = jnp.full((_L,), 1, jnp.int32)

    def chunk_body(ch, carry):
        base = fid * npt + ch * _C
        pltpu.sync_copy(x_hbm.at[pl.ds(base, _C)], xs_v)
        pltpu.sync_copy(y_hbm.at[pl.ds(base, _C)], ys_v)
        pltpu.sync_copy(z_hbm.at[pl.ds(base, _C)], zs_v)

        def vbody(j, c2):
            sl = pl.ds(j * _L, _L)
            tx = (xs_v[sl] - prm_v[0]) * prm_v[3]
            ty = (ys_v[sl] - prm_v[1]) * prm_v[4]
            tz = (zs_v[sl] - prm_v[2]) * prm_v[5]
            ix = tx.astype(jnp.int32)
            iy = ty.astype(jnp.int32)
            iz = tz.astype(jnp.int32)
            k = ix * (_BS * _BS) + iy * _BS + iz
            plsc.addupdate_scatter(cnt_v, [k], ones)
            return c2

        return lax.fori_loop(0, _C // _L, vbody, carry)

    lax.fori_loop(0, nch, chunk_body, 0)
    pltpu.sync_copy(cnt_v, hist_o.at[fid])


def _main_body(x_hbm, y_hbm, z_hbm, vol_hbm, hist_hbm, prm_hbm, out_o, *scr):
    hist_v, cnt_v, prm_v = scr[:3]
    sets = []
    for si in range(2):
        s = scr[3 + si * 26: 3 + (si + 1) * 26]
        sets.append(dict(
            xs=s[0], ys=s[1], zs=s[2],
            idx=s[3:11], val=s[11:19],
            wx=s[19], wy=s[20], wz=s[21], pos=s[22], res=s[23], sem=s[24],
            ssem=s[25]))
    A, B = sets

    cid = lax.axis_index("c")
    sid = lax.axis_index("s")
    fid = cid * 16 + sid
    n_pts = x_hbm.shape[0]
    npt = n_pts // _NW
    nch = npt // _C
    pltpu.sync_copy(prm_hbm, prm_v)
    pltpu.sync_copy(hist_hbm, hist_v)
    iota16 = lax.iota(jnp.int32, _L)
    zero16 = jnp.full((_L,), 0, jnp.int32)

    fidv = jnp.full((_L,), fid, jnp.int32)
    carry = jnp.int32(0)
    for g in range(4):
        bvec = iota16 + _L * g
        tot = zero16
        part = zero16
        for t in range(_NW):
            v = plsc.load_gather(hist_v, [jnp.full((_L,), t, jnp.int32), bvec])
            tot = tot + v
            if t < _NW - 1:
                m = jnp.full((_L,), t, jnp.int32) < fidv
                part = part + jnp.where(m, v, zero16)
        incl = plsc.cumsum(tot)
        excl = incl - tot + carry
        carry = carry + jnp.sum(tot)
        cnt_v[pl.ds(_L * g, _L)] = excl + part - 1

    s63 = jnp.full((_L,), 63.0, jnp.float32)
    one_f = jnp.full((_L,), 1.0, jnp.float32)

    def compute_and_fire(ch, S):
        @pl.when(ch >= 2)
        def _():
            pltpu.make_async_copy(S['res'], out_o.at[S['pos']],
                                  S['ssem']).wait()

        base = fid * npt + ch * _C
        pltpu.sync_copy(x_hbm.at[pl.ds(base, _C)], S['xs'])
        pltpu.sync_copy(y_hbm.at[pl.ds(base, _C)], S['ys'])
        pltpu.sync_copy(z_hbm.at[pl.ds(base, _C)], S['zs'])

        def vbody2(j2, c2):
          for jj in range(2):
            j = j2 * 2 + jj
            sl = pl.ds(j * _L, _L)
            tx = (S['xs'][sl] - prm_v[0]) * prm_v[3]
            ty = (S['ys'][sl] - prm_v[1]) * prm_v[4]
            tz = (S['zs'][sl] - prm_v[2]) * prm_v[5]
            ix = tx.astype(jnp.int32)
            iy = ty.astype(jnp.int32)
            iz = tz.astype(jnp.int32)
            k = ix * (_BS * _BS) + iy * _BS + iz
            dup, is_last = plsc.scan_count(k)
            cg = plsc.load_gather(cnt_v, [k])
            pos = cg + dup
            plsc.addupdate_scatter(cnt_v, [k], dup, mask=is_last)
            S['pos'][sl] = pos
            fx = (tx - ix.astype(jnp.float32)) * s63
            fy = (ty - iy.astype(jnp.float32)) * s63
            fz = (tz - iz.astype(jnp.float32)) * s63
            x0 = fx.astype(jnp.int32)
            y0 = fy.astype(jnp.int32)
            z0 = fz.astype(jnp.int32)
            S['wx'][sl] = fx - x0.astype(jnp.float32)
            S['wy'][sl] = fy - y0.astype(jnp.float32)
            S['wz'][sl] = fz - z0.astype(jnp.float32)
            bk = k * _BLK_SZ
            zb0 = bk + z0 * (_SX * _SX)
            b00 = zb0 + y0 * _SX
            b01 = b00 + _SX
            b10 = b00 + (_SX * _SX)
            b11 = b01 + (_SX * _SX)
            a0 = b00 + x0
            a2 = b01 + x0
            a4 = b10 + x0
            a6 = b11 + x0
            S['idx'][0][sl] = a0
            S['idx'][1][sl] = a0 + 1
            S['idx'][2][sl] = a2
            S['idx'][3][sl] = a2 + 1
            S['idx'][4][sl] = a4
            S['idx'][5][sl] = a4 + 1
            S['idx'][6][sl] = a6
            S['idx'][7][sl] = a6 + 1
          return c2

        lax.fori_loop(0, _C // (2 * _L), vbody2, 0)
        for c in range(8):
            pltpu.async_copy(vol_hbm.at[S['idx'][c]], S['val'][c], S['sem'])

    def drain_combine_scatter(S):
        for c in range(8):
            pltpu.make_async_copy(vol_hbm.at[S['idx'][c]], S['val'][c],
                                  S['sem']).wait()

        def cbody(j, c2):
            sl = pl.ds(j * _L, _L)
            wx = S['wx'][sl]
            wy = S['wy'][sl]
            wz = S['wz'][sl]
            ex = one_f - wx
            ey = one_f - wy
            ez = one_f - wz
            v = S['val']
            r0 = ey * (ex * v[0][sl] + wx * v[1][sl]) + wy * (ex * v[2][sl] + wx * v[3][sl])
            r1 = ey * (ex * v[4][sl] + wx * v[5][sl]) + wy * (ex * v[6][sl] + wx * v[7][sl])
            S['res'][sl] = ez * r0 + wz * r1
            return c2

        lax.fori_loop(0, _C // _L, cbody, 0)
        pltpu.async_copy(S['res'], out_o.at[S['pos']], S['ssem'])

    compute_and_fire(0, A)

    def pipe_body(it, c2):
        compute_and_fire(2 * it + 1, B)
        drain_combine_scatter(A)

        @pl.when(it < nch // 2 - 1)
        def _():
            compute_and_fire(2 * it + 2, A)

        drain_combine_scatter(B)
        return c2

    lax.fori_loop(0, nch // 2, pipe_body, 0)
    pltpu.make_async_copy(A['res'], out_o.at[A['pos']], A['ssem']).wait()
    pltpu.make_async_copy(B['res'], out_o.at[B['pos']], B['ssem']).wait()


def kernel(xyz_sampled, alpha_volume, aabb, domain_min, domain_max):
    del domain_min, domain_max
    n = xyz_sampled.shape[0]
    xc = xyz_sampled[:, 0]
    yc = xyz_sampled[:, 1]
    zc = xyz_sampled[:, 2]
    vol_flat = alpha_volume.reshape(-1)
    scale = jnp.float32(_BS) / (aabb[1] - aabb[0])
    prm = jnp.concatenate(
        [jnp.broadcast_to(aabb[0][:, None], (3, _L)),
         jnp.broadcast_to(scale[:, None], (3, _L))], axis=0)

    mesh = _make_mesh()
    cparams = pltpu.CompilerParams(needs_layout_passes=False)

    hist_fn = pl.kernel(
        _hist_body,
        out_type=jax.ShapeDtypeStruct((_NW, 64), jnp.int32),
        mesh=mesh,
        compiler_params=cparams,
        scratch_types=[
            pltpu.VMEM((_C,), jnp.float32),
            pltpu.VMEM((_C,), jnp.float32),
            pltpu.VMEM((_C,), jnp.float32),
            pltpu.VMEM((64,), jnp.int32),
            pltpu.VMEM((6, _L), jnp.float32),
        ],
        name="alpha_grid_hist_sc",
    )
    hist = hist_fn(xc, yc, zc, prm)

    per_set = ([pltpu.VMEM((_C,), jnp.float32) for _ in range(3)]
               + [pltpu.VMEM((_C,), jnp.int32) for _ in range(8)]
               + [pltpu.VMEM((_C,), jnp.float32) for _ in range(8)]
               + [pltpu.VMEM((_C,), jnp.float32) for _ in range(3)]
               + [pltpu.VMEM((_C,), jnp.int32),
                  pltpu.VMEM((_C,), jnp.float32),
                  pltpu.SemaphoreType.DMA,
                  pltpu.SemaphoreType.DMA])
    main_fn = pl.kernel(
        _main_body,
        out_type=jax.ShapeDtypeStruct((n,), jnp.float32),
        mesh=mesh,
        compiler_params=cparams,
        scratch_types=[
            pltpu.VMEM((_NW, 64), jnp.int32),
            pltpu.VMEM((64,), jnp.int32),
            pltpu.VMEM((6, _L), jnp.float32),
        ] + per_set + per_set,
        name="alpha_grid_sample_sc",
    )
    return main_fn(xc, yc, zc, vol_flat, hist, prm)

# --- scband reference (transcript-rebuilt; emitter-appended) ---
"""Pipeline reference for scband-alpha-grid-mask-90202903151142 (READ-ONLY COPY).

The authoritative reference and input builder live on the scoring server;
editing this copy changes nothing except your own understanding.
"""

import jax, jax.numpy as jnp
import numpy as np

BLOCK_SPLIT = (4, 4, 4)
GRID = 256
BX = GRID // 4  # 64 voxels per block per axis
N_PTS = 2097152


def setup_inputs(seed: int = 0) -> dict:
    key = jax.random.key(seed)
    k1, k2 = jax.random.split(key)
    xyz_sampled = jax.random.uniform(k1, (N_PTS, 3), dtype=jnp.float32)  # in [0,1), inside aabb
    alpha_volume = jax.random.uniform(k2, (GRID, GRID, GRID), dtype=jnp.float32)
    aabb = jnp.array([[0.0, 0.0, 0.0], [1.0, 1.0, 1.0]], dtype=jnp.float32)
    # per-block domains (what the g2l CUDA kernel uses to map global -> local [-1,1])
    ii, jj, kk = jnp.meshgrid(jnp.arange(4), jnp.arange(4), jnp.arange(4), indexing='ij')
    blk3d = jnp.stack([ii.reshape(-1), jj.reshape(-1), kk.reshape(-1)], axis=1).astype(jnp.float32)
    voxel = (aabb[1] - aabb[0]) / jnp.array(BLOCK_SPLIT, jnp.float32)
    domain_min = aabb[0] + blk3d * voxel
    domain_max = domain_min + voxel
    return {
        'xyz_sampled': xyz_sampled,
        'alpha_volume': alpha_volume,
        'aabb': aabb,
        'domain_min': domain_min,
        'domain_max': domain_max,
    }


def _trilinear_block_sample(vol_flat, blk, local):
    # Emulates F.grid_sample(align_corners=True) per-block on 64^3 volumes.
    # grid convention: local[:,0]=x -> W (last axis), local[:,1]=y -> H, local[:,2]=z -> D (first axis)
    S = BX
    gx, gy, gz = local[:, 0], local[:, 1], local[:, 2]
    fx = (gx + 1.0) * 0.5 * (S - 1)
    fy = (gy + 1.0) * 0.5 * (S - 1)
    fz = (gz + 1.0) * 0.5 * (S - 1)
    x0f = jnp.floor(fx); y0f = jnp.floor(fy); z0f = jnp.floor(fz)
    wx = fx - x0f; wy = fy - y0f; wz = fz - z0f
    x0 = x0f.astype(jnp.int32); y0 = y0f.astype(jnp.int32); z0 = z0f.astype(jnp.int32)
    x0c = jnp.clip(x0, 0, S - 1); x1c = jnp.clip(x0 + 1, 0, S - 1)
    y0c = jnp.clip(y0, 0, S - 1); y1c = jnp.clip(y0 + 1, 0, S - 1)
    z0c = jnp.clip(z0, 0, S - 1); z1c = jnp.clip(z0 + 1, 0, S - 1)
    base = blk.astype(jnp.int32) * (S * S * S)

    def val(z, y, x):
        return vol_flat[base + z * (S * S) + y * S + x]

    c000 = val(z0c, y0c, x0c); c001 = val(z0c, y0c, x1c)
    c010 = val(z0c, y1c, x0c); c011 = val(z0c, y1c, x1c)
    c100 = val(z1c, y0c, x0c); c101 = val(z1c, y0c, x1c)
    c110 = val(z1c, y1c, x0c); c111 = val(z1c, y1c, x1c)
    out = ((1 - wz) * ((1 - wy) * ((1 - wx) * c000 + wx * c001) + wy * ((1 - wx) * c010 + wx * c011))
           + wz * ((1 - wy) * ((1 - wx) * c100 + wx * c101) + wy * ((1 - wx) * c110 + wx * c111)))
    return out


def reference(xyz_sampled, alpha_volume, aabb, domain_min, domain_max):
    bs_f = jnp.array(BLOCK_SPLIT, jnp.float32)
    bs_i = jnp.array(BLOCK_SPLIT, jnp.int32)
    voxel = (aabb[1] - aabb[0]) / bs_f
    strides = jnp.array([BLOCK_SPLIT[2] * BLOCK_SPLIT[1], BLOCK_SPLIT[2], 1], jnp.int32)
    xyz = xyz_sampled.reshape(-1, 3)
    idx3d = jnp.floor((xyz - aabb[0]) / voxel).astype(jnp.int32)
    idx3d = jnp.clip(idx3d, 0, bs_i - 1)  # matches the edge-clamping loops
    flat = (idx3d * strides).sum(axis=1)
    order = jnp.argsort(flat)  # torch.sort reorder_indices
    pts = xyz[order]
    blk = flat[order]
    # global_to_local: map each point into its block domain as [-1,1] coords
    dmin = domain_min[blk]
    dmax = domain_max[blk]
    local = (pts - dmin) / (dmax - dmin) * 2.0 - 1.0
    # alpha_volume.view(n_block, 1, 64, 64, 64) is a raw row-major reinterpret -> flat indexing
    vol_flat = alpha_volume.reshape(-1)
    alpha_vals = _trilinear_block_sample(vol_flat, blk, local)
    return alpha_vals

if __name__ == "__main__":
    import jax
    _d = setup_inputs()
    print(jax.jit(kernel)(*tuple(_d.values())))

</pallas_src>

<mosaic_0001>
#map = affine_map<(d0, d1) -> (0)>
#map1 = affine_map<(d0, d1) -> (0, 0)>
module attributes {stable_mosaic.version = 14 : i64} {
  func.func @alpha_grid_sample_sc(%arg0: i32, %arg1: i32, %arg2: memref<2097152xf32, #tpu.memory_space<hbm>>, %arg3: memref<2097152xf32, #tpu.memory_space<hbm>>, %arg4: memref<2097152xf32, #tpu.memory_space<hbm>>, %arg5: memref<16777216xf32, #tpu.memory_space<hbm>>, %arg6: memref<32x64xi32, #tpu.memory_space<hbm>>, %arg7: memref<6x16xf32, #tpu.memory_space<hbm>>, %arg8: memref<2097152xf32, #tpu.memory_space<hbm>>, %arg9: memref<32x64xi32, #tpu.memory_space<vmem>>, %arg10: memref<64xi32, #tpu.memory_space<vmem>>, %arg11: memref<6x16xf32, #tpu.memory_space<vmem>>, %arg12: memref<2048xf32, #tpu.memory_space<vmem>>, %arg13: memref<2048xf32, #tpu.memory_space<vmem>>, %arg14: memref<2048xf32, #tpu.memory_space<vmem>>, %arg15: memref<2048xi32, #tpu.memory_space<vmem>>, %arg16: memref<2048xi32, #tpu.memory_space<vmem>>, %arg17: memref<2048xi32, #tpu.memory_space<vmem>>, %arg18: memref<2048xi32, #tpu.memory_space<vmem>>, %arg19: memref<2048xi32, #tpu.memory_space<vmem>>, %arg20: memref<2048xi32, #tpu.memory_space<vmem>>, %arg21: memref<2048xi32, #tpu.memory_space<vmem>>, %arg22: memref<2048xi32, #tpu.memory_space<vmem>>, %arg23: memref<2048xf32, #tpu.memory_space<vmem>>, %arg24: memref<2048xf32, #tpu.memory_space<vmem>>, %arg25: memref<2048xf32, #tpu.memory_space<vmem>>, %arg26: memref<2048xf32, #tpu.memory_space<vmem>>, %arg27: memref<2048xf32, #tpu.memory_space<vmem>>, %arg28: memref<2048xf32, #tpu.memory_space<vmem>>, %arg29: memref<2048xf32, #tpu.memory_space<vmem>>, %arg30: memref<2048xf32, #tpu.memory_space<vmem>>, %arg31: memref<2048xf32, #tpu.memory_space<vmem>>, %arg32: memref<2048xf32, #tpu.memory_space<vmem>>, %arg33: memref<2048xf32, #tpu.memory_space<vmem>>, %arg34: memref<2048xi32, #tpu.memory_space<vmem>>, %arg35: memref<2048xf32, #tpu.memory_space<vmem>>, %arg36: memref<!tpu.dma_semaphore, #tpu.memory_space<semaphore_mem>>, %arg37: memref<!tpu.dma_semaphore, #tpu.memory_space<semaphore_mem>>, %arg38: memref<2048xf32, #tpu.memory_space<vmem>>, %arg39: memref<2048xf32, #tpu.memory_space<vmem>>, %arg40: memref<2048xf32, #tpu.memory_space<vmem>>, %arg41: memref<2048xi32, #tpu.memory_space<vmem>>, %arg42: memref<2048xi32, #tpu.memory_space<vmem>>, %arg43: memref<2048xi32, #tpu.memory_space<vmem>>, %arg44: memref<2048xi32, #tpu.memory_space<vmem>>, %arg45: memref<2048xi32, #tpu.memory_space<vmem>>, %arg46: memref<2048xi32, #tpu.memory_space<vmem>>, %arg47: memref<2048xi32, #tpu.memory_space<vmem>>, %arg48: memref<2048xi32, #tpu.memory_space<vmem>>, %arg49: memref<2048xf32, #tpu.memory_space<vmem>>, %arg50: memref<2048xf32, #tpu.memory_space<vmem>>, %arg51: memref<2048xf32, #tpu.memory_space<vmem>>, %arg52: memref<2048xf32, #tpu.memory_space<vmem>>, %arg53: memref<2048xf32, #tpu.memory_space<vmem>>, %arg54: memref<2048xf32, #tpu.memory_space<vmem>>, %arg55: memref<2048xf32, #tpu.memory_space<vmem>>, %arg56: memref<2048xf32, #tpu.memory_space<vmem>>, %arg57: memref<2048xf32, #tpu.memory_space<vmem>>, %arg58: memref<2048xf32, #tpu.memory_space<vmem>>, %arg59: memref<2048xf32, #tpu.memory_space<vmem>>, %arg60: memref<2048xi32, #tpu.memory_space<vmem>>, %arg61: memref<2048xf32, #tpu.memory_space<vmem>>, %arg62: memref<!tpu.dma_semaphore, #tpu.memory_space<semaphore_mem>>, %arg63: memref<!tpu.dma_semaphore, #tpu.memory_space<semaphore_mem>>) attributes {dimension_semantics = [#tpu.dimension_semantics<core_parallel>, #tpu.dimension_semantics<subcore_parallel>], iteration_bounds = array<i64: 2, 16>, scalar_prefetch = 0 : i64, scratch_operands = 55 : i64, tpu.core_type = #tpu.core_type<sc_vector_subcore>, window_params = [{transform_indices = #map}, {transform_indices = #map}, {transform_indices = #map}, {transform_indices = #map}, {transform_indices = #map1}, {transform_indices = #map1}, {transform_indices = #map}]} {
    %mul3A = arith.constant 16 : i32
    %mul3A_0 = arith.muli %arg0, %mul3A : i32
    %add3A = arith.addi %mul3A_0, %arg1 : i32
    "tpu.region"() ({
      %run_scoped3A = tpu.sem_alloc : memref<!tpu.dma_semaphore, #tpu.memory_space<semaphore_mem>>
      tpu.enqueue_dma source(%arg7 : memref<6x16xf32, #tpu.memory_space<hbm>>) target(%arg11 : memref<6x16xf32, #tpu.memory_space<vmem>>) target_semaphore(%run_scoped3A : memref<!tpu.dma_semaphore, #tpu.memory_space<semaphore_mem>>)
      tpu.wait_dma2 semaphore(%run_scoped3A : memref<!tpu.dma_semaphore, #tpu.memory_space<semaphore_mem>>) src(%arg7 : memref<6x16xf32, #tpu.memory_space<hbm>>) dst(%arg11 : memref<6x16xf32, #tpu.memory_space<vmem>>)
      tpu.yield
    }) : () -> ()
    "tpu.region"() ({
      %run_scoped3A = tpu.sem_alloc : memref<!tpu.dma_semaphore, #tpu.memory_space<semaphore_mem>>
      tpu.enqueue_dma source(%arg6 : memref<32x64xi32, #tpu.memory_space<hbm>>) target(%arg9 : memref<32x64xi32, #tpu.memory_space<vmem>>) target_semaphore(%run_scoped3A : memref<!tpu.dma_semaphore, #tpu.memory_space<semaphore_mem>>)
      tpu.wait_dma2 semaphore(%run_scoped3A : memref<!tpu.dma_semaphore, #tpu.memory_space<semaphore_mem>>) src(%arg6 : memref<32x64xi32, #tpu.memory_space<hbm>>) dst(%arg9 : memref<32x64xi32, #tpu.memory_space<vmem>>)
      tpu.yield
    }) : () -> ()
    %iota3A = tpu.iota {dimensions = array<i32: 0>} : vector<16xi32>
    %broadcast_in_dim3A = arith.constant 0 : i32
    %broadcast_in_dim3A_1 = vector.broadcast %broadcast_in_dim3A : i32 to vector<16xi32>
    %broadcast_in_dim3A_2 = vector.broadcast %add3A : i32 to vector<16xi32>
    %add3A_3 = arith.constant 0 : i32
    %add3A_4 = vector.broadcast %add3A_3 : i32 to vector<16xi32>
    %add3A_5 = arith.addi %iota3A, %add3A_4 : vector<16xi32>
    %broadcast_in_dim3A_6 = arith.constant 0 : i32
    %broadcast_in_dim3A_7 = vector.broadcast %broadcast_in_dim3A_6 : i32 to vector<16xi32>
    %gather3A = tpu.vector_load_idx %arg9[%broadcast_in_dim3A_7, %add3A_5] : memref<32x64xi32, #tpu.memory_space<vmem>>[vector<16xi32>, vector<16xi32>], vector<16xi32>,
    %add3A_8 = arith.addi %broadcast_in_dim3A_1, %gather3A : vector<16xi32>
    %broadcast_in_dim3A_9 = arith.constant 0 : i32
    %broadcast_in_dim3A_10 = vector.broadcast %broadcast_in_dim3A_9 : i32 to vector<16xi32>
    %lt3A = arith.cmpi slt, %broadcast_in_dim3A_10, %broadcast_in_dim3A_2 : vector<16xi32>
    %select_n3A = arith.select %lt3A, %gather3A, %broadcast_in_dim3A_1 : vector<16xi1>, vector<16xi32>
    %add3A_11 = arith.addi %broadcast_in_dim3A_1, %select_n3A : vector<16xi32>
    %broadcast_in_dim3A_12 = arith.constant 1 : i32
    %broadcast_in_dim3A_13 = vector.broadcast %broadcast_in_dim3A_12 : i32 to vector<16xi32>
    %gather3A_14 = tpu.vector_load_idx %arg9[%broadcast_in_dim3A_13, %add3A_5] : memref<32x64xi32, #tpu.memory_space<vmem>>[vector<16xi32>, vector<16xi32>], vector<16xi32>,
    %add3A_15 = arith.addi %add3A_8, %gather3A_14 : vector<16xi32>
    %broadcast_in_dim3A_16 = arith.constant 1 : i32
    %broadcast_in_dim3A_17 = vector.broadcast %broadcast_in_dim3A_16 : i32 to vector<16xi32>
    %lt3A_18 = arith.cmpi slt, %broadcast_in_dim3A_17, %broadcast_in_dim3A_2 : vector<16xi32>
    %select_n3A_19 = arith.select %lt3A_18, %gather3A_14, %broadcast_in_dim3A_1 : vector<16xi1>, vector<16xi32>
    %add3A_20 = arith.addi %add3A_11, %select_n3A_19 : vector<16xi32>
    %broadcast_in_dim3A_21 = arith.constant 2 : i32
    %broadcast_in_dim3A_22 = vector.broadcast %broadcast_in_dim3A_21 : i32 to vector<16xi32>
    %gather3A_23 = tpu.vector_load_idx %arg9[%broadcast_in_dim3A_22, %add3A_5] : memref<32x64xi32, #tpu.memory_space<vmem>>[vector<16xi32>, vector<16xi32>], vector<16xi32>,
    %add3A_24 = arith.addi %add3A_15, %gather3A_23 : vector<16xi32>
    %broadcast_in_dim3A_25 = arith.constant 2 : i32
    %broadcast_in_dim3A_26 = vector.broadcast %broadcast_in_dim3A_25 : i32 to vector<16xi32>
    %lt3A_27 = arith.cmpi slt, %broadcast_in_dim3A_26, %broadcast_in_dim3A_2 : vector<16xi32>
    %select_n3A_28 = arith.select %lt3A_27, %gather3A_23, %broadcast_in_dim3A_1 : vector<16xi1>, vector<16xi32>
    %add3A_29 = arith.addi %add3A_20, %select_n3A_28 : vector<16xi32>
    %broadcast_in_dim3A_30 = arith.constant 3 : i32
    %broadcast_in_dim3A_31 = vector.broadcast %broadcast_in_dim3A_30 : i32 to vector<16xi32>
    %gather3A_32 = tpu.vector_load_idx %arg9[%broadcast_in_dim3A_31, %add3A_5] : memref<32x64xi32, #tpu.memory_space<vmem>>[vector<16xi32>, vector<16xi32>], vector<16xi32>,
    %add3A_33 = arith.addi %add3A_24, %gather3A_32 : vector<16xi32>
    %broadcast_in_dim3A_34 = arith.constant 3 : i32
    %broadcast_in_dim3A_35 = vector.broadcast %broadcast_in_dim3A_34 : i32 to vector<16xi32>
    %lt3A_36 = arith.cmpi slt, %broadcast_in_dim3A_35, %broadcast_in_dim3A_2 : vector<16xi32>
    %select_n3A_37 = arith.select %lt3A_36, %gather3A_32, %broadcast_in_dim3A_1 : vector<16xi1>, vector<16xi32>
    %add3A_38 = arith.addi %add3A_29, %select_n3A_37 : vector<16xi32>
    %broadcast_in_dim3A_39 = arith.constant 4 : i32
    %broadcast_in_dim3A_40 = vector.broadcast %broadcast_in_dim3A_39 : i32 to vector<16xi32>
    %gather3A_41 = tpu.vector_load_idx %arg9[%broadcast_in_dim3A_40, %add3A_5] : memref<32x64xi32, #tpu.memory_space<vmem>>[vector<16xi32>, vector<16xi32>], vector<16xi32>,
    %add3A_42 = arith.addi %add3A_33, %gather3A_41 : vector<16xi32>
    %broadcast_in_dim3A_43 = arith.constant 4 : i32
    %broadcast_in_dim3A_44 = vector.broadcast %broadcast_in_dim3A_43 : i32 to vector<16xi32>
    %lt3A_45 = arith.cmpi slt, %broadcast_in_dim3A_44, %broadcast_in_dim3A_2 : vector<16xi32>
    %select_n3A_46 = arith.select %lt3A_45, %gather3A_41, %broadcast_in_dim3A_1 : vector<16xi1>, vector<16xi32>
    %add3A_47 = arith.addi %add3A_38, %select_n3A_46 : vector<16xi32>
    %broadcast_in_dim3A_48 = arith.constant 5 : i32
    %broadcast_in_dim3A_49 = vector.broadcast %broadcast_in_dim3A_48 : i32 to vector<16xi32>
    %gather3A_50 = tpu.vector_load_idx %arg9[%broadcast_in_dim3A_49, %add3A_5] : memref<32x64xi32, #tpu.memory_space<vmem>>[vector<16xi32>, vector<16xi32>], vector<16xi32>,
    %add3A_51 = arith.addi %add3A_42, %gather3A_50 : vector<16xi32>
    %broadcast_in_dim3A_52 = arith.constant 5 : i32
    %broadcast_in_dim3A_53 = vector.broadcast %broadcast_in_dim3A_52 : i32 to vector<16xi32>
    %lt3A_54 = arith.cmpi slt, %broadcast_in_dim3A_53, %broadcast_in_dim3A_2 : vector<16xi32>
    %select_n3A_55 = arith.select %lt3A_54, %gather3A_50, %broadcast_in_dim3A_1 : vector<16xi1>, vector<16xi32>
    %add3A_56 = arith.addi %add3A_47, %select_n3A_55 : vector<16xi32>
    %broadcast_in_dim3A_57 = arith.constant 6 : i32
    %broadcast_in_dim3A_58 = vector.broadcast %broadcast_in_dim3A_57 : i32 to vector<16xi32>
    %gather3A_59 = tpu.vector_load_idx %arg9[%broadcast_in_dim3A_58, %add3A_5] : memref<32x64xi32, #tpu.memory_space<vmem>>[vector<16xi32>, vector<16xi32>], vector<16xi32>,
    %add3A_60 = arith.addi %add3A_51, %gather3A_59 : vector<16xi32>
    %broadcast_in_dim3A_61 = arith.constant 6 : i32
    %broadcast_in_dim3A_62 = vector.broadcast %broadcast_in_dim3A_61 : i32 to vector<16xi32>
    %lt3A_63 = arith.cmpi slt, %broadcast_in_dim3A_62, %broadcast_in_dim3A_2 : vector<16xi32>
    %select_n3A_64 = arith.select %lt3A_63, %gather3A_59, %broadcast_in_dim3A_1 : vector<16xi1>, vector<16xi32>
    %add3A_65 = arith.addi %add3A_56, %select_n3A_64 : vector<16xi32>
    %broadcast_in_dim3A_66 = arith.constant 7 : i32
    %broadcast_in_dim3A_67 = vector.broadcast %broadcast_in_dim3A_66 : i32 to vector<16xi32>
    %gather3A_68 = tpu.vector_load_idx %arg9[%broadcast_in_dim3A_67, %add3A_5] : memref<32x64xi32, #tpu.memory_space<vmem>>[vector<16xi32>, vector<16xi32>], vector<16xi32>,
    %add3A_69 = arith.addi %add3A_60, %gather3A_68 : vector<16xi32>
    %broadcast_in_dim3A_70 = arith.constant 7 : i32
    %broadcast_in_dim3A_71 = vector.broadcast %broadcast_in_dim3A_70 : i32 to vector<16xi32>
    %lt3A_72 = arith.cmpi slt, %broadcast_in_dim3A_71, %broadcast_in_dim3A_2 : vector<16xi32>
    %select_n3A_73 = arith.select %lt3A_72, %gather3A_68, %broadcast_in_dim3A_1 : vector<16xi1>, vector<16xi32>
    %add3A_74 = arith.addi %add3A_65, %select_n3A_73 : vector<16xi32>
    %broadcast_in_dim3A_75 = arith.constant 8 : i32
    %broadcast_in_dim3A_76 = vector.broadcast %broadcast_in_dim3A_75 : i32 to vector<16xi32>
    %gather3A_77 = tpu.vector_load_idx %arg9[%broadcast_in_dim3A_76, %add3A_5] : memref<32x64xi32, #tpu.memory_space<vmem>>[vector<16xi32>, vector<16xi32>], vector<16xi32>,
    %add3A_78 = arith.addi %add3A_69, %gather3A_77 : vector<16xi32>
    %broadcast_in_dim3A_79 = arith.constant 8 : i32
    %broadcast_in_dim3A_80 = vector.broadcast %broadcast_in_dim3A_79 : i32 to vector<16xi32>
    %lt3A_81 = arith.cmpi slt, %broadcast_in_dim3A_80, %broadcast_in_dim3A_2 : vector<16xi32>
    %select_n3A_82 = arith.select %lt3A_81, %gather3A_77, %broadcast_in_dim3A_1 : vector<16xi1>, vector<16xi32>
    %add3A_83 = arith.addi %add3A_74, %select_n3A_82 : vector<16xi32>
    %broadcast_in_dim3A_84 = arith.constant 9 : i32
    %broadcast_in_dim3A_85 = vector.broadcast %broadcast_in_dim3A_84 : i32 to vector<16xi32>
    %gather3A_86 = tpu.vector_load_idx %arg9[%broadcast_in_dim3A_85, %add3A_5] : memref<32x64xi32, #tpu.memory_space<vmem>>[vector<16xi32>, vector<16xi32>], vector<16xi32>,
    %add3A_87 = arith.addi %add3A_78, %gather3A_86 : vector<16xi32>
    %broadcast_in_dim3A_88 = arith.constant 9 : i32
    %broadcast_in_dim3A_89 = vector.broadcast %broadcast_in_dim3A_88 : i32 to vector<16xi32>
    %lt3A_90 = arith.cmpi slt, %broadcast_in_dim3A_89, %broadcast_in_dim3A_2 : vector<16xi32>
    %select_n3A_91 = arith.select %lt3A_90, %gather3A_86, %broadcast_in_dim3A_1 : vector<16xi1>, vector<16xi32>
    %add3A_92 = arith.addi %add3A_83, %select_n3A_91 : vector<16xi32>
    %broadcast_in_dim3A_93 = arith.constant 10 : i32
    %broadcast_in_dim3A_94 = vector.broadcast %broadcast_in_dim3A_93 : i32 to vector<16xi32>
    %gather3A_95 = tpu.vector_load_idx %arg9[%broadcast_in_dim3A_94, %add3A_5] : memref<32x64xi32, #tpu.memory_space<vmem>>[vector<16xi32>, vector<16xi32>], vector<16xi32>,
    %add3A_96 = arith.addi %add3A_87, %gather3A_95 : vector<16xi32>
    %broadcast_in_dim3A_97 = arith.constant 10 : i32
    %broadcast_in_dim3A_98 = vector.broadcast %broadcast_in_dim3A_97 : i32 to vector<16xi32>
    %lt3A_99 = arith.cmpi slt, %broadcast_in_dim3A_98, %broadcast_in_dim3A_2 : vector<16xi32>
    %select_n3A_100 = arith.select %lt3A_99, %gather3A_95, %broadcast_in_dim3A_1 : vector<16xi1>, vector<16xi32>
    %add3A_101 = arith.addi %add3A_92, %select_n3A_100 : vector<16xi32>
    %broadcast_in_dim3A_102 = arith.constant 11 : i32
    %broadcast_in_dim3A_103 = vector.broadcast %broadcast_in_dim3A_102 : i32 to vector<16xi32>
    %gather3A_104 = tpu.vector_load_idx %arg9[%broadcast_in_dim3A_103, %add3A_5] : memref<32x64xi32, #tpu.memory_space<vmem>>[vector<16xi32>, vector<16xi32>], vector<16xi32>,
    %add3A_105 = arith.addi %add3A_96, %gather3A_104 : vector<16xi32>
    %broadcast_in_dim3A_106 = arith.constant 11 : i32
    %broadcast_in_dim3A_107 = vector.broadcast %broadcast_in_dim3A_106 : i32 to vector<16xi32>
    %lt3A_108 = arith.cmpi slt, %broadcast_in_dim3A_107, %broadcast_in_dim3A_2 : vector<16xi32>
    %select_n3A_109 = arith.select %lt3A_108, %gather3A_104, %broadcast_in_dim3A_1 : vector<16xi1>, vector<16xi32>
    %add3A_110 = arith.addi %add3A_101, %select_n3A_109 : vector<16xi32>
    %broadcast_in_dim3A_111 = arith.constant 12 : i32
    %broadcast_in_dim3A_112 = vector.broadcast %broadcast_in_dim3A_111 : i32 to vector<16xi32>
    %gather3A_113 = tpu.vector_load_idx %arg9[%broadcast_in_dim3A_112, %add3A_5] : memref<32x64xi32, #tpu.memory_space<vmem>>[vector<16xi32>, vector<16xi32>], vector<16xi32>,
    %add3A_114 = arith.addi %add3A_105, %gather3A_113 : vector<16xi32>
    %broadcast_in_dim3A_115 = arith.constant 12 : i32
    %broadcast_in_dim3A_116 = vector.broadcast %broadcast_in_dim3A_115 : i32 to vector<16xi32>
    %lt3A_117 = arith.cmpi slt, %broadcast_in_dim3A_116, %broadcast_in_dim3A_2 : vector<16xi32>
    %select_n3A_118 = arith.select %lt3A_117, %gather3A_113, %broadcast_in_dim3A_1 : vector<16xi1>, vector<16xi32>
    %add3A_119 = arith.addi %add3A_110, %select_n3A_118 : vector<16xi32>
    %broadcast_in_dim3A_120 = arith.constant 13 : i32
    %broadcast_in_dim3A_121 = vector.broadcast %broadcast_in_dim3A_120 : i32 to vector<16xi32>
    %gather3A_122 = tpu.vector_load_idx %arg9[%broadcast_in_dim3A_121, %add3A_5] : memref<32x64xi32, #tpu.memory_space<vmem>>[vector<16xi32>, vector<16xi32>], vector<16xi32>,
    %add3A_123 = arith.addi %add3A_114, %gather3A_122 : vector<16xi32>
    %broadcast_in_dim3A_124 = arith.constant 13 : i32
    %broadcast_in_dim3A_125 = vector.broadcast %broadcast_in_dim3A_124 : i32 to vector<16xi32>
    %lt3A_126 = arith.cmpi slt, %broadcast_in_dim3A_125, %broadcast_in_dim3A_2 : vector<16xi32>
    %select_n3A_127 = arith.select %lt3A_126, %gather3A_122, %broadcast_in_dim3A_1 : vector<16xi1>, vector<16xi32>
    %add3A_128 = arith.addi %add3A_119, %select_n3A_127 : vector<16xi32>
    %broadcast_in_dim3A_129 = arith.constant 14 : i32
    %broadcast_in_dim3A_130 = vector.broadcast %broadcast_in_dim3A_129 : i32 to vector<16xi32>
    %gather3A_131 = tpu.vector_load_idx %arg9[%broadcast_in_dim3A_130, %add3A_5] : memref<32x64xi32, #tpu.memory_space<vmem>>[vector<16xi32>, vector<16xi32>], vector<16xi32>,
    %add3A_132 = arith.addi %add3A_123, %gather3A_131 : vector<16xi32>
    %broadcast_in_dim3A_133 = arith.constant 14 : i32
    %broadcast_in_dim3A_134 = vector.broadcast %broadcast_in_dim3A_133 : i32 to vector<16xi32>
    %lt3A_135 = arith.cmpi slt, %broadcast_in_dim3A_134, %broadcast_in_dim3A_2 : vector<16xi32>
    %select_n3A_136 = arith.select %lt3A_135, %gather3A_131, %broadcast_in_dim3A_1 : vector<16xi1>, vector<16xi32>
    %add3A_137 = arith.addi %add3A_128, %select_n3A_136 : vector<16xi32>
    %broadcast_in_dim3A_138 = arith.constant 15 : i32
    %broadcast_in_dim3A_139 = vector.broadcast %broadcast_in_dim3A_138 : i32 to vector<16xi32>
    %gather3A_140 = tpu.vector_load_idx %arg9[%broadcast_in_dim3A_139, %add3A_5] : memref<32x64xi32, #tpu.memory_space<vmem>>[vector<16xi32>, vector<16xi32>], vector<16xi32>,
    %add3A_141 = arith.addi %add3A_132, %gather3A_140 : vector<16xi32>
    %broadcast_in_dim3A_142 = arith.constant 15 : i32
    %broadcast_in_dim3A_143 = vector.broadcast %broadcast_in_dim3A_142 : i32 to vector<16xi32>
    %lt3A_144 = arith.cmpi slt, %broadcast_in_dim3A_143, %broadcast_in_dim3A_2 : vector<16xi32>
    %select_n3A_145 = arith.select %lt3A_144, %gather3A_140, %broadcast_in_dim3A_1 : vector<16xi1>, vector<16xi32>
    %add3A_146 = arith.addi %add3A_137, %select_n3A_145 : vector<16xi32>
    %broadcast_in_dim3A_147 = arith.constant 16 : i32
    %broadcast_in_dim3A_148 = vector.broadcast %broadcast_in_dim3A_147 : i32 to vector<16xi32>
    %gather3A_149 = tpu.vector_load_idx %arg9[%broadcast_in_dim3A_148, %add3A_5] : memref<32x64xi32, #tpu.memory_space<vmem>>[vector<16xi32>, vector<16xi32>], vector<16xi32>,
    %add3A_150 = arith.addi %add3A_141, %gather3A_149 : vector<16xi32>
    %broadcast_in_dim3A_151 = arith.constant 16 : i32
    %broadcast_in_dim3A_152 = vector.broadcast %broadcast_in_dim3A_151 : i32 to vector<16xi32>
    %lt3A_153 = arith.cmpi slt, %broadcast_in_dim3A_152, %broadcast_in_dim3A_2 : vector<16xi32>
    %select_n3A_154 = arith.select %lt3A_153, %gather3A_149, %broadcast_in_dim3A_1 : vector<16xi1>, vector<16xi32>
    %add3A_155 = arith.addi %add3A_146, %select_n3A_154 : vector<16xi32>
    %broadcast_in_dim3A_156 = arith.constant 17 : i32
    %broadcast_in_dim3A_157 = vector.broadcast %broadcast_in_dim3A_156 : i32 to vector<16xi32>
    %gather3A_158 = tpu.vector_load_idx %arg9[%broadcast_in_dim3A_157, %add3A_5] : memref<32x64xi32, #tpu.memory_space<vmem>>[vector<16xi32>, vector<16xi32>], vector<16xi32>,
    %add3A_159 = arith.addi %add3A_150, %gather3A_158 : vector<16xi32>
    %broadcast_in_dim3A_160 = arith.constant 17 : i32
    %broadcast_in_dim3A_161 = vector.broadcast %broadcast_in_dim3A_160 : i32 to vector<16xi32>
    %lt3A_162 = arith.cmpi slt, %broadcast_in_dim3A_161, %broadcast_in_dim3A_2 : vector<16xi32>
    %select_n3A_163 = arith.select %lt3A_162, %gather3A_158, %broadcast_in_dim3A_1 : vector<16xi1>, vector<16xi32>
    %add3A_164 = arith.addi %add3A_155, %select_n3A_163 : vector<16xi32>
    %broadcast_in_dim3A_165 = arith.constant 18 : i32
    %broadcast_in_dim3A_166 = vector.broadcast %broadcast_in_dim3A_165 : i32 to vector<16xi32>
    %gather3A_167 = tpu.vector_load_idx %arg9[%broadcast_in_dim3A_166, %add3A_5] : memref<32x64xi32, #tpu.memory_space<vmem>>[vector<16xi32>, vector<16xi32>], vector<16xi32>,
    %add3A_168 = arith.addi %add3A_159, %gather3A_167 : vector<16xi32>
    %broadcast_in_dim3A_169 = arith.constant 18 : i32
    %broadcast_in_dim3A_170 = vector.broadcast %broadcast_in_dim3A_169 : i32 to vector<16xi32>
    %lt3A_171 = arith.cmpi slt, %broadcast_in_dim3A_170, %broadcast_in_dim3A_2 : vector<16xi32>
    %select_n3A_172 = arith.select %lt3A_171, %gather3A_167, %broadcast_in_dim3A_1 : vector<16xi1>, vector<16xi32>
    %add3A_173 = arith.addi %add3A_164, %select_n3A_172 : vector<16xi32>
    %broadcast_in_dim3A_174 = arith.constant 19 : i32
    %broadcast_in_dim3A_175 = vector.broadcast %broadcast_in_dim3A_174 : i32 to vector<16xi32>
    %gather3A_176 = tpu.vector_load_idx %arg9[%broadcast_in_dim3A_175, %add3A_5] : memref<32x64xi32, #tpu.memory_space<vmem>>[vector<16xi32>, vector<16xi32>], vector<16xi32>,
    %add3A_177 = arith.addi %add3A_168, %gather3A_176 : vector<16xi32>
    %broadcast_in_dim3A_178 = arith.constant 19 : i32
    %broadcast_in_dim3A_179 = vector.broadcast %broadcast_in_dim3A_178 : i32 to vector<16xi32>
    %lt3A_180 = arith.cmpi slt, %broadcast_in_dim3A_179, %broadcast_in_dim3A_2 : vector<16xi32>
    %select_n3A_181 = arith.select %lt3A_180, %gather3A_176, %broadcast_in_dim3A_1 : vector<16xi1>, vector<16xi32>
    %add3A_182 = arith.addi %add3A_173, %select_n3A_181 : vector<16xi32>
    %broadcast_in_dim3A_183 = arith.constant 20 : i32
    %broadcast_in_dim3A_184 = vector.broadcast %broadcast_in_dim3A_183 : i32 to vector<16xi32>
    %gather3A_185 = tpu.vector_load_idx %arg9[%broadcast_in_dim3A_184, %add3A_5] : memref<32x64xi32, #tpu.memory_space<vmem>>[vector<16xi32>, vector<16xi32>], vector<16xi32>,
    %add3A_186 = arith.addi %add3A_177, %gather3A_185 : vector<16xi32>
    %broadcast_in_dim3A_187 = arith.constant 20 : i32
    %broadcast_in_dim3A_188 = vector.broadcast %broadcast_in_dim3A_187 : i32 to vector<16xi32>
    %lt3A_189 = arith.cmpi slt, %broadcast_in_dim3A_188, %broadcast_in_dim3A_2 : vector<16xi32>
    %select_n3A_190 = arith.select %lt3A_189, %gather3A_185, %broadcast_in_dim3A_1 : vector<16xi1>, vector<16xi32>
    %add3A_191 = arith.addi %add3A_182, %select_n3A_190 : vector<16xi32>
    %broadcast_in_dim3A_192 = arith.constant 21 : i32
    %broadcast_in_dim3A_193 = vector.broadcast %broadcast_in_dim3A_192 : i32 to vector<16xi32>
    %gather3A_194 = tpu.vector_load_idx %arg9[%broadcast_in_dim3A_193, %add3A_5] : memref<32x64xi32, #tpu.memory_space<vmem>>[vector<16xi32>, vector<16xi32>], vector<16xi32>,
    %add3A_195 = arith.addi %add3A_186, %gather3A_194 : vector<16xi32>
    %broadcast_in_dim3A_196 = arith.constant 21 : i32
    %broadcast_in_dim3A_197 = vector.broadcast %broadcast_in_dim3A_196 : i32 to vector<16xi32>
    %lt3A_198 = arith.cmpi slt, %broadcast_in_dim3A_197, %broadcast_in_dim3A_2 : vector<16xi32>
    %select_n3A_199 = arith.select %lt3A_198, %gather3A_194, %broadcast_in_dim3A_1 : vector<16xi1>, vector<16xi32>
    %add3A_200 = arith.addi %add3A_191, %select_n3A_199 : vector<16xi32>
    %broadcast_in_dim3A_201 = arith.constant 22 : i32
    %broadcast_in_dim3A_202 = vector.broadcast %broadcast_in_dim3A_201 : i32 to vector<16xi32>
    %gather3A_203 = tpu.vector_load_idx %arg9[%broadcast_in_dim3A_202, %add3A_5] : memref<32x64xi32, #tpu.memory_space<vmem>>[vector<16xi32>, vector<16xi32>], vector<16xi32>,
    %add3A_204 = arith.addi %add3A_195, %gather3A_203 : vector<16xi32>
    %broadcast_in_dim3A_205 = arith.constant 22 : i32
    %broadcast_in_dim3A_206 = vector.broadcast %broadcast_in_dim3A_205 : i32 to vector<16xi32>
    %lt3A_207 = arith.cmpi slt, %broadcast_in_dim3A_206, %broadcast_in_dim3A_2 : vector<16xi32>
    %select_n3A_208 = arith.select %lt3A_207, %gather3A_203, %broadcast_in_dim3A_1 : vector<16xi1>, vector<16xi32>
    %add3A_209 = arith.addi %add3A_200, %select_n3A_208 : vector<16xi32>
    %broadcast_in_dim3A_210 = arith.constant 23 : i32
    %broadcast_in_dim3A_211 = vector.broadcast %broadcast_in_dim3A_210 : i32 to vector<16xi32>
    %gather3A_212 = tpu.vector_load_idx %arg9[%broadcast_in_dim3A_211, %add3A_5] : memref<32x64xi32, #tpu.memory_space<vmem>>[vector<16xi32>, vector<16xi32>], vector<16xi32>,
    %add3A_213 = arith.addi %add3A_204, %gather3A_212 : vector<16xi32>
    %broadcast_in_dim3A_214 = arith.constant 23 : i32
    %broadcast_in_dim3A_215 = vector.broadcast %broadcast_in_dim3A_214 : i32 to vector<16xi32>
    %lt3A_216 = arith.cmpi slt, %broadcast_in_dim3A_215, %broadcast_in_dim3A_2 : vector<16xi32>
    %select_n3A_217 = arith.select %lt3A_216, %gather3A_212, %broadcast_in_dim3A_1 : vector<16xi1>, vector<16xi32>
    %add3A_218 = arith.addi %add3A_209, %select_n3A_217 : vector<16xi32>
    %broadcast_in_dim3A_219 = arith.constant 24 : i32
    %broadcast_in_dim3A_220 = vector.broadcast %broadcast_in_dim3A_219 : i32 to vector<16xi32>
    %gather3A_221 = tpu.vector_load_idx %arg9[%broadcast_in_dim3A_220, %add3A_5] : memref<32x64xi32, #tpu.memory_space<vmem>>[vector<16xi32>, vector<16xi32>], vector<16xi32>,
    %add3A_222 = arith.addi %add3A_213, %gather3A_221 : vector<16xi32>
    %broadcast_in_dim3A_223 = arith.constant 24 : i32
    %broadcast_in_dim3A_224 = vector.broadcast %broadcast_in_dim3A_223 : i32 to vector<16xi32>
    %lt3A_225 = arith.cmpi slt, %broadcast_in_dim3A_224, %broadcast_in_dim3A_2 : vector<16xi32>
    %select_n3A_226 = arith.select %lt3A_225, %gather3A_221, %broadcast_in_dim3A_1 : vector<16xi1>, vector<16xi32>
    %add3A_227 = arith.addi %add3A_218, %select_n3A_226 : vector<16xi32>
    %broadcast_in_dim3A_228 = arith.constant 25 : i32
    %broadcast_in_dim3A_229 = vector.broadcast %broadcast_in_dim3A_228 : i32 to vector<16xi32>
    %gather3A_230 = tpu.vector_load_idx %arg9[%broadcast_in_dim3A_229, %add3A_5] : memref<32x64xi32, #tpu.memory_space<vmem>>[vector<16xi32>, vector<16xi32>], vector<16xi32>,
    %add3A_231 = arith.addi %add3A_222, %gather3A_230 : vector<16xi32>
    %broadcast_in_dim3A_232 = arith.constant 25 : i32
    %broadcast_in_dim3A_233 = vector.broadcast %broadcast_in_dim3A_232 : i32 to vector<16xi32>
    %lt3A_234 = arith.cmpi slt, %broadcast_in_dim3A_233, %broadcast_in_dim3A_2 : vector<16xi32>
    %select_n3A_235 = arith.select %lt3A_234, %gather3A_230, %broadcast_in_dim3A_1 : vector<16xi1>, vector<16xi32>
    %add3A_236 = arith.addi %add3A_227, %select_n3A_235 : vector<16xi32>
    %broadcast_in_dim3A_237 = arith.constant 26 : i32
    %broadcast_in_dim3A_238 = vector.broadcast %broadcast_in_dim3A_237 : i32 to vector<16xi32>
    %gather3A_239 = tpu.vector_load_idx %arg9[%broadcast_in_dim3A_238, %add3A_5] : memref<32x64xi32, #tpu.memory_space<vmem>>[vector<16xi32>, vector<16xi32>], vector<16xi32>,
    %add3A_240 = arith.addi %add3A_231, %gather3A_239 : vector<16xi32>
    %broadcast_in_dim3A_241 = arith.constant 26 : i32
    %broadcast_in_dim3A_242 = vector.broadcast %broadcast_in_dim3A_241 : i32 to vector<16xi32>
    %lt3A_243 = arith.cmpi slt, %broadcast_in_dim3A_242, %broadcast_in_dim3A_2 : vector<16xi32>
    %select_n3A_244 = arith.select %lt3A_243, %gather3A_239, %broadcast_in_dim3A_1 : vector<16xi1>, vector<16xi32>
    %add3A_245 = arith.addi %add3A_236, %select_n3A_244 : vector<16xi32>
    %broadcast_in_dim3A_246 = arith.constant 27 : i32
    %broadcast_in_dim3A_247 = vector.broadcast %broadcast_in_dim3A_246 : i32 to vector<16xi32>
    %gather3A_248 = tpu.vector_load_idx %arg9[%broadcast_in_dim3A_247, %add3A_5] : memref<32x64xi32, #tpu.memory_space<vmem>>[vector<16xi32>, vector<16xi32>], vector<16xi32>,
    %add3A_249 = arith.addi %add3A_240, %gather3A_248 : vector<16xi32>
    %broadcast_in_dim3A_250 = arith.constant 27 : i32
    %broadcast_in_dim3A_251 = vector.broadcast %broadcast_in_dim3A_250 : i32 to vector<16xi32>
    %lt3A_252 = arith.cmpi slt, %broadcast_in_dim3A_251, %broadcast_in_dim3A_2 : vector<16xi32>
    %select_n3A_253 = arith.select %lt3A_252, %gather3A_248, %broadcast_in_dim3A_1 : vector<16xi1>, vector<16xi32>
    %add3A_254 = arith.addi %add3A_245, %select_n3A_253 : vector<16xi32>
    %broadcast_in_dim3A_255 = arith.constant 28 : i32
    %broadcast_in_dim3A_256 = vector.broadcast %broadcast_in_dim3A_255 : i32 to vector<16xi32>
    %gather3A_257 = tpu.vector_load_idx %arg9[%broadcast_in_dim3A_256, %add3A_5] : memref<32x64xi32, #tpu.memory_space<vmem>>[vector<16xi32>, vector<16xi32>], vector<16xi32>,
    %add3A_258 = arith.addi %add3A_249, %gather3A_257 : vector<16xi32>
    %broadcast_in_dim3A_259 = arith.constant 28 : i32
    %broadcast_in_dim3A_260 = vector.broadcast %broadcast_in_dim3A_259 : i32 to vector<16xi32>
    %lt3A_261 = arith.cmpi slt, %broadcast_in_dim3A_260, %broadcast_in_dim3A_2 : vector<16xi32>
    %select_n3A_262 = arith.select %lt3A_261, %gather3A_257, %broadcast_in_dim3A_1 : vector<16xi1>, vector<16xi32>
    %add3A_263 = arith.addi %add3A_254, %select_n3A_262 : vector<16xi32>
    %broadcast_in_dim3A_264 = arith.constant 29 : i32
    %broadcast_in_dim3A_265 = vector.broadcast %broadcast_in_dim3A_264 : i32 to vector<16xi32>
    %gather3A_266 = tpu.vector_load_idx %arg9[%broadcast_in_dim3A_265, %add3A_5] : memref<32x64xi32, #tpu.memory_space<vmem>>[vector<16xi32>, vector<16xi32>], vector<16xi32>,
    %add3A_267 = arith.addi %add3A_258, %gather3A_266 : vector<16xi32>
    %broadcast_in_dim3A_268 = arith.constant 29 : i32
    %broadcast_in_dim3A_269 = vector.broadcast %broadcast_in_dim3A_268 : i32 to vector<16xi32>
    %lt3A_270 = arith.cmpi slt, %broadcast_in_dim3A_269, %broadcast_in_dim3A_2 : vector<16xi32>
    %select_n3A_271 = arith.select %lt3A_270, %gather3A_266, %broadcast_in_dim3A_1 : vector<16xi1>, vector<16xi32>
    %add3A_272 = arith.addi %add3A_263, %select_n3A_271 : vector<16xi32>
    %broadcast_in_dim3A_273 = arith.constant 30 : i32
    %broadcast_in_dim3A_274 = vector.broadcast %broadcast_in_dim3A_273 : i32 to vector<16xi32>
    %gather3A_275 = tpu.vector_load_idx %arg9[%broadcast_in_dim3A_274, %add3A_5] : memref<32x64xi32, #tpu.memory_space<vmem>>[vector<16xi32>, vector<16xi32>], vector<16xi32>,
    %add3A_276 = arith.addi %add3A_267, %gather3A_275 : vector<16xi32>
    %broadcast_in_dim3A_277 = arith.constant 30 : i32
    %broadcast_in_dim3A_278 = vector.broadcast %broadcast_in_dim3A_277 : i32 to vector<16xi32>
    %lt3A_279 = arith.cmpi slt, %broadcast_in_dim3A_278, %broadcast_in_dim3A_2 : vector<16xi32>
    %select_n3A_280 = arith.select %lt3A_279, %gather3A_275, %broadcast_in_dim3A_1 : vector<16xi1>, vector<16xi32>
    %add3A_281 = arith.addi %add3A_272, %select_n3A_280 : vector<16xi32>
    %broadcast_in_dim3A_282 = arith.constant 31 : i32
    %broadcast_in_dim3A_283 = vector.broadcast %broadcast_in_dim3A_282 : i32 to vector<16xi32>
    %gather3A_284 = tpu.vector_load_idx %arg9[%broadcast_in_dim3A_283, %add3A_5] : memref<32x64xi32, #tpu.memory_space<vmem>>[vector<16xi32>, vector<16xi32>], vector<16xi32>,
    %add3A_285 = arith.addi %add3A_276, %gather3A_284 : vector<16xi32>
    %broadcast_in_dim3A_286 = arith.constant true
    %broadcast_in_dim3A_287 = vector.broadcast %broadcast_in_dim3A_286 : i1 to vector<16xi1>
    %masked_cumsum3A = tpu.scan <sum>, %add3A_285 masked %broadcast_in_dim3A_287 : vector<16xi32>, vector<16xi1> -> vector<16xi32>
    %sub3A = arith.subi %masked_cumsum3A, %add3A_285 : vector<16xi32>
    %add3A_288 = arith.constant 0 : i32
    %add3A_289 = vector.broadcast %add3A_288 : i32 to vector<16xi32>
    %add3A_290 = arith.addi %sub3A, %add3A_289 : vector<16xi32>
    %reduce_sum3A = arith.constant true
    %reduce_sum3A_291 = vector.broadcast %reduce_sum3A : i1 to vector<16xi1>
    %reduce_sum3A_292 = tpu.scan <sum>, %add3A_285 masked %reduce_sum3A_291 : vector<16xi32>, vector<16xi1> -> vector<16xi32>
    %reduce_sum3A_293 = vector.extract %reduce_sum3A_292[15] : i32 from vector<16xi32>
    %add3A_294 = arith.constant 0 : i32
    %add3A_295 = arith.addi %add3A_294, %reduce_sum3A_293 : i32
    %add3A_296 = arith.addi %add3A_290, %add3A_281 : vector<16xi32>
    %sub3A_297 = arith.constant 1 : i32
    %sub3A_298 = vector.broadcast %sub3A_297 : i32 to vector<16xi32>
    %sub3A_299 = arith.subi %add3A_296, %sub3A_298 : vector<16xi32>
    %swap3A = arith.constant 0 : index
    %swap3A_300 = tpu.vector_load %arg10[%swap3A] {strides = array<i32>} : memref<64xi32, #tpu.memory_space<vmem>>, vector<16xi32>,
    tpu.vector_store %arg10[%swap3A], %sub3A_299 {strides = array<i32>} : memref<64xi32, #tpu.memory_space<vmem>>, vector<16xi32>,
    %add3A_301 = arith.constant 16 : i32
    %add3A_302 = vector.broadcast %add3A_301 : i32 to vector<16xi32>
    %add3A_303 = arith.addi %iota3A, %add3A_302 : vector<16xi32>
    %broadcast_in_dim3A_304 = arith.constant 0 : i32
    %broadcast_in_dim3A_305 = vector.broadcast %broadcast_in_dim3A_304 : i32 to vector<16xi32>
    %gather3A_306 = tpu.vector_load_idx %arg9[%broadcast_in_dim3A_305, %add3A_303] : memref<32x64xi32, #tpu.memory_space<vmem>>[vector<16xi32>, vector<16xi32>], vector<16xi32>,
    %add3A_307 = arith.addi %broadcast_in_dim3A_1, %gather3A_306 : vector<16xi32>
    %broadcast_in_dim3A_308 = arith.constant 0 : i32
    %broadcast_in_dim3A_309 = vector.broadcast %broadcast_in_dim3A_308 : i32 to vector<16xi32>
    %lt3A_310 = arith.cmpi slt, %broadcast_in_dim3A_309, %broadcast_in_dim3A_2 : vector<16xi32>
    %select_n3A_311 = arith.select %lt3A_310, %gather3A_306, %broadcast_in_dim3A_1 : vector<16xi1>, vector<16xi32>
    %add3A_312 = arith.addi %broadcast_in_dim3A_1, %select_n3A_311 : vector<16xi32>
    %broadcast_in_dim3A_313 = arith.constant 1 : i32
    %broadcast_in_dim3A_314 = vector.broadcast %broadcast_in_dim3A_313 : i32 to vector<16xi32>
    %gather3A_315 = tpu.vector_load_idx %arg9[%broadcast_in_dim3A_314, %add3A_303] : memref<32x64xi32, #tpu.memory_space<vmem>>[vector<16xi32>, vector<16xi32>], vector<16xi32>,
    %add3A_316 = arith.addi %add3A_307, %gather3A_315 : vector<16xi32>
    %broadcast_in_dim3A_317 = arith.constant 1 : i32
    %broadcast_in_dim3A_318 = vector.broadcast %broadcast_in_dim3A_317 : i32 to vector<16xi32>
    %lt3A_319 = arith.cmpi slt, %broadcast_in_dim3A_318, %broadcast_in_dim3A_2 : vector<16xi32>
    %select_n3A_320 = arith.select %lt3A_319, %gather3A_315, %broadcast_in_dim3A_1 : vector<16xi1>, vector<16xi32>
    %add3A_321 = arith.addi %add3A_312, %select_n3A_320 : vector<16xi32>
    %broadcast_in_dim3A_322 = arith.constant 2 : i32
    %broadcast_in_dim3A_323 = vector.broadcast %broadcast_in_dim3A_322 : i32 to vector<16xi32>
    %gather3A_324 = tpu.vector_load_idx %arg9[%broadcast_in_dim3A_323, %add3A_303] : memref<32x64xi32, #tpu.memory_space<vmem>>[vector<16xi32>, vector<16xi32>], vector<16xi32>,
    %add3A_325 = arith.addi %add3A_316, %gather3A_324 : vector<16xi32>
    %broadcast_in_dim3A_326 = arith.constant 2 : i32
    %broadcast_in_dim3A_327 = vector.broadcast %broadcast_in_dim3A_326 : i32 to vector<16xi32>
    %lt3A_328 = arith.cmpi slt, %broadcast_in_dim3A_327, %broadcast_in_dim3A_2 : vector<16xi32>
    %select_n3A_329 = arith.select %lt3A_328, %gather3A_324, %broadcast_in_dim3A_1 : vector<16xi1>, vector<16xi32>
    %add3A_330 = arith.addi %add3A_321, %select_n3A_329 : vector<16xi32>
    %broadcast_in_dim3A_331 = arith.constant 3 : i32
    %broadcast_in_dim3A_332 = vector.broadcast %broadcast_in_dim3A_331 : i32 to vector<16xi32>
    %gather3A_333 = tpu.vector_load_idx %arg9[%broadcast_in_dim3A_332, %add3A_303] : memref<32x64xi32, #tpu.memory_space<vmem>>[vector<16xi32>, vector<16xi32>], vector<16xi32>,
    %add3A_334 = arith.addi %add3A_325, %gather3A_333 : vector<16xi32>
    %broadcast_in_dim3A_335 = arith.constant 3 : i32
    %broadcast_in_dim3A_336 = vector.broadcast %broadcast_in_dim3A_335 : i32 to vector<16xi32>
    %lt3A_337 = arith.cmpi slt, %broadcast_in_dim3A_336, %broadcast_in_dim3A_2 : vector<16xi32>
    %select_n3A_338 = arith.select %lt3A_337, %gather3A_333, %broadcast_in_dim3A_1 : vector<16xi1>, vector<16xi32>
    %add3A_339 = arith.addi %add3A_330, %select_n3A_338 : vector<16xi32>
    %broadcast_in_dim3A_340 = arith.constant 4 : i32
    %broadcast_in_dim3A_341 = vector.broadcast %broadcast_in_dim3A_340 : i32 to vector<16xi32>
    %gather3A_342 = tpu.vector_load_idx %arg9[%broadcast_in_dim3A_341, %add3A_303] : memref<32x64xi32, #tpu.memory_space<vmem>>[vector<16xi32>, vector<16xi32>], vector<16xi32>,
    %add3A_343 = arith.addi %add3A_334, %gather3A_342 : vector<16xi32>
    %broadcast_in_dim3A_344 = arith.constant 4 : i32
    %broadcast_in_dim3A_345 = vector.broadcast %broadcast_in_dim3A_344 : i32 to vector<16xi32>
    %lt3A_346 = arith.cmpi slt, %broadcast_in_dim3A_345, %broadcast_in_dim3A_2 : vector<16xi32>
    %select_n3A_347 = arith.select %lt3A_346, %gather3A_342, %broadcast_in_dim3A_1 : vector<16xi1>, vector<16xi32>
    %add3A_348 = arith.addi %add3A_339, %select_n3A_347 : vector<16xi32>
    %broadcast_in_dim3A_349 = arith.constant 5 : i32
    %broadcast_in_dim3A_350 = vector.broadcast %broadcast_in_dim3A_349 : i32 to vector<16xi32>
    %gather3A_351 = tpu.vector_load_idx %arg9[%broadcast_in_dim3A_350, %add3A_303] : memref<32x64xi32, #tpu.memory_space<vmem>>[vector<16xi32>, vector<16xi32>], vector<16xi32>,
    %add3A_352 = arith.addi %add3A_343, %gather3A_351 : vector<16xi32>
    %broadcast_in_dim3A_353 = arith.constant 5 : i32
    %broadcast_in_dim3A_354 = vector.broadcast %broadcast_in_dim3A_353 : i32 to vector<16xi32>
    %lt3A_355 = arith.cmpi slt, %broadcast_in_dim3A_354, %broadcast_in_dim3A_2 : vector<16xi32>
    %select_n3A_356 = arith.select %lt3A_355, %gather3A_351, %broadcast_in_dim3A_1 : vector<16xi1>, vector<16xi32>
    %add3A_357 = arith.addi %add3A_348, %select_n3A_356 : vector<16xi32>
    %broadcast_in_dim3A_358 = arith.constant 6 : i32
    %broadcast_in_dim3A_359 = vector.broadcast %broadcast_in_dim3A_358 : i32 to vector<16xi32>
    %gather3A_360 = tpu.vector_load_idx %arg9[%broadcast_in_dim3A_359, %add3A_303] : memref<32x64xi32, #tpu.memory_space<vmem>>[vector<16xi32>, vector<16xi32>], vector<16xi32>,
    %add3A_361 = arith.addi %add3A_352, %gather3A_360 : vector<16xi32>
    %broadcast_in_dim3A_362 = arith.constant 6 : i32
    %broadcast_in_dim3A_363 = vector.broadcast %broadcast_in_dim3A_362 : i32 to vector<16xi32>
    %lt3A_364 = arith.cmpi slt, %broadcast_in_dim3A_363, %broadcast_in_dim3A_2 : vector<16xi32>
    %select_n3A_365 = arith.select %lt3A_364, %gather3A_360, %broadcast_in_dim3A_1 : vector<16xi1>, vector<16xi32>
    %add3A_366 = arith.addi %add3A_357, %select_n3A_365 : vector<16xi32>
    %broadcast_in_dim3A_367 = arith.constant 7 : i32
    %broadcast_in_dim3A_368 = vector.broadcast %broadcast_in_dim3A_367 : i32 to vector<16xi32>
    %gather3A_369 = tpu.vector_load_idx %arg9[%broadcast_in_dim3A_368, %add3A_303] : memref<32x64xi32, #tpu.memory_space<vmem>>[vector<16xi32>, vector<16xi32>], vector<16xi32>,
    %add3A_370 = arith.addi %add3A_361, %gather3A_369 : vector<16xi32>
    %broadcast_in_dim3A_371 = arith.constant 7 : i32
    %broadcast_in_dim3A_372 = vector.broadcast %broadcast_in_dim3A_371 : i32 to vector<16xi32>
    %lt3A_373 = arith.cmpi slt, %broadcast_in_dim3A_372, %broadcast_in_dim3A_2 : vector<16xi32>
    %select_n3A_374 = arith.select %lt3A_373, %gather3A_369, %broadcast_in_dim3A_1 : vector<16xi1>, vector<16xi32>
    %add3A_375 = arith.addi %add3A_366, %select_n3A_374 : vector<16xi32>
    %broadcast_in_dim3A_376 = arith.constant 8 : i32
    %broadcast_in_dim3A_377 = vector.broadcast %broadcast_in_dim3A_376 : i32 to vector<16xi32>
    %gather3A_378 = tpu.vector_load_idx %arg9[%broadcast_in_dim3A_377, %add3A_303] : memref<32x64xi32, #tpu.memory_space<vmem>>[vector<16xi32>, vector<16xi32>], vector<16xi32>,
    %add3A_379 = arith.addi %add3A_370, %gather3A_378 : vector<16xi32>
    %broadcast_in_dim3A_380 = arith.constant 8 : i32
    %broadcast_in_dim3A_381 = vector.broadcast %broadcast_in_dim3A_380 : i32 to vector<16xi32>
    %lt3A_382 = arith.cmpi slt, %broadcast_in_dim3A_381, %broadcast_in_dim3A_2 : vector<16xi32>
    %select_n3A_383 = arith.select %lt3A_382, %gather3A_378, %broadcast_in_dim3A_1 : vector<16xi1>, vector<16xi32>
    %add3A_384 = arith.addi %add3A_375, %select_n3A_383 : vector<16xi32>
    %broadcast_in_dim3A_385 = arith.constant 9 : i32
    %broadcast_in_dim3A_386 = vector.broadcast %broadcast_in_dim3A_385 : i32 to vector<16xi32>
    %gather3A_387 = tpu.vector_load_idx %arg9[%broadcast_in_dim3A_386, %add3A_303] : memref<32x64xi32, #tpu.memory_space<vmem>>[vector<16xi32>, vector<16xi32>], vector<16xi32>,
    %add3A_388 = arith.addi %add3A_379, %gather3A_387 : vector<16xi32>
    %broadcast_in_dim3A_389 = arith.constant 9 : i32
    %broadcast_in_dim3A_390 = vector.broadcast %broadcast_in_dim3A_389 : i32 to vector<16xi32>
    %lt3A_391 = arith.cmpi slt, %broadcast_in_dim3A_390, %broadcast_in_dim3A_2 : vector<16xi32>
    %select_n3A_392 = arith.select %lt3A_391, %gather3A_387, %broadcast_in_dim3A_1 : vector<16xi1>, vector<16xi32>
    %add3A_393 = arith.addi %add3A_384, %select_n3A_392 : vector<16xi32>
    %broadcast_in_dim3A_394 = arith.constant 10 : i32
    %broadcast_in_dim3A_395 = vector.broadcast %broadcast_in_dim3A_394 : i32 to vector<16xi32>
    %gather3A_396 = tpu.vector_load_idx %arg9[%broadcast_in_dim3A_395, %add3A_303] : memref<32x64xi32, #tpu.memory_space<vmem>>[vector<16xi32>, vector<16xi32>], vector<16xi32>,
    %add3A_397 = arith.addi %add3A_388, %gather3A_396 : vector<16xi32>
    %broadcast_in_dim3A_398 = arith.constant 10 : i32
    %broadcast_in_dim3A_399 = vector.broadcast %broadcast_in_dim3A_398 : i32 to vector<16xi32>
    %lt3A_400 = arith.cmpi slt, %broadcast_in_dim3A_399, %broadcast_in_dim3A_2 : vector<16xi32>
    %select_n3A_401 = arith.select %lt3A_400, %gather3A_396, %broadcast_in_dim3A_1 : vector<16xi1>, vector<16xi32>
    %add3A_402 = arith.addi %add3A_393, %select_n3A_401 : vector<16xi32>
    %broadcast_in_dim3A_403 = arith.constant 11 : i32
    %broadcast_in_dim3A_404 = vector.broadcast %broadcast_in_dim3A_403 : i32 to vector<16xi32>
    %gather3A_405 = tpu.vector_load_idx %arg9[%broadcast_in_dim3A_404, %add3A_303] : memref<32x64xi32, #tpu.memory_space<vmem>>[vector<16xi32>, vector<16xi32>], vector<16xi32>,
    %add3A_406 = arith.addi %add3A_397, %gather3A_405 : vector<16xi32>
    %broadcast_in_dim3A_407 = arith.constant 11 : i32
    %broadcast_in_dim3A_408 = vector.broadcast %broadcast_in_dim3A_407 : i32 to vector<16xi32>
    %lt3A_409 = arith.cmpi slt, %broadcast_in_dim3A_408, %broadcast_in_dim3A_2 : vector<16xi32>
    %select_n3A_410 = arith.select %lt3A_409, %gather3A_405, %broadcast_in_dim3A_1 : vector<16xi1>, vector<16xi32>
    %add3A_411 = arith.addi %add3A_402, %select_n3A_410 : vector<16xi32>
    %broadcast_in_dim3A_412 = arith.constant 12 : i32
    %broadcast_in_dim3A_413 = vector.broadcast %broadcast_in_dim3A_412 : i32 to vector<16xi32>
    %gather3A_414 = tpu.vector_load_idx %arg9[%broadcast_in_dim3A_413, %add3A_303] : memref<32x64xi32, #tpu.memory_space<vmem>>[vector<16xi32>, vector<16xi32>], vector<16xi32>,
    %add3A_415 = arith.addi %add3A_406, %gather3A_414 : vector<16xi32>
    %broadcast_in_dim3A_416 = arith.constant 12 : i32
    %broadcast_in_dim3A_417 = vector.broadcast %broadcast_in_dim3A_416 : i32 to vector<16xi32>
    %lt3A_418 = arith.cmpi slt, %broadcast_in_dim3A_417, %broadcast_in_dim3A_2 : vector<16xi32>
    %select_n3A_419 = arith.select %lt3A_418, %gather3A_414, %broadcast_in_dim3A_1 : vector<16xi1>, vector<16xi32>
    %add3A_420 = arith.addi %add3A_411, %select_n3A_419 : vector<16xi32>
    %broadcast_in_dim3A_421 = arith.constant 13 : i32
    %broadcast_in_dim3A_422 = vector.broadcast %broadcast_in_dim3A_421 : i32 to vector<16xi32>
    %gather3A_423 = tpu.vector_load_idx %arg9[%broadcast_in_dim3A_422, %add3A_303] : memref<32x64xi32, #tpu.memory_space<vmem>>[vector<16xi32>, vector<16xi32>], vector<16xi32>,
    %add3A_424 = arith.addi %add3A_415, %gather3A_423 : vector<16xi32>
    %broadcast_in_dim3A_425 = arith.constant 13 : i32
    %broadcast_in_dim3A_426 = vector.broadcast %broadcast_in_dim3A_425 : i32 to vector<16xi32>
    %lt3A_427 = arith.cmpi slt, %broadcast_in_dim3A_426, %broadcast_in_dim3A_2 : vector<16xi32>
    %select_n3A_428 = arith.select %lt3A_427, %gather3A_423, %broadcast_in_dim3A_1 : vector<16xi1>, vector<16xi32>
    %add3A_429 = arith.addi %add3A_420, %select_n3A_428 : vector<16xi32>
    %broadcast_in_dim3A_430 = arith.constant 14 : i32
    %broadcast_in_dim3A_431 = vector.broadcast %broadcast_in_dim3A_430 : i32 to vector<16xi32>
    %gather3A_432 = tpu.vector_load_idx %arg9[%broadcast_in_dim3A_431, %add3A_303] : memref<32x64xi32, #tpu.memory_space<vmem>>[vector<16xi32>, vector<16xi32>], vector<16xi32>,
    %add3A_433 = arith.addi %add3A_424, %gather3A_432 : vector<16xi32>
    %broadcast_in_dim3A_434 = arith.constant 14 : i32
    %broadcast_in_dim3A_435 = vector.broadcast %broadcast_in_dim3A_434 : i32 to vector<16xi32>
    %lt3A_436 = arith.cmpi slt, %broadcast_in_dim3A_435, %broadcast_in_dim3A_2 : vector<16xi32>
    %select_n3A_437 = arith.select %lt3A_436, %gather3A_432, %broadcast_in_dim3A_1 : vector<16xi1>, vector<16xi32>
    %add3A_438 = arith.addi %add3A_429, %select_n3A_437 : vector<16xi32>
    %broadcast_in_dim3A_439 = arith.constant 15 : i32
    %broadcast_in_dim3A_440 = vector.broadcast %broadcast_in_dim3A_439 : i32 to vector<16xi32>
    %gather3A_441 = tpu.vector_load_idx %arg9[%broadcast_in_dim3A_440, %add3A_303] : memref<32x64xi32, #tpu.memory_space<vmem>>[vector<16xi32>, vector<16xi32>], vector<16xi32>,
    %add3A_442 = arith.addi %add3A_433, %gather3A_441 : vector<16xi32>
    %broadcast_in_dim3A_443 = arith.constant 15 : i32
    %broadcast_in_dim3A_444 = vector.broadcast %broadcast_in_dim3A_443 : i32 to vector<16xi32>
    %lt3A_445 = arith.cmpi slt, %broadcast_in_dim3A_444, %broadcast_in_dim3A_2 : vector<16xi32>
    %select_n3A_446 = arith.select %lt3A_445, %gather3A_441, %broadcast_in_dim3A_1 : vector<16xi1>, vector<16xi32>
    %add3A_447 = arith.addi %add3A_438, %select_n3A_446 : vector<16xi32>
    %broadcast_in_dim3A_448 = arith.constant 16 : i32
    %broadcast_in_dim3A_449 = vector.broadcast %broadcast_in_dim3A_448 : i32 to vector<16xi32>
    %gather3A_450 = tpu.vector_load_idx %arg9[%broadcast_in_dim3A_449, %add3A_303] : memref<32x64xi32, #tpu.memory_space<vmem>>[vector<16xi32>, vector<16xi32>], vector<16xi32>,
    %add3A_451 = arith.addi %add3A_442, %gather3A_450 : vector<16xi32>
    %broadcast_in_dim3A_452 = arith.constant 16 : i32
    %broadcast_in_dim3A_453 = vector.broadcast %broadcast_in_dim3A_452 : i32 to vector<16xi32>
    %lt3A_454 = arith.cmpi slt, %broadcast_in_dim3A_453, %broadcast_in_dim3A_2 : vector<16xi32>
    %select_n3A_455 = arith.select %lt3A_454, %gather3A_450, %broadcast_in_dim3A_1 : vector<16xi1>, vector<16xi32>
    %add3A_456 = arith.addi %add3A_447, %select_n3A_455 : vector<16xi32>
    %broadcast_in_dim3A_457 = arith.constant 17 : i32
    %broadcast_in_dim3A_458 = vector.broadcast %broadcast_in_dim3A_457 : i32 to vector<16xi32>
    %gather3A_459 = tpu.vector_load_idx %arg9[%broadcast_in_dim3A_458, %add3A_303] : memref<32x64xi32, #tpu.memory_space<vmem>>[vector<16xi32>, vector<16xi32>], vector<16xi32>,
    %add3A_460 = arith.addi %add3A_451, %gather3A_459 : vector<16xi32>
    %broadcast_in_dim3A_461 = arith.constant 17 : i32
    %broadcast_in_dim3A_462 = vector.broadcast %broadcast_in_dim3A_461 : i32 to vector<16xi32>
    %lt3A_463 = arith.cmpi slt, %broadcast_in_dim3A_462, %broadcast_in_dim3A_2 : vector<16xi32>
    %select_n3A_464 = arith.select %lt3A_463, %gather3A_459, %broadcast_in_dim3A_1 : vector<16xi1>, vector<16xi32>
    %add3A_465 = arith.addi %add3A_456, %select_n3A_464 : vector<16xi32>
    %broadcast_in_dim3A_466 = arith.constant 18 : i32
    %broadcast_in_dim3A_467 = vector.broadcast %broadcast_in_dim3A_466 : i32 to vector<16xi32>
    %gather3A_468 = tpu.vector_load_idx %arg9[%broadcast_in_dim3A_467, %add3A_303] : memref<32x64xi32, #tpu.memory_space<vmem>>[vector<16xi32>, vector<16xi32>], vector<16xi32>,
    %add3A_469 = arith.addi %add3A_460, %gather3A_468 : vector<16xi32>
    %broadcast_in_dim3A_470 = arith.constant 18 : i32
    %broadcast_in_dim3A_471 = vector.broadcast %broadcast_in_dim3A_470 : i32 to vector<16xi32>
    %lt3A_472 = arith.cmpi slt, %broadcast_in_dim3A_471, %broadcast_in_dim3A_2 : vector<16xi32>
    %select_n3A_473 = arith.select %lt3A_472, %gather3A_468, %broadcast_in_dim3A_1 : vector<16xi1>, vector<16xi32>
    %add3A_474 = arith.addi %add3A_465, %select_n3A_473 : vector<16xi32>
    %broadcast_in_dim3A_475 = arith.constant 19 : i32
    %broadcast_in_dim3A_476 = vector.broadcast %broadcast_in_dim3A_475 : i32 to vector<16xi32>
    %gather3A_477 = tpu.vector_load_idx %arg9[%broadcast_in_dim3A_476, %add3A_303] : memref<32x64xi32, #tpu.memory_space<vmem>>[vector<16xi32>, vector<16xi32>], vector<16xi32>,
    %add3A_478 = arith.addi %add3A_469, %gather3A_477 : vector<16xi32>
    %broadcast_in_dim3A_479 = arith.constant 19 : i32
    %broadcast_in_dim3A_480 = vector.broadcast %broadcast_in_dim3A_479 : i32 to vector<16xi32>
    %lt3A_481 = arith.cmpi slt, %broadcast_in_dim3A_480, %broadcast_in_dim3A_2 : vector<16xi32>
    %select_n3A_482 = arith.select %lt3A_481, %gather3A_477, %broadcast_in_dim3A_1 : vector<16xi1>, vector<16xi32>
    %add3A_483 = arith.addi %add3A_474, %select_n3A_482 : vector<16xi32>
    %broadcast_in_dim3A_484 = arith.constant 20 : i32
    %broadcast_in_dim3A_485 = vector.broadcast %broadcast_in_dim3A_484 : i32 to vector<16xi32>
    %gather3A_486 = tpu.vector_load_idx %arg9[%broadcast_in_dim3A_485, %add3A_303] : memref<32x64xi32, #tpu.memory_space<vmem>>[vector<16xi32>, vector<16xi32>], vector<16xi32>,
    %add3A_487 = arith.addi %add3A_478, %gather3A_486 : vector<16xi32>
    %broadcast_in_dim3A_488 = arith.constant 20 : i32
    %broadcast_in_dim3A_489 = vector.broadcast %broadcast_in_dim3A_488 : i32 to vector<16xi32>
    %lt3A_490 = arith.cmpi slt, %broadcast_in_dim3A_489, %broadcast_in_dim3A_2 : vector<16xi32>
    %select_n3A_491 = arith.select %lt3A_490, %gather3A_486, %broadcast_in_dim3A_1 : vector<16xi1>, vector<16xi32>
    %add3A_492 = arith.addi %add3A_483, %select_n3A_491 : vector<16xi32>
    %broadcast_in_dim3A_493 = arith.constant 21 : i32
    %broadcast_in_dim3A_494 = vector.broadcast %broadcast_in_dim3A_493 : i32 to vector<16xi32>
    %gather3A_495 = tpu.vector_load_idx %arg9[%broadcast_in_dim3A_494, %add3A_303] : memref<32x64xi32, #tpu.memory_space<vmem>>[vector<16xi32>, vector<16xi32>], vector<16xi32>,
    %add3A_496 = arith.addi %add3A_487, %gather3A_495 : vector<16xi32>
    %broadcast_in_dim3A_497 = arith.constant 21 : i32
    %broadcast_in_dim3A_498 = vector.broadcast %broadcast_in_dim3A_497 : i32 to vector<16xi32>
    %lt3A_499 = arith.cmpi slt, %broadcast_in_dim3A_498, %broadcast_in_dim3A_2 : vector<16xi32>
    %select_n3A_500 = arith.select %lt3A_499, %gather3A_495, %broadcast_in_dim3A_1 : vector<16xi1>, vector<16xi32>
    %add3A_501 = arith.addi %add3A_492, %select_n3A_500 : vector<16xi32>
    %broadcast_in_dim3A_502 = arith.constant 22 : i32
    %broadcast_in_dim3A_503 = vector.broadcast %broadcast_in_dim3A_502 : i32 to vector<16xi32>
    %gather3A_504 = tpu.vector_load_idx %arg9[%broadcast_in_dim3A_503, %add3A_303] : memref<32x64xi32, #tpu.memory_space<vmem>>[vector<16xi32>, vector<16xi32>], vector<16xi32>,
    %add3A_505 = arith.addi %add3A_496, %gather3A_504 : vector<16xi32>
    %broadcast_in_dim3A_506 = arith.constant 22 : i32
    %broadcast_in_dim3A_507 = vector.broadcast %broadcast_in_dim3A_506 : i32 to vector<16xi32>
    %lt3A_508 = arith.cmpi slt, %broadcast_in_dim3A_507, %broadcast_in_dim3A_2 : vector<16xi32>
    %select_n3A_509 = arith.select %lt3A_508, %gather3A_504, %broadcast_in_dim3A_1 : vector<16xi1>, vector<16xi32>
    %add3A_510 = arith.addi %add3A_501, %select_n3A_509 : vector<16xi32>
    %broadcast_in_dim3A_511 = arith.constant 23 : i32
    %broadcast_in_dim3A_512 = vector.broadcast %broadcast_in_dim3A_511 : i32 to vector<16xi32>
    %gather3A_513 = tpu.vector_load_idx %arg9[%broadcast_in_dim3A_512, %add3A_303] : memref<32x64xi32, #tpu.memory_space<vmem>>[vector<16xi32>, vector<16xi32>], vector<16xi32>,
    %add3A_514 = arith.addi %add3A_505, %gather3A_513 : vector<16xi32>
    %broadcast_in_dim3A_515 = arith.constant 23 : i32
    %broadcast_in_dim3A_516 = vector.broadcast %broadcast_in_dim3A_515 : i32 to vector<16xi32>
    %lt3A_517 = arith.cmpi slt, %broadcast_in_dim3A_516, %broadcast_in_dim3A_2 : vector<16xi32>
    %select_n3A_518 = arith.select %lt3A_517, %gather3A_513, %broadcast_in_dim3A_1 : vector<16xi1>, vector<16xi32>
    %add3A_519 = arith.addi %add3A_510, %select_n3A_518 : vector<16xi32>
    %broadcast_in_dim3A_520 = arith.constant 24 : i32
    %broadcast_in_dim3A_521 = vector.broadcast %broadcast_in_dim3A_520 : i32 to vector<16xi32>
    %gather3A_522 = tpu.vector_load_idx %arg9[%broadcast_in_dim3A_521, %add3A_303] : memref<32x64xi32, #tpu.memory_space<vmem>>[vector<16xi32>, vector<16xi32>], vector<16xi32>,
    %add3A_523 = arith.addi %add3A_514, %gather3A_522 : vector<16xi32>
    %broadcast_in_dim3A_524 = arith.constant 24 : i32
    %broadcast_in_dim3A_525 = vector.broadcast %broadcast_in_dim3A_524 : i32 to vector<16xi32>
    %lt3A_526 = arith.cmpi slt, %broadcast_in_dim3A_525, %broadcast_in_dim3A_2 : vector<16xi32>
    %select_n3A_527 = arith.select %lt3A_526, %gather3A_522, %broadcast_in_dim3A_1 : vector<16xi1>, vector<16xi32>
    %add3A_528 = arith.addi %add3A_519, %select_n3A_527 : vector<16xi32>
    %broadcast_in_dim3A_529 = arith.constant 25 : i32
    %broadcast_in_dim3A_530 = vector.broadcast %broadcast_in_dim3A_529 : i32 to vector<16xi32>
    %gather3A_531 = tpu.vector_load_idx %arg9[%broadcast_in_dim3A_530, %add3A_303] : memref<32x64xi32, #tpu.memory_space<vmem>>[vector<16xi32>, vector<16xi32>], vector<16xi32>,
    %add3A_532 = arith.addi %add3A_523, %gather3A_531 : vector<16xi32>
    %broadcast_in_dim3A_533 = arith.constant 25 : i32
    %broadcast_in_dim3A_534 = vector.broadcast %broadcast_in_dim3A_533 : i32 to vector<16xi32>
    %lt3A_535 = arith.cmpi slt, %broadcast_in_dim3A_534, %broadcast_in_dim3A_2 : vector<16xi32>
    %select_n3A_536 = arith.select %lt3A_535, %gather3A_531, %broadcast_in_dim3A_1 : vector<16xi1>, vector<16xi32>
    %add3A_537 = arith.addi %add3A_528, %select_n3A_536 : vector<16xi32>
    %broadcast_in_dim3A_538 = arith.constant 26 : i32
    %broadcast_in_dim3A_539 = vector.broadcast %broadcast_in_dim3A_538 : i32 to vector<16xi32>
    %gather3A_540 = tpu.vector_load_idx %arg9[%broadcast_in_dim3A_539, %add3A_303] : memref<32x64xi32, #tpu.memory_space<vmem>>[vector<16xi32>, vector<16xi32>], vector<16xi32>,
    %add3A_541 = arith.addi %add3A_532, %gather3A_540 : vector<16xi32>
    %broadcast_in_dim3A_542 = arith.constant 26 : i32
    %broadcast_in_dim3A_543 = vector.broadcast %broadcast_in_dim3A_542 : i32 to vector<16xi32>
    %lt3A_544 = arith.cmpi slt, %broadcast_in_dim3A_543, %broadcast_in_dim3A_2 : vector<16xi32>
    %select_n3A_545 = arith.select %lt3A_544, %gather3A_540, %broadcast_in_dim3A_1 : vector<16xi1>, vector<16xi32>
    %add3A_546 = arith.addi %add3A_537, %select_n3A_545 : vector<16xi32>
    %broadcast_in_dim3A_547 = arith.constant 27 : i32
    %broadcast_in_dim3A_548 = vector.broadcast %broadcast_in_dim3A_547 : i32 to vector<16xi32>
    %gather3A_549 = tpu.vector_load_idx %arg9[%broadcast_in_dim3A_548, %add3A_303] : memref<32x64xi32, #tpu.memory_space<vmem>>[vector<16xi32>, vector<16xi32>], vector<16xi32>,
    %add3A_550 = arith.addi %add3A_541, %gather3A_549 : vector<16xi32>
    %broadcast_in_dim3A_551 = arith.constant 27 : i32
    %broadcast_in_dim3A_552 = vector.broadcast %broadcast_in_dim3A_551 : i32 to vector<16xi32>
    %lt3A_553 = arith.cmpi slt, %broadcast_in_dim3A_552, %broadcast_in_dim3A_2 : vector<16xi32>
    %select_n3A_554 = arith.select %lt3A_553, %gather3A_549, %broadcast_in_dim3A_1 : vector<16xi1>, vector<16xi32>
    %add3A_555 = arith.addi %add3A_546, %select_n3A_554 : vector<16xi32>
    %broadcast_in_dim3A_556 = arith.constant 28 : i32
    %broadcast_in_dim3A_557 = vector.broadcast %broadcast_in_dim3A_556 : i32 to vector<16xi32>
    %gather3A_558 = tpu.vector_load_idx %arg9[%broadcast_in_dim3A_557, %add3A_303] : memref<32x64xi32, #tpu.memory_space<vmem>>[vector<16xi32>, vector<16xi32>], vector<16xi32>,
    %add3A_559 = arith.addi %add3A_550, %gather3A_558 : vector<16xi32>
    %broadcast_in_dim3A_560 = arith.constant 28 : i32
    %broadcast_in_dim3A_561 = vector.broadcast %broadcast_in_dim3A_560 : i32 to vector<16xi32>
    %lt3A_562 = arith.cmpi slt, %broadcast_in_dim3A_561, %broadcast_in_dim3A_2 : vector<16xi32>
    %select_n3A_563 = arith.select %lt3A_562, %gather3A_558, %broadcast_in_dim3A_1 : vector<16xi1>, vector<16xi32>
    %add3A_564 = arith.addi %add3A_555, %select_n3A_563 : vector<16xi32>
    %broadcast_in_dim3A_565 = arith.constant 29 : i32
    %broadcast_in_dim3A_566 = vector.broadcast %broadcast_in_dim3A_565 : i32 to vector<16xi32>
    %gather3A_567 = tpu.vector_load_idx %arg9[%broadcast_in_dim3A_566, %add3A_303] : memref<32x64xi32, #tpu.memory_space<vmem>>[vector<16xi32>, vector<16xi32>], vector<16xi32>,
    %add3A_568 = arith.addi %add3A_559, %gather3A_567 : vector<16xi32>
    %broadcast_in_dim3A_569 = arith.constant 29 : i32
    %broadcast_in_dim3A_570 = vector.broadcast %broadcast_in_dim3A_569 : i32 to vector<16xi32>
    %lt3A_571 = arith.cmpi slt, %broadcast_in_dim3A_570, %broadcast_in_dim3A_2 : vector<16xi32>
    %select_n3A_572 = arith.select %lt3A_571, %gather3A_567, %broadcast_in_dim3A_1 : vector<16xi1>, vector<16xi32>
    %add3A_573 = arith.addi %add3A_564, %select_n3A_572 : vector<16xi32>
    %broadcast_in_dim3A_574 = arith.constant 30 : i32
    %broadcast_in_dim3A_575 = vector.broadcast %broadcast_in_dim3A_574 : i32 to vector<16xi32>
    %gather3A_576 = tpu.vector_load_idx %arg9[%broadcast_in_dim3A_575, %add3A_303] : memref<32x64xi32, #tpu.memory_space<vmem>>[vector<16xi32>, vector<16xi32>], vector<16xi32>,
    %add3A_577 = arith.addi %add3A_568, %gather3A_576 : vector<16xi32>
    %broadcast_in_dim3A_578 = arith.constant 30 : i32
    %broadcast_in_dim3A_579 = vector.broadcast %broadcast_in_dim3A_578 : i32 to vector<16xi32>
    %lt3A_580 = arith.cmpi slt, %broadcast_in_dim3A_579, %broadcast_in_dim3A_2 : vector<16xi32>
    %select_n3A_581 = arith.select %lt3A_580, %gather3A_576, %broadcast_in_dim3A_1 : vector<16xi1>, vector<16xi32>
    %add3A_582 = arith.addi %add3A_573, %select_n3A_581 : vector<16xi32>
    %broadcast_in_dim3A_583 = arith.constant 31 : i32
    %broadcast_in_dim3A_584 = vector.broadcast %broadcast_in_dim3A_583 : i32 to vector<16xi32>
    %gather3A_585 = tpu.vector_load_idx %arg9[%broadcast_in_dim3A_584, %add3A_303] : memref<32x64xi32, #tpu.memory_space<vmem>>[vector<16xi32>, vector<16xi32>], vector<16xi32>,
    %add3A_586 = arith.addi %add3A_577, %gather3A_585 : vector<16xi32>
    %broadcast_in_dim3A_587 = arith.constant true
    %broadcast_in_dim3A_588 = vector.broadcast %broadcast_in_dim3A_587 : i1 to vector<16xi1>
    %masked_cumsum3A_589 = tpu.scan <sum>, %add3A_586 masked %broadcast_in_dim3A_588 : vector<16xi32>, vector<16xi1> -> vector<16xi32>
    %sub3A_590 = arith.subi %masked_cumsum3A_589, %add3A_586 : vector<16xi32>
    %add3A_591 = vector.broadcast %add3A_295 : i32 to vector<16xi32>
    %add3A_592 = arith.addi %sub3A_590, %add3A_591 : vector<16xi32>
    %reduce_sum3A_593 = arith.constant true
    %reduce_sum3A_594 = vector.broadcast %reduce_sum3A_593 : i1 to vector<16xi1>
    %reduce_sum3A_595 = tpu.scan <sum>, %add3A_586 masked %reduce_sum3A_594 : vector<16xi32>, vector<16xi1> -> vector<16xi32>
    %reduce_sum3A_596 = vector.extract %reduce_sum3A_595[15] : i32 from vector<16xi32>
    %add3A_597 = arith.addi %add3A_295, %reduce_sum3A_596 : i32
    %add3A_598 = arith.addi %add3A_592, %add3A_582 : vector<16xi32>
    %sub3A_599 = arith.constant 1 : i32
    %sub3A_600 = vector.broadcast %sub3A_599 : i32 to vector<16xi32>
    %sub3A_601 = arith.subi %add3A_598, %sub3A_600 : vector<16xi32>
    %swap3A_602 = arith.constant 16 : index
    %swap3A_603 = tpu.vector_load %arg10[%swap3A_602] {strides = array<i32>} : memref<64xi32, #tpu.memory_space<vmem>>, vector<16xi32>,
    tpu.vector_store %arg10[%swap3A_602], %sub3A_601 {strides = array<i32>} : memref<64xi32, #tpu.memory_space<vmem>>, vector<16xi32>,
    %add3A_604 = arith.constant 32 : i32
    %add3A_605 = vector.broadcast %add3A_604 : i32 to vector<16xi32>
    %add3A_606 = arith.addi %iota3A, %add3A_605 : vector<16xi32>
    %broadcast_in_dim3A_607 = arith.constant 0 : i32
    %broadcast_in_dim3A_608 = vector.broadcast %broadcast_in_dim3A_607 : i32 to vector<16xi32>
    %gather3A_609 = tpu.vector_load_idx %arg9[%broadcast_in_dim3A_608, %add3A_606] : memref<32x64xi32, #tpu.memory_space<vmem>>[vector<16xi32>, vector<16xi32>], vector<16xi32>,
    %add3A_610 = arith.addi %broadcast_in_dim3A_1, %gather3A_609 : vector<16xi32>
    %broadcast_in_dim3A_611 = arith.constant 0 : i32
    %broadcast_in_dim3A_612 = vector.broadcast %broadcast_in_dim3A_611 : i32 to vector<16xi32>
    %lt3A_613 = arith.cmpi slt, %broadcast_in_dim3A_612, %broadcast_in_dim3A_2 : vector<16xi32>
    %select_n3A_614 = arith.select %lt3A_613, %gather3A_609, %broadcast_in_dim3A_1 : vector<16xi1>, vector<16xi32>
    %add3A_615 = arith.addi %broadcast_in_dim3A_1, %select_n3A_614 : vector<16xi32>
    %broadcast_in_dim3A_616 = arith.constant 1 : i32
    %broadcast_in_dim3A_617 = vector.broadcast %broadcast_in_dim3A_616 : i32 to vector<16xi32>
    %gather3A_618 = tpu.vector_load_idx %arg9[%broadcast_in_dim3A_617, %add3A_606] : memref<32x64xi32, #tpu.memory_space<vmem>>[vector<16xi32>, vector<16xi32>], vector<16xi32>,
    %add3A_619 = arith.addi %add3A_610, %gather3A_618 : vector<16xi32>
    %broadcast_in_dim3A_620 = arith.constant 1 : i32
    %broadcast_in_dim3A_621 = vector.broadcast %broadcast_in_dim3A_620 : i32 to vector<16xi32>
    %lt3A_622 = arith.cmpi slt, %broadcast_in_dim3A_621, %broadcast_in_dim3A_2 : vector<16xi32>
    %select_n3A_623 = arith.select %lt3A_622, %gather3A_618, %broadcast_in_dim3A_1 : vector<16xi1>, vector<16xi32>
    %add3A_624 = arith.addi %add3A_615, %select_n3A_623 : vector<16xi32>
    %broadcast_in_dim3A_625 = arith.constant 2 : i32
    %broadcast_in_dim3A_626 = vector.broadcast %broadcast_in_dim3A_625 : i32 to vector<16xi32>
    %gather3A_627 = tpu.vector_load_idx %arg9[%broadcast_in_dim3A_626, %add3A_606] : memref<32x64xi32, #tpu.memory_space<vmem>>[vector<16xi32>, vector<16xi32>], vector<16xi32>,
    %add3A_628 = arith.addi %add3A_619, %gather3A_627 : vector<16xi32>
    %broadcast_in_dim3A_629 = arith.constant 2 : i32
    %broadcast_in_dim3A_630 = vector.broadcast %broadcast_in_dim3A_629 : i32 to vector<16xi32>
    %lt3A_631 = arith.cmpi slt, %broadcast_in_dim3A_630, %broadcast_in_dim3A_2 : vector<16xi32>
    %select_n3A_632 = arith.select %lt3A_631, %gather3A_627, %broadcast_in_dim3A_1 : vector<16xi1>, vector<16xi32>
    %add3A_633 = arith.addi %add3A_624, %select_n3A_632 : vector<16xi32>
    %broadcast_in_dim3A_634 = arith.constant 3 : i32
    %broadcast_in_dim3A_635 = vector.broadcast %broadcast_in_dim3A_634 : i32 to vector<16xi32>
    %gather3A_636 = tpu.vector_load_idx %arg9[%broadcast_in_dim3A_635, %add3A_606] : memref<32x64xi32, #tpu.memory_space<vmem>>[vector<16xi32>, vector<16xi32>], vector<16xi32>,
    %add3A_637 = arith.addi %add3A_628, %gather3A_636 : vector<16xi32>
    %broadcast_in_dim3A_638 = arith.constant 3 : i32
    %broadcast_in_dim3A_639 = vector.broadcast %broadcast_in_dim3A_638 : i32 to vector<16xi32>
    %lt3A_640 = arith.cmpi slt, %broadcast_in_dim3A_639, %broadcast_in_dim3A_2 : vector<16xi32>
    %select_n3A_641 = arith.select %lt3A_640, %gather3A_636, %broadcast_in_dim3A_1 : vector<16xi1>, vector<16xi32>
    %add3A_642 = arith.addi %add3A_633, %select_n3A_641 : vector<16xi32>
    %broadcast_in_dim3A_643 = arith.constant 4 : i32
    %broadcast_in_dim3A_644 = vector.broadcast %broadcast_in_dim3A_643 : i32 to vector<16xi32>
    %gather3A_645 = tpu.vector_load_idx %arg9[%broadcast_in_dim3A_644, %add3A_606] : memref<32x64xi32, #tpu.memory_space<vmem>>[vector<16xi32>, vector<16xi32>], vector<16xi32>,
    %add3A_646 = arith.addi %add3A_637, %gather3A_645 : vector<16xi32>
    %broadcast_in_dim3A_647 = arith.constant 4 : i32
    %broadcast_in_dim3A_648 = vector.broadcast %broadcast_in_dim3A_647 : i32 to vector<16xi32>
    %lt3A_649 = arith.cmpi slt, %broadcast_in_dim3A_648, %broadcast_in_dim3A_2 : vector<16xi32>
    %select_n3A_650 = arith.select %lt3A_649, %gather3A_645, %broadcast_in_dim3A_1 : vector<16xi1>, vector<16xi32>
    %add3A_651 = arith.addi %add3A_642, %select_n3A_650 : vector<16xi32>
    %broadcast_in_dim3A_652 = arith.constant 5 : i32
    %broadcast_in_dim3A_653 = vector.broadcast %broadcast_in_dim3A_652 : i32 to vector<16xi32>
    %gather3A_654 = tpu.vector_load_idx %arg9[%broadcast_in_dim3A_653, %add3A_606] : memref<32x64xi32, #tpu.memory_space<vmem>>[vector<16xi32>, vector<16xi32>], vector<16xi32>,
    %add3A_655 = arith.addi %add3A_646, %gather3A_654 : vector<16xi32>
    %broadcast_in_dim3A_656 = arith.constant 5 : i32
    %broadcast_in_dim3A_657 = vector.broadcast %broadcast_in_dim3A_656 : i32 to vector<16xi32>
    %lt3A_658 = arith.cmpi slt, %broadcast_in_dim3A_657, %broadcast_in_dim3A_2 : vector<16xi32>
    %select_n3A_659 = arith.select %lt3A_658, %gather3A_654, %broadcast_in_dim3A_1 : vector<16xi1>, vector<16xi32>
    %add3A_660 = arith.addi %add3A_651, %select_n3A_659 : vector<16xi32>
    %broadcast_in_dim3A_661 = arith.constant 6 : i32
    %broadcast_in_dim3A_662 = vector.broadcast %broadcast_in_dim3A_661 : i32 to vector<16xi32>
    %gather3A_663 = tpu.vector_load_idx %arg9[%broadcast_in_dim3A_662, %add3A_606] : memref<32x64xi32, #tpu.memory_space<vmem>>[vector<16xi32>, vector<16xi32>], vector<16xi32>,
    %add3A_664 = arith.addi %add3A_655, %gather3A_663 : vector<16xi32>
    %broadcast_in_dim3A_665 = arith.constant 6 : i32
    %broadcast_in_dim3A_666 = vector.broadcast %broadcast_in_dim3A_665 : i32 to vector<16xi32>
    %lt3A_667 = arith.cmpi slt, %broadcast_in_dim3A_666, %broadcast_in_dim3A_2 : vector<16xi32>
    %select_n3A_668 = arith.select %lt3A_667, %gather3A_663, %broadcast_in_dim3A_1 : vector<16xi1>, vector<16xi32>
    %add3A_669 = arith.addi %add3A_660, %select_n3A_668 : vector<16xi32>
    %broadcast_in_dim3A_670 = arith.constant 7 : i32
    %broadcast_in_dim3A_671 = vector.broadcast %broadcast_in_dim3A_670 : i32 to vector<16xi32>
    %gather3A_672 = tpu.vector_load_idx %arg9[%broadcast_in_dim3A_671, %add3A_606] : memref<32x64xi32, #tpu.memory_space<vmem>>[vector<16xi32>, vector<16xi32>], vector<16xi32>,
    %add3A_673 = arith.addi %add3A_664, %gather3A_672 : vector<16xi32>
    %broadcast_in_dim3A_674 = arith.constant 7 : i32
    %broadcast_in_dim3A_675 = vector.broadcast %broadcast_in_dim3A_674 : i32 to vector<16xi32>
    %lt3A_676 = arith.cmpi slt, %broadcast_in_dim3A_675, %broadcast_in_dim3A_2 : vector<16xi32>
    %select_n3A_677 = arith.select %lt3A_676, %gather3A_672, %broadcast_in_dim3A_1 : vector<16xi1>, vector<16xi32>
    %add3A_678 = arith.addi %add3A_669, %select_n3A_677 : vector<16xi32>
    %broadcast_in_dim3A_679 = arith.constant 8 : i32
    %broadcast_in_dim3A_680 = vector.broadcast %broadcast_in_dim3A_679 : i32 to vector<16xi32>
    %gather3A_681 = tpu.vector_load_idx %arg9[%broadcast_in_dim3A_680, %add3A_606] : memref<32x64xi32, #tpu.memory_space<vmem>>[vector<16xi32>, vector<16xi32>], vector<16xi32>,
    %add3A_682 = arith.addi %add3A_673, %gather3A_681 : vector<16xi32>
    %broadcast_in_dim3A_683 = arith.constant 8 : i32
    %broadcast_in_dim3A_684 = vector.broadcast %broadcast_in_dim3A_683 : i32 to vector<16xi32>
    %lt3A_685 = arith.cmpi slt, %broadcast_in_dim3A_684, %broadcast_in_dim3A_2 : vector<16xi32>
    %select_n3A_686 = arith.select %lt3A_685, %gather3A_681, %broadcast_in_dim3A_1 : vector<16xi1>, vector<16xi32>
    %add3A_687 = arith.addi %add3A_678, %select_n3A_686 : vector<16xi32>
    %broadcast_in_dim3A_688 = arith.constant 9 : i32
    %broadcast_in_dim3A_689 = vector.broadcast %broadcast_in_dim3A_688 : i32 to vector<16xi32>
    %gather3A_690 = tpu.vector_load_idx %arg9[%broadcast_in_dim3A_689, %add3A_606] : memref<32x64xi32, #tpu.memory_space<vmem>>[vector<16xi32>, vector<16xi32>], vector<16xi32>,
    %add3A_691 = arith.addi %add3A_682, %gather3A_690 : vector<16xi32>
    %broadcast_in_dim3A_692 = arith.constant 9 : i32
    %broadcast_in_dim3A_693 = vector.broadcast %broadcast_in_dim3A_692 : i32 to vector<16xi32>
    %lt3A_694 = arith.cmpi slt, %broadcast_in_dim3A_693, %broadcast_in_dim3A_2 : vector<16xi32>
    %select_n3A_695 = arith.select %lt3A_694, %gather3A_690, %broadcast_in_dim3A_1 : vector<16xi1>, vector<16xi32>
    %add3A_696 = arith.addi %add3A_687, %select_n3A_695 : vector<16xi32>
    %broadcast_in_dim3A_697 = arith.constant 10 : i32
    %broadcast_in_dim3A_698 = vector.broadcast %broadcast_in_dim3A_697 : i32 to vector<16xi32>
    %gather3A_699 = tpu.vector_load_idx %arg9[%broadcast_in_dim3A_698, %add3A_606] : memref<32x64xi32, #tpu.memory_space<vmem>>[vector<16xi32>, vector<16xi32>], vector<16xi32>,
    %add3A_700 = arith.addi %add3A_691, %gather3A_699 : vector<16xi32>
    %broadcast_in_dim3A_701 = arith.constant 10 : i32
    %broadcast_in_dim3A_702 = vector.broadcast %broadcast_in_dim3A_701 : i32 to vector<16xi32>
    %lt3A_703 = arith.cmpi slt, %broadcast_in_dim3A_702, %broadcast_in_dim3A_2 : vector<16xi32>
    %select_n3A_704 = arith.select %lt3A_703, %gather3A_699, %broadcast_in_dim3A_1 : vector<16xi1>, vector<16xi32>
    %add3A_705 = arith.addi %add3A_696, %select_n3A_704 : vector<16xi32>
    %broadcast_in_dim3A_706 = arith.constant 11 : i32
    %broadcast_in_dim3A_707 = vector.broadcast %broadcast_in_dim3A_706 : i32 to vector<16xi32>
    %gather3A_708 = tpu.vector_load_idx %arg9[%broadcast_in_dim3A_707, %add3A_606] : memref<32x64xi32, #tpu.memory_space<vmem>>[vector<16xi32>, vector<16xi32>], vector<16xi32>,
    %add3A_709 = arith.addi %add3A_700, %gather3A_708 : vector<16xi32>
    %broadcast_in_dim3A_710 = arith.constant 11 : i32
    %broadcast_in_dim3A_711 = vector.broadcast %broadcast_in_dim3A_710 : i32 to vector<16xi32>
    %lt3A_712 = arith.cmpi slt, %broadcast_in_dim3A_711, %broadcast_in_dim3A_2 : vector<16xi32>
    %select_n3A_713 = arith.select %lt3A_712, %gather3A_708, %broadcast_in_dim3A_1 : vector<16xi1>, vector<16xi32>
    %add3A_714 = arith.addi %add3A_705, %select_n3A_713 : vector<16xi32>
    %broadcast_in_dim3A_715 = arith.constant 12 : i32
    %broadcast_in_dim3A_716 = vector.broadcast %broadcast_in_dim3A_715 : i32 to vector<16xi32>
    %gather3A_717 = tpu.vector_load_idx %arg9[%broadcast_in_dim3A_716, %add3A_606] : memref<32x64xi32, #tpu.memory_space<vmem>>[vector<16xi32>, vector<16xi32>], vector<16xi32>,
    %add3A_718 = arith.addi %add3A_709, %gather3A_717 : vector<16xi32>
    %broadcast_in_dim3A_719 = arith.constant 12 : i32
    %broadcast_in_dim3A_720 = vector.broadcast %broadcast_in_dim3A_719 : i32 to vector<16xi32>
    %lt3A_721 = arith.cmpi slt, %broadcast_in_dim3A_720, %broadcast_in_dim3A_2 : vector<16xi32>
    %select_n3A_722 = arith.select %lt3A_721, %gather3A_717, %broadcast_in_dim3A_1 : vector<16xi1>, vector<16xi32>
    %add3A_723 = arith.addi %add3A_714, %select_n3A_722 : vector<16xi32>
    %broadcast_in_dim3A_724 = arith.constant 13 : i32
    %broadcast_in_dim3A_725 = vector.broadcast %broadcast_in_dim3A_724 : i32 to vector<16xi32>
    %gather3A_726 = tpu.vector_load_idx %arg9[%broadcast_in_dim3A_725, %add3A_606] : memref<32x64xi32, #tpu.memory_space<vmem>>[vector<16xi32>, vector<16xi32>], vector<16xi32>,
    %add3A_727 = arith.addi %add3A_718, %gather3A_726 : vector<16xi32>
    %broadcast_in_dim3A_728 = arith.constant 13 : i32
    %broadcast_in_dim3A_729 = vector.broadcast %broadcast_in_dim3A_728 : i32 to vector<16xi32>
    %lt3A_730 = arith.cmpi slt, %broadcast_in_dim3A_729, %broadcast_in_dim3A_2 : vector<16xi32>
    %select_n3A_731 = arith.select %lt3A_730, %gather3A_726, %broadcast_in_dim3A_1 : vector<16xi1>, vector<16xi32>
    %add3A_732 = arith.addi %add3A_723, %select_n3A_731 : vector<16xi32>
    %broadcast_in_dim3A_733 = arith.constant 14 : i32
    %broadcast_in_dim3A_734 = vector.broadcast %broadcast_in_dim3A_733 : i32 to vector<16xi32>
    %gather3A_735 = tpu.vector_load_idx %arg9[%broadcast_in_dim3A_734, %add3A_606] : memref<32x64xi32, #tpu.memory_space<vmem>>[vector<16xi32>, vector<16xi32>], vector<16xi32>,
    %add3A_736 = arith.addi %add3A_727, %gather3A_735 : vector<16xi32>
    %broadcast_in_dim3A_737 = arith.constant 14 : i32
    %broadcast_in_dim3A_738 = vector.broadcast %broadcast_in_dim3A_737 : i32 to vector<16xi32>
    %lt3A_739 = arith.cmpi slt, %broadcast_in_dim3A_738, %broadcast_in_dim3A_2 : vector<16xi32>
    %select_n3A_740 = arith.select %lt3A_739, %gather3A_735, %broadcast_in_dim3A_1 : vector<16xi1>, vector<16xi32>
    %add3A_741 = arith.addi %add3A_732, %select_n3A_740 : vector<16xi32>
    %broadcast_in_dim3A_742 = arith.constant 15 : i32
    %broadcast_in_dim3A_743 = vector.broadcast %broadcast_in_dim3A_742 : i32 to vector<16xi32>
    %gather3A_744 = tpu.vector_load_idx %arg9[%broadcast_in_dim3A_743, %add3A_606] : memref<32x64xi32, #tpu.memory_space<vmem>>[vector<16xi32>, vector<16xi32>], vector<16xi32>,
    %add3A_745 = arith.addi %add3A_736, %gather3A_744 : vector<16xi32>
    %broadcast_in_dim3A_746 = arith.constant 15 : i32
    %broadcast_in_dim3A_747 = vector.broadcast %broadcast_in_dim3A_746 : i32 to vector<16xi32>
    %lt3A_748 = arith.cmpi slt, %broadcast_in_dim3A_747, %broadcast_in_dim3A_2 : vector<16xi32>
    %select_n3A_749 = arith.select %lt3A_748, %gather3A_744, %broadcast_in_dim3A_1 : vector<16xi1>, vector<16xi32>
    %add3A_750 = arith.addi %add3A_741, %select_n3A_749 : vector<16xi32>
    %broadcast_in_dim3A_751 = arith.constant 16 : i32
    %broadcast_in_dim3A_752 = vector.broadcast %broadcast_in_dim3A_751 : i32 to vector<16xi32>
    %gather3A_753 = tpu.vector_load_idx %arg9[%broadcast_in_dim3A_752, %add3A_606] : memref<32x64xi32, #tpu.memory_space<vmem>>[vector<16xi32>, vector<16xi32>], vector<16xi32>,
    %add3A_754 = arith.addi %add3A_745, %gather3A_753 : vector<16xi32>
    %broadcast_in_dim3A_755 = arith.constant 16 : i32
    %broadcast_in_dim3A_756 = vector.broadcast %broadcast_in_dim3A_755 : i32 to vector<16xi32>
    %lt3A_757 = arith.cmpi slt, %broadcast_in_dim3A_756, %broadcast_in_dim3A_2 : vector<16xi32>
    %select_n3A_758 = arith.select %lt3A_757, %gather3A_753, %broadcast_in_dim3A_1 : vector<16xi1>, vector<16xi32>
    %add3A_759 = arith.addi %add3A_750, %select_n3A_758 : vector<16xi32>
    %broadcast_in_dim3A_760 = arith.constant 17 : i32
    %broadcast_in_dim3A_761 = vector.broadcast %broadcast_in_dim3A_760 : i32 to vector<16xi32>
    %gather3A_762 = tpu.vector_load_idx %arg9[%broadcast_in_dim3A_761, %add3A_606] : memref<32x64xi32, #tpu.memory_space<vmem>>[vector<16xi32>, vector<16xi32>], vector<16xi32>,
    %add3A_763 = arith.addi %add3A_754, %gather3A_762 : vector<16xi32>
    %broadcast_in_dim3A_764 = arith.constant 17 : i32
    %broadcast_in_dim3A_765 = vector.broadcast %broadcast_in_dim3A_764 : i32 to vector<16xi32>
    %lt3A_766 = arith.cmpi slt, %broadcast_in_dim3A_765, %broadcast_in_dim3A_2 : vector<16xi32>
    %select_n3A_767 = arith.select %lt3A_766, %gather3A_762, %broadcast_in_dim3A_1 : vector<16xi1>, vector<16xi32>
    %add3A_768 = arith.addi %add3A_759, %select_n3A_767 : vector<16xi32>
    %broadcast_in_dim3A_769 = arith.constant 18 : i32
    %broadcast_in_dim3A_770 = vector.broadcast %broadcast_in_dim3A_769 : i32 to vector<16xi32>
    %gather3A_771 = tpu.vector_load_idx %arg9[%broadcast_in_dim3A_770, %add3A_606] : memref<32x64xi32, #tpu.memory_space<vmem>>[vector<16xi32>, vector<16xi32>], vector<16xi32>,
    %add3A_772 = arith.addi %add3A_763, %gather3A_771 : vector<16xi32>
    %broadcast_in_dim3A_773 = arith.constant 18 : i32
    %broadcast_in_dim3A_774 = vector.broadcast %broadcast_in_dim3A_773 : i32 to vector<16xi32>
    %lt3A_775 = arith.cmpi slt, %broadcast_in_dim3A_774, %broadcast_in_dim3A_2 : vector<16xi32>
    %select_n3A_776 = arith.select %lt3A_775, %gather3A_771, %broadcast_in_dim3A_1 : vector<16xi1>, vector<16xi32>
    %add3A_777 = arith.addi %add3A_768, %select_n3A_776 : vector<16xi32>
    %broadcast_in_dim3A_778 = arith.constant 19 : i32
    %broadcast_in_dim3A_779 = vector.broadcast %broadcast_in_dim3A_778 : i32 to vector<16xi32>
    %gather3A_780 = tpu.vector_load_idx %arg9[%broadcast_in_dim3A_779, %add3A_606] : memref<32x64xi32, #tpu.memory_space<vmem>>[vector<16xi32>, vector<16xi32>], vector<16xi32>,
    %add3A_781 = arith.addi %add3A_772, %gather3A_780 : vector<16xi32>
    %broadcast_in_dim3A_782 = arith.constant 19 : i32
    %broadcast_in_dim3A_783 = vector.broadcast %broadcast_in_dim3A_782 : i32 to vector<16xi32>
    %lt3A_784 = arith.cmpi slt, %broadcast_in_dim3A_783, %broadcast_in_dim3A_2 : vector<16xi32>
    %select_n3A_785 = arith.select %lt3A_784, %gather3A_780, %broadcast_in_dim3A_1 : vector<16xi1>, vector<16xi32>
    %add3A_786 = arith.addi %add3A_777, %select_n3A_785 : vector<16xi32>
    %broadcast_in_dim3A_787 = arith.constant 20 : i32
    %broadcast_in_dim3A_788 = vector.broadcast %broadcast_in_dim3A_787 : i32 to vector<16xi32>
    %gather3A_789 = tpu.vector_load_idx %arg9[%broadcast_in_dim3A_788, %add3A_606] : memref<32x64xi32, #tpu.memory_space<vmem>>[vector<16xi32>, vector<16xi32>], vector<16xi32>,
    %add3A_790 = arith.addi %add3A_781, %gather3A_789 : vector<16xi32>
    %broadcast_in_dim3A_791 = arith.constant 20 : i32
    %broadcast_in_dim3A_792 = vector.broadcast %broadcast_in_dim3A_791 : i32 to vector<16xi32>
    %lt3A_793 = arith.cmpi slt, %broadcast_in_dim3A_792, %broadcast_in_dim3A_2 : vector<16xi32>
    %select_n3A_794 = arith.select %lt3A_793, %gather3A_789, %broadcast_in_dim3A_1 : vector<16xi1>, vector<16xi32>
    %add3A_795 = arith.addi %add3A_786, %select_n3A_794 : vector<16xi32>
    %broadcast_in_dim3A_796 = arith.constant 21 : i32
    %broadcast_in_dim3A_797 = vector.broadcast %broadcast_in_dim3A_796 : i32 to vector<16xi32>
    %gather3A_798 = tpu.vector_load_idx %arg9[%broadcast_in_dim3A_797, %add3A_606] : memref<32x64xi32, #tpu.memory_space<vmem>>[vector<16xi32>, vector<16xi32>], vector<16xi32>,
    %add3A_799 = arith.addi %add3A_790, %gather3A_798 : vector<16xi32>
    %broadcast_in_dim3A_800 = arith.constant 21 : i32
    %broadcast_in_dim3A_801 = vector.broadcast %broadcast_in_dim3A_800 : i32 to vector<16xi32>
    %lt3A_802 = arith.cmpi slt, %broadcast_in_dim3A_801, %broadcast_in_dim3A_2 : vector<16xi32>
    %select_n3A_803 = arith.select %lt3A_802, %gather3A_798, %broadcast_in_dim3A_1 : vector<16xi1>, vector<16xi32>
    %add3A_804 = arith.addi %add3A_795, %select_n3A_803 : vector<16xi32>
    %broadcast_in_dim3A_805 = arith.constant 22 : i32
    %broadcast_in_dim3A_806 = vector.broadcast %broadcast_in_dim3A_805 : i32 to vector<16xi32>
    %gather3A_807 = tpu.vector_load_idx %arg9[%broadcast_in_dim3A_806, %add3A_606] : memref<32x64xi32, #tpu.memory_space<vmem>>[vector<16xi32>, vector<16xi32>], vector<16xi32>,
    %add3A_808 = arith.addi %add3A_799, %gather3A_807 : vector<16xi32>
    %broadcast_in_dim3A_809 = arith.constant 22 : i32
    %broadcast_in_dim3A_810 = vector.broadcast %broadcast_in_dim3A_809 : i32 to vector<16xi32>
    %lt3A_811 = arith.cmpi slt, %broadcast_in_dim3A_810, %broadcast_in_dim3A_2 : vector<16xi32>
    %select_n3A_812 = arith.select %lt3A_811, %gather3A_807, %broadcast_in_dim3A_1 : vector<16xi1>, vector<16xi32>
    %add3A_813 = arith.addi %add3A_804, %select_n3A_812 : vector<16xi32>
    %broadcast_in_dim3A_814 = arith.constant 23 : i32
    %broadcast_in_dim3A_815 = vector.broadcast %broadcast_in_dim3A_814 : i32 to vector<16xi32>
    %gather3A_816 = tpu.vector_load_idx %arg9[%broadcast_in_dim3A_815, %add3A_606] : memref<32x64xi32, #tpu.memory_space<vmem>>[vector<16xi32>, vector<16xi32>], vector<16xi32>,
    %add3A_817 = arith.addi %add3A_808, %gather3A_816 : vector<16xi32>
    %broadcast_in_dim3A_818 = arith.constant 23 : i32
    %broadcast_in_dim3A_819 = vector.broadcast %broadcast_in_dim3A_818 : i32 to vector<16xi32>
    %lt3A_820 = arith.cmpi slt, %broadcast_in_dim3A_819, %broadcast_in_dim3A_2 : vector<16xi32>
    %select_n3A_821 = arith.select %lt3A_820, %gather3A_816, %broadcast_in_dim3A_1 : vector<16xi1>, vector<16xi32>
    %add3A_822 = arith.addi %add3A_813, %select_n3A_821 : vector<16xi32>
    %broadcast_in_dim3A_823 = arith.constant 24 : i32
    %broadcast_in_dim3A_824 = vector.broadcast %broadcast_in_dim3A_823 : i32 to vector<16xi32>
    %gather3A_825 = tpu.vector_load_idx %arg9[%broadcast_in_dim3A_824, %add3A_606] : memref<32x64xi32, #tpu.memory_space<vmem>>[vector<16xi32>, vector<16xi32>], vector<16xi32>,
    %add3A_826 = arith.addi %add3A_817, %gather3A_825 : vector<16xi32>
    %broadcast_in_dim3A_827 = arith.constant 24 : i32
    %broadcast_in_dim3A_828 = vector.broadcast %broadcast_in_dim3A_827 : i32 to vector<16xi32>
    %lt3A_829 = arith.cmpi slt, %broadcast_in_dim3A_828, %broadcast_in_dim3A_2 : vector<16xi32>
    %select_n3A_830 = arith.select %lt3A_829, %gather3A_825, %broadcast_in_dim3A_1 : vector<16xi1>, vector<16xi32>
    %add3A_831 = arith.addi %add3A_822, %select_n3A_830 : vector<16xi32>
    %broadcast_in_dim3A_832 = arith.constant 25 : i32
    %broadcast_in_dim3A_833 = vector.broadcast %broadcast_in_dim3A_832 : i32 to vector<16xi32>
    %gather3A_834 = tpu.vector_load_idx %arg9[%broadcast_in_dim3A_833, %add3A_606] : memref<32x64xi32, #tpu.memory_space<vmem>>[vector<16xi32>, vector<16xi32>], vector<16xi32>,
    %add3A_835 = arith.addi %add3A_826, %gather3A_834 : vector<16xi32>
    %broadcast_in_dim3A_836 = arith.constant 25 : i32
    %broadcast_in_dim3A_837 = vector.broadcast %broadcast_in_dim3A_836 : i32 to vector<16xi32>
    %lt3A_838 = arith.cmpi slt, %broadcast_in_dim3A_837, %broadcast_in_dim3A_2 : vector<16xi32>
    %select_n3A_839 = arith.select %lt3A_838, %gather3A_834, %broadcast_in_dim3A_1 : vector<16xi1>, vector<16xi32>
    %add3A_840 = arith.addi %add3A_831, %select_n3A_839 : vector<16xi32>
    %broadcast_in_dim3A_841 = arith.constant 26 : i32
    %broadcast_in_dim3A_842 = vector.broadcast %broadcast_in_dim3A_841 : i32 to vector<16xi32>
    %gather3A_843 = tpu.vector_load_idx %arg9[%broadcast_in_dim3A_842, %add3A_606] : memref<32x64xi32, #tpu.memory_space<vmem>>[vector<16xi32>, vector<16xi32>], vector<16xi32>,
    %add3A_844 = arith.addi %add3A_835, %gather3A_843 : vector<16xi32>
    %broadcast_in_dim3A_845 = arith.constant 26 : i32
    %broadcast_in_dim3A_846 = vector.broadcast %broadcast_in_dim3A_845 : i32 to vector<16xi32>
    %lt3A_847 = arith.cmpi slt, %broadcast_in_dim3A_846, %broadcast_in_dim3A_2 : vector<16xi32>
    %select_n3A_848 = arith.select %lt3A_847, %gather3A_843, %broadcast_in_dim3A_1 : vector<16xi1>, vector<16xi32>
    %add3A_849 = arith.addi %add3A_840, %select_n3A_848 : vector<16xi32>
    %broadcast_in_dim3A_850 = arith.constant 27 : i32
    %broadcast_in_dim3A_851 = vector.broadcast %broadcast_in_dim3A_850 : i32 to vector<16xi32>
    %gather3A_852 = tpu.vector_load_idx %arg9[%broadcast_in_dim3A_851, %add3A_606] : memref<32x64xi32, #tpu.memory_space<vmem>>[vector<16xi32>, vector<16xi32>], vector<16xi32>,
    %add3A_853 = arith.addi %add3A_844, %gather3A_852 : vector<16xi32>
    %broadcast_in_dim3A_854 = arith.constant 27 : i32
    %broadcast_in_dim3A_855 = vector.broadcast %broadcast_in_dim3A_854 : i32 to vector<16xi32>
    %lt3A_856 = arith.cmpi slt, %broadcast_in_dim3A_855, %broadcast_in_dim3A_2 : vector<16xi32>
    %select_n3A_857 = arith.select %lt3A_856, %gather3A_852, %broadcast_in_dim3A_1 : vector<16xi1>, vector<16xi32>
    %add3A_858 = arith.addi %add3A_849, %select_n3A_857 : vector<16xi32>
    %broadcast_in_dim3A_859 = arith.constant 28 : i32
    %broadcast_in_dim3A_860 = vector.broadcast %broadcast_in_dim3A_859 : i32 to vector<16xi32>
    %gather3A_861 = tpu.vector_load_idx %arg9[%broadcast_in_dim3A_860, %add3A_606] : memref<32x64xi32, #tpu.memory_space<vmem>>[vector<16xi32>, vector<16xi32>], vector<16xi32>,
    %add3A_862 = arith.addi %add3A_853, %gather3A_861 : vector<16xi32>
    %broadcast_in_dim3A_863 = arith.constant 28 : i32
    %broadcast_in_dim3A_864 = vector.broadcast %broadcast_in_dim3A_863 : i32 to vector<16xi32>
    %lt3A_865 = arith.cmpi slt, %broadcast_in_dim3A_864, %broadcast_in_dim3A_2 : vector<16xi32>
    %select_n3A_866 = arith.select %lt3A_865, %gather3A_861, %broadcast_in_dim3A_1 : vector<16xi1>, vector<16xi32>
    %add3A_867 = arith.addi %add3A_858, %select_n3A_866 : vector<16xi32>
    %broadcast_in_dim3A_868 = arith.constant 29 : i32
    %broadcast_in_dim3A_869 = vector.broadcast %broadcast_in_dim3A_868 : i32 to vector<16xi32>
    %gather3A_870 = tpu.vector_load_idx %arg9[%broadcast_in_dim3A_869, %add3A_606] : memref<32x64xi32, #tpu.memory_space<vmem>>[vector<16xi32>, vector<16xi32>], vector<16xi32>,
    %add3A_871 = arith.addi %add3A_862, %gather3A_870 : vector<16xi32>
    %broadcast_in_dim3A_872 = arith.constant 29 : i32
    %broadcast_in_dim3A_873 = vector.broadcast %broadcast_in_dim3A_872 : i32 to vector<16xi32>
    %lt3A_874 = arith.cmpi slt, %broadcast_in_dim3A_873, %broadcast_in_dim3A_2 : vector<16xi32>
    %select_n3A_875 = arith.select %lt3A_874, %gather3A_870, %broadcast_in_dim3A_1 : vector<16xi1>, vector<16xi32>
    %add3A_876 = arith.addi %add3A_867, %select_n3A_875 : vector<16xi32>
    %broadcast_in_dim3A_877 = arith.constant 30 : i32
    %broadcast_in_dim3A_878 = vector.broadcast %broadcast_in_dim3A_877 : i32 to vector<16xi32>
    %gather3A_879 = tpu.vector_load_idx %arg9[%broadcast_in_dim3A_878, %add3A_606] : memref<32x64xi32, #tpu.memory_space<vmem>>[vector<16xi32>, vector<16xi32>], vector<16xi32>,
    %add3A_880 = arith.addi %add3A_871, %gather3A_879 : vector<16xi32>
    %broadcast_in_dim3A_881 = arith.constant 30 : i32
    %broadcast_in_dim3A_882 = vector.broadcast %broadcast_in_dim3A_881 : i32 to vector<16xi32>
    %lt3A_883 = arith.cmpi slt, %broadcast_in_dim3A_882, %broadcast_in_dim3A_2 : vector<16xi32>
    %select_n3A_884 = arith.select %lt3A_883, %gather3A_879, %broadcast_in_dim3A_1 : vector<16xi1>, vector<16xi32>
    %add3A_885 = arith.addi %add3A_876, %select_n3A_884 : vector<16xi32>
    %broadcast_in_dim3A_886 = arith.constant 31 : i32
    %broadcast_in_dim3A_887 = vector.broadcast %broadcast_in_dim3A_886 : i32 to vector<16xi32>
    %gather3A_888 = tpu.vector_load_idx %arg9[%broadcast_in_dim3A_887, %add3A_606] : memref<32x64xi32, #tpu.memory_space<vmem>>[vector<16xi32>, vector<16xi32>], vector<16xi32>,
    %add3A_889 = arith.addi %add3A_880, %gather3A_888 : vector<16xi32>
    %broadcast_in_dim3A_890 = arith.constant true
    %broadcast_in_dim3A_891 = vector.broadcast %broadcast_in_dim3A_890 : i1 to vector<16xi1>
    %masked_cumsum3A_892 = tpu.scan <sum>, %add3A_889 masked %broadcast_in_dim3A_891 : vector<16xi32>, vector<16xi1> -> vector<16xi32>
    %sub3A_893 = arith.subi %masked_cumsum3A_892, %add3A_889 : vector<16xi32>
    %add3A_894 = vector.broadcast %add3A_597 : i32 to vector<16xi32>
    %add3A_895 = arith.addi %sub3A_893, %add3A_894 : vector<16xi32>
    %reduce_sum3A_896 = arith.constant true
    %reduce_sum3A_897 = vector.broadcast %reduce_sum3A_896 : i1 to vector<16xi1>
    %reduce_sum3A_898 = tpu.scan <sum>, %add3A_889 masked %reduce_sum3A_897 : vector<16xi32>, vector<16xi1> -> vector<16xi32>
    %reduce_sum3A_899 = vector.extract %reduce_sum3A_898[15] : i32 from vector<16xi32>
    %add3A_900 = arith.addi %add3A_597, %reduce_sum3A_899 : i32
    %add3A_901 = arith.addi %add3A_895, %add3A_885 : vector<16xi32>
    %sub3A_902 = arith.constant 1 : i32
    %sub3A_903 = vector.broadcast %sub3A_902 : i32 to vector<16xi32>
    %sub3A_904 = arith.subi %add3A_901, %sub3A_903 : vector<16xi32>
    %swap3A_905 = arith.constant 32 : index
    %swap3A_906 = tpu.vector_load %arg10[%swap3A_905] {strides = array<i32>} : memref<64xi32, #tpu.memory_space<vmem>>, vector<16xi32>,
    tpu.vector_store %arg10[%swap3A_905], %sub3A_904 {strides = array<i32>} : memref<64xi32, #tpu.memory_space<vmem>>, vector<16xi32>,
    %add3A_907 = arith.constant 48 : i32
    %add3A_908 = vector.broadcast %add3A_907 : i32 to vector<16xi32>
    %add3A_909 = arith.addi %iota3A, %add3A_908 : vector<16xi32>
    %broadcast_in_dim3A_910 = arith.constant 0 : i32
    %broadcast_in_dim3A_911 = vector.broadcast %broadcast_in_dim3A_910 : i32 to vector<16xi32>
    %gather3A_912 = tpu.vector_load_idx %arg9[%broadcast_in_dim3A_911, %add3A_909] : memref<32x64xi32, #tpu.memory_space<vmem>>[vector<16xi32>, vector<16xi32>], vector<16xi32>,
    %add3A_913 = arith.addi %broadcast_in_dim3A_1, %gather3A_912 : vector<16xi32>
    %broadcast_in_dim3A_914 = arith.constant 0 : i32
    %broadcast_in_dim3A_915 = vector.broadcast %broadcast_in_dim3A_914 : i32 to vector<16xi32>
    %lt3A_916 = arith.cmpi slt, %broadcast_in_dim3A_915, %broadcast_in_dim3A_2 : vector<16xi32>
    %select_n3A_917 = arith.select %lt3A_916, %gather3A_912, %broadcast_in_dim3A_1 : vector<16xi1>, vector<16xi32>
    %add3A_918 = arith.addi %broadcast_in_dim3A_1, %select_n3A_917 : vector<16xi32>
    %broadcast_in_dim3A_919 = arith.constant 1 : i32
    %broadcast_in_dim3A_920 = vector.broadcast %broadcast_in_dim3A_919 : i32 to vector<16xi32>
    %gather3A_921 = tpu.vector_load_idx %arg9[%broadcast_in_dim3A_920, %add3A_909] : memref<32x64xi32, #tpu.memory_space<vmem>>[vector<16xi32>, vector<16xi32>], vector<16xi32>,
    %add3A_922 = arith.addi %add3A_913, %gather3A_921 : vector<16xi32>
    %broadcast_in_dim3A_923 = arith.constant 1 : i32
    %broadcast_in_dim3A_924 = vector.broadcast %broadcast_in_dim3A_923 : i32 to vector<16xi32>
    %lt3A_925 = arith.cmpi slt, %broadcast_in_dim3A_924, %broadcast_in_dim3A_2 : vector<16xi32>
    %select_n3A_926 = arith.select %lt3A_925, %gather3A_921, %broadcast_in_dim3A_1 : vector<16xi1>, vector<16xi32>
    %add3A_927 = arith.addi %add3A_918, %select_n3A_926 : vector<16xi32>
    %broadcast_in_dim3A_928 = arith.constant 2 : i32
    %broadcast_in_dim3A_929 = vector.broadcast %broadcast_in_dim3A_928 : i32 to vector<16xi32>
    %gather3A_930 = tpu.vector_load_idx %arg9[%broadcast_in_dim3A_929, %add3A_909] : memref<32x64xi32, #tpu.memory_space<vmem>>[vector<16xi32>, vector<16xi32>], vector<16xi32>,
    %add3A_931 = arith.addi %add3A_922, %gather3A_930 : vector<16xi32>
    %broadcast_in_dim3A_932 = arith.constant 2 : i32
    %broadcast_in_dim3A_933 = vector.broadcast %broadcast_in_dim3A_932 : i32 to vector<16xi32>
    %lt3A_934 = arith.cmpi slt, %broadcast_in_dim3A_933, %broadcast_in_dim3A_2 : vector<16xi32>
    %select_n3A_935 = arith.select %lt3A_934, %gather3A_930, %broadcast_in_dim3A_1 : vector<16xi1>, vector<16xi32>
    %add3A_936 = arith.addi %add3A_927, %select_n3A_935 : vector<16xi32>
    %broadcast_in_dim3A_937 = arith.constant 3 : i32
    %broadcast_in_dim3A_938 = vector.broadcast %broadcast_in_dim3A_937 : i32 to vector<16xi32>
    %gather3A_939 = tpu.vector_load_idx %arg9[%broadcast_in_dim3A_938, %add3A_909] : memref<32x64xi32, #tpu.memory_space<vmem>>[vector<16xi32>, vector<16xi32>], vector<16xi32>,
    %add3A_940 = arith.addi %add3A_931, %gather3A_939 : vector<16xi32>
    %broadcast_in_dim3A_941 = arith.constant 3 : i32
    %broadcast_in_dim3A_942 = vector.broadcast %broadcast_in_dim3A_941 : i32 to vector<16xi32>
    %lt3A_943 = arith.cmpi slt, %broadcast_in_dim3A_942, %broadcast_in_dim3A_2 : vector<16xi32>
    %select_n3A_944 = arith.select %lt3A_943, %gather3A_939, %broadcast_in_dim3A_1 : vector<16xi1>, vector<16xi32>
    %add3A_945 = arith.addi %add3A_936, %select_n3A_944 : vector<16xi32>
    %broadcast_in_dim3A_946 = arith.constant 4 : i32
    %broadcast_in_dim3A_947 = vector.broadcast %broadcast_in_dim3A_946 : i32 to vector<16xi32>
    %gather3A_948 = tpu.vector_load_idx %arg9[%broadcast_in_dim3A_947, %add3A_909] : memref<32x64xi32, #tpu.memory_space<vmem>>[vector<16xi32>, vector<16xi32>], vector<16xi32>,
    %add3A_949 = arith.addi %add3A_940, %gather3A_948 : vector<16xi32>
    %broadcast_in_dim3A_950 = arith.constant 4 : i32
    %broadcast_in_dim3A_951 = vector.broadcast %broadcast_in_dim3A_950 : i32 to vector<16xi32>
    %lt3A_952 = arith.cmpi slt, %broadcast_in_dim3A_951, %broadcast_in_dim3A_2 : vector<16xi32>
    %select_n3A_953 = arith.select %lt3A_952, %gather3A_948, %broadcast_in_dim3A_1 : vector<16xi1>, vector<16xi32>
    %add3A_954 = arith.addi %add3A_945, %select_n3A_953 : vector<16xi32>
    %broadcast_in_dim3A_955 = arith.constant 5 : i32
    %broadcast_in_dim3A_956 = vector.broadcast %broadcast_in_dim3A_955 : i32 to vector<16xi32>
    %gather3A_957 = tpu.vector_load_idx %arg9[%broadcast_in_dim3A_956, %add3A_909] : memref<32x64xi32, #tpu.memory_space<vmem>>[vector<16xi32>, vector<16xi32>], vector<16xi32>,
    %add3A_958 = arith.addi %add3A_949, %gather3A_957 : vector<16xi32>
    %broadcast_in_dim3A_959 = arith.constant 5 : i32
    %broadcast_in_dim3A_960 = vector.broadcast %broadcast_in_dim3A_959 : i32 to vector<16xi32>
    %lt3A_961 = arith.cmpi slt, %broadcast_in_dim3A_960, %broadcast_in_dim3A_2 : vector<16xi32>
    %select_n3A_962 = arith.select %lt3A_961, %gather3A_957, %broadcast_in_dim3A_1 : vector<16xi1>, vector<16xi32>
    %add3A_963 = arith.addi %add3A_954, %select_n3A_962 : vector<16xi32>
    %broadcast_in_dim3A_964 = arith.constant 6 : i32
    %broadcast_in_dim3A_965 = vector.broadcast %broadcast_in_dim3A_964 : i32 to vector<16xi32>
    %gather3A_966 = tpu.vector_load_idx %arg9[%broadcast_in_dim3A_965, %add3A_909] : memref<32x64xi32, #tpu.memory_space<vmem>>[vector<16xi32>, vector<16xi32>], vector<16xi32>,
    %add3A_967 = arith.addi %add3A_958, %gather3A_966 : vector<16xi32>
    %broadcast_in_dim3A_968 = arith.constant 6 : i32
    %broadcast_in_dim3A_969 = vector.broadcast %broadcast_in_dim3A_968 : i32 to vector<16xi32>
    %lt3A_970 = arith.cmpi slt, %broadcast_in_dim3A_969, %broadcast_in_dim3A_2 : vector<16xi32>
    %select_n3A_971 = arith.select %lt3A_970, %gather3A_966, %broadcast_in_dim3A_1 : vector<16xi1>, vector<16xi32>
    %add3A_972 = arith.addi %add3A_963, %select_n3A_971 : vector<16xi32>
    %broadcast_in_dim3A_973 = arith.constant 7 : i32
    %broadcast_in_dim3A_974 = vector.broadcast %broadcast_in_dim3A_973 : i32 to vector<16xi32>
    %gather3A_975 = tpu.vector_load_idx %arg9[%broadcast_in_dim3A_974, %add3A_909] : memref<32x64xi32, #tpu.memory_space<vmem>>[vector<16xi32>, vector<16xi32>], vector<16xi32>,
    %add3A_976 = arith.addi %add3A_967, %gather3A_975 : vector<16xi32>
    %broadcast_in_dim3A_977 = arith.constant 7 : i32
    %broadcast_in_dim3A_978 = vector.broadcast %broadcast_in_dim3A_977 : i32 to vector<16xi32>
    %lt3A_979 = arith.cmpi slt, %broadcast_in_dim3A_978, %broadcast_in_dim3A_2 : vector<16xi32>
    %select_n3A_980 = arith.select %lt3A_979, %gather3A_975, %broadcast_in_dim3A_1 : vector<16xi1>, vector<16xi32>
    %add3A_981 = arith.addi %add3A_972, %select_n3A_980 : vector<16xi32>
    %broadcast_in_dim3A_982 = arith.constant 8 : i32
    %broadcast_in_dim3A_983 = vector.broadcast %broadcast_in_dim3A_982 : i32 to vector<16xi32>
    %gather3A_984 = tpu.vector_load_idx %arg9[%broadcast_in_dim3A_983, %add3A_909] : memref<32x64xi32, #tpu.memory_space<vmem>>[vector<16xi32>, vector<16xi32>], vector<16xi32>,
    %add3A_985 = arith.addi %add3A_976, %gather3A_984 : vector<16xi32>
    %broadcast_in_dim3A_986 = arith.constant 8 : i32
    %broadcast_in_dim3A_987 = vector.broadcast %broadcast_in_dim3A_986 : i32 to vector<16xi32>
    %lt3A_988 = arith.cmpi slt, %broadcast_in_dim3A_987, %broadcast_in_dim3A_2 : vector<16xi32>
    %select_n3A_989 = arith.select %lt3A_988, %gather3A_984, %broadcast_in_dim3A_1 : vector<16xi1>, vector<16xi32>
    %add3A_990 = arith.addi %add3A_981, %select_n3A_989 : vector<16xi32>
    %broadcast_in_dim3A_991 = arith.constant 9 : i32
    %broadcast_in_dim3A_992 = vector.broadcast %broadcast_in_dim3A_991 : i32 to vector<16xi32>
    %gather3A_993 = tpu.vector_load_idx %arg9[%broadcast_in_dim3A_992, %add3A_909] : memref<32x64xi32, #tpu.memory_space<vmem>>[vector<16xi32>, vector<16xi32>], vector<16xi32>,
    %add3A_994 = arith.addi %add3A_985, %gather3A_993 : vector<16xi32>
    %broadcast_in_dim3A_995 = arith.constant 9 : i32
    %broadcast_in_dim3A_996 = vector.broadcast %broadcast_in_dim3A_995 : i32 to vector<16xi32>
    %lt3A_997 = arith.cmpi slt, %broadcast_in_dim3A_996, %broadcast_in_dim3A_2 : vector<16xi32>
    %select_n3A_998 = arith.select %lt3A_997, %gather3A_993, %broadcast_in_dim3A_1 : vector<16xi1>, vector<16xi32>
    %add3A_999 = arith.addi %add3A_990, %select_n3A_998 : vector<16xi32>
    %broadcast_in_dim3A_1000 = arith.constant 10 : i32
    %broadcast_in_dim3A_1001 = vector.broadcast %broadcast_in_dim3A_1000 : i32 to vector<16xi32>
    %gather3A_1002 = tpu.vector_load_idx %arg9[%broadcast_in_dim3A_1001, %add3A_909] : memref<32x64xi32, #tpu.memory_space<vmem>>[vector<16xi32>, vector<16xi32>], vector<16xi32>,
    %add3A_1003 = arith.addi %add3A_994, %gather3A_1002 : vector<16xi32>
    %broadcast_in_dim3A_1004 = arith.constant 10 : i32
    %broadcast_in_dim3A_1005 = vector.broadcast %broadcast_in_dim3A_1004 : i32 to vector<16xi32>
    %lt3A_1006 = arith.cmpi slt, %broadcast_in_dim3A_1005, %broadcast_in_dim3A_2 : vector<16xi32>
    %select_n3A_1007 = arith.select %lt3A_1006, %gather3A_1002, %broadcast_in_dim3A_1 : vector<16xi1>, vector<16xi32>
    %add3A_1008 = arith.addi %add3A_999, %select_n3A_1007 : vector<16xi32>
    %broadcast_in_dim3A_1009 = arith.constant 11 : i32
    %broadcast_in_dim3A_1010 = vector.broadcast %broadcast_in_dim3A_1009 : i32 to vector<16xi32>
    %gather3A_1011 = tpu.vector_load_idx %arg9[%broadcast_in_dim3A_1010, %add3A_909] : memref<32x64xi32, #tpu.memory_space<vmem>>[vector<16xi32>, vector<16xi32>], vector<16xi32>,
    %add3A_1012 = arith.addi %add3A_1003, %gather3A_1011 : vector<16xi32>
    %broadcast_in_dim3A_1013 = arith.constant 11 : i32
    %broadcast_in_dim3A_1014 = vector.broadcast %broadcast_in_dim3A_1013 : i32 to vector<16xi32>
    %lt3A_1015 = arith.cmpi slt, %broadcast_in_dim3A_1014, %broadcast_in_dim3A_2 : vector<16xi32>
    %select_n3A_1016 = arith.select %lt3A_1015, %gather3A_1011, %broadcast_in_dim3A_1 : vector<16xi1>, vector<16xi32>
    %add3A_1017 = arith.addi %add3A_1008, %select_n3A_1016 : vector<16xi32>
    %broadcast_in_dim3A_1018 = arith.constant 12 : i32
    %broadcast_in_dim3A_1019 = vector.broadcast %broadcast_in_dim3A_1018 : i32 to vector<16xi32>
    %gather3A_1020 = tpu.vector_load_idx %arg9[%broadcast_in_dim3A_1019, %add3A_909] : memref<32x64xi32, #tpu.memory_space<vmem>>[vector<16xi32>, vector<16xi32>], vector<16xi32>,
    %add3A_1021 = arith.addi %add3A_1012, %gather3A_1020 : vector<16xi32>
    %broadcast_in_dim3A_1022 = arith.constant 12 : i32
    %broadcast_in_dim3A_1023 = vector.broadcast %broadcast_in_dim3A_1022 : i32 to vector<16xi32>
    %lt3A_1024 = arith.cmpi slt, %broadcast_in_dim3A_1023, %broadcast_in_dim3A_2 : vector<16xi32>
    %select_n3A_1025 = arith.select %lt3A_1024, %gather3A_1020, %broadcast_in_dim3A_1 : vector<16xi1>, vector<16xi32>
    %add3A_1026 = arith.addi %add3A_1017, %select_n3A_1025 : vector<16xi32>
    %broadcast_in_dim3A_1027 = arith.constant 13 : i32
    %broadcast_in_dim3A_1028 = vector.broadcast %broadcast_in_dim3A_1027 : i32 to vector<16xi32>
    %gather3A_1029 = tpu.vector_load_idx %arg9[%broadcast_in_dim3A_1028, %add3A_909] : memref<32x64xi32, #tpu.memory_space<vmem>>[vector<16xi32>, vector<16xi32>], vector<16xi32>,
    %add3A_1030 = arith.addi %add3A_1021, %gather3A_1029 : vector<16xi32>
    %broadcast_in_dim3A_1031 = arith.constant 13 : i32
    %broadcast_in_dim3A_1032 = vector.broadcast %broadcast_in_dim3A_1031 : i32 to vector<16xi32>
    %lt3A_1033 = arith.cmpi slt, %broadcast_in_dim3A_1032, %broadcast_in_dim3A_2 : vector<16xi32>
    %select_n3A_1034 = arith.select %lt3A_1033, %gather3A_1029, %broadcast_in_dim3A_1 : vector<16xi1>, vector<16xi32>
    %add3A_1035 = arith.addi %add3A_1026, %select_n3A_1034 : vector<16xi32>
    %broadcast_in_dim3A_1036 = arith.constant 14 : i32
    %broadcast_in_dim3A_1037 = vector.broadcast %broadcast_in_dim3A_1036 : i32 to vector<16xi32>
    %gather3A_1038 = tpu.vector_load_idx %arg9[%broadcast_in_dim3A_1037, %add3A_909] : memref<32x64xi32, #tpu.memory_space<vmem>>[vector<16xi32>, vector<16xi32>], vector<16xi32>,
    %add3A_1039 = arith.addi %add3A_1030, %gather3A_1038 : vector<16xi32>
    %broadcast_in_dim3A_1040 = arith.constant 14 : i32
    %broadcast_in_dim3A_1041 = vector.broadcast %broadcast_in_dim3A_1040 : i32 to vector<16xi32>
    %lt3A_1042 = arith.cmpi slt, %broadcast_in_dim3A_1041, %broadcast_in_dim3A_2 : vector<16xi32>
    %select_n3A_1043 = arith.select %lt3A_1042, %gather3A_1038, %broadcast_in_dim3A_1 : vector<16xi1>, vector<16xi32>
    %add3A_1044 = arith.addi %add3A_1035, %select_n3A_1043 : vector<16xi32>
    %broadcast_in_dim3A_1045 = arith.constant 15 : i32
    %broadcast_in_dim3A_1046 = vector.broadcast %broadcast_in_dim3A_1045 : i32 to vector<16xi32>
    %gather3A_1047 = tpu.vector_load_idx %arg9[%broadcast_in_dim3A_1046, %add3A_909] : memref<32x64xi32, #tpu.memory_space<vmem>>[vector<16xi32>, vector<16xi32>], vector<16xi32>,
    %add3A_1048 = arith.addi %add3A_1039, %gather3A_1047 : vector<16xi32>
    %broadcast_in_dim3A_1049 = arith.constant 15 : i32
    %broadcast_in_dim3A_1050 = vector.broadcast %broadcast_in_dim3A_1049 : i32 to vector<16xi32>
    %lt3A_1051 = arith.cmpi slt, %broadcast_in_dim3A_1050, %broadcast_in_dim3A_2 : vector<16xi32>
    %select_n3A_1052 = arith.select %lt3A_1051, %gather3A_1047, %broadcast_in_dim3A_1 : vector<16xi1>, vector<16xi32>
    %add3A_1053 = arith.addi %add3A_1044, %select_n3A_1052 : vector<16xi32>
    %broadcast_in_dim3A_1054 = arith.constant 16 : i32
    %broadcast_in_dim3A_1055 = vector.broadcast %broadcast_in_dim3A_1054 : i32 to vector<16xi32>
    %gather3A_1056 = tpu.vector_load_idx %arg9[%broadcast_in_dim3A_1055, %add3A_909] : memref<32x64xi32, #tpu.memory_space<vmem>>[vector<16xi32>, vector<16xi32>], vector<16xi32>,
    %add3A_1057 = arith.addi %add3A_1048, %gather3A_1056 : vector<16xi32>
    %broadcast_in_dim3A_1058 = arith.constant 16 : i32
    %broadcast_in_dim3A_1059 = vector.broadcast %broadcast_in_dim3A_1058 : i32 to vector<16xi32>
    %lt3A_1060 = arith.cmpi slt, %broadcast_in_dim3A_1059, %broadcast_in_dim3A_2 : vector<16xi32>
    %select_n3A_1061 = arith.select %lt3A_1060, %gather3A_1056, %broadcast_in_dim3A_1 : vector<16xi1>, vector<16xi32>
    %add3A_1062 = arith.addi %add3A_1053, %select_n3A_1061 : vector<16xi32>
    %broadcast_in_dim3A_1063 = arith.constant 17 : i32
    %broadcast_in_dim3A_1064 = vector.broadcast %broadcast_in_dim3A_1063 : i32 to vector<16xi32>
    %gather3A_1065 = tpu.vector_load_idx %arg9[%broadcast_in_dim3A_1064, %add3A_909] : memref<32x64xi32, #tpu.memory_space<vmem>>[vector<16xi32>, vector<16xi32>], vector<16xi32>,
    %add3A_1066 = arith.addi %add3A_1057, %gather3A_1065 : vector<16xi32>
    %broadcast_in_dim3A_1067 = arith.constant 17 : i32
    %broadcast_in_dim3A_1068 = vector.broadcast %broadcast_in_dim3A_1067 : i32 to vector<16xi32>
    %lt3A_1069 = arith.cmpi slt, %broadcast_in_dim3A_1068, %broadcast_in_dim3A_2 : vector<16xi32>
    %select_n3A_1070 = arith.select %lt3A_1069, %gather3A_1065, %broadcast_in_dim3A_1 : vector<16xi1>, vector<16xi32>
    %add3A_1071 = arith.addi %add3A_1062, %select_n3A_1070 : vector<16xi32>
    %broadcast_in_dim3A_1072 = arith.constant 18 : i32
    %broadcast_in_dim3A_1073 = vector.broadcast %broadcast_in_dim3A_1072 : i32 to vector<16xi32>
    %gather3A_1074 = tpu.vector_load_idx %arg9[%broadcast_in_dim3A_1073, %add3A_909] : memref<32x64xi32, #tpu.memory_space<vmem>>[vector<16xi32>, vector<16xi32>], vector<16xi32>,
    %add3A_1075 = arith.addi %add3A_1066, %gather3A_1074 : vector<16xi32>
    %broadcast_in_dim3A_1076 = arith.constant 18 : i32
    %broadcast_in_dim3A_1077 = vector.broadcast %broadcast_in_dim3A_1076 : i32 to vector<16xi32>
    %lt3A_1078 = arith.cmpi slt, %broadcast_in_dim3A_1077, %broadcast_in_dim3A_2 : vector<16xi32>
    %select_n3A_1079 = arith.select %lt3A_1078, %gather3A_1074, %broadcast_in_dim3A_1 : vector<16xi1>, vector<16xi32>
    %add3A_1080 = arith.addi %add3A_1071, %select_n3A_1079 : vector<16xi32>
    %broadcast_in_dim3A_1081 = arith.constant 19 : i32
    %broadcast_in_dim3A_1082 = vector.broadcast %broadcast_in_dim3A_1081 : i32 to vector<16xi32>
    %gather3A_1083 = tpu.vector_load_idx %arg9[%broadcast_in_dim3A_1082, %add3A_909] : memref<32x64xi32, #tpu.memory_space<vmem>>[vector<16xi32>, vector<16xi32>], vector<16xi32>,
    %add3A_1084 = arith.addi %add3A_1075, %gather3A_1083 : vector<16xi32>
    %broadcast_in_dim3A_1085 = arith.constant 19 : i32
    %broadcast_in_dim3A_1086 = vector.broadcast %broadcast_in_dim3A_1085 : i32 to vector<16xi32>
    %lt3A_1087 = arith.cmpi slt, %broadcast_in_dim3A_1086, %broadcast_in_dim3A_2 : vector<16xi32>
    %select_n3A_1088 = arith.select %lt3A_1087, %gather3A_1083, %broadcast_in_dim3A_1 : vector<16xi1>, vector<16xi32>
    %add3A_1089 = arith.addi %add3A_1080, %select_n3A_1088 : vector<16xi32>
    %broadcast_in_dim3A_1090 = arith.constant 20 : i32
    %broadcast_in_dim3A_1091 = vector.broadcast %broadcast_in_dim3A_1090 : i32 to vector<16xi32>
    %gather3A_1092 = tpu.vector_load_idx %arg9[%broadcast_in_dim3A_1091, %add3A_909] : memref<32x64xi32, #tpu.memory_space<vmem>>[vector<16xi32>, vector<16xi32>], vector<16xi32>,
    %add3A_1093 = arith.addi %add3A_1084, %gather3A_1092 : vector<16xi32>
    %broadcast_in_dim3A_1094 = arith.constant 20 : i32
    %broadcast_in_dim3A_1095 = vector.broadcast %broadcast_in_dim3A_1094 : i32 to vector<16xi32>
    %lt3A_1096 = arith.cmpi slt, %broadcast_in_dim3A_1095, %broadcast_in_dim3A_2 : vector<16xi32>
    %select_n3A_1097 = arith.select %lt3A_1096, %gather3A_1092, %broadcast_in_dim3A_1 : vector<16xi1>, vector<16xi32>
    %add3A_1098 = arith.addi %add3A_1089, %select_n3A_1097 : vector<16xi32>
    %broadcast_in_dim3A_1099 = arith.constant 21 : i32
    %broadcast_in_dim3A_1100 = vector.broadcast %broadcast_in_dim3A_1099 : i32 to vector<16xi32>
    %gather3A_1101 = tpu.vector_load_idx %arg9[%broadcast_in_dim3A_1100, %add3A_909] : memref<32x64xi32, #tpu.memory_space<vmem>>[vector<16xi32>, vector<16xi32>], vector<16xi32>,
    %add3A_1102 = arith.addi %add3A_1093, %gather3A_1101 : vector<16xi32>
    %broadcast_in_dim3A_1103 = arith.constant 21 : i32
    %broadcast_in_dim3A_1104 = vector.broadcast %broadcast_in_dim3A_1103 : i32 to vector<16xi32>
    %lt3A_1105 = arith.cmpi slt, %broadcast_in_dim3A_1104, %broadcast_in_dim3A_2 : vector<16xi32>
    %select_n3A_1106 = arith.select %lt3A_1105, %gather3A_1101, %broadcast_in_dim3A_1 : vector<16xi1>, vector<16xi32>
    %add3A_1107 = arith.addi %add3A_1098, %select_n3A_1106 : vector<16xi32>
    %broadcast_in_dim3A_1108 = arith.constant 22 : i32
    %broadcast_in_dim3A_1109 = vector.broadcast %broadcast_in_dim3A_1108 : i32 to vector<16xi32>
    %gather3A_1110 = tpu.vector_load_idx %arg9[%broadcast_in_dim3A_1109, %add3A_909] : memref<32x64xi32, #tpu.memory_space<vmem>>[vector<16xi32>, vector<16xi32>], vector<16xi32>,
    %add3A_1111 = arith.addi %add3A_1102, %gather3A_1110 : vector<16xi32>
    %broadcast_in_dim3A_1112 = arith.constant 22 : i32
    %broadcast_in_dim3A_1113 = vector.broadcast %broadcast_in_dim3A_1112 : i32 to vector<16xi32>
    %lt3A_1114 = arith.cmpi slt, %broadcast_in_dim3A_1113, %broadcast_in_dim3A_2 : vector<16xi32>
    %select_n3A_1115 = arith.select %lt3A_1114, %gather3A_1110, %broadcast_in_dim3A_1 : vector<16xi1>, vector<16xi32>
    %add3A_1116 = arith.addi %add3A_1107, %select_n3A_1115 : vector<16xi32>
    %broadcast_in_dim3A_1117 = arith.constant 23 : i32
    %broadcast_in_dim3A_1118 = vector.broadcast %broadcast_in_dim3A_1117 : i32 to vector<16xi32>
    %gather3A_1119 = tpu.vector_load_idx %arg9[%broadcast_in_dim3A_1118, %add3A_909] : memref<32x64xi32, #tpu.memory_space<vmem>>[vector<16xi32>, vector<16xi32>], vector<16xi32>,
    %add3A_1120 = arith.addi %add3A_1111, %gather3A_1119 : vector<16xi32>
    %broadcast_in_dim3A_1121 = arith.constant 23 : i32
    %broadcast_in_dim3A_1122 = vector.broadcast %broadcast_in_dim3A_1121 : i32 to vector<16xi32>
    %lt3A_1123 = arith.cmpi slt, %broadcast_in_dim3A_1122, %broadcast_in_dim3A_2 : vector<16xi32>
    %select_n3A_1124 = arith.select %lt3A_1123, %gather3A_1119, %broadcast_in_dim3A_1 : vector<16xi1>, vector<16xi32>
    %add3A_1125 = arith.addi %add3A_1116, %select_n3A_1124 : vector<16xi32>
    %broadcast_in_dim3A_1126 = arith.constant 24 : i32
    %broadcast_in_dim3A_1127 = vector.broadcast %broadcast_in_dim3A_1126 : i32 to vector<16xi32>
    %gather3A_1128 = tpu.vector_load_idx %arg9[%broadcast_in_dim3A_1127, %add3A_909] : memref<32x64xi32, #tpu.memory_space<vmem>>[vector<16xi32>, vector<16xi32>], vector<16xi32>,
    %add3A_1129 = arith.addi %add3A_1120, %gather3A_1128 : vector<16xi32>
    %broadcast_in_dim3A_1130 = arith.constant 24 : i32
    %broadcast_in_dim3A_1131 = vector.broadcast %broadcast_in_dim3A_1130 : i32 to vector<16xi32>
    %lt3A_1132 = arith.cmpi slt, %broadcast_in_dim3A_1131, %broadcast_in_dim3A_2 : vector<16xi32>
    %select_n3A_1133 = arith.select %lt3A_1132, %gather3A_1128, %broadcast_in_dim3A_1 : vector<16xi1>, vector<16xi32>
    %add3A_1134 = arith.addi %add3A_1125, %select_n3A_1133 : vector<16xi32>
    %broadcast_in_dim3A_1135 = arith.constant 25 : i32
    %broadcast_in_dim3A_1136 = vector.broadcast %broadcast_in_dim3A_1135 : i32 to vector<16xi32>
    %gather3A_1137 = tpu.vector_load_idx %arg9[%broadcast_in_dim3A_1136, %add3A_909] : memref<32x64xi32, #tpu.memory_space<vmem>>[vector<16xi32>, vector<16xi32>], vector<16xi32>,
    %add3A_1138 = arith.addi %add3A_1129, %gather3A_1137 : vector<16xi32>
    %broadcast_in_dim3A_1139 = arith.constant 25 : i32
    %broadcast_in_dim3A_1140 = vector.broadcast %broadcast_in_dim3A_1139 : i32 to vector<16xi32>
    %lt3A_1141 = arith.cmpi slt, %broadcast_in_dim3A_1140, %broadcast_in_dim3A_2 : vector<16xi32>
    %select_n3A_1142 = arith.select %lt3A_1141, %gather3A_1137, %broadcast_in_dim3A_1 : vector<16xi1>, vector<16xi32>
    %add3A_1143 = arith.addi %add3A_1134, %select_n3A_1142 : vector<16xi32>
    %broadcast_in_dim3A_1144 = arith.constant 26 : i32
    %broadcast_in_dim3A_1145 = vector.broadcast %broadcast_in_dim3A_1144 : i32 to vector<16xi32>
    %gather3A_1146 = tpu.vector_load_idx %arg9[%broadcast_in_dim3A_1145, %add3A_909] : memref<32x64xi32, #tpu.memory_space<vmem>>[vector<16xi32>, vector<16xi32>], vector<16xi32>,
    %add3A_1147 = arith.addi %add3A_1138, %gather3A_1146 : vector<16xi32>
    %broadcast_in_dim3A_1148 = arith.constant 26 : i32
    %broadcast_in_dim3A_1149 = vector.broadcast %broadcast_in_dim3A_1148 : i32 to vector<16xi32>
    %lt3A_1150 = arith.cmpi slt, %broadcast_in_dim3A_1149, %broadcast_in_dim3A_2 : vector<16xi32>
    %select_n3A_1151 = arith.select %lt3A_1150, %gather3A_1146, %broadcast_in_dim3A_1 : vector<16xi1>, vector<16xi32>
    %add3A_1152 = arith.addi %add3A_1143, %select_n3A_1151 : vector<16xi32>
    %broadcast_in_dim3A_1153 = arith.constant 27 : i32
    %broadcast_in_dim3A_1154 = vector.broadcast %broadcast_in_dim3A_1153 : i32 to vector<16xi32>
    %gather3A_1155 = tpu.vector_load_idx %arg9[%broadcast_in_dim3A_1154, %add3A_909] : memref<32x64xi32, #tpu.memory_space<vmem>>[vector<16xi32>, vector<16xi32>], vector<16xi32>,
    %add3A_1156 = arith.addi %add3A_1147, %gather3A_1155 : vector<16xi32>
    %broadcast_in_dim3A_1157 = arith.constant 27 : i32
    %broadcast_in_dim3A_1158 = vector.broadcast %broadcast_in_dim3A_1157 : i32 to vector<16xi32>
    %lt3A_1159 = arith.cmpi slt, %broadcast_in_dim3A_1158, %broadcast_in_dim3A_2 : vector<16xi32>
    %select_n3A_1160 = arith.select %lt3A_1159, %gather3A_1155, %broadcast_in_dim3A_1 : vector<16xi1>, vector<16xi32>
    %add3A_1161 = arith.addi %add3A_1152, %select_n3A_1160 : vector<16xi32>
    %broadcast_in_dim3A_1162 = arith.constant 28 : i32
    %broadcast_in_dim3A_1163 = vector.broadcast %broadcast_in_dim3A_1162 : i32 to vector<16xi32>
    %gather3A_1164 = tpu.vector_load_idx %arg9[%broadcast_in_dim3A_1163, %add3A_909] : memref<32x64xi32, #tpu.memory_space<vmem>>[vector<16xi32>, vector<16xi32>], vector<16xi32>,
    %add3A_1165 = arith.addi %add3A_1156, %gather3A_1164 : vector<16xi32>
    %broadcast_in_dim3A_1166 = arith.constant 28 : i32
    %broadcast_in_dim3A_1167 = vector.broadcast %broadcast_in_dim3A_1166 : i32 to vector<16xi32>
    %lt3A_1168 = arith.cmpi slt, %broadcast_in_dim3A_1167, %broadcast_in_dim3A_2 : vector<16xi32>
    %select_n3A_1169 = arith.select %lt3A_1168, %gather3A_1164, %broadcast_in_dim3A_1 : vector<16xi1>, vector<16xi32>
    %add3A_1170 = arith.addi %add3A_1161, %select_n3A_1169 : vector<16xi32>
    %broadcast_in_dim3A_1171 = arith.constant 29 : i32
    %broadcast_in_dim3A_1172 = vector.broadcast %broadcast_in_dim3A_1171 : i32 to vector<16xi32>
    %gather3A_1173 = tpu.vector_load_idx %arg9[%broadcast_in_dim3A_1172, %add3A_909] : memref<32x64xi32, #tpu.memory_space<vmem>>[vector<16xi32>, vector<16xi32>], vector<16xi32>,
    %add3A_1174 = arith.addi %add3A_1165, %gather3A_1173 : vector<16xi32>
    %broadcast_in_dim3A_1175 = arith.constant 29 : i32
    %broadcast_in_dim3A_1176 = vector.broadcast %broadcast_in_dim3A_1175 : i32 to vector<16xi32>
    %lt3A_1177 = arith.cmpi slt, %broadcast_in_dim3A_1176, %broadcast_in_dim3A_2 : vector<16xi32>
    %select_n3A_1178 = arith.select %lt3A_1177, %gather3A_1173, %broadcast_in_dim3A_1 : vector<16xi1>, vector<16xi32>
    %add3A_1179 = arith.addi %add3A_1170, %select_n3A_1178 : vector<16xi32>
    %broadcast_in_dim3A_1180 = arith.constant 30 : i32
    %broadcast_in_dim3A_1181 = vector.broadcast %broadcast_in_dim3A_1180 : i32 to vector<16xi32>
    %gather3A_1182 = tpu.vector_load_idx %arg9[%broadcast_in_dim3A_1181, %add3A_909] : memref<32x64xi32, #tpu.memory_space<vmem>>[vector<16xi32>, vector<16xi32>], vector<16xi32>,
    %add3A_1183 = arith.addi %add3A_1174, %gather3A_1182 : vector<16xi32>
    %broadcast_in_dim3A_1184 = arith.constant 30 : i32
    %broadcast_in_dim3A_1185 = vector.broadcast %broadcast_in_dim3A_1184 : i32 to vector<16xi32>
    %lt3A_1186 = arith.cmpi slt, %broadcast_in_dim3A_1185, %broadcast_in_dim3A_2 : vector<16xi32>
    %select_n3A_1187 = arith.select %lt3A_1186, %gather3A_1182, %broadcast_in_dim3A_1 : vector<16xi1>, vector<16xi32>
    %add3A_1188 = arith.addi %add3A_1179, %select_n3A_1187 : vector<16xi32>
    %broadcast_in_dim3A_1189 = arith.constant 31 : i32
    %broadcast_in_dim3A_1190 = vector.broadcast %broadcast_in_dim3A_1189 : i32 to vector<16xi32>
    %gather3A_1191 = tpu.vector_load_idx %arg9[%broadcast_in_dim3A_1190, %add3A_909] : memref<32x64xi32, #tpu.memory_space<vmem>>[vector<16xi32>, vector<16xi32>], vector<16xi32>,
    %add3A_1192 = arith.addi %add3A_1183, %gather3A_1191 : vector<16xi32>
    %broadcast_in_dim3A_1193 = arith.constant true
    %broadcast_in_dim3A_1194 = vector.broadcast %broadcast_in_dim3A_1193 : i1 to vector<16xi1>
    %masked_cumsum3A_1195 = tpu.scan <sum>, %add3A_1192 masked %broadcast_in_dim3A_1194 : vector<16xi32>, vector<16xi1> -> vector<16xi32>
    %sub3A_1196 = arith.subi %masked_cumsum3A_1195, %add3A_1192 : vector<16xi32>
    %add3A_1197 = vector.broadcast %add3A_900 : i32 to vector<16xi32>
    %add3A_1198 = arith.addi %sub3A_1196, %add3A_1197 : vector<16xi32>
    %reduce_sum3A_1199 = arith.constant true
    %reduce_sum3A_1200 = vector.broadcast %reduce_sum3A_1199 : i1 to vector<16xi1>
    %reduce_sum3A_1201 = tpu.scan <sum>, %add3A_1192 masked %reduce_sum3A_1200 : vector<16xi32>, vector<16xi1> -> vector<16xi32>
    %reduce_sum3A_1202 = vector.extract %reduce_sum3A_1201[15] : i32 from vector<16xi32>
    %add3A_1203 = arith.addi %add3A_900, %reduce_sum3A_1202 : i32
    %add3A_1204 = arith.addi %add3A_1198, %add3A_1188 : vector<16xi32>
    %sub3A_1205 = arith.constant 1 : i32
    %sub3A_1206 = vector.broadcast %sub3A_1205 : i32 to vector<16xi32>
    %sub3A_1207 = arith.subi %add3A_1204, %sub3A_1206 : vector<16xi32>
    %swap3A_1208 = arith.constant 48 : index
    %swap3A_1209 = tpu.vector_load %arg10[%swap3A_1208] {strides = array<i32>} : memref<64xi32, #tpu.memory_space<vmem>>, vector<16xi32>,
    tpu.vector_store %arg10[%swap3A_1208], %sub3A_1207 {strides = array<i32>} : memref<64xi32, #tpu.memory_space<vmem>>, vector<16xi32>,
    %broadcast_in_dim3A_1210 = arith.constant 6.300000e+01 : f32
    %broadcast_in_dim3A_1211 = vector.broadcast %broadcast_in_dim3A_1210 : f32 to vector<16xf32>
    %broadcast_in_dim3A_1212 = arith.constant 1.000000e+00 : f32
    %broadcast_in_dim3A_1213 = vector.broadcast %broadcast_in_dim3A_1212 : f32 to vector<16xf32>
    %mul3A_1214 = arith.constant 65536 : i32
    %mul3A_1215 = arith.muli %add3A, %mul3A_1214 : i32
    %add3A_1216 = arith.constant 0 : i32
    %add3A_1217 = arith.addi %mul3A_1215, %add3A_1216 : i32
    "tpu.region"() ({
      %run_scoped3A = tpu.sem_alloc : memref<!tpu.dma_semaphore, #tpu.memory_space<semaphore_mem>>
      %dma_start3A_1247 = tpu.memref_slice %arg2[%add3A_1217] : memref<2097152xf32, #tpu.memory_space<hbm>> -> memref<2048xf32, #tpu.memory_space<hbm>>
      %dma_start3A_1248 = tpu.memref_slice %arg2[%add3A_1217] : memref<2097152xf32, #tpu.memory_space<hbm>> -> memref<2048xf32, #tpu.memory_space<hbm>>
      tpu.enqueue_dma source(%dma_start3A_1248 : memref<2048xf32, #tpu.memory_space<hbm>>) target(%arg12 : memref<2048xf32, #tpu.memory_space<vmem>>) target_semaphore(%run_scoped3A : memref<!tpu.dma_semaphore, #tpu.memory_space<semaphore_mem>>)
      %dma_wait3A_1249 = tpu.memref_slice %arg2[%add3A_1217] : memref<2097152xf32, #tpu.memory_space<hbm>> -> memref<2048xf32, #tpu.memory_space<hbm>>
      %dma_wait3A_1250 = tpu.memref_slice %arg2[%add3A_1217] : memref<2097152xf32, #tpu.memory_space<hbm>> -> memref<2048xf32, #tpu.memory_space<hbm>>
      tpu.wait_dma2 semaphore(%run_scoped3A : memref<!tpu.dma_semaphore, #tpu.memory_space<semaphore_mem>>) src(%dma_wait3A_1250 : memref<2048xf32, #tpu.memory_space<hbm>>) dst(%arg12 : memref<2048xf32, #tpu.memory_space<vmem>>)
      tpu.yield
    }) : () -> ()
    "tpu.region"() ({
      %run_scoped3A = tpu.sem_alloc : memref<!tpu.dma_semaphore, #tpu.memory_space<semaphore_mem>>
      %dma_start3A_1247 = tpu.memref_slice %arg3[%add3A_1217] : memref<2097152xf32, #tpu.memory_space<hbm>> -> memref<2048xf32, #tpu.memory_space<hbm>>
      %dma_start3A_1248 = tpu.memref_slice %arg3[%add3A_1217] : memref<2097152xf32, #tpu.memory_space<hbm>> -> memref<2048xf32, #tpu.memory_space<hbm>>
      tpu.enqueue_dma source(%dma_start3A_1248 : memref<2048xf32, #tpu.memory_space<hbm>>) target(%arg13 : memref<2048xf32, #tpu.memory_space<vmem>>) target_semaphore(%run_scoped3A : memref<!tpu.dma_semaphore, #tpu.memory_space<semaphore_mem>>)
      %dma_wait3A_1249 = tpu.memref_slice %arg3[%add3A_1217] : memref<2097152xf32, #tpu.memory_space<hbm>> -> memref<2048xf32, #tpu.memory_space<hbm>>
      %dma_wait3A_1250 = tpu.memref_slice %arg3[%add3A_1217] : memref<2097152xf32, #tpu.memory_space<hbm>> -> memref<2048xf32, #tpu.memory_space<hbm>>
      tpu.wait_dma2 semaphore(%run_scoped3A : memref<!tpu.dma_semaphore, #tpu.memory_space<semaphore_mem>>) src(%dma_wait3A_1250 : memref<2048xf32, #tpu.memory_space<hbm>>) dst(%arg13 : memref<2048xf32, #tpu.memory_space<vmem>>)
      tpu.yield
    }) : () -> ()
    "tpu.region"() ({
      %run_scoped3A = tpu.sem_alloc : memref<!tpu.dma_semaphore, #tpu.memory_space<semaphore_mem>>
      %dma_start3A_1247 = tpu.memref_slice %arg4[%add3A_1217] : memref<2097152xf32, #tpu.memory_space<hbm>> -> memref<2048xf32, #tpu.memory_space<hbm>>
      %dma_start3A_1248 = tpu.memref_slice %arg4[%add3A_1217] : memref<2097152xf32, #tpu.memory_space<hbm>> -> memref<2048xf32, #tpu.memory_space<hbm>>
      tpu.enqueue_dma source(%dma_start3A_1248 : memref<2048xf32, #tpu.memory_space<hbm>>) target(%arg14 : memref<2048xf32, #tpu.memory_space<vmem>>) target_semaphore(%run_scoped3A : memref<!tpu.dma_semaphore, #tpu.memory_space<semaphore_mem>>)
      %dma_wait3A_1249 = tpu.memref_slice %arg4[%add3A_1217] : memref<2097152xf32, #tpu.memory_space<hbm>> -> memref<2048xf32, #tpu.memory_space<hbm>>
      %dma_wait3A_1250 = tpu.memref_slice %arg4[%add3A_1217] : memref<2097152xf32, #tpu.memory_space<hbm>> -> memref<2048xf32, #tpu.memory_space<hbm>>
      tpu.wait_dma2 semaphore(%run_scoped3A : memref<!tpu.dma_semaphore, #tpu.memory_space<semaphore_mem>>) src(%dma_wait3A_1250 : memref<2048xf32, #tpu.memory_space<hbm>>) dst(%arg14 : memref<2048xf32, #tpu.memory_space<vmem>>)
      tpu.yield
    }) : () -> ()
    %scan3A = arith.constant 0 : i32
    %scan3A_1218 = arith.constant 0 : i32
    %scan3A_1219 = arith.constant 64 : i32
    %scan3A_1220 = arith.addi %scan3A_1218, %scan3A_1219 : i32
    %scan3A_1221 = arith.constant 1 : i32
    scf.for %scan3A_1247 = %scan3A_1218 to %scan3A_1220 step %scan3A_1221  : i32 {
      %mul3A_1248 = arith.constant 2 : i32
      %mul3A_1249 = arith.muli %scan3A_1247, %mul3A_1248 : i32
      %add3A_1250 = arith.constant 0 : i32
      %add3A_1251 = arith.addi %mul3A_1249, %add3A_1250 : i32
      %mul3A_1252 = arith.constant 16 : i32
      %mul3A_1253 = arith.muli %add3A_1251, %mul3A_1252 : i32
      %get3A = arith.index_cast %mul3A_1253 : i32 to index
      %get3A_1254 = tpu.vector_load %arg12[%get3A] {strides = array<i32>} : memref<2048xf32, #tpu.memory_space<vmem>>, vector<16xf32>,
      %get3A_1255 = arith.constant 0 : i32
      %get3A_1256 = arith.index_cast %get3A_1255 : i32 to index
      %get3A_1257 = arith.constant 0 : index
      %get3A_1258 = tpu.vector_load %arg11[%get3A_1256, %get3A_1257] {strides = array<i32>} : memref<6x16xf32, #tpu.memory_space<vmem>>, vector<16xf32>,
      %sub3A_1259 = arith.subf %get3A_1254, %get3A_1258 : vector<16xf32>
      %get3A_1260 = arith.constant 3 : i32
      %get3A_1261 = arith.index_cast %get3A_1260 : i32 to index
      %get3A_1262 = arith.constant 0 : index
      %get3A_1263 = tpu.vector_load %arg11[%get3A_1261, %get3A_1262] {strides = array<i32>} : memref<6x16xf32, #tpu.memory_space<vmem>>, vector<16xf32>,
      %mul3A_1264 = arith.mulf %sub3A_1259, %get3A_1263 : vector<16xf32>
      %get3A_1265 = arith.index_cast %mul3A_1253 : i32 to index
      %get3A_1266 = tpu.vector_load %arg13[%get3A_1265] {strides = array<i32>} : memref<2048xf32, #tpu.memory_space<vmem>>, vector<16xf32>,
      %get3A_1267 = arith.constant 1 : i32
      %get3A_1268 = arith.index_cast %get3A_1267 : i32 to index
      %get3A_1269 = arith.constant 0 : index
      %get3A_1270 = tpu.vector_load %arg11[%get3A_1268, %get3A_1269] {strides = array<i32>} : memref<6x16xf32, #tpu.memory_space<vmem>>, vector<16xf32>,
      %sub3A_1271 = arith.subf %get3A_1266, %get3A_1270 : vector<16xf32>
      %get3A_1272 = arith.constant 4 : i32
      %get3A_1273 = arith.index_cast %get3A_1272 : i32 to index
      %get3A_1274 = arith.constant 0 : index
      %get3A_1275 = tpu.vector_load %arg11[%get3A_1273, %get3A_1274] {strides = array<i32>} : memref<6x16xf32, #tpu.memory_space<vmem>>, vector<16xf32>,
      %mul3A_1276 = arith.mulf %sub3A_1271, %get3A_1275 : vector<16xf32>
      %get3A_1277 = arith.index_cast %mul3A_1253 : i32 to index
      %get3A_1278 = tpu.vector_load %arg14[%get3A_1277] {strides = array<i32>} : memref<2048xf32, #tpu.memory_space<vmem>>, vector<16xf32>,
      %get3A_1279 = arith.constant 2 : i32
      %get3A_1280 = arith.index_cast %get3A_1279 : i32 to index
      %get3A_1281 = arith.constant 0 : index
      %get3A_1282 = tpu.vector_load %arg11[%get3A_1280, %get3A_1281] {strides = array<i32>} : memref<6x16xf32, #tpu.memory_space<vmem>>, vector<16xf32>,
      %sub3A_1283 = arith.subf %get3A_1278, %get3A_1282 : vector<16xf32>
      %get3A_1284 = arith.constant 5 : i32
      %get3A_1285 = arith.index_cast %get3A_1284 : i32 to index
      %get3A_1286 = arith.constant 0 : index
      %get3A_1287 = tpu.vector_load %arg11[%get3A_1285, %get3A_1286] {strides = array<i32>} : memref<6x16xf32, #tpu.memory_space<vmem>>, vector<16xf32>,
      %mul3A_1288 = arith.mulf %sub3A_1283, %get3A_1287 : vector<16xf32>
      %convert_element_type3A = arith.fptosi %mul3A_1264 : vector<16xf32> to vector<16xi32>
      %convert_element_type3A_1289 = arith.fptosi %mul3A_1276 : vector<16xf32> to vector<16xi32>
      %convert_element_type3A_1290 = arith.fptosi %mul3A_1288 : vector<16xf32> to vector<16xi32>
      %mul3A_1291 = arith.constant 16 : i32
      %mul3A_1292 = vector.broadcast %mul3A_1291 : i32 to vector<16xi32>
      %mul3A_1293 = arith.muli %convert_element_type3A, %mul3A_1292 : vector<16xi32>
      %mul3A_1294 = arith.constant 4 : i32
      %mul3A_1295 = vector.broadcast %mul3A_1294 : i32 to vector<16xi32>
      %mul3A_1296 = arith.muli %convert_element_type3A_1289, %mul3A_1295 : vector<16xi32>
      %add3A_1297 = arith.addi %mul3A_1293, %mul3A_1296 : vector<16xi32>
      %add3A_1298 = arith.addi %add3A_1297, %convert_element_type3A_1290 : vector<16xi32>
      %broadcast_in_dim3A_1299 = arith.constant true
      %broadcast_in_dim3A_1300 = vector.broadcast %broadcast_in_dim3A_1299 : i1 to vector<16xi1>
      %unique3A, %unique3A_1301 = tpu.scan_count mask(%broadcast_in_dim3A_1300 : vector<16xi1>) value(%add3A_1298 : vector<16xi32>) : vector<16xi1>, vector<16xi32>
      %gather3A_1302 = tpu.vector_load_idx %arg10[%add3A_1298] : memref<64xi32, #tpu.memory_space<vmem>>[vector<16xi32>], vector<16xi32>,
      %add3A_1303 = arith.addi %gather3A_1302, %unique3A_1301 : vector<16xi32>
      tpu.vector_store_idx %arg10[%add3A_1298], %unique3A_1301 masked %unique3A {add = true} : memref<64xi32, #tpu.memory_space<vmem>>[vector<16xi32>], vector<16xi32>, vector<16xi1>
      %swap3A_1304 = arith.index_cast %mul3A_1253 : i32 to index
      %swap3A_1305 = tpu.vector_load %arg34[%swap3A_1304] {strides = array<i32>} : memref<2048xi32, #tpu.memory_space<vmem>>, vector<16xi32>,
      tpu.vector_store %arg34[%swap3A_1304], %add3A_1303 {strides = array<i32>} : memref<2048xi32, #tpu.memory_space<vmem>>, vector<16xi32>,
      %convert_element_type3A_1306 = arith.sitofp %convert_element_type3A : vector<16xi32> to vector<16xf32>
      %sub3A_1307 = arith.subf %mul3A_1264, %convert_element_type3A_1306 : vector<16xf32>
      %mul3A_1308 = arith.mulf %sub3A_1307, %broadcast_in_dim3A_1211 : vector<16xf32>
      %convert_element_type3A_1309 = arith.sitofp %convert_element_type3A_1289 : vector<16xi32> to vector<16xf32>
      %sub3A_1310 = arith.subf %mul3A_1276, %convert_element_type3A_1309 : vector<16xf32>
      %mul3A_1311 = arith.mulf %sub3A_1310, %broadcast_in_dim3A_1211 : vector<16xf32>
      %convert_element_type3A_1312 = arith.sitofp %convert_element_type3A_1290 : vector<16xi32> to vector<16xf32>
      %sub3A_1313 = arith.subf %mul3A_1288, %convert_element_type3A_1312 : vector<16xf32>
      %mul3A_1314 = arith.mulf %sub3A_1313, %broadcast_in_dim3A_1211 : vector<16xf32>
      %convert_element_type3A_1315 = arith.fptosi %mul3A_1308 : vector<16xf32> to vector<16xi32>
      %convert_element_type3A_1316 = arith.fptosi %mul3A_1311 : vector<16xf32> to vector<16xi32>
      %convert_element_type3A_1317 = arith.fptosi %mul3A_1314 : vector<16xf32> to vector<16xi32>
      %convert_element_type3A_1318 = arith.sitofp %convert_element_type3A_1315 : vector<16xi32> to vector<16xf32>
      %sub3A_1319 = arith.subf %mul3A_1308, %convert_element_type3A_1318 : vector<16xf32>
      %swap3A_1320 = arith.index_cast %mul3A_1253 : i32 to index
      %swap3A_1321 = tpu.vector_load %arg31[%swap3A_1320] {strides = array<i32>} : memref<2048xf32, #tpu.memory_space<vmem>>, vector<16xf32>,
      tpu.vector_store %arg31[%swap3A_1320], %sub3A_1319 {strides = array<i32>} : memref<2048xf32, #tpu.memory_space<vmem>>, vector<16xf32>,
      %convert_element_type3A_1322 = arith.sitofp %convert_element_type3A_1316 : vector<16xi32> to vector<16xf32>
      %sub3A_1323 = arith.subf %mul3A_1311, %convert_element_type3A_1322 : vector<16xf32>
      %swap3A_1324 = arith.index_cast %mul3A_1253 : i32 to index
      %swap3A_1325 = tpu.vector_load %arg32[%swap3A_1324] {strides = array<i32>} : memref<2048xf32, #tpu.memory_space<vmem>>, vector<16xf32>,
      tpu.vector_store %arg32[%swap3A_1324], %sub3A_1323 {strides = array<i32>} : memref<2048xf32, #tpu.memory_space<vmem>>, vector<16xf32>,
      %convert_element_type3A_1326 = arith.sitofp %convert_element_type3A_1317 : vector<16xi32> to vector<16xf32>
      %sub3A_1327 = arith.subf %mul3A_1314, %convert_element_type3A_1326 : vector<16xf32>
      %swap3A_1328 = arith.index_cast %mul3A_1253 : i32 to index
      %swap3A_1329 = tpu.vector_load %arg33[%swap3A_1328] {strides = array<i32>} : memref<2048xf32, #tpu.memory_space<vmem>>, vector<16xf32>,
      tpu.vector_store %arg33[%swap3A_1328], %sub3A_1327 {strides = array<i32>} : memref<2048xf32, #tpu.memory_space<vmem>>, vector<16xf32>,
      %mul3A_1330 = arith.constant 262144 : i32
      %mul3A_1331 = vector.broadcast %mul3A_1330 : i32 to vector<16xi32>
      %mul3A_1332 = arith.muli %add3A_1298, %mul3A_1331 : vector<16xi32>
      %mul3A_1333 = arith.constant 4096 : i32
      %mul3A_1334 = vector.broadcast %mul3A_1333 : i32 to vector<16xi32>
      %mul3A_1335 = arith.muli %convert_element_type3A_1317, %mul3A_1334 : vector<16xi32>
      %add3A_1336 = arith.addi %mul3A_1332, %mul3A_1335 : vector<16xi32>
      %mul3A_1337 = arith.constant 64 : i32
      %mul3A_1338 = vector.broadcast %mul3A_1337 : i32 to vector<16xi32>
      %mul3A_1339 = arith.muli %convert_element_type3A_1316, %mul3A_1338 : vector<16xi32>
      %add3A_1340 = arith.addi %add3A_1336, %mul3A_1339 : vector<16xi32>
      %add3A_1341 = arith.constant 64 : i32
      %add3A_1342 = vector.broadcast %add3A_1341 : i32 to vector<16xi32>
      %add3A_1343 = arith.addi %add3A_1340, %add3A_1342 : vector<16xi32>
      %add3A_1344 = arith.constant 4096 : i32
      %add3A_1345 = vector.broadcast %add3A_1344 : i32 to vector<16xi32>
      %add3A_1346 = arith.addi %add3A_1340, %add3A_1345 : vector<16xi32>
      %add3A_1347 = arith.constant 4096 : i32
      %add3A_1348 = vector.broadcast %add3A_1347 : i32 to vector<16xi32>
      %add3A_1349 = arith.addi %add3A_1343, %add3A_1348 : vector<16xi32>
      %add3A_1350 = arith.addi %add3A_1340, %convert_element_type3A_1315 : vector<16xi32>
      %add3A_1351 = arith.addi %add3A_1343, %convert_element_type3A_1315 : vector<16xi32>
      %add3A_1352 = arith.addi %add3A_1346, %convert_element_type3A_1315 : vector<16xi32>
      %add3A_1353 = arith.addi %add3A_1349, %convert_element_type3A_1315 : vector<16xi32>
      %swap3A_1354 = arith.index_cast %mul3A_1253 : i32 to index
      %swap3A_1355 = tpu.vector_load %arg15[%swap3A_1354] {strides = array<i32>} : memref<2048xi32, #tpu.memory_space<vmem>>, vector<16xi32>,
      tpu.vector_store %arg15[%swap3A_1354], %add3A_1350 {strides = array<i32>} : memref<2048xi32, #tpu.memory_space<vmem>>, vector<16xi32>,
      %add3A_1356 = arith.constant 1 : i32
      %add3A_1357 = vector.broadcast %add3A_1356 : i32 to vector<16xi32>
      %add3A_1358 = arith.addi %add3A_1350, %add3A_1357 : vector<16xi32>
      %swap3A_1359 = arith.index_cast %mul3A_1253 : i32 to index
      %swap3A_1360 = tpu.vector_load %arg16[%swap3A_1359] {strides = array<i32>} : memref<2048xi32, #tpu.memory_space<vmem>>, vector<16xi32>,
      tpu.vector_store %arg16[%swap3A_1359], %add3A_1358 {strides = array<i32>} : memref<2048xi32, #tpu.memory_space<vmem>>, vector<16xi32>,
      %swap3A_1361 = arith.index_cast %mul3A_1253 : i32 to index
      %swap3A_1362 = tpu.vector_load %arg17[%swap3A_1361] {strides = array<i32>} : memref<2048xi32, #tpu.memory_space<vmem>>, vector<16xi32>,
      tpu.vector_store %arg17[%swap3A_1361], %add3A_1351 {strides = array<i32>} : memref<2048xi32, #tpu.memory_space<vmem>>, vector<16xi32>,
      %add3A_1363 = arith.constant 1 : i32
      %add3A_1364 = vector.broadcast %add3A_1363 : i32 to vector<16xi32>
      %add3A_1365 = arith.addi %add3A_1351, %add3A_1364 : vector<16xi32>
      %swap3A_1366 = arith.index_cast %mul3A_1253 : i32 to index
      %swap3A_1367 = tpu.vector_load %arg18[%swap3A_1366] {strides = array<i32>} : memref<2048xi32, #tpu.memory_space<vmem>>, vector<16xi32>,
      tpu.vector_store %arg18[%swap3A_1366], %add3A_1365 {strides = array<i32>} : memref<2048xi32, #tpu.memory_space<vmem>>, vector<16xi32>,
      %swap3A_1368 = arith.index_cast %mul3A_1253 : i32 to index
      %swap3A_1369 = tpu.vector_load %arg19[%swap3A_1368] {strides = array<i32>} : memref<2048xi32, #tpu.memory_space<vmem>>, vector<16xi32>,
      tpu.vector_store %arg19[%swap3A_1368], %add3A_1352 {strides = array<i32>} : memref<2048xi32, #tpu.memory_space<vmem>>, vector<16xi32>,
      %add3A_1370 = arith.constant 1 : i32
      %add3A_1371 = vector.broadcast %add3A_1370 : i32 to vector<16xi32>
      %add3A_1372 = arith.addi %add3A_1352, %add3A_1371 : vector<16xi32>
      %swap3A_1373 = arith.index_cast %mul3A_1253 : i32 to index
      %swap3A_1374 = tpu.vector_load %arg20[%swap3A_1373] {strides = array<i32>} : memref<2048xi32, #tpu.memory_space<vmem>>, vector<16xi32>,
      tpu.vector_store %arg20[%swap3A_1373], %add3A_1372 {strides = array<i32>} : memref<2048xi32, #tpu.memory_space<vmem>>, vector<16xi32>,
      %swap3A_1375 = arith.index_cast %mul3A_1253 : i32 to index
      %swap3A_1376 = tpu.vector_load %arg21[%swap3A_1375] {strides = array<i32>} : memref<2048xi32, #tpu.memory_space<vmem>>, vector<16xi32>,
      tpu.vector_store %arg21[%swap3A_1375], %add3A_1353 {strides = array<i32>} : memref<2048xi32, #tpu.memory_space<vmem>>, vector<16xi32>,
      %add3A_1377 = arith.constant 1 : i32
      %add3A_1378 = vector.broadcast %add3A_1377 : i32 to vector<16xi32>
      %add3A_1379 = arith.addi %add3A_1353, %add3A_1378 : vector<16xi32>
      %swap3A_1380 = arith.index_cast %mul3A_1253 : i32 to index
      %swap3A_1381 = tpu.vector_load %arg22[%swap3A_1380] {strides = array<i32>} : memref<2048xi32, #tpu.memory_space<vmem>>, vector<16xi32>,
      tpu.vector_store %arg22[%swap3A_1380], %add3A_1379 {strides = array<i32>} : memref<2048xi32, #tpu.memory_space<vmem>>, vector<16xi32>,
      %mul3A_1382 = arith.constant 2 : i32
      %mul3A_1383 = arith.muli %scan3A_1247, %mul3A_1382 : i32
      %add3A_1384 = arith.constant 1 : i32
      %add3A_1385 = arith.addi %mul3A_1383, %add3A_1384 : i32
      %mul3A_1386 = arith.constant 16 : i32
      %mul3A_1387 = arith.muli %add3A_1385, %mul3A_1386 : i32
      %get3A_1388 = arith.index_cast %mul3A_1387 : i32 to index
      %get3A_1389 = tpu.vector_load %arg12[%get3A_1388] {strides = array<i32>} : memref<2048xf32, #tpu.memory_space<vmem>>, vector<16xf32>,
      %get3A_1390 = arith.constant 0 : i32
      %get3A_1391 = arith.index_cast %get3A_1390 : i32 to index
      %get3A_1392 = arith.constant 0 : index
      %get3A_1393 = tpu.vector_load %arg11[%get3A_1391, %get3A_1392] {strides = array<i32>} : memref<6x16xf32, #tpu.memory_space<vmem>>, vector<16xf32>,
      %sub3A_1394 = arith.subf %get3A_1389, %get3A_1393 : vector<16xf32>
      %get3A_1395 = arith.constant 3 : i32
      %get3A_1396 = arith.index_cast %get3A_1395 : i32 to index
      %get3A_1397 = arith.constant 0 : index
      %get3A_1398 = tpu.vector_load %arg11[%get3A_1396, %get3A_1397] {strides = array<i32>} : memref<6x16xf32, #tpu.memory_space<vmem>>, vector<16xf32>,
      %mul3A_1399 = arith.mulf %sub3A_1394, %get3A_1398 : vector<16xf32>
      %get3A_1400 = arith.index_cast %mul3A_1387 : i32 to index
      %get3A_1401 = tpu.vector_load %arg13[%get3A_1400] {strides = array<i32>} : memref<2048xf32, #tpu.memory_space<vmem>>, vector<16xf32>,
      %get3A_1402 = arith.constant 1 : i32
      %get3A_1403 = arith.index_cast %get3A_1402 : i32 to index
      %get3A_1404 = arith.constant 0 : index
      %get3A_1405 = tpu.vector_load %arg11[%get3A_1403, %get3A_1404] {strides = array<i32>} : memref<6x16xf32, #tpu.memory_space<vmem>>, vector<16xf32>,
      %sub3A_1406 = arith.subf %get3A_1401, %get3A_1405 : vector<16xf32>
      %get3A_1407 = arith.constant 4 : i32
      %get3A_1408 = arith.index_cast %get3A_1407 : i32 to index
      %get3A_1409 = arith.constant 0 : index
      %get3A_1410 = tpu.vector_load %arg11[%get3A_1408, %get3A_1409] {strides = array<i32>} : memref<6x16xf32, #tpu.memory_space<vmem>>, vector<16xf32>,
      %mul3A_1411 = arith.mulf %sub3A_1406, %get3A_1410 : vector<16xf32>
      %get3A_1412 = arith.index_cast %mul3A_1387 : i32 to index
      %get3A_1413 = tpu.vector_load %arg14[%get3A_1412] {strides = array<i32>} : memref<2048xf32, #tpu.memory_space<vmem>>, vector<16xf32>,
      %get3A_1414 = arith.constant 2 : i32
      %get3A_1415 = arith.index_cast %get3A_1414 : i32 to index
      %get3A_1416 = arith.constant 0 : index
      %get3A_1417 = tpu.vector_load %arg11[%get3A_1415, %get3A_1416] {strides = array<i32>} : memref<6x16xf32, #tpu.memory_space<vmem>>, vector<16xf32>,
      %sub3A_1418 = arith.subf %get3A_1413, %get3A_1417 : vector<16xf32>
      %get3A_1419 = arith.constant 5 : i32
      %get3A_1420 = arith.index_cast %get3A_1419 : i32 to index
      %get3A_1421 = arith.constant 0 : index
      %get3A_1422 = tpu.vector_load %arg11[%get3A_1420, %get3A_1421] {strides = array<i32>} : memref<6x16xf32, #tpu.memory_space<vmem>>, vector<16xf32>,
      %mul3A_1423 = arith.mulf %sub3A_1418, %get3A_1422 : vector<16xf32>
      %convert_element_type3A_1424 = arith.fptosi %mul3A_1399 : vector<16xf32> to vector<16xi32>
      %convert_element_type3A_1425 = arith.fptosi %mul3A_1411 : vector<16xf32> to vector<16xi32>
      %convert_element_type3A_1426 = arith.fptosi %mul3A_1423 : vector<16xf32> to vector<16xi32>
      %mul3A_1427 = arith.constant 16 : i32
      %mul3A_1428 = vector.broadcast %mul3A_1427 : i32 to vector<16xi32>
      %mul3A_1429 = arith.muli %convert_element_type3A_1424, %mul3A_1428 : vector<16xi32>
      %mul3A_1430 = arith.constant 4 : i32
      %mul3A_1431 = vector.broadcast %mul3A_1430 : i32 to vector<16xi32>
      %mul3A_1432 = arith.muli %convert_element_type3A_1425, %mul3A_1431 : vector<16xi32>
      %add3A_1433 = arith.addi %mul3A_1429, %mul3A_1432 : vector<16xi32>
      %add3A_1434 = arith.addi %add3A_1433, %convert_element_type3A_1426 : vector<16xi32>
      %broadcast_in_dim3A_1435 = arith.constant true
      %broadcast_in_dim3A_1436 = vector.broadcast %broadcast_in_dim3A_1435 : i1 to vector<16xi1>
      %unique3A_1437, %unique3A_1438 = tpu.scan_count mask(%broadcast_in_dim3A_1436 : vector<16xi1>) value(%add3A_1434 : vector<16xi32>) : vector<16xi1>, vector<16xi32>
      %gather3A_1439 = tpu.vector_load_idx %arg10[%add3A_1434] : memref<64xi32, #tpu.memory_space<vmem>>[vector<16xi32>], vector<16xi32>,
      %add3A_1440 = arith.addi %gather3A_1439, %unique3A_1438 : vector<16xi32>
      tpu.vector_store_idx %arg10[%add3A_1434], %unique3A_1438 masked %unique3A_1437 {add = true} : memref<64xi32, #tpu.memory_space<vmem>>[vector<16xi32>], vector<16xi32>, vector<16xi1>
      %swap3A_1441 = arith.index_cast %mul3A_1387 : i32 to index
      %swap3A_1442 = tpu.vector_load %arg34[%swap3A_1441] {strides = array<i32>} : memref<2048xi32, #tpu.memory_space<vmem>>, vector<16xi32>,
      tpu.vector_store %arg34[%swap3A_1441], %add3A_1440 {strides = array<i32>} : memref<2048xi32, #tpu.memory_space<vmem>>, vector<16xi32>,
      %convert_element_type3A_1443 = arith.sitofp %convert_element_type3A_1424 : vector<16xi32> to vector<16xf32>
      %sub3A_1444 = arith.subf %mul3A_1399, %convert_element_type3A_1443 : vector<16xf32>
      %mul3A_1445 = arith.mulf %sub3A_1444, %broadcast_in_dim3A_1211 : vector<16xf32>
      %convert_element_type3A_1446 = arith.sitofp %convert_element_type3A_1425 : vector<16xi32> to vector<16xf32>
      %sub3A_1447 = arith.subf %mul3A_1411, %convert_element_type3A_1446 : vector<16xf32>
      %mul3A_1448 = arith.mulf %sub3A_1447, %broadcast_in_dim3A_1211 : vector<16xf32>
      %convert_element_type3A_1449 = arith.sitofp %convert_element_type3A_1426 : vector<16xi32> to vector<16xf32>
      %sub3A_1450 = arith.subf %mul3A_1423, %convert_element_type3A_1449 : vector<16xf32>
      %mul3A_1451 = arith.mulf %sub3A_1450, %broadcast_in_dim3A_1211 : vector<16xf32>
      %convert_element_type3A_1452 = arith.fptosi %mul3A_1445 : vector<16xf32> to vector<16xi32>
      %convert_element_type3A_1453 = arith.fptosi %mul3A_1448 : vector<16xf32> to vector<16xi32>
      %convert_element_type3A_1454 = arith.fptosi %mul3A_1451 : vector<16xf32> to vector<16xi32>
      %convert_element_type3A_1455 = arith.sitofp %convert_element_type3A_1452 : vector<16xi32> to vector<16xf32>
      %sub3A_1456 = arith.subf %mul3A_1445, %convert_element_type3A_1455 : vector<16xf32>
      %swap3A_1457 = arith.index_cast %mul3A_1387 : i32 to index
      %swap3A_1458 = tpu.vector_load %arg31[%swap3A_1457] {strides = array<i32>} : memref<2048xf32, #tpu.memory_space<vmem>>, vector<16xf32>,
      tpu.vector_store %arg31[%swap3A_1457], %sub3A_1456 {strides = array<i32>} : memref<2048xf32, #tpu.memory_space<vmem>>, vector<16xf32>,
      %convert_element_type3A_1459 = arith.sitofp %convert_element_type3A_1453 : vector<16xi32> to vector<16xf32>
      %sub3A_1460 = arith.subf %mul3A_1448, %convert_element_type3A_1459 : vector<16xf32>
      %swap3A_1461 = arith.index_cast %mul3A_1387 : i32 to index
      %swap3A_1462 = tpu.vector_load %arg32[%swap3A_1461] {strides = array<i32>} : memref<2048xf32, #tpu.memory_space<vmem>>, vector<16xf32>,
      tpu.vector_store %arg32[%swap3A_1461], %sub3A_1460 {strides = array<i32>} : memref<2048xf32, #tpu.memory_space<vmem>>, vector<16xf32>,
      %convert_element_type3A_1463 = arith.sitofp %convert_element_type3A_1454 : vector<16xi32> to vector<16xf32>
      %sub3A_1464 = arith.subf %mul3A_1451, %convert_element_type3A_1463 : vector<16xf32>
      %swap3A_1465 = arith.index_cast %mul3A_1387 : i32 to index
      %swap3A_1466 = tpu.vector_load %arg33[%swap3A_1465] {strides = array<i32>} : memref<2048xf32, #tpu.memory_space<vmem>>, vector<16xf32>,
      tpu.vector_store %arg33[%swap3A_1465], %sub3A_1464 {strides = array<i32>} : memref<2048xf32, #tpu.memory_space<vmem>>, vector<16xf32>,
      %mul3A_1467 = arith.constant 262144 : i32
      %mul3A_1468 = vector.broadcast %mul3A_1467 : i32 to vector<16xi32>
      %mul3A_1469 = arith.muli %add3A_1434, %mul3A_1468 : vector<16xi32>
      %mul3A_1470 = arith.constant 4096 : i32
      %mul3A_1471 = vector.broadcast %mul3A_1470 : i32 to vector<16xi32>
      %mul3A_1472 = arith.muli %convert_element_type3A_1454, %mul3A_1471 : vector<16xi32>
      %add3A_1473 = arith.addi %mul3A_1469, %mul3A_1472 : vector<16xi32>
      %mul3A_1474 = arith.constant 64 : i32
      %mul3A_1475 = vector.broadcast %mul3A_1474 : i32 to vector<16xi32>
      %mul3A_1476 = arith.muli %convert_element_type3A_1453, %mul3A_1475 : vector<16xi32>
      %add3A_1477 = arith.addi %add3A_1473, %mul3A_1476 : vector<16xi32>
      %add3A_1478 = arith.constant 64 : i32
      %add3A_1479 = vector.broadcast %add3A_1478 : i32 to vector<16xi32>
      %add3A_1480 = arith.addi %add3A_1477, %add3A_1479 : vector<16xi32>
      %add3A_1481 = arith.constant 4096 : i32
      %add3A_1482 = vector.broadcast %add3A_1481 : i32 to vector<16xi32>
      %add3A_1483 = arith.addi %add3A_1477, %add3A_1482 : vector<16xi32>
      %add3A_1484 = arith.constant 4096 : i32
      %add3A_1485 = vector.broadcast %add3A_1484 : i32 to vector<16xi32>
      %add3A_1486 = arith.addi %add3A_1480, %add3A_1485 : vector<16xi32>
      %add3A_1487 = arith.addi %add3A_1477, %convert_element_type3A_1452 : vector<16xi32>
      %add3A_1488 = arith.addi %add3A_1480, %convert_element_type3A_1452 : vector<16xi32>
      %add3A_1489 = arith.addi %add3A_1483, %convert_element_type3A_1452 : vector<16xi32>
      %add3A_1490 = arith.addi %add3A_1486, %convert_element_type3A_1452 : vector<16xi32>
      %swap3A_1491 = arith.index_cast %mul3A_1387 : i32 to index
      %swap3A_1492 = tpu.vector_load %arg15[%swap3A_1491] {strides = array<i32>} : memref<2048xi32, #tpu.memory_space<vmem>>, vector<16xi32>,
      tpu.vector_store %arg15[%swap3A_1491], %add3A_1487 {strides = array<i32>} : memref<2048xi32, #tpu.memory_space<vmem>>, vector<16xi32>,
      %add3A_1493 = arith.constant 1 : i32
      %add3A_1494 = vector.broadcast %add3A_1493 : i32 to vector<16xi32>
      %add3A_1495 = arith.addi %add3A_1487, %add3A_1494 : vector<16xi32>
      %swap3A_1496 = arith.index_cast %mul3A_1387 : i32 to index
      %swap3A_1497 = tpu.vector_load %arg16[%swap3A_1496] {strides = array<i32>} : memref<2048xi32, #tpu.memory_space<vmem>>, vector<16xi32>,
      tpu.vector_store %arg16[%swap3A_1496], %add3A_1495 {strides = array<i32>} : memref<2048xi32, #tpu.memory_space<vmem>>, vector<16xi32>,
      %swap3A_1498 = arith.index_cast %mul3A_1387 : i32 to index
      %swap3A_1499 = tpu.vector_load %arg17[%swap3A_1498] {strides = array<i32>} : memref<2048xi32, #tpu.memory_space<vmem>>, vector<16xi32>,
      tpu.vector_store %arg17[%swap3A_1498], %add3A_1488 {strides = array<i32>} : memref<2048xi32, #tpu.memory_space<vmem>>, vector<16xi32>,
      %add3A_1500 = arith.constant 1 : i32
      %add3A_1501 = vector.broadcast %add3A_1500 : i32 to vector<16xi32>
      %add3A_1502 = arith.addi %add3A_1488, %add3A_1501 : vector<16xi32>
      %swap3A_1503 = arith.index_cast %mul3A_1387 : i32 to index
      %swap3A_1504 = tpu.vector_load %arg18[%swap3A_1503] {strides = array<i32>} : memref<2048xi32, #tpu.memory_space<vmem>>, vector<16xi32>,
      tpu.vector_store %arg18[%swap3A_1503], %add3A_1502 {strides = array<i32>} : memref<2048xi32, #tpu.memory_space<vmem>>, vector<16xi32>,
      %swap3A_1505 = arith.index_cast %mul3A_1387 : i32 to index
      %swap3A_1506 = tpu.vector_load %arg19[%swap3A_1505] {strides = array<i32>} : memref<2048xi32, #tpu.memory_space<vmem>>, vector<16xi32>,
      tpu.vector_store %arg19[%swap3A_1505], %add3A_1489 {strides = array<i32>} : memref<2048xi32, #tpu.memory_space<vmem>>, vector<16xi32>,
      %add3A_1507 = arith.constant 1 : i32
      %add3A_1508 = vector.broadcast %add3A_1507 : i32 to vector<16xi32>
      %add3A_1509 = arith.addi %add3A_1489, %add3A_1508 : vector<16xi32>
      %swap3A_1510 = arith.index_cast %mul3A_1387 : i32 to index
      %swap3A_1511 = tpu.vector_load %arg20[%swap3A_1510] {strides = array<i32>} : memref<2048xi32, #tpu.memory_space<vmem>>, vector<16xi32>,
      tpu.vector_store %arg20[%swap3A_1510], %add3A_1509 {strides = array<i32>} : memref<2048xi32, #tpu.memory_space<vmem>>, vector<16xi32>,
      %swap3A_1512 = arith.index_cast %mul3A_1387 : i32 to index
      %swap3A_1513 = tpu.vector_load %arg21[%swap3A_1512] {strides = array<i32>} : memref<2048xi32, #tpu.memory_space<vmem>>, vector<16xi32>,
      tpu.vector_store %arg21[%swap3A_1512], %add3A_1490 {strides = array<i32>} : memref<2048xi32, #tpu.memory_space<vmem>>, vector<16xi32>,
      %add3A_1514 = arith.constant 1 : i32
      %add3A_1515 = vector.broadcast %add3A_1514 : i32 to vector<16xi32>
      %add3A_1516 = arith.addi %add3A_1490, %add3A_1515 : vector<16xi32>
      %swap3A_1517 = arith.index_cast %mul3A_1387 : i32 to index
      %swap3A_1518 = tpu.vector_load %arg22[%swap3A_1517] {strides = array<i32>} : memref<2048xi32, #tpu.memory_space<vmem>>, vector<16xi32>,
      tpu.vector_store %arg22[%swap3A_1517], %add3A_1516 {strides = array<i32>} : memref<2048xi32, #tpu.memory_space<vmem>>, vector<16xi32>,
    }
    %scan3A_1222 = arith.constant 64 : i32
    %dma_start3A = arith.constant 0 : i32
    %dma_start3A_1223 = tpu.memref_slice %arg5[%dma_start3A] : memref<16777216xf32, #tpu.memory_space<hbm>> -> memref<16777216xf32, #tpu.memory_space<hbm>>
    tpu.enqueue_indirect_dma source(%dma_start3A_1223 : memref<16777216xf32, #tpu.memory_space<hbm>>) target(%arg23 : memref<2048xf32, #tpu.memory_space<vmem>>) offsets(%arg15 : memref<2048xi32, #tpu.memory_space<vmem>>) semaphore(%arg36 : memref<!tpu.dma_semaphore, #tpu.memory_space<semaphore_mem>>)
    %dma_start3A_1224 = arith.constant 0 : i32
    %dma_start3A_1225 = tpu.memref_slice %arg5[%dma_start3A_1224] : memref<16777216xf32, #tpu.memory_space<hbm>> -> memref<16777216xf32, #tpu.memory_space<hbm>>
    tpu.enqueue_indirect_dma source(%dma_start3A_1225 : memref<16777216xf32, #tpu.memory_space<hbm>>) target(%arg24 : memref<2048xf32, #tpu.memory_space<vmem>>) offsets(%arg16 : memref<2048xi32, #tpu.memory_space<vmem>>) semaphore(%arg36 : memref<!tpu.dma_semaphore, #tpu.memory_space<semaphore_mem>>)
    %dma_start3A_1226 = arith.constant 0 : i32
    %dma_start3A_1227 = tpu.memref_slice %arg5[%dma_start3A_1226] : memref<16777216xf32, #tpu.memory_space<hbm>> -> memref<16777216xf32, #tpu.memory_space<hbm>>
    tpu.enqueue_indirect_dma source(%dma_start3A_1227 : memref<16777216xf32, #tpu.memory_space<hbm>>) target(%arg25 : memref<2048xf32, #tpu.memory_space<vmem>>) offsets(%arg17 : memref<2048xi32, #tpu.memory_space<vmem>>) semaphore(%arg36 : memref<!tpu.dma_semaphore, #tpu.memory_space<semaphore_mem>>)
    %dma_start3A_1228 = arith.constant 0 : i32
    %dma_start3A_1229 = tpu.memref_slice %arg5[%dma_start3A_1228] : memref<16777216xf32, #tpu.memory_space<hbm>> -> memref<16777216xf32, #tpu.memory_space<hbm>>
    tpu.enqueue_indirect_dma source(%dma_start3A_1229 : memref<16777216xf32, #tpu.memory_space<hbm>>) target(%arg26 : memref<2048xf32, #tpu.memory_space<vmem>>) offsets(%arg18 : memref<2048xi32, #tpu.memory_space<vmem>>) semaphore(%arg36 : memref<!tpu.dma_semaphore, #tpu.memory_space<semaphore_mem>>)
    %dma_start3A_1230 = arith.constant 0 : i32
    %dma_start3A_1231 = tpu.memref_slice %arg5[%dma_start3A_1230] : memref<16777216xf32, #tpu.memory_space<hbm>> -> memref<16777216xf32, #tpu.memory_space<hbm>>
    tpu.enqueue_indirect_dma source(%dma_start3A_1231 : memref<16777216xf32, #tpu.memory_space<hbm>>) target(%arg27 : memref<2048xf32, #tpu.memory_space<vmem>>) offsets(%arg19 : memref<2048xi32, #tpu.memory_space<vmem>>) semaphore(%arg36 : memref<!tpu.dma_semaphore, #tpu.memory_space<semaphore_mem>>)
    %dma_start3A_1232 = arith.constant 0 : i32
    %dma_start3A_1233 = tpu.memref_slice %arg5[%dma_start3A_1232] : memref<16777216xf32, #tpu.memory_space<hbm>> -> memref<16777216xf32, #tpu.memory_space<hbm>>
    tpu.enqueue_indirect_dma source(%dma_start3A_1233 : memref<16777216xf32, #tpu.memory_space<hbm>>) target(%arg28 : memref<2048xf32, #tpu.memory_space<vmem>>) offsets(%arg20 : memref<2048xi32, #tpu.memory_space<vmem>>) semaphore(%arg36 : memref<!tpu.dma_semaphore, #tpu.memory_space<semaphore_mem>>)
    %dma_start3A_1234 = arith.constant 0 : i32
    %dma_start3A_1235 = tpu.memref_slice %arg5[%dma_start3A_1234] : memref<16777216xf32, #tpu.memory_space<hbm>> -> memref<16777216xf32, #tpu.memory_space<hbm>>
    tpu.enqueue_indirect_dma source(%dma_start3A_1235 : memref<16777216xf32, #tpu.memory_space<hbm>>) target(%arg29 : memref<2048xf32, #tpu.memory_space<vmem>>) offsets(%arg21 : memref<2048xi32, #tpu.memory_space<vmem>>) semaphore(%arg36 : memref<!tpu.dma_semaphore, #tpu.memory_space<semaphore_mem>>)
    %dma_start3A_1236 = arith.constant 0 : i32
    %dma_start3A_1237 = tpu.memref_slice %arg5[%dma_start3A_1236] : memref<16777216xf32, #tpu.memory_space<hbm>> -> memref<16777216xf32, #tpu.memory_space<hbm>>
    tpu.enqueue_indirect_dma source(%dma_start3A_1237 : memref<16777216xf32, #tpu.memory_space<hbm>>) target(%arg30 : memref<2048xf32, #tpu.memory_space<vmem>>) offsets(%arg22 : memref<2048xi32, #tpu.memory_space<vmem>>) semaphore(%arg36 : memref<!tpu.dma_semaphore, #tpu.memory_space<semaphore_mem>>)
    %scan3A_1238 = arith.constant 0 : i32
    %scan3A_1239 = arith.constant 0 : i32
    %scan3A_1240 = arith.constant 16 : i32
    %scan3A_1241 = arith.addi %scan3A_1239, %scan3A_1240 : i32
    %scan3A_1242 = arith.constant 1 : i32
    scf.for %scan3A_1247 = %scan3A_1239 to %scan3A_1241 step %scan3A_1242  : i32 {
      %mul3A_1248 = arith.constant 2 : i32
      %mul3A_1249 = arith.muli %mul3A_1248, %scan3A_1247 : i32
      %add3A_1250 = arith.constant 1 : i32
      %add3A_1251 = arith.addi %mul3A_1249, %add3A_1250 : i32
      %ge3A = arith.constant 2 : i32
      %ge3A_1252 = arith.cmpi sge, %add3A_1251, %ge3A : i32
      %convert_element_type3A = arith.extui %ge3A_1252 : i1 to i32
      %cond3A = arith.constant 0 : i32
      %cond3A_1253 = arith.cmpi ne, %convert_element_type3A, %cond3A : i32
      scf.if %cond3A_1253 {
        %dma_wait3A_1334 = arith.constant 0 : i32
        %dma_wait3A_1335 = tpu.memref_slice %arg8[%dma_wait3A_1334] : memref<2097152xf32, #tpu.memory_space<hbm>> -> memref<2097152xf32, #tpu.memory_space<hbm>>
        tpu.wait_indirect_dma semaphore(%arg63 : memref<!tpu.dma_semaphore, #tpu.memory_space<semaphore_mem>>) src(%arg61 : memref<2048xf32, #tpu.memory_space<vmem>>) dst(%dma_wait3A_1335 : memref<2097152xf32, #tpu.memory_space<hbm>>)
      } else {
      }
      %mul3A_1254 = arith.constant 65536 : i32
      %mul3A_1255 = arith.muli %add3A, %mul3A_1254 : i32
      %mul3A_1256 = arith.constant 2048 : i32
      %mul3A_1257 = arith.muli %add3A_1251, %mul3A_1256 : i32
      %add3A_1258 = arith.addi %mul3A_1255, %mul3A_1257 : i32
      "tpu.region"() ({
        %run_scoped3A = tpu.sem_alloc : memref<!tpu.dma_semaphore, #tpu.memory_space<semaphore_mem>>
        %dma_start3A_1334 = tpu.memref_slice %arg2[%add3A_1258] : memref<2097152xf32, #tpu.memory_space<hbm>> -> memref<2048xf32, #tpu.memory_space<hbm>>
        %dma_start3A_1335 = tpu.memref_slice %arg2[%add3A_1258] : memref<2097152xf32, #tpu.memory_space<hbm>> -> memref<2048xf32, #tpu.memory_space<hbm>>
        tpu.enqueue_dma source(%dma_start3A_1335 : memref<2048xf32, #tpu.memory_space<hbm>>) target(%arg38 : memref<2048xf32, #tpu.memory_space<vmem>>) target_semaphore(%run_scoped3A : memref<!tpu.dma_semaphore, #tpu.memory_space<semaphore_mem>>)
        %dma_wait3A_1336 = tpu.memref_slice %arg2[%add3A_1258] : memref<2097152xf32, #tpu.memory_space<hbm>> -> memref<2048xf32, #tpu.memory_space<hbm>>
        %dma_wait3A_1337 = tpu.memref_slice %arg2[%add3A_1258] : memref<2097152xf32, #tpu.memory_space<hbm>> -> memref<2048xf32, #tpu.memory_space<hbm>>
        tpu.wait_dma2 semaphore(%run_scoped3A : memref<!tpu.dma_semaphore, #tpu.memory_space<semaphore_mem>>) src(%dma_wait3A_1337 : memref<2048xf32, #tpu.memory_space<hbm>>) dst(%arg38 : memref<2048xf32, #tpu.memory_space<vmem>>)
        tpu.yield
      }) : () -> ()
      "tpu.region"() ({
        %run_scoped3A = tpu.sem_alloc : memref<!tpu.dma_semaphore, #tpu.memory_space<semaphore_mem>>
        %dma_start3A_1334 = tpu.memref_slice %arg3[%add3A_1258] : memref<2097152xf32, #tpu.memory_space<hbm>> -> memref<2048xf32, #tpu.memory_space<hbm>>
        %dma_start3A_1335 = tpu.memref_slice %arg3[%add3A_1258] : memref<2097152xf32, #tpu.memory_space<hbm>> -> memref<2048xf32, #tpu.memory_space<hbm>>
        tpu.enqueue_dma source(%dma_start3A_1335 : memref<2048xf32, #tpu.memory_space<hbm>>) target(%arg39 : memref<2048xf32, #tpu.memory_space<vmem>>) target_semaphore(%run_scoped3A : memref<!tpu.dma_semaphore, #tpu.memory_space<semaphore_mem>>)
        %dma_wait3A_1336 = tpu.memref_slice %arg3[%add3A_1258] : memref<2097152xf32, #tpu.memory_space<hbm>> -> memref<2048xf32, #tpu.memory_space<hbm>>
        %dma_wait3A_1337 = tpu.memref_slice %arg3[%add3A_1258] : memref<2097152xf32, #tpu.memory_space<hbm>> -> memref<2048xf32, #tpu.memory_space<hbm>>
        tpu.wait_dma2 semaphore(%run_scoped3A : memref<!tpu.dma_semaphore, #tpu.memory_space<semaphore_mem>>) src(%dma_wait3A_1337 : memref<2048xf32, #tpu.memory_space<hbm>>) dst(%arg39 : memref<2048xf32, #tpu.memory_space<vmem>>)
        tpu.yield
      }) : () -> ()
      "tpu.region"() ({
        %run_scoped3A = tpu.sem_alloc : memref<!tpu.dma_semaphore, #tpu.memory_space<semaphore_mem>>
        %dma_start3A_1334 = tpu.memref_slice %arg4[%add3A_1258] : memref<2097152xf32, #tpu.memory_space<hbm>> -> memref<2048xf32, #tpu.memory_space<hbm>>
        %dma_start3A_1335 = tpu.memref_slice %arg4[%add3A_1258] : memref<2097152xf32, #tpu.memory_space<hbm>> -> memref<2048xf32, #tpu.memory_space<hbm>>
        tpu.enqueue_dma source(%dma_start3A_1335 : memref<2048xf32, #tpu.memory_space<hbm>>) target(%arg40 : memref<2048xf32, #tpu.memory_space<vmem>>) target_semaphore(%run_scoped3A : memref<!tpu.dma_semaphore, #tpu.memory_space<semaphore_mem>>)
        %dma_wait3A_1336 = tpu.memref_slice %arg4[%add3A_1258] : memref<2097152xf32, #tpu.memory_space<hbm>> -> memref<2048xf32, #tpu.memory_space<hbm>>
        %dma_wait3A_1337 = tpu.memref_slice %arg4[%add3A_1258] : memref<2097152xf32, #tpu.memory_space<hbm>> -> memref<2048xf32, #tpu.memory_space<hbm>>
        tpu.wait_dma2 semaphore(%run_scoped3A : memref<!tpu.dma_semaphore, #tpu.memory_space<semaphore_mem>>) src(%dma_wait3A_1337 : memref<2048xf32, #tpu.memory_space<hbm>>) dst(%arg40 : memref<2048xf32, #tpu.memory_space<vmem>>)
        tpu.yield
      }) : () -> ()
      %scan3A_1259 = arith.constant 0 : i32
      %scan3A_1260 = arith.constant 0 : i32
      %scan3A_1261 = arith.constant 64 : i32
      %scan3A_1262 = arith.addi %scan3A_1260, %scan3A_1261 : i32
      %scan3A_1263 = arith.constant 1 : i32
      scf.for %scan3A_1334 = %scan3A_1260 to %scan3A_1262 step %scan3A_1263  : i32 {
        %mul3A_1335 = arith.constant 2 : i32
        %mul3A_1336 = arith.muli %scan3A_1334, %mul3A_1335 : i32
        %add3A_1337 = arith.constant 0 : i32
        %add3A_1338 = arith.addi %mul3A_1336, %add3A_1337 : i32
        %mul3A_1339 = arith.constant 16 : i32
        %mul3A_1340 = arith.muli %add3A_1338, %mul3A_1339 : i32
        %get3A = arith.index_cast %mul3A_1340 : i32 to index
        %get3A_1341 = tpu.vector_load %arg38[%get3A] {strides = array<i32>} : memref<2048xf32, #tpu.memory_space<vmem>>, vector<16xf32>,
        %get3A_1342 = arith.constant 0 : i32
        %get3A_1343 = arith.index_cast %get3A_1342 : i32 to index
        %get3A_1344 = arith.constant 0 : index
        %get3A_1345 = tpu.vector_load %arg11[%get3A_1343, %get3A_1344] {strides = array<i32>} : memref<6x16xf32, #tpu.memory_space<vmem>>, vector<16xf32>,
        %sub3A_1346 = arith.subf %get3A_1341, %get3A_1345 : vector<16xf32>
        %get3A_1347 = arith.constant 3 : i32
        %get3A_1348 = arith.index_cast %get3A_1347 : i32 to index
        %get3A_1349 = arith.constant 0 : index
        %get3A_1350 = tpu.vector_load %arg11[%get3A_1348, %get3A_1349] {strides = array<i32>} : memref<6x16xf32, #tpu.memory_space<vmem>>, vector<16xf32>,
        %mul3A_1351 = arith.mulf %sub3A_1346, %get3A_1350 : vector<16xf32>
        %get3A_1352 = arith.index_cast %mul3A_1340 : i32 to index
        %get3A_1353 = tpu.vector_load %arg39[%get3A_1352] {strides = array<i32>} : memref<2048xf32, #tpu.memory_space<vmem>>, vector<16xf32>,
        %get3A_1354 = arith.constant 1 : i32
        %get3A_1355 = arith.index_cast %get3A_1354 : i32 to index
        %get3A_1356 = arith.constant 0 : index
        %get3A_1357 = tpu.vector_load %arg11[%get3A_1355, %get3A_1356] {strides = array<i32>} : memref<6x16xf32, #tpu.memory_space<vmem>>, vector<16xf32>,
        %sub3A_1358 = arith.subf %get3A_1353, %get3A_1357 : vector<16xf32>
        %get3A_1359 = arith.constant 4 : i32
        %get3A_1360 = arith.index_cast %get3A_1359 : i32 to index
        %get3A_1361 = arith.constant 0 : index
        %get3A_1362 = tpu.vector_load %arg11[%get3A_1360, %get3A_1361] {strides = array<i32>} : memref<6x16xf32, #tpu.memory_space<vmem>>, vector<16xf32>,
        %mul3A_1363 = arith.mulf %sub3A_1358, %get3A_1362 : vector<16xf32>
        %get3A_1364 = arith.index_cast %mul3A_1340 : i32 to index
        %get3A_1365 = tpu.vector_load %arg40[%get3A_1364] {strides = array<i32>} : memref<2048xf32, #tpu.memory_space<vmem>>, vector<16xf32>,
        %get3A_1366 = arith.constant 2 : i32
        %get3A_1367 = arith.index_cast %get3A_1366 : i32 to index
        %get3A_1368 = arith.constant 0 : index
        %get3A_1369 = tpu.vector_load %arg11[%get3A_1367, %get3A_1368] {strides = array<i32>} : memref<6x16xf32, #tpu.memory_space<vmem>>, vector<16xf32>,
        %sub3A_1370 = arith.subf %get3A_1365, %get3A_1369 : vector<16xf32>
        %get3A_1371 = arith.constant 5 : i32
        %get3A_1372 = arith.index_cast %get3A_1371 : i32 to index
        %get3A_1373 = arith.constant 0 : index
        %get3A_1374 = tpu.vector_load %arg11[%get3A_1372, %get3A_1373] {strides = array<i32>} : memref<6x16xf32, #tpu.memory_space<vmem>>, vector<16xf32>,
        %mul3A_1375 = arith.mulf %sub3A_1370, %get3A_1374 : vector<16xf32>
        %convert_element_type3A_1376 = arith.fptosi %mul3A_1351 : vector<16xf32> to vector<16xi32>
        %convert_element_type3A_1377 = arith.fptosi %mul3A_1363 : vector<16xf32> to vector<16xi32>
        %convert_element_type3A_1378 = arith.fptosi %mul3A_1375 : vector<16xf32> to vector<16xi32>
        %mul3A_1379 = arith.constant 16 : i32
        %mul3A_1380 = vector.broadcast %mul3A_1379 : i32 to vector<16xi32>
        %mul3A_1381 = arith.muli %convert_element_type3A_1376, %mul3A_1380 : vector<16xi32>
        %mul3A_1382 = arith.constant 4 : i32
        %mul3A_1383 = vector.broadcast %mul3A_1382 : i32 to vector<16xi32>
        %mul3A_1384 = arith.muli %convert_element_type3A_1377, %mul3A_1383 : vector<16xi32>
        %add3A_1385 = arith.addi %mul3A_1381, %mul3A_1384 : vector<16xi32>
        %add3A_1386 = arith.addi %add3A_1385, %convert_element_type3A_1378 : vector<16xi32>
        %broadcast_in_dim3A_1387 = arith.constant true
        %broadcast_in_dim3A_1388 = vector.broadcast %broadcast_in_dim3A_1387 : i1 to vector<16xi1>
        %unique3A, %unique3A_1389 = tpu.scan_count mask(%broadcast_in_dim3A_1388 : vector<16xi1>) value(%add3A_1386 : vector<16xi32>) : vector<16xi1>, vector<16xi32>
        %gather3A_1390 = tpu.vector_load_idx %arg10[%add3A_1386] : memref<64xi32, #tpu.memory_space<vmem>>[vector<16xi32>], vector<16xi32>,
        %add3A_1391 = arith.addi %gather3A_1390, %unique3A_1389 : vector<16xi32>
        tpu.vector_store_idx %arg10[%add3A_1386], %unique3A_1389 masked %unique3A {add = true} : memref<64xi32, #tpu.memory_space<vmem>>[vector<16xi32>], vector<16xi32>, vector<16xi1>
        %swap3A_1392 = arith.index_cast %mul3A_1340 : i32 to index
        %swap3A_1393 = tpu.vector_load %arg60[%swap3A_1392] {strides = array<i32>} : memref<2048xi32, #tpu.memory_space<vmem>>, vector<16xi32>,
        tpu.vector_store %arg60[%swap3A_1392], %add3A_1391 {strides = array<i32>} : memref<2048xi32, #tpu.memory_space<vmem>>, vector<16xi32>,
        %convert_element_type3A_1394 = arith.sitofp %convert_element_type3A_1376 : vector<16xi32> to vector<16xf32>
        %sub3A_1395 = arith.subf %mul3A_1351, %convert_element_type3A_1394 : vector<16xf32>
        %mul3A_1396 = arith.mulf %sub3A_1395, %broadcast_in_dim3A_1211 : vector<16xf32>
        %convert_element_type3A_1397 = arith.sitofp %convert_element_type3A_1377 : vector<16xi32> to vector<16xf32>
        %sub3A_1398 = arith.subf %mul3A_1363, %convert_element_type3A_1397 : vector<16xf32>
        %mul3A_1399 = arith.mulf %sub3A_1398, %broadcast_in_dim3A_1211 : vector<16xf32>
        %convert_element_type3A_1400 = arith.sitofp %convert_element_type3A_1378 : vector<16xi32> to vector<16xf32>
        %sub3A_1401 = arith.subf %mul3A_1375, %convert_element_type3A_1400 : vector<16xf32>
        %mul3A_1402 = arith.mulf %sub3A_1401, %broadcast_in_dim3A_1211 : vector<16xf32>
        %convert_element_type3A_1403 = arith.fptosi %mul3A_1396 : vector<16xf32> to vector<16xi32>
        %convert_element_type3A_1404 = arith.fptosi %mul3A_1399 : vector<16xf32> to vector<16xi32>
        %convert_element_type3A_1405 = arith.fptosi %mul3A_1402 : vector<16xf32> to vector<16xi32>
        %convert_element_type3A_1406 = arith.sitofp %convert_element_type3A_1403 : vector<16xi32> to vector<16xf32>
        %sub3A_1407 = arith.subf %mul3A_1396, %convert_element_type3A_1406 : vector<16xf32>
        %swap3A_1408 = arith.index_cast %mul3A_1340 : i32 to index
        %swap3A_1409 = tpu.vector_load %arg57[%swap3A_1408] {strides = array<i32>} : memref<2048xf32, #tpu.memory_space<vmem>>, vector<16xf32>,
        tpu.vector_store %arg57[%swap3A_1408], %sub3A_1407 {strides = array<i32>} : memref<2048xf32, #tpu.memory_space<vmem>>, vector<16xf32>,
        %convert_element_type3A_1410 = arith.sitofp %convert_element_type3A_1404 : vector<16xi32> to vector<16xf32>
        %sub3A_1411 = arith.subf %mul3A_1399, %convert_element_type3A_1410 : vector<16xf32>
        %swap3A_1412 = arith.index_cast %mul3A_1340 : i32 to index
        %swap3A_1413 = tpu.vector_load %arg58[%swap3A_1412] {strides = array<i32>} : memref<2048xf32, #tpu.memory_space<vmem>>, vector<16xf32>,
        tpu.vector_store %arg58[%swap3A_1412], %sub3A_1411 {strides = array<i32>} : memref<2048xf32, #tpu.memory_space<vmem>>, vector<16xf32>,
        %convert_element_type3A_1414 = arith.sitofp %convert_element_type3A_1405 : vector<16xi32> to vector<16xf32>
        %sub3A_1415 = arith.subf %mul3A_1402, %convert_element_type3A_1414 : vector<16xf32>
        %swap3A_1416 = arith.index_cast %mul3A_1340 : i32 to index
        %swap3A_1417 = tpu.vector_load %arg59[%swap3A_1416] {strides = array<i32>} : memref<2048xf32, #tpu.memory_space<vmem>>, vector<16xf32>,
        tpu.vector_store %arg59[%swap3A_1416], %sub3A_1415 {strides = array<i32>} : memref<2048xf32, #tpu.memory_space<vmem>>, vector<16xf32>,
        %mul3A_1418 = arith.constant 262144 : i32
        %mul3A_1419 = vector.broadcast %mul3A_1418 : i32 to vector<16xi32>
        %mul3A_1420 = arith.muli %add3A_1386, %mul3A_1419 : vector<16xi32>
        %mul3A_1421 = arith.constant 4096 : i32
        %mul3A_1422 = vector.broadcast %mul3A_1421 : i32 to vector<16xi32>
        %mul3A_1423 = arith.muli %convert_element_type3A_1405, %mul3A_1422 : vector<16xi32>
        %add3A_1424 = arith.addi %mul3A_1420, %mul3A_1423 : vector<16xi32>
        %mul3A_1425 = arith.constant 64 : i32
        %mul3A_1426 = vector.broadcast %mul3A_1425 : i32 to vector<16xi32>
        %mul3A_1427 = arith.muli %convert_element_type3A_1404, %mul3A_1426 : vector<16xi32>
        %add3A_1428 = arith.addi %add3A_1424, %mul3A_1427 : vector<16xi32>
        %add3A_1429 = arith.constant 64 : i32
        %add3A_1430 = vector.broadcast %add3A_1429 : i32 to vector<16xi32>
        %add3A_1431 = arith.addi %add3A_1428, %add3A_1430 : vector<16xi32>
        %add3A_1432 = arith.constant 4096 : i32
        %add3A_1433 = vector.broadcast %add3A_1432 : i32 to vector<16xi32>
        %add3A_1434 = arith.addi %add3A_1428, %add3A_1433 : vector<16xi32>
        %add3A_1435 = arith.constant 4096 : i32
        %add3A_1436 = vector.broadcast %add3A_1435 : i32 to vector<16xi32>
        %add3A_1437 = arith.addi %add3A_1431, %add3A_1436 : vector<16xi32>
        %add3A_1438 = arith.addi %add3A_1428, %convert_element_type3A_1403 : vector<16xi32>
        %add3A_1439 = arith.addi %add3A_1431, %convert_element_type3A_1403 : vector<16xi32>
        %add3A_1440 = arith.addi %add3A_1434, %convert_element_type3A_1403 : vector<16xi32>
        %add3A_1441 = arith.addi %add3A_1437, %convert_element_type3A_1403 : vector<16xi32>
        %swap3A_1442 = arith.index_cast %mul3A_1340 : i32 to index
        %swap3A_1443 = tpu.vector_load %arg41[%swap3A_1442] {strides = array<i32>} : memref<2048xi32, #tpu.memory_space<vmem>>, vector<16xi32>,
        tpu.vector_store %arg41[%swap3A_1442], %add3A_1438 {strides = array<i32>} : memref<2048xi32, #tpu.memory_space<vmem>>, vector<16xi32>,
        %add3A_1444 = arith.constant 1 : i32
        %add3A_1445 = vector.broadcast %add3A_1444 : i32 to vector<16xi32>
        %add3A_1446 = arith.addi %add3A_1438, %add3A_1445 : vector<16xi32>
        %swap3A_1447 = arith.index_cast %mul3A_1340 : i32 to index
        %swap3A_1448 = tpu.vector_load %arg42[%swap3A_1447] {strides = array<i32>} : memref<2048xi32, #tpu.memory_space<vmem>>, vector<16xi32>,
        tpu.vector_store %arg42[%swap3A_1447], %add3A_1446 {strides = array<i32>} : memref<2048xi32, #tpu.memory_space<vmem>>, vector<16xi32>,
        %swap3A_1449 = arith.index_cast %mul3A_1340 : i32 to index
        %swap3A_1450 = tpu.vector_load %arg43[%swap3A_1449] {strides = array<i32>} : memref<2048xi32, #tpu.memory_space<vmem>>, vector<16xi32>,
        tpu.vector_store %arg43[%swap3A_1449], %add3A_1439 {strides = array<i32>} : memref<2048xi32, #tpu.memory_space<vmem>>, vector<16xi32>,
        %add3A_1451 = arith.constant 1 : i32
        %add3A_1452 = vector.broadcast %add3A_1451 : i32 to vector<16xi32>
        %add3A_1453 = arith.addi %add3A_1439, %add3A_1452 : vector<16xi32>
        %swap3A_1454 = arith.index_cast %mul3A_1340 : i32 to index
        %swap3A_1455 = tpu.vector_load %arg44[%swap3A_1454] {strides = array<i32>} : memref<2048xi32, #tpu.memory_space<vmem>>, vector<16xi32>,
        tpu.vector_store %arg44[%swap3A_1454], %add3A_1453 {strides = array<i32>} : memref<2048xi32, #tpu.memory_space<vmem>>, vector<16xi32>,
        %swap3A_1456 = arith.index_cast %mul3A_1340 : i32 to index
        %swap3A_1457 = tpu.vector_load %arg45[%swap3A_1456] {strides = array<i32>} : memref<2048xi32, #tpu.memory_space<vmem>>, vector<16xi32>,
        tpu.vector_store %arg45[%swap3A_1456], %add3A_1440 {strides = array<i32>} : memref<2048xi32, #tpu.memory_space<vmem>>, vector<16xi32>,
        %add3A_1458 = arith.constant 1 : i32
        %add3A_1459 = vector.broadcast %add3A_1458 : i32 to vector<16xi32>
        %add3A_1460 = arith.addi %add3A_1440, %add3A_1459 : vector<16xi32>
        %swap3A_1461 = arith.index_cast %mul3A_1340 : i32 to index
        %swap3A_1462 = tpu.vector_load %arg46[%swap3A_1461] {strides = array<i32>} : memref<2048xi32, #tpu.memory_space<vmem>>, vector<16xi32>,
        tpu.vector_store %arg46[%swap3A_1461], %add3A_1460 {strides = array<i32>} : memref<2048xi32, #tpu.memory_space<vmem>>, vector<16xi32>,
        %swap3A_1463 = arith.index_cast %mul3A_1340 : i32 to index
        %swap3A_1464 = tpu.vector_load %arg47[%swap3A_1463] {strides = array<i32>} : memref<2048xi32, #tpu.memory_space<vmem>>, vector<16xi32>,
        tpu.vector_store %arg47[%swap3A_1463], %add3A_1441 {strides = array<i32>} : memref<2048xi32, #tpu.memory_space<vmem>>, vector<16xi32>,
        %add3A_1465 = arith.constant 1 : i32
        %add3A_1466 = vector.broadcast %add3A_1465 : i32 to vector<16xi32>
        %add3A_1467 = arith.addi %add3A_1441, %add3A_1466 : vector<16xi32>
        %swap3A_1468 = arith.index_cast %mul3A_1340 : i32 to index
        %swap3A_1469 = tpu.vector_load %arg48[%swap3A_1468] {strides = array<i32>} : memref<2048xi32, #tpu.memory_space<vmem>>, vector<16xi32>,
        tpu.vector_store %arg48[%swap3A_1468], %add3A_1467 {strides = array<i32>} : memref<2048xi32, #tpu.memory_space<vmem>>, vector<16xi32>,
        %mul3A_1470 = arith.constant 2 : i32
        %mul3A_1471 = arith.muli %scan3A_1334, %mul3A_1470 : i32
        %add3A_1472 = arith.constant 1 : i32
        %add3A_1473 = arith.addi %mul3A_1471, %add3A_1472 : i32
        %mul3A_1474 = arith.constant 16 : i32
        %mul3A_1475 = arith.muli %add3A_1473, %mul3A_1474 : i32
        %get3A_1476 = arith.index_cast %mul3A_1475 : i32 to index
        %get3A_1477 = tpu.vector_load %arg38[%get3A_1476] {strides = array<i32>} : memref<2048xf32, #tpu.memory_space<vmem>>, vector<16xf32>,
        %get3A_1478 = arith.constant 0 : i32
        %get3A_1479 = arith.index_cast %get3A_1478 : i32 to index
        %get3A_1480 = arith.constant 0 : index
        %get3A_1481 = tpu.vector_load %arg11[%get3A_1479, %get3A_1480] {strides = array<i32>} : memref<6x16xf32, #tpu.memory_space<vmem>>, vector<16xf32>,
        %sub3A_1482 = arith.subf %get3A_1477, %get3A_1481 : vector<16xf32>
        %get3A_1483 = arith.constant 3 : i32
        %get3A_1484 = arith.index_cast %get3A_1483 : i32 to index
        %get3A_1485 = arith.constant 0 : index
        %get3A_1486 = tpu.vector_load %arg11[%get3A_1484, %get3A_1485] {strides = array<i32>} : memref<6x16xf32, #tpu.memory_space<vmem>>, vector<16xf32>,
        %mul3A_1487 = arith.mulf %sub3A_1482, %get3A_1486 : vector<16xf32>
        %get3A_1488 = arith.index_cast %mul3A_1475 : i32 to index
        %get3A_1489 = tpu.vector_load %arg39[%get3A_1488] {strides = array<i32>} : memref<2048xf32, #tpu.memory_space<vmem>>, vector<16xf32>,
        %get3A_1490 = arith.constant 1 : i32
        %get3A_1491 = arith.index_cast %get3A_1490 : i32 to index
        %get3A_1492 = arith.constant 0 : index
        %get3A_1493 = tpu.vector_load %arg11[%get3A_1491, %get3A_1492] {strides = array<i32>} : memref<6x16xf32, #tpu.memory_space<vmem>>, vector<16xf32>,
        %sub3A_1494 = arith.subf %get3A_1489, %get3A_1493 : vector<16xf32>
        %get3A_1495 = arith.constant 4 : i32
        %get3A_1496 = arith.index_cast %get3A_1495 : i32 to index
        %get3A_1497 = arith.constant 0 : index
        %get3A_1498 = tpu.vector_load %arg11[%get3A_1496, %get3A_1497] {strides = array<i32>} : memref<6x16xf32, #tpu.memory_space<vmem>>, vector<16xf32>,
        %mul3A_1499 = arith.mulf %sub3A_1494, %get3A_1498 : vector<16xf32>
        %get3A_1500 = arith.index_cast %mul3A_1475 : i32 to index
        %get3A_1501 = tpu.vector_load %arg40[%get3A_1500] {strides = array<i32>} : memref<2048xf32, #tpu.memory_space<vmem>>, vector<16xf32>,
        %get3A_1502 = arith.constant 2 : i32
        %get3A_1503 = arith.index_cast %get3A_1502 : i32 to index
        %get3A_1504 = arith.constant 0 : index
        %get3A_1505 = tpu.vector_load %arg11[%get3A_1503, %get3A_1504] {strides = array<i32>} : memref<6x16xf32, #tpu.memory_space<vmem>>, vector<16xf32>,
        %sub3A_1506 = arith.subf %get3A_1501, %get3A_1505 : vector<16xf32>
        %get3A_1507 = arith.constant 5 : i32
        %get3A_1508 = arith.index_cast %get3A_1507 : i32 to index
        %get3A_1509 = arith.constant 0 : index
        %get3A_1510 = tpu.vector_load %arg11[%get3A_1508, %get3A_1509] {strides = array<i32>} : memref<6x16xf32, #tpu.memory_space<vmem>>, vector<16xf32>,
        %mul3A_1511 = arith.mulf %sub3A_1506, %get3A_1510 : vector<16xf32>
        %convert_element_type3A_1512 = arith.fptosi %mul3A_1487 : vector<16xf32> to vector<16xi32>
        %convert_element_type3A_1513 = arith.fptosi %mul3A_1499 : vector<16xf32> to vector<16xi32>
        %convert_element_type3A_1514 = arith.fptosi %mul3A_1511 : vector<16xf32> to vector<16xi32>
        %mul3A_1515 = arith.constant 16 : i32
        %mul3A_1516 = vector.broadcast %mul3A_1515 : i32 to vector<16xi32>
        %mul3A_1517 = arith.muli %convert_element_type3A_1512, %mul3A_1516 : vector<16xi32>
        %mul3A_1518 = arith.constant 4 : i32
        %mul3A_1519 = vector.broadcast %mul3A_1518 : i32 to vector<16xi32>
        %mul3A_1520 = arith.muli %convert_element_type3A_1513, %mul3A_1519 : vector<16xi32>
        %add3A_1521 = arith.addi %mul3A_1517, %mul3A_1520 : vector<16xi32>
        %add3A_1522 = arith.addi %add3A_1521, %convert_element_type3A_1514 : vector<16xi32>
        %broadcast_in_dim3A_1523 = arith.constant true
        %broadcast_in_dim3A_1524 = vector.broadcast %broadcast_in_dim3A_1523 : i1 to vector<16xi1>
        %unique3A_1525, %unique3A_1526 = tpu.scan_count mask(%broadcast_in_dim3A_1524 : vector<16xi1>) value(%add3A_1522 : vector<16xi32>) : vector<16xi1>, vector<16xi32>
        %gather3A_1527 = tpu.vector_load_idx %arg10[%add3A_1522] : memref<64xi32, #tpu.memory_space<vmem>>[vector<16xi32>], vector<16xi32>,
        %add3A_1528 = arith.addi %gather3A_1527, %unique3A_1526 : vector<16xi32>
        tpu.vector_store_idx %arg10[%add3A_1522], %unique3A_1526 masked %unique3A_1525 {add = true} : memref<64xi32, #tpu.memory_space<vmem>>[vector<16xi32>], vector<16xi32>, vector<16xi1>
        %swap3A_1529 = arith.index_cast %mul3A_1475 : i32 to index
        %swap3A_1530 = tpu.vector_load %arg60[%swap3A_1529] {strides = array<i32>} : memref<2048xi32, #tpu.memory_space<vmem>>, vector<16xi32>,
        tpu.vector_store %arg60[%swap3A_1529], %add3A_1528 {strides = array<i32>} : memref<2048xi32, #tpu.memory_space<vmem>>, vector<16xi32>,
        %convert_element_type3A_1531 = arith.sitofp %convert_element_type3A_1512 : vector<16xi32> to vector<16xf32>
        %sub3A_1532 = arith.subf %mul3A_1487, %convert_element_type3A_1531 : vector<16xf32>
        %mul3A_1533 = arith.mulf %sub3A_1532, %broadcast_in_dim3A_1211 : vector<16xf32>
        %convert_element_type3A_1534 = arith.sitofp %convert_element_type3A_1513 : vector<16xi32> to vector<16xf32>
        %sub3A_1535 = arith.subf %mul3A_1499, %convert_element_type3A_1534 : vector<16xf32>
        %mul3A_1536 = arith.mulf %sub3A_1535, %broadcast_in_dim3A_1211 : vector<16xf32>
        %convert_element_type3A_1537 = arith.sitofp %convert_element_type3A_1514 : vector<16xi32> to vector<16xf32>
        %sub3A_1538 = arith.subf %mul3A_1511, %convert_element_type3A_1537 : vector<16xf32>
        %mul3A_1539 = arith.mulf %sub3A_1538, %broadcast_in_dim3A_1211 : vector<16xf32>
        %convert_element_type3A_1540 = arith.fptosi %mul3A_1533 : vector<16xf32> to vector<16xi32>
        %convert_element_type3A_1541 = arith.fptosi %mul3A_1536 : vector<16xf32> to vector<16xi32>
        %convert_element_type3A_1542 = arith.fptosi %mul3A_1539 : vector<16xf32> to vector<16xi32>
        %convert_element_type3A_1543 = arith.sitofp %convert_element_type3A_1540 : vector<16xi32> to vector<16xf32>
        %sub3A_1544 = arith.subf %mul3A_1533, %convert_element_type3A_1543 : vector<16xf32>
        %swap3A_1545 = arith.index_cast %mul3A_1475 : i32 to index
        %swap3A_1546 = tpu.vector_load %arg57[%swap3A_1545] {strides = array<i32>} : memref<2048xf32, #tpu.memory_space<vmem>>, vector<16xf32>,
        tpu.vector_store %arg57[%swap3A_1545], %sub3A_1544 {strides = array<i32>} : memref<2048xf32, #tpu.memory_space<vmem>>, vector<16xf32>,
        %convert_element_type3A_1547 = arith.sitofp %convert_element_type3A_1541 : vector<16xi32> to vector<16xf32>
        %sub3A_1548 = arith.subf %mul3A_1536, %convert_element_type3A_1547 : vector<16xf32>
        %swap3A_1549 = arith.index_cast %mul3A_1475 : i32 to index
        %swap3A_1550 = tpu.vector_load %arg58[%swap3A_1549] {strides = array<i32>} : memref<2048xf32, #tpu.memory_space<vmem>>, vector<16xf32>,
        tpu.vector_store %arg58[%swap3A_1549], %sub3A_1548 {strides = array<i32>} : memref<2048xf32, #tpu.memory_space<vmem>>, vector<16xf32>,
        %convert_element_type3A_1551 = arith.sitofp %convert_element_type3A_1542 : vector<16xi32> to vector<16xf32>
        %sub3A_1552 = arith.subf %mul3A_1539, %convert_element_type3A_1551 : vector<16xf32>
        %swap3A_1553 = arith.index_cast %mul3A_1475 : i32 to index
        %swap3A_1554 = tpu.vector_load %arg59[%swap3A_1553] {strides = array<i32>} : memref<2048xf32, #tpu.memory_space<vmem>>, vector<16xf32>,
        tpu.vector_store %arg59[%swap3A_1553], %sub3A_1552 {strides = array<i32>} : memref<2048xf32, #tpu.memory_space<vmem>>, vector<16xf32>,
        %mul3A_1555 = arith.constant 262144 : i32
        %mul3A_1556 = vector.broadcast %mul3A_1555 : i32 to vector<16xi32>
        %mul3A_1557 = arith.muli %add3A_1522, %mul3A_1556 : vector<16xi32>
        %mul3A_1558 = arith.constant 4096 : i32
        %mul3A_1559 = vector.broadcast %mul3A_1558 : i32 to vector<16xi32>
        %mul3A_1560 = arith.muli %convert_element_type3A_1542, %mul3A_1559 : vector<16xi32>
        %add3A_1561 = arith.addi %mul3A_1557, %mul3A_1560 : vector<16xi32>
        %mul3A_1562 = arith.constant 64 : i32
        %mul3A_1563 = vector.broadcast %mul3A_1562 : i32 to vector<16xi32>
        %mul3A_1564 = arith.muli %convert_element_type3A_1541, %mul3A_1563 : vector<16xi32>
        %add3A_1565 = arith.addi %add3A_1561, %mul3A_1564 : vector<16xi32>
        %add3A_1566 = arith.constant 64 : i32
        %add3A_1567 = vector.broadcast %add3A_1566 : i32 to vector<16xi32>
        %add3A_1568 = arith.addi %add3A_1565, %add3A_1567 : vector<16xi32>
        %add3A_1569 = arith.constant 4096 : i32
        %add3A_1570 = vector.broadcast %add3A_1569 : i32 to vector<16xi32>
        %add3A_1571 = arith.addi %add3A_1565, %add3A_1570 : vector<16xi32>
        %add3A_1572 = arith.constant 4096 : i32
        %add3A_1573 = vector.broadcast %add3A_1572 : i32 to vector<16xi32>
        %add3A_1574 = arith.addi %add3A_1568, %add3A_1573 : vector<16xi32>
        %add3A_1575 = arith.addi %add3A_1565, %convert_element_type3A_1540 : vector<16xi32>
        %add3A_1576 = arith.addi %add3A_1568, %convert_element_type3A_1540 : vector<16xi32>
        %add3A_1577 = arith.addi %add3A_1571, %convert_element_type3A_1540 : vector<16xi32>
        %add3A_1578 = arith.addi %add3A_1574, %convert_element_type3A_1540 : vector<16xi32>
        %swap3A_1579 = arith.index_cast %mul3A_1475 : i32 to index
        %swap3A_1580 = tpu.vector_load %arg41[%swap3A_1579] {strides = array<i32>} : memref<2048xi32, #tpu.memory_space<vmem>>, vector<16xi32>,
        tpu.vector_store %arg41[%swap3A_1579], %add3A_1575 {strides = array<i32>} : memref<2048xi32, #tpu.memory_space<vmem>>, vector<16xi32>,
        %add3A_1581 = arith.constant 1 : i32
        %add3A_1582 = vector.broadcast %add3A_1581 : i32 to vector<16xi32>
        %add3A_1583 = arith.addi %add3A_1575, %add3A_1582 : vector<16xi32>
        %swap3A_1584 = arith.index_cast %mul3A_1475 : i32 to index
        %swap3A_1585 = tpu.vector_load %arg42[%swap3A_1584] {strides = array<i32>} : memref<2048xi32, #tpu.memory_space<vmem>>, vector<16xi32>,
        tpu.vector_store %arg42[%swap3A_1584], %add3A_1583 {strides = array<i32>} : memref<2048xi32, #tpu.memory_space<vmem>>, vector<16xi32>,
        %swap3A_1586 = arith.index_cast %mul3A_1475 : i32 to index
        %swap3A_1587 = tpu.vector_load %arg43[%swap3A_1586] {strides = array<i32>} : memref<2048xi32, #tpu.memory_space<vmem>>, vector<16xi32>,
        tpu.vector_store %arg43[%swap3A_1586], %add3A_1576 {strides = array<i32>} : memref<2048xi32, #tpu.memory_space<vmem>>, vector<16xi32>,
        %add3A_1588 = arith.constant 1 : i32
        %add3A_1589 = vector.broadcast %add3A_1588 : i32 to vector<16xi32>
        %add3A_1590 = arith.addi %add3A_1576, %add3A_1589 : vector<16xi32>
        %swap3A_1591 = arith.index_cast %mul3A_1475 : i32 to index
        %swap3A_1592 = tpu.vector_load %arg44[%swap3A_1591] {strides = array<i32>} : memref<2048xi32, #tpu.memory_space<vmem>>, vector<16xi32>,
        tpu.vector_store %arg44[%swap3A_1591], %add3A_1590 {strides = array<i32>} : memref<2048xi32, #tpu.memory_space<vmem>>, vector<16xi32>,
        %swap3A_1593 = arith.index_cast %mul3A_1475 : i32 to index
        %swap3A_1594 = tpu.vector_load %arg45[%swap3A_1593] {strides = array<i32>} : memref<2048xi32, #tpu.memory_space<vmem>>, vector<16xi32>,
        tpu.vector_store %arg45[%swap3A_1593], %add3A_1577 {strides = array<i32>} : memref<2048xi32, #tpu.memory_space<vmem>>, vector<16xi32>,
        %add3A_1595 = arith.constant 1 : i32
        %add3A_1596 = vector.broadcast %add3A_1595 : i32 to vector<16xi32>
        %add3A_1597 = arith.addi %add3A_1577, %add3A_1596 : vector<16xi32>
        %swap3A_1598 = arith.index_cast %mul3A_1475 : i32 to index
        %swap3A_1599 = tpu.vector_load %arg46[%swap3A_1598] {strides = array<i32>} : memref<2048xi32, #tpu.memory_space<vmem>>, vector<16xi32>,
        tpu.vector_store %arg46[%swap3A_1598], %add3A_1597 {strides = array<i32>} : memref<2048xi32, #tpu.memory_space<vmem>>, vector<16xi32>,
        %swap3A_1600 = arith.index_cast %mul3A_1475 : i32 to index
        %swap3A_1601 = tpu.vector_load %arg47[%swap3A_1600] {strides = array<i32>} : memref<2048xi32, #tpu.memory_space<vmem>>, vector<16xi32>,
        tpu.vector_store %arg47[%swap3A_1600], %add3A_1578 {strides = array<i32>} : memref<2048xi32, #tpu.memory_space<vmem>>, vector<16xi32>,
        %add3A_1602 = arith.constant 1 : i32
        %add3A_1603 = vector.broadcast %add3A_1602 : i32 to vector<16xi32>
        %add3A_1604 = arith.addi %add3A_1578, %add3A_1603 : vector<16xi32>
        %swap3A_1605 = arith.index_cast %mul3A_1475 : i32 to index
        %swap3A_1606 = tpu.vector_load %arg48[%swap3A_1605] {strides = array<i32>} : memref<2048xi32, #tpu.memory_space<vmem>>, vector<16xi32>,
        tpu.vector_store %arg48[%swap3A_1605], %add3A_1604 {strides = array<i32>} : memref<2048xi32, #tpu.memory_space<vmem>>, vector<16xi32>,
      }
      %scan3A_1264 = arith.constant 64 : i32
      %dma_start3A_1265 = arith.constant 0 : i32
      %dma_start3A_1266 = tpu.memref_slice %arg5[%dma_start3A_1265] : memref<16777216xf32, #tpu.memory_space<hbm>> -> memref<16777216xf32, #tpu.memory_space<hbm>>
      tpu.enqueue_indirect_dma source(%dma_start3A_1266 : memref<16777216xf32, #tpu.memory_space<hbm>>) target(%arg49 : memref<2048xf32, #tpu.memory_space<vmem>>) offsets(%arg41 : memref<2048xi32, #tpu.memory_space<vmem>>) semaphore(%arg62 : memref<!tpu.dma_semaphore, #tpu.memory_space<semaphore_mem>>)
      %dma_start3A_1267 = arith.constant 0 : i32
      %dma_start3A_1268 = tpu.memref_slice %arg5[%dma_start3A_1267] : memref<16777216xf32, #tpu.memory_space<hbm>> -> memref<16777216xf32, #tpu.memory_space<hbm>>
      tpu.enqueue_indirect_dma source(%dma_start3A_1268 : memref<16777216xf32, #tpu.memory_space<hbm>>) target(%arg50 : memref<2048xf32, #tpu.memory_space<vmem>>) offsets(%arg42 : memref<2048xi32, #tpu.memory_space<vmem>>) semaphore(%arg62 : memref<!tpu.dma_semaphore, #tpu.memory_space<semaphore_mem>>)
      %dma_start3A_1269 = arith.constant 0 : i32
      %dma_start3A_1270 = tpu.memref_slice %arg5[%dma_start3A_1269] : memref<16777216xf32, #tpu.memory_space<hbm>> -> memref<16777216xf32, #tpu.memory_space<hbm>>
      tpu.enqueue_indirect_dma source(%dma_start3A_1270 : memref<16777216xf32, #tpu.memory_space<hbm>>) target(%arg51 : memref<2048xf32, #tpu.memory_space<vmem>>) offsets(%arg43 : memref<2048xi32, #tpu.memory_space<vmem>>) semaphore(%arg62 : memref<!tpu.dma_semaphore, #tpu.memory_space<semaphore_mem>>)
      %dma_start3A_1271 = arith.constant 0 : i32
      %dma_start3A_1272 = tpu.memref_slice %arg5[%dma_start3A_1271] : memref<16777216xf32, #tpu.memory_space<hbm>> -> memref<16777216xf32, #tpu.memory_space<hbm>>
      tpu.enqueue_indirect_dma source(%dma_start3A_1272 : memref<16777216xf32, #tpu.memory_space<hbm>>) target(%arg52 : memref<2048xf32, #tpu.memory_space<vmem>>) offsets(%arg44 : memref<2048xi32, #tpu.memory_space<vmem>>) semaphore(%arg62 : memref<!tpu.dma_semaphore, #tpu.memory_space<semaphore_mem>>)
      %dma_start3A_1273 = arith.constant 0 : i32
      %dma_start3A_1274 = tpu.memref_slice %arg5[%dma_start3A_1273] : memref<16777216xf32, #tpu.memory_space<hbm>> -> memref<16777216xf32, #tpu.memory_space<hbm>>
      tpu.enqueue_indirect_dma source(%dma_start3A_1274 : memref<16777216xf32, #tpu.memory_space<hbm>>) target(%arg53 : memref<2048xf32, #tpu.memory_space<vmem>>) offsets(%arg45 : memref<2048xi32, #tpu.memory_space<vmem>>) semaphore(%arg62 : memref<!tpu.dma_semaphore, #tpu.memory_space<semaphore_mem>>)
      %dma_start3A_1275 = arith.constant 0 : i32
      %dma_start3A_1276 = tpu.memref_slice %arg5[%dma_start3A_1275] : memref<16777216xf32, #tpu.memory_space<hbm>> -> memref<16777216xf32, #tpu.memory_space<hbm>>
      tpu.enqueue_indirect_dma source(%dma_start3A_1276 : memref<16777216xf32, #tpu.memory_space<hbm>>) target(%arg54 : memref<2048xf32, #tpu.memory_space<vmem>>) offsets(%arg46 : memref<2048xi32, #tpu.memory_space<vmem>>) semaphore(%arg62 : memref<!tpu.dma_semaphore, #tpu.memory_space<semaphore_mem>>)
      %dma_start3A_1277 = arith.constant 0 : i32
      %dma_start3A_1278 = tpu.memref_slice %arg5[%dma_start3A_1277] : memref<16777216xf32, #tpu.memory_space<hbm>> -> memref<16777216xf32, #tpu.memory_space<hbm>>
      tpu.enqueue_indirect_dma source(%dma_start3A_1278 : memref<16777216xf32, #tpu.memory_space<hbm>>) target(%arg55 : memref<2048xf32, #tpu.memory_space<vmem>>) offsets(%arg47 : memref<2048xi32, #tpu.memory_space<vmem>>) semaphore(%arg62 : memref<!tpu.dma_semaphore, #tpu.memory_space<semaphore_mem>>)
      %dma_start3A_1279 = arith.constant 0 : i32
      %dma_start3A_1280 = tpu.memref_slice %arg5[%dma_start3A_1279] : memref<16777216xf32, #tpu.memory_space<hbm>> -> memref<16777216xf32, #tpu.memory_space<hbm>>
      tpu.enqueue_indirect_dma source(%dma_start3A_1280 : memref<16777216xf32, #tpu.memory_space<hbm>>) target(%arg56 : memref<2048xf32, #tpu.memory_space<vmem>>) offsets(%arg48 : memref<2048xi32, #tpu.memory_space<vmem>>) semaphore(%arg62 : memref<!tpu.dma_semaphore, #tpu.memory_space<semaphore_mem>>)
      %dma_wait3A_1281 = arith.constant 0 : i32
      %dma_wait3A_1282 = tpu.memref_slice %arg5[%dma_wait3A_1281] : memref<16777216xf32, #tpu.memory_space<hbm>> -> memref<16777216xf32, #tpu.memory_space<hbm>>
      tpu.wait_indirect_dma semaphore(%arg36 : memref<!tpu.dma_semaphore, #tpu.memory_space<semaphore_mem>>) src(%dma_wait3A_1282 : memref<16777216xf32, #tpu.memory_space<hbm>>) dst(%arg23 : memref<2048xf32, #tpu.memory_space<vmem>>)
      %dma_wait3A_1283 = arith.constant 0 : i32
      %dma_wait3A_1284 = tpu.memref_slice %arg5[%dma_wait3A_1283] : memref<16777216xf32, #tpu.memory_space<hbm>> -> memref<16777216xf32, #tpu.memory_space<hbm>>
      tpu.wait_indirect_dma semaphore(%arg36 : memref<!tpu.dma_semaphore, #tpu.memory_space<semaphore_mem>>) src(%dma_wait3A_1284 : memref<16777216xf32, #tpu.memory_space<hbm>>) dst(%arg24 : memref<2048xf32, #tpu.memory_space<vmem>>)
      %dma_wait3A_1285 = arith.constant 0 : i32
      %dma_wait3A_1286 = tpu.memref_slice %arg5[%dma_wait3A_1285] : memref<16777216xf32, #tpu.memory_space<hbm>> -> memref<16777216xf32, #tpu.memory_space<hbm>>
      tpu.wait_indirect_dma semaphore(%arg36 : memref<!tpu.dma_semaphore, #tpu.memory_space<semaphore_mem>>) src(%dma_wait3A_1286 : memref<16777216xf32, #tpu.memory_space<hbm>>) dst(%arg25 : memref<2048xf32, #tpu.memory_space<vmem>>)
      %dma_wait3A_1287 = arith.constant 0 : i32
      %dma_wait3A_1288 = tpu.memref_slice %arg5[%dma_wait3A_1287] : memref<16777216xf32, #tpu.memory_space<hbm>> -> memref<16777216xf32, #tpu.memory_space<hbm>>
      tpu.wait_indirect_dma semaphore(%arg36 : memref<!tpu.dma_semaphore, #tpu.memory_space<semaphore_mem>>) src(%dma_wait3A_1288 : memref<16777216xf32, #tpu.memory_space<hbm>>) dst(%arg26 : memref<2048xf32, #tpu.memory_space<vmem>>)
      %dma_wait3A_1289 = arith.constant 0 : i32
      %dma_wait3A_1290 = tpu.memref_slice %arg5[%dma_wait3A_1289] : memref<16777216xf32, #tpu.memory_space<hbm>> -> memref<16777216xf32, #tpu.memory_space<hbm>>
      tpu.wait_indirect_dma semaphore(%arg36 : memref<!tpu.dma_semaphore, #tpu.memory_space<semaphore_mem>>) src(%dma_wait3A_1290 : memref<16777216xf32, #tpu.memory_space<hbm>>) dst(%arg27 : memref<2048xf32, #tpu.memory_space<vmem>>)
      %dma_wait3A_1291 = arith.constant 0 : i32
      %dma_wait3A_1292 = tpu.memref_slice %arg5[%dma_wait3A_1291] : memref<16777216xf32, #tpu.memory_space<hbm>> -> memref<16777216xf32, #tpu.memory_space<hbm>>
      tpu.wait_indirect_dma semaphore(%arg36 : memref<!tpu.dma_semaphore, #tpu.memory_space<semaphore_mem>>) src(%dma_wait3A_1292 : memref<16777216xf32, #tpu.memory_space<hbm>>) dst(%arg28 : memref<2048xf32, #tpu.memory_space<vmem>>)
      %dma_wait3A_1293 = arith.constant 0 : i32
      %dma_wait3A_1294 = tpu.memref_slice %arg5[%dma_wait3A_1293] : memref<16777216xf32, #tpu.memory_space<hbm>> -> memref<16777216xf32, #tpu.memory_space<hbm>>
      tpu.wait_indirect_dma semaphore(%arg36 : memref<!tpu.dma_semaphore, #tpu.memory_space<semaphore_mem>>) src(%dma_wait3A_1294 : memref<16777216xf32, #tpu.memory_space<hbm>>) dst(%arg29 : memref<2048xf32, #tpu.memory_space<vmem>>)
      %dma_wait3A_1295 = arith.constant 0 : i32
      %dma_wait3A_1296 = tpu.memref_slice %arg5[%dma_wait3A_1295] : memref<16777216xf32, #tpu.memory_space<hbm>> -> memref<16777216xf32, #tpu.memory_space<hbm>>
      tpu.wait_indirect_dma semaphore(%arg36 : memref<!tpu.dma_semaphore, #tpu.memory_space<semaphore_mem>>) src(%dma_wait3A_1296 : memref<16777216xf32, #tpu.memory_space<hbm>>) dst(%arg30 : memref<2048xf32, #tpu.memory_space<vmem>>)
      %scan3A_1297 = arith.constant 0 : i32
      %scan3A_1298 = arith.constant 0 : i32
      %scan3A_1299 = arith.constant 128 : i32
      %scan3A_1300 = arith.addi %scan3A_1298, %scan3A_1299 : i32
      %scan3A_1301 = arith.constant 1 : i32
      scf.for %scan3A_1334 = %scan3A_1298 to %scan3A_1300 step %scan3A_1301  : i32 {
        %mul3A_1335 = arith.constant 16 : i32
        %mul3A_1336 = arith.muli %scan3A_1334, %mul3A_1335 : i32
        %get3A = arith.index_cast %mul3A_1336 : i32 to index
        %get3A_1337 = tpu.vector_load %arg31[%get3A] {strides = array<i32>} : memref<2048xf32, #tpu.memory_space<vmem>>, vector<16xf32>,
        %get3A_1338 = arith.index_cast %mul3A_1336 : i32 to index
        %get3A_1339 = tpu.vector_load %arg32[%get3A_1338] {strides = array<i32>} : memref<2048xf32, #tpu.memory_space<vmem>>, vector<16xf32>,
        %get3A_1340 = arith.index_cast %mul3A_1336 : i32 to index
        %get3A_1341 = tpu.vector_load %arg33[%get3A_1340] {strides = array<i32>} : memref<2048xf32, #tpu.memory_space<vmem>>, vector<16xf32>,
        %sub3A_1342 = arith.subf %broadcast_in_dim3A_1213, %get3A_1337 : vector<16xf32>
        %sub3A_1343 = arith.subf %broadcast_in_dim3A_1213, %get3A_1339 : vector<16xf32>
        %sub3A_1344 = arith.subf %broadcast_in_dim3A_1213, %get3A_1341 : vector<16xf32>
        %get3A_1345 = arith.index_cast %mul3A_1336 : i32 to index
        %get3A_1346 = tpu.vector_load %arg23[%get3A_1345] {strides = array<i32>} : memref<2048xf32, #tpu.memory_space<vmem>>, vector<16xf32>,
        %mul3A_1347 = arith.mulf %sub3A_1342, %get3A_1346 : vector<16xf32>
        %get3A_1348 = arith.index_cast %mul3A_1336 : i32 to index
        %get3A_1349 = tpu.vector_load %arg24[%get3A_1348] {strides = array<i32>} : memref<2048xf32, #tpu.memory_space<vmem>>, vector<16xf32>,
        %mul3A_1350 = arith.mulf %get3A_1337, %get3A_1349 : vector<16xf32>
        %add3A_1351 = arith.addf %mul3A_1347, %mul3A_1350 : vector<16xf32>
        %mul3A_1352 = arith.mulf %sub3A_1343, %add3A_1351 : vector<16xf32>
        %get3A_1353 = arith.index_cast %mul3A_1336 : i32 to index
        %get3A_1354 = tpu.vector_load %arg25[%get3A_1353] {strides = array<i32>} : memref<2048xf32, #tpu.memory_space<vmem>>, vector<16xf32>,
        %mul3A_1355 = arith.mulf %sub3A_1342, %get3A_1354 : vector<16xf32>
        %get3A_1356 = arith.index_cast %mul3A_1336 : i32 to index
        %get3A_1357 = tpu.vector_load %arg26[%get3A_1356] {strides = array<i32>} : memref<2048xf32, #tpu.memory_space<vmem>>, vector<16xf32>,
        %mul3A_1358 = arith.mulf %get3A_1337, %get3A_1357 : vector<16xf32>
        %add3A_1359 = arith.addf %mul3A_1355, %mul3A_1358 : vector<16xf32>
        %mul3A_1360 = arith.mulf %get3A_1339, %add3A_1359 : vector<16xf32>
        %add3A_1361 = arith.addf %mul3A_1352, %mul3A_1360 : vector<16xf32>
        %get3A_1362 = arith.index_cast %mul3A_1336 : i32 to index
        %get3A_1363 = tpu.vector_load %arg27[%get3A_1362] {strides = array<i32>} : memref<2048xf32, #tpu.memory_space<vmem>>, vector<16xf32>,
        %mul3A_1364 = arith.mulf %sub3A_1342, %get3A_1363 : vector<16xf32>
        %get3A_1365 = arith.index_cast %mul3A_1336 : i32 to index
        %get3A_1366 = tpu.vector_load %arg28[%get3A_1365] {strides = array<i32>} : memref<2048xf32, #tpu.memory_space<vmem>>, vector<16xf32>,
        %mul3A_1367 = arith.mulf %get3A_1337, %get3A_1366 : vector<16xf32>
        %add3A_1368 = arith.addf %mul3A_1364, %mul3A_1367 : vector<16xf32>
        %mul3A_1369 = arith.mulf %sub3A_1343, %add3A_1368 : vector<16xf32>
        %get3A_1370 = arith.index_cast %mul3A_1336 : i32 to index
        %get3A_1371 = tpu.vector_load %arg29[%get3A_1370] {strides = array<i32>} : memref<2048xf32, #tpu.memory_space<vmem>>, vector<16xf32>,
        %mul3A_1372 = arith.mulf %sub3A_1342, %get3A_1371 : vector<16xf32>
        %get3A_1373 = arith.index_cast %mul3A_1336 : i32 to index
        %get3A_1374 = tpu.vector_load %arg30[%get3A_1373] {strides = array<i32>} : memref<2048xf32, #tpu.memory_space<vmem>>, vector<16xf32>,
        %mul3A_1375 = arith.mulf %get3A_1337, %get3A_1374 : vector<16xf32>
        %add3A_1376 = arith.addf %mul3A_1372, %mul3A_1375 : vector<16xf32>
        %mul3A_1377 = arith.mulf %get3A_1339, %add3A_1376 : vector<16xf32>
        %add3A_1378 = arith.addf %mul3A_1369, %mul3A_1377 : vector<16xf32>
        %mul3A_1379 = arith.mulf %sub3A_1344, %add3A_1361 : vector<16xf32>
        %mul3A_1380 = arith.mulf %get3A_1341, %add3A_1378 : vector<16xf32>
        %add3A_1381 = arith.addf %mul3A_1379, %mul3A_1380 : vector<16xf32>
        %swap3A_1382 = arith.index_cast %mul3A_1336 : i32 to index
        %swap3A_1383 = tpu.vector_load %arg35[%swap3A_1382] {strides = array<i32>} : memref<2048xf32, #tpu.memory_space<vmem>>, vector<16xf32>,
        tpu.vector_store %arg35[%swap3A_1382], %add3A_1381 {strides = array<i32>} : memref<2048xf32, #tpu.memory_space<vmem>>, vector<16xf32>,
      }
      %scan3A_1302 = arith.constant 128 : i32
      %dma_start3A_1303 = arith.constant 0 : i32
      %dma_start3A_1304 = tpu.memref_slice %arg8[%dma_start3A_1303] : memref<2097152xf32, #tpu.memory_space<hbm>> -> memref<2097152xf32, #tpu.memory_space<hbm>>
      tpu.enqueue_indirect_dma source(%arg35 : memref<2048xf32, #tpu.memory_space<vmem>>) target(%dma_start3A_1304 : memref<2097152xf32, #tpu.memory_space<hbm>>) offsets(%arg34 : memref<2048xi32, #tpu.memory_space<vmem>>) semaphore(%arg37 : memref<!tpu.dma_semaphore, #tpu.memory_space<semaphore_mem>>)
      %lt3A_1305 = arith.constant 15 : i32
      %lt3A_1306 = arith.cmpi slt, %scan3A_1247, %lt3A_1305 : i32
      %convert_element_type3A_1307 = arith.extui %lt3A_1306 : i1 to i32
      %cond3A_1308 = arith.constant 0 : i32
      %cond3A_1309 = arith.cmpi ne, %convert_element_type3A_1307, %cond3A_1308 : i32
      scf.if %cond3A_1309 {
        %mul3A_1334 = arith.constant 2 : i32
        %mul3A_1335 = arith.muli %mul3A_1334, %scan3A_1247 : i32
        %add3A_1336 = arith.constant 2 : i32
        %add3A_1337 = arith.addi %mul3A_1335, %add3A_1336 : i32
        %ge3A_1338 = arith.constant 2 : i32
        %ge3A_1339 = arith.cmpi sge, %add3A_1337, %ge3A_1338 : i32
        %convert_element_type3A_1340 = arith.extui %ge3A_1339 : i1 to i32
        %cond3A_1341 = arith.constant 0 : i32
        %cond3A_1342 = arith.cmpi ne, %convert_element_type3A_1340, %cond3A_1341 : i32
        scf.if %cond3A_1342 {
          %dma_wait3A_1370 = arith.constant 0 : i32
          %dma_wait3A_1371 = tpu.memref_slice %arg8[%dma_wait3A_1370] : memref<2097152xf32, #tpu.memory_space<hbm>> -> memref<2097152xf32, #tpu.memory_space<hbm>>
          tpu.wait_indirect_dma semaphore(%arg37 : memref<!tpu.dma_semaphore, #tpu.memory_space<semaphore_mem>>) src(%arg35 : memref<2048xf32, #tpu.memory_space<vmem>>) dst(%dma_wait3A_1371 : memref<2097152xf32, #tpu.memory_space<hbm>>)
        } else {
        }
        %mul3A_1343 = arith.constant 65536 : i32
        %mul3A_1344 = arith.muli %add3A, %mul3A_1343 : i32
        %mul3A_1345 = arith.constant 2048 : i32
        %mul3A_1346 = arith.muli %add3A_1337, %mul3A_1345 : i32
        %add3A_1347 = arith.addi %mul3A_1344, %mul3A_1346 : i32
        "tpu.region"() ({
          %run_scoped3A = tpu.sem_alloc : memref<!tpu.dma_semaphore, #tpu.memory_space<semaphore_mem>>
          %dma_start3A_1370 = tpu.memref_slice %arg2[%add3A_1347] : memref<2097152xf32, #tpu.memory_space<hbm>> -> memref<2048xf32, #tpu.memory_space<hbm>>
          %dma_start3A_1371 = tpu.memref_slice %arg2[%add3A_1347] : memref<2097152xf32, #tpu.memory_space<hbm>> -> memref<2048xf32, #tpu.memory_space<hbm>>
          tpu.enqueue_dma source(%dma_start3A_1371 : memref<2048xf32, #tpu.memory_space<hbm>>) target(%arg12 : memref<2048xf32, #tpu.memory_space<vmem>>) target_semaphore(%run_scoped3A : memref<!tpu.dma_semaphore, #tpu.memory_space<semaphore_mem>>)
          %dma_wait3A_1372 = tpu.memref_slice %arg2[%add3A_1347] : memref<2097152xf32, #tpu.memory_space<hbm>> -> memref<2048xf32, #tpu.memory_space<hbm>>
          %dma_wait3A_1373 = tpu.memref_slice %arg2[%add3A_1347] : memref<2097152xf32, #tpu.memory_space<hbm>> -> memref<2048xf32, #tpu.memory_space<hbm>>
          tpu.wait_dma2 semaphore(%run_scoped3A : memref<!tpu.dma_semaphore, #tpu.memory_space<semaphore_mem>>) src(%dma_wait3A_1373 : memref<2048xf32, #tpu.memory_space<hbm>>) dst(%arg12 : memref<2048xf32, #tpu.memory_space<vmem>>)
          tpu.yield
        }) : () -> ()
        "tpu.region"() ({
          %run_scoped3A = tpu.sem_alloc : memref<!tpu.dma_semaphore, #tpu.memory_space<semaphore_mem>>
          %dma_start3A_1370 = tpu.memref_slice %arg3[%add3A_1347] : memref<2097152xf32, #tpu.memory_space<hbm>> -> memref<2048xf32, #tpu.memory_space<hbm>>
          %dma_start3A_1371 = tpu.memref_slice %arg3[%add3A_1347] : memref<2097152xf32, #tpu.memory_space<hbm>> -> memref<2048xf32, #tpu.memory_space<hbm>>
          tpu.enqueue_dma source(%dma_start3A_1371 : memref<2048xf32, #tpu.memory_space<hbm>>) target(%arg13 : memref<2048xf32, #tpu.memory_space<vmem>>) target_semaphore(%run_scoped3A : memref<!tpu.dma_semaphore, #tpu.memory_space<semaphore_mem>>)
          %dma_wait3A_1372 = tpu.memref_slice %arg3[%add3A_1347] : memref<2097152xf32, #tpu.memory_space<hbm>> -> memref<2048xf32, #tpu.memory_space<hbm>>
          %dma_wait3A_1373 = tpu.memref_slice %arg3[%add3A_1347] : memref<2097152xf32, #tpu.memory_space<hbm>> -> memref<2048xf32, #tpu.memory_space<hbm>>
          tpu.wait_dma2 semaphore(%run_scoped3A : memref<!tpu.dma_semaphore, #tpu.memory_space<semaphore_mem>>) src(%dma_wait3A_1373 : memref<2048xf32, #tpu.memory_space<hbm>>) dst(%arg13 : memref<2048xf32, #tpu.memory_space<vmem>>)
          tpu.yield
        }) : () -> ()
        "tpu.region"() ({
          %run_scoped3A = tpu.sem_alloc : memref<!tpu.dma_semaphore, #tpu.memory_space<semaphore_mem>>
          %dma_start3A_1370 = tpu.memref_slice %arg4[%add3A_1347] : memref<2097152xf32, #tpu.memory_space<hbm>> -> memref<2048xf32, #tpu.memory_space<hbm>>
          %dma_start3A_1371 = tpu.memref_slice %arg4[%add3A_1347] : memref<2097152xf32, #tpu.memory_space<hbm>> -> memref<2048xf32, #tpu.memory_space<hbm>>
          tpu.enqueue_dma source(%dma_start3A_1371 : memref<2048xf32, #tpu.memory_space<hbm>>) target(%arg14 : memref<2048xf32, #tpu.memory_space<vmem>>) target_semaphore(%run_scoped3A : memref<!tpu.dma_semaphore, #tpu.memory_space<semaphore_mem>>)
          %dma_wait3A_1372 = tpu.memref_slice %arg4[%add3A_1347] : memref<2097152xf32, #tpu.memory_space<hbm>> -> memref<2048xf32, #tpu.memory_space<hbm>>
          %dma_wait3A_1373 = tpu.memref_slice %arg4[%add3A_1347] : memref<2097152xf32, #tpu.memory_space<hbm>> -> memref<2048xf32, #tpu.memory_space<hbm>>
          tpu.wait_dma2 semaphore(%run_scoped3A : memref<!tpu.dma_semaphore, #tpu.memory_space<semaphore_mem>>) src(%dma_wait3A_1373 : memref<2048xf32, #tpu.memory_space<hbm>>) dst(%arg14 : memref<2048xf32, #tpu.memory_space<vmem>>)
          tpu.yield
        }) : () -> ()
        %scan3A_1348 = arith.constant 0 : i32
        %scan3A_1349 = arith.constant 0 : i32
        %scan3A_1350 = arith.constant 64 : i32
        %scan3A_1351 = arith.addi %scan3A_1349, %scan3A_1350 : i32
        %scan3A_1352 = arith.constant 1 : i32
        scf.for %scan3A_1370 = %scan3A_1349 to %scan3A_1351 step %scan3A_1352  : i32 {
          %mul3A_1371 = arith.constant 2 : i32
          %mul3A_1372 = arith.muli %scan3A_1370, %mul3A_1371 : i32
          %add3A_1373 = arith.constant 0 : i32
          %add3A_1374 = arith.addi %mul3A_1372, %add3A_1373 : i32
          %mul3A_1375 = arith.constant 16 : i32
          %mul3A_1376 = arith.muli %add3A_1374, %mul3A_1375 : i32
          %get3A = arith.index_cast %mul3A_1376 : i32 to index
          %get3A_1377 = tpu.vector_load %arg12[%get3A] {strides = array<i32>} : memref<2048xf32, #tpu.memory_space<vmem>>, vector<16xf32>,
          %get3A_1378 = arith.constant 0 : i32
          %get3A_1379 = arith.index_cast %get3A_1378 : i32 to index
          %get3A_1380 = arith.constant 0 : index
          %get3A_1381 = tpu.vector_load %arg11[%get3A_1379, %get3A_1380] {strides = array<i32>} : memref<6x16xf32, #tpu.memory_space<vmem>>, vector<16xf32>,
          %sub3A_1382 = arith.subf %get3A_1377, %get3A_1381 : vector<16xf32>
          %get3A_1383 = arith.constant 3 : i32
          %get3A_1384 = arith.index_cast %get3A_1383 : i32 to index
          %get3A_1385 = arith.constant 0 : index
          %get3A_1386 = tpu.vector_load %arg11[%get3A_1384, %get3A_1385] {strides = array<i32>} : memref<6x16xf32, #tpu.memory_space<vmem>>, vector<16xf32>,
          %mul3A_1387 = arith.mulf %sub3A_1382, %get3A_1386 : vector<16xf32>
          %get3A_1388 = arith.index_cast %mul3A_1376 : i32 to index
          %get3A_1389 = tpu.vector_load %arg13[%get3A_1388] {strides = array<i32>} : memref<2048xf32, #tpu.memory_space<vmem>>, vector<16xf32>,
          %get3A_1390 = arith.constant 1 : i32
          %get3A_1391 = arith.index_cast %get3A_1390 : i32 to index
          %get3A_1392 = arith.constant 0 : index
          %get3A_1393 = tpu.vector_load %arg11[%get3A_1391, %get3A_1392] {strides = array<i32>} : memref<6x16xf32, #tpu.memory_space<vmem>>, vector<16xf32>,
          %sub3A_1394 = arith.subf %get3A_1389, %get3A_1393 : vector<16xf32>
          %get3A_1395 = arith.constant 4 : i32
          %get3A_1396 = arith.index_cast %get3A_1395 : i32 to index
          %get3A_1397 = arith.constant 0 : index
          %get3A_1398 = tpu.vector_load %arg11[%get3A_1396, %get3A_1397] {strides = array<i32>} : memref<6x16xf32, #tpu.memory_space<vmem>>, vector<16xf32>,
          %mul3A_1399 = arith.mulf %sub3A_1394, %get3A_1398 : vector<16xf32>
          %get3A_1400 = arith.index_cast %mul3A_1376 : i32 to index
          %get3A_1401 = tpu.vector_load %arg14[%get3A_1400] {strides = array<i32>} : memref<2048xf32, #tpu.memory_space<vmem>>, vector<16xf32>,
          %get3A_1402 = arith.constant 2 : i32
          %get3A_1403 = arith.index_cast %get3A_1402 : i32 to index
          %get3A_1404 = arith.constant 0 : index
          %get3A_1405 = tpu.vector_load %arg11[%get3A_1403, %get3A_1404] {strides = array<i32>} : memref<6x16xf32, #tpu.memory_space<vmem>>, vector<16xf32>,
          %sub3A_1406 = arith.subf %get3A_1401, %get3A_1405 : vector<16xf32>
          %get3A_1407 = arith.constant 5 : i32
          %get3A_1408 = arith.index_cast %get3A_1407 : i32 to index
          %get3A_1409 = arith.constant 0 : index
          %get3A_1410 = tpu.vector_load %arg11[%get3A_1408, %get3A_1409] {strides = array<i32>} : memref<6x16xf32, #tpu.memory_space<vmem>>, vector<16xf32>,
          %mul3A_1411 = arith.mulf %sub3A_1406, %get3A_1410 : vector<16xf32>
          %convert_element_type3A_1412 = arith.fptosi %mul3A_1387 : vector<16xf32> to vector<16xi32>
          %convert_element_type3A_1413 = arith.fptosi %mul3A_1399 : vector<16xf32> to vector<16xi32>
          %convert_element_type3A_1414 = arith.fptosi %mul3A_1411 : vector<16xf32> to vector<16xi32>
          %mul3A_1415 = arith.constant 16 : i32
          %mul3A_1416 = vector.broadcast %mul3A_1415 : i32 to vector<16xi32>
          %mul3A_1417 = arith.muli %convert_element_type3A_1412, %mul3A_1416 : vector<16xi32>
          %mul3A_1418 = arith.constant 4 : i32
          %mul3A_1419 = vector.broadcast %mul3A_1418 : i32 to vector<16xi32>
          %mul3A_1420 = arith.muli %convert_element_type3A_1413, %mul3A_1419 : vector<16xi32>
          %add3A_1421 = arith.addi %mul3A_1417, %mul3A_1420 : vector<16xi32>
          %add3A_1422 = arith.addi %add3A_1421, %convert_element_type3A_1414 : vector<16xi32>
          %broadcast_in_dim3A_1423 = arith.constant true
          %broadcast_in_dim3A_1424 = vector.broadcast %broadcast_in_dim3A_1423 : i1 to vector<16xi1>
          %unique3A, %unique3A_1425 = tpu.scan_count mask(%broadcast_in_dim3A_1424 : vector<16xi1>) value(%add3A_1422 : vector<16xi32>) : vector<16xi1>, vector<16xi32>
          %gather3A_1426 = tpu.vector_load_idx %arg10[%add3A_1422] : memref<64xi32, #tpu.memory_space<vmem>>[vector<16xi32>], vector<16xi32>,
          %add3A_1427 = arith.addi %gather3A_1426, %unique3A_1425 : vector<16xi32>
          tpu.vector_store_idx %arg10[%add3A_1422], %unique3A_1425 masked %unique3A {add = true} : memref<64xi32, #tpu.memory_space<vmem>>[vector<16xi32>], vector<16xi32>, vector<16xi1>
          %swap3A_1428 = arith.index_cast %mul3A_1376 : i32 to index
          %swap3A_1429 = tpu.vector_load %arg34[%swap3A_1428] {strides = array<i32>} : memref<2048xi32, #tpu.memory_space<vmem>>, vector<16xi32>,
          tpu.vector_store %arg34[%swap3A_1428], %add3A_1427 {strides = array<i32>} : memref<2048xi32, #tpu.memory_space<vmem>>, vector<16xi32>,
          %convert_element_type3A_1430 = arith.sitofp %convert_element_type3A_1412 : vector<16xi32> to vector<16xf32>
          %sub3A_1431 = arith.subf %mul3A_1387, %convert_element_type3A_1430 : vector<16xf32>
          %mul3A_1432 = arith.mulf %sub3A_1431, %broadcast_in_dim3A_1211 : vector<16xf32>
          %convert_element_type3A_1433 = arith.sitofp %convert_element_type3A_1413 : vector<16xi32> to vector<16xf32>
          %sub3A_1434 = arith.subf %mul3A_1399, %convert_element_type3A_1433 : vector<16xf32>
          %mul3A_1435 = arith.mulf %sub3A_1434, %broadcast_in_dim3A_1211 : vector<16xf32>
          %convert_element_type3A_1436 = arith.sitofp %convert_element_type3A_1414 : vector<16xi32> to vector<16xf32>
          %sub3A_1437 = arith.subf %mul3A_1411, %convert_element_type3A_1436 : vector<16xf32>
          %mul3A_1438 = arith.mulf %sub3A_1437, %broadcast_in_dim3A_1211 : vector<16xf32>
          %convert_element_type3A_1439 = arith.fptosi %mul3A_1432 : vector<16xf32> to vector<16xi32>
          %convert_element_type3A_1440 = arith.fptosi %mul3A_1435 : vector<16xf32> to vector<16xi32>
          %convert_element_type3A_1441 = arith.fptosi %mul3A_1438 : vector<16xf32> to vector<16xi32>
          %convert_element_type3A_1442 = arith.sitofp %convert_element_type3A_1439 : vector<16xi32> to vector<16xf32>
          %sub3A_1443 = arith.subf %mul3A_1432, %convert_element_type3A_1442 : vector<16xf32>
          %swap3A_1444 = arith.index_cast %mul3A_1376 : i32 to index
          %swap3A_1445 = tpu.vector_load %arg31[%swap3A_1444] {strides = array<i32>} : memref<2048xf32, #tpu.memory_space<vmem>>, vector<16xf32>,
          tpu.vector_store %arg31[%swap3A_1444], %sub3A_1443 {strides = array<i32>} : memref<2048xf32, #tpu.memory_space<vmem>>, vector<16xf32>,
          %convert_element_type3A_1446 = arith.sitofp %convert_element_type3A_1440 : vector<16xi32> to vector<16xf32>
          %sub3A_1447 = arith.subf %mul3A_1435, %convert_element_type3A_1446 : vector<16xf32>
          %swap3A_1448 = arith.index_cast %mul3A_1376 : i32 to index
          %swap3A_1449 = tpu.vector_load %arg32[%swap3A_1448] {strides = array<i32>} : memref<2048xf32, #tpu.memory_space<vmem>>, vector<16xf32>,
          tpu.vector_store %arg32[%swap3A_1448], %sub3A_1447 {strides = array<i32>} : memref<2048xf32, #tpu.memory_space<vmem>>, vector<16xf32>,
          %convert_element_type3A_1450 = arith.sitofp %convert_element_type3A_1441 : vector<16xi32> to vector<16xf32>
          %sub3A_1451 = arith.subf %mul3A_1438, %convert_element_type3A_1450 : vector<16xf32>
          %swap3A_1452 = arith.index_cast %mul3A_1376 : i32 to index
          %swap3A_1453 = tpu.vector_load %arg33[%swap3A_1452] {strides = array<i32>} : memref<2048xf32, #tpu.memory_space<vmem>>, vector<16xf32>,
          tpu.vector_store %arg33[%swap3A_1452], %sub3A_1451 {strides = array<i32>} : memref<2048xf32, #tpu.memory_space<vmem>>, vector<16xf32>,
          %mul3A_1454 = arith.constant 262144 : i32
          %mul3A_1455 = vector.broadcast %mul3A_1454 : i32 to vector<16xi32>
          %mul3A_1456 = arith.muli %add3A_1422, %mul3A_1455 : vector<16xi32>
          %mul3A_1457 = arith.constant 4096 : i32
          %mul3A_1458 = vector.broadcast %mul3A_1457 : i32 to vector<16xi32>
          %mul3A_1459 = arith.muli %convert_element_type3A_1441, %mul3A_1458 : vector<16xi32>
          %add3A_1460 = arith.addi %mul3A_1456, %mul3A_1459 : vector<16xi32>
          %mul3A_1461 = arith.constant 64 : i32
          %mul3A_1462 = vector.broadcast %mul3A_1461 : i32 to vector<16xi32>
          %mul3A_1463 = arith.muli %convert_element_type3A_1440, %mul3A_1462 : vector<16xi32>
          %add3A_1464 = arith.addi %add3A_1460, %mul3A_1463 : vector<16xi32>
          %add3A_1465 = arith.constant 64 : i32
          %add3A_1466 = vector.broadcast %add3A_1465 : i32 to vector<16xi32>
          %add3A_1467 = arith.addi %add3A_1464, %add3A_1466 : vector<16xi32>
          %add3A_1468 = arith.constant 4096 : i32
          %add3A_1469 = vector.broadcast %add3A_1468 : i32 to vector<16xi32>
          %add3A_1470 = arith.addi %add3A_1464, %add3A_1469 : vector<16xi32>
          %add3A_1471 = arith.constant 4096 : i32
          %add3A_1472 = vector.broadcast %add3A_1471 : i32 to vector<16xi32>
          %add3A_1473 = arith.addi %add3A_1467, %add3A_1472 : vector<16xi32>
          %add3A_1474 = arith.addi %add3A_1464, %convert_element_type3A_1439 : vector<16xi32>
          %add3A_1475 = arith.addi %add3A_1467, %convert_element_type3A_1439 : vector<16xi32>
          %add3A_1476 = arith.addi %add3A_1470, %convert_element_type3A_1439 : vector<16xi32>
          %add3A_1477 = arith.addi %add3A_1473, %convert_element_type3A_1439 : vector<16xi32>
          %swap3A_1478 = arith.index_cast %mul3A_1376 : i32 to index
          %swap3A_1479 = tpu.vector_load %arg15[%swap3A_1478] {strides = array<i32>} : memref<2048xi32, #tpu.memory_space<vmem>>, vector<16xi32>,
          tpu.vector_store %arg15[%swap3A_1478], %add3A_1474 {strides = array<i32>} : memref<2048xi32, #tpu.memory_space<vmem>>, vector<16xi32>,
          %add3A_1480 = arith.constant 1 : i32
          %add3A_1481 = vector.broadcast %add3A_1480 : i32 to vector<16xi32>
          %add3A_1482 = arith.addi %add3A_1474, %add3A_1481 : vector<16xi32>
          %swap3A_1483 = arith.index_cast %mul3A_1376 : i32 to index
          %swap3A_1484 = tpu.vector_load %arg16[%swap3A_1483] {strides = array<i32>} : memref<2048xi32, #tpu.memory_space<vmem>>, vector<16xi32>,
          tpu.vector_store %arg16[%swap3A_1483], %add3A_1482 {strides = array<i32>} : memref<2048xi32, #tpu.memory_space<vmem>>, vector<16xi32>,
          %swap3A_1485 = arith.index_cast %mul3A_1376 : i32 to index
          %swap3A_1486 = tpu.vector_load %arg17[%swap3A_1485] {strides = array<i32>} : memref<2048xi32, #tpu.memory_space<vmem>>, vector<16xi32>,
          tpu.vector_store %arg17[%swap3A_1485], %add3A_1475 {strides = array<i32>} : memref<2048xi32, #tpu.memory_space<vmem>>, vector<16xi32>,
          %add3A_1487 = arith.constant 1 : i32
          %add3A_1488 = vector.broadcast %add3A_1487 : i32 to vector<16xi32>
          %add3A_1489 = arith.addi %add3A_1475, %add3A_1488 : vector<16xi32>
          %swap3A_1490 = arith.index_cast %mul3A_1376 : i32 to index
          %swap3A_1491 = tpu.vector_load %arg18[%swap3A_1490] {strides = array<i32>} : memref<2048xi32, #tpu.memory_space<vmem>>, vector<16xi32>,
          tpu.vector_store %arg18[%swap3A_1490], %add3A_1489 {strides = array<i32>} : memref<2048xi32, #tpu.memory_space<vmem>>, vector<16xi32>,
          %swap3A_1492 = arith.index_cast %mul3A_1376 : i32 to index
          %swap3A_1493 = tpu.vector_load %arg19[%swap3A_1492] {strides = array<i32>} : memref<2048xi32, #tpu.memory_space<vmem>>, vector<16xi32>,
          tpu.vector_store %arg19[%swap3A_1492], %add3A_1476 {strides = array<i32>} : memref<2048xi32, #tpu.memory_space<vmem>>, vector<16xi32>,
          %add3A_1494 = arith.constant 1 : i32
          %add3A_1495 = vector.broadcast %add3A_1494 : i32 to vector<16xi32>
          %add3A_1496 = arith.addi %add3A_1476, %add3A_1495 : vector<16xi32>
          %swap3A_1497 = arith.index_cast %mul3A_1376 : i32 to index
          %swap3A_1498 = tpu.vector_load %arg20[%swap3A_1497] {strides = array<i32>} : memref<2048xi32, #tpu.memory_space<vmem>>, vector<16xi32>,
          tpu.vector_store %arg20[%swap3A_1497], %add3A_1496 {strides = array<i32>} : memref<2048xi32, #tpu.memory_space<vmem>>, vector<16xi32>,
          %swap3A_1499 = arith.index_cast %mul3A_1376 : i32 to index
          %swap3A_1500 = tpu.vector_load %arg21[%swap3A_1499] {strides = array<i32>} : memref<2048xi32, #tpu.memory_space<vmem>>, vector<16xi32>,
          tpu.vector_store %arg21[%swap3A_1499], %add3A_1477 {strides = array<i32>} : memref<2048xi32, #tpu.memory_space<vmem>>, vector<16xi32>,
          %add3A_1501 = arith.constant 1 : i32
          %add3A_1502 = vector.broadcast %add3A_1501 : i32 to vector<16xi32>
          %add3A_1503 = arith.addi %add3A_1477, %add3A_1502 : vector<16xi32>
          %swap3A_1504 = arith.index_cast %mul3A_1376 : i32 to index
          %swap3A_1505 = tpu.vector_load %arg22[%swap3A_1504] {strides = array<i32>} : memref<2048xi32, #tpu.memory_space<vmem>>, vector<16xi32>,
          tpu.vector_store %arg22[%swap3A_1504], %add3A_1503 {strides = array<i32>} : memref<2048xi32, #tpu.memory_space<vmem>>, vector<16xi32>,
          %mul3A_1506 = arith.constant 2 : i32
          %mul3A_1507 = arith.muli %scan3A_1370, %mul3A_1506 : i32
          %add3A_1508 = arith.constant 1 : i32
          %add3A_1509 = arith.addi %mul3A_1507, %add3A_1508 : i32
          %mul3A_1510 = arith.constant 16 : i32
          %mul3A_1511 = arith.muli %add3A_1509, %mul3A_1510 : i32
          %get3A_1512 = arith.index_cast %mul3A_1511 : i32 to index
          %get3A_1513 = tpu.vector_load %arg12[%get3A_1512] {strides = array<i32>} : memref<2048xf32, #tpu.memory_space<vmem>>, vector<16xf32>,
          %get3A_1514 = arith.constant 0 : i32
          %get3A_1515 = arith.index_cast %get3A_1514 : i32 to index
          %get3A_1516 = arith.constant 0 : index
          %get3A_1517 = tpu.vector_load %arg11[%get3A_1515, %get3A_1516] {strides = array<i32>} : memref<6x16xf32, #tpu.memory_space<vmem>>, vector<16xf32>,
          %sub3A_1518 = arith.subf %get3A_1513, %get3A_1517 : vector<16xf32>
          %get3A_1519 = arith.constant 3 : i32
          %get3A_1520 = arith.index_cast %get3A_1519 : i32 to index
          %get3A_1521 = arith.constant 0 : index
          %get3A_1522 = tpu.vector_load %arg11[%get3A_1520, %get3A_1521] {strides = array<i32>} : memref<6x16xf32, #tpu.memory_space<vmem>>, vector<16xf32>,
          %mul3A_1523 = arith.mulf %sub3A_1518, %get3A_1522 : vector<16xf32>
          %get3A_1524 = arith.index_cast %mul3A_1511 : i32 to index
          %get3A_1525 = tpu.vector_load %arg13[%get3A_1524] {strides = array<i32>} : memref<2048xf32, #tpu.memory_space<vmem>>, vector<16xf32>,
          %get3A_1526 = arith.constant 1 : i32
          %get3A_1527 = arith.index_cast %get3A_1526 : i32 to index
          %get3A_1528 = arith.constant 0 : index
          %get3A_1529 = tpu.vector_load %arg11[%get3A_1527, %get3A_1528] {strides = array<i32>} : memref<6x16xf32, #tpu.memory_space<vmem>>, vector<16xf32>,
          %sub3A_1530 = arith.subf %get3A_1525, %get3A_1529 : vector<16xf32>
          %get3A_1531 = arith.constant 4 : i32
          %get3A_1532 = arith.index_cast %get3A_1531 : i32 to index
          %get3A_1533 = arith.constant 0 : index
          %get3A_1534 = tpu.vector_load %arg11[%get3A_1532, %get3A_1533] {strides = array<i32>} : memref<6x16xf32, #tpu.memory_space<vmem>>, vector<16xf32>,
          %mul3A_1535 = arith.mulf %sub3A_1530, %get3A_1534 : vector<16xf32>
          %get3A_1536 = arith.index_cast %mul3A_1511 : i32 to index
          %get3A_1537 = tpu.vector_load %arg14[%get3A_1536] {strides = array<i32>} : memref<2048xf32, #tpu.memory_space<vmem>>, vector<16xf32>,
          %get3A_1538 = arith.constant 2 : i32
          %get3A_1539 = arith.index_cast %get3A_1538 : i32 to index
          %get3A_1540 = arith.constant 0 : index
          %get3A_1541 = tpu.vector_load %arg11[%get3A_1539, %get3A_1540] {strides = array<i32>} : memref<6x16xf32, #tpu.memory_space<vmem>>, vector<16xf32>,
          %sub3A_1542 = arith.subf %get3A_1537, %get3A_1541 : vector<16xf32>
          %get3A_1543 = arith.constant 5 : i32
          %get3A_1544 = arith.index_cast %get3A_1543 : i32 to index
          %get3A_1545 = arith.constant 0 : index
          %get3A_1546 = tpu.vector_load %arg11[%get3A_1544, %get3A_1545] {strides = array<i32>} : memref<6x16xf32, #tpu.memory_space<vmem>>, vector<16xf32>,
          %mul3A_1547 = arith.mulf %sub3A_1542, %get3A_1546 : vector<16xf32>
          %convert_element_type3A_1548 = arith.fptosi %mul3A_1523 : vector<16xf32> to vector<16xi32>
          %convert_element_type3A_1549 = arith.fptosi %mul3A_1535 : vector<16xf32> to vector<16xi32>
          %convert_element_type3A_1550 = arith.fptosi %mul3A_1547 : vector<16xf32> to vector<16xi32>
          %mul3A_1551 = arith.constant 16 : i32
          %mul3A_1552 = vector.broadcast %mul3A_1551 : i32 to vector<16xi32>
          %mul3A_1553 = arith.muli %convert_element_type3A_1548, %mul3A_1552 : vector<16xi32>
          %mul3A_1554 = arith.constant 4 : i32
          %mul3A_1555 = vector.broadcast %mul3A_1554 : i32 to vector<16xi32>
          %mul3A_1556 = arith.muli %convert_element_type3A_1549, %mul3A_1555 : vector<16xi32>
          %add3A_1557 = arith.addi %mul3A_1553, %mul3A_1556 : vector<16xi32>
          %add3A_1558 = arith.addi %add3A_1557, %convert_element_type3A_1550 : vector<16xi32>
          %broadcast_in_dim3A_1559 = arith.constant true
          %broadcast_in_dim3A_1560 = vector.broadcast %broadcast_in_dim3A_1559 : i1 to vector<16xi1>
          %unique3A_1561, %unique3A_1562 = tpu.scan_count mask(%broadcast_in_dim3A_1560 : vector<16xi1>) value(%add3A_1558 : vector<16xi32>) : vector<16xi1>, vector<16xi32>
          %gather3A_1563 = tpu.vector_load_idx %arg10[%add3A_1558] : memref<64xi32, #tpu.memory_space<vmem>>[vector<16xi32>], vector<16xi32>,
          %add3A_1564 = arith.addi %gather3A_1563, %unique3A_1562 : vector<16xi32>
          tpu.vector_store_idx %arg10[%add3A_1558], %unique3A_1562 masked %unique3A_1561 {add = true} : memref<64xi32, #tpu.memory_space<vmem>>[vector<16xi32>], vector<16xi32>, vector<16xi1>
          %swap3A_1565 = arith.index_cast %mul3A_1511 : i32 to index
          %swap3A_1566 = tpu.vector_load %arg34[%swap3A_1565] {strides = array<i32>} : memref<2048xi32, #tpu.memory_space<vmem>>, vector<16xi32>,
          tpu.vector_store %arg34[%swap3A_1565], %add3A_1564 {strides = array<i32>} : memref<2048xi32, #tpu.memory_space<vmem>>, vector<16xi32>,
          %convert_element_type3A_1567 = arith.sitofp %convert_element_type3A_1548 : vector<16xi32> to vector<16xf32>
          %sub3A_1568 = arith.subf %mul3A_1523, %convert_element_type3A_1567 : vector<16xf32>
          %mul3A_1569 = arith.mulf %sub3A_1568, %broadcast_in_dim3A_1211 : vector<16xf32>
          %convert_element_type3A_1570 = arith.sitofp %convert_element_type3A_1549 : vector<16xi32> to vector<16xf32>
          %sub3A_1571 = arith.subf %mul3A_1535, %convert_element_type3A_1570 : vector<16xf32>
          %mul3A_1572 = arith.mulf %sub3A_1571, %broadcast_in_dim3A_1211 : vector<16xf32>
          %convert_element_type3A_1573 = arith.sitofp %convert_element_type3A_1550 : vector<16xi32> to vector<16xf32>
          %sub3A_1574 = arith.subf %mul3A_1547, %convert_element_type3A_1573 : vector<16xf32>
          %mul3A_1575 = arith.mulf %sub3A_1574, %broadcast_in_dim3A_1211 : vector<16xf32>
          %convert_element_type3A_1576 = arith.fptosi %mul3A_1569 : vector<16xf32> to vector<16xi32>
          %convert_element_type3A_1577 = arith.fptosi %mul3A_1572 : vector<16xf32> to vector<16xi32>
          %convert_element_type3A_1578 = arith.fptosi %mul3A_1575 : vector<16xf32> to vector<16xi32>
          %convert_element_type3A_1579 = arith.sitofp %convert_element_type3A_1576 : vector<16xi32> to vector<16xf32>
          %sub3A_1580 = arith.subf %mul3A_1569, %convert_element_type3A_1579 : vector<16xf32>
          %swap3A_1581 = arith.index_cast %mul3A_1511 : i32 to index
          %swap3A_1582 = tpu.vector_load %arg31[%swap3A_1581] {strides = array<i32>} : memref<2048xf32, #tpu.memory_space<vmem>>, vector<16xf32>,
          tpu.vector_store %arg31[%swap3A_1581], %sub3A_1580 {strides = array<i32>} : memref<2048xf32, #tpu.memory_space<vmem>>, vector<16xf32>,
          %convert_element_type3A_1583 = arith.sitofp %convert_element_type3A_1577 : vector<16xi32> to vector<16xf32>
          %sub3A_1584 = arith.subf %mul3A_1572, %convert_element_type3A_1583 : vector<16xf32>
          %swap3A_1585 = arith.index_cast %mul3A_1511 : i32 to index
          %swap3A_1586 = tpu.vector_load %arg32[%swap3A_1585] {strides = array<i32>} : memref<2048xf32, #tpu.memory_space<vmem>>, vector<16xf32>,
          tpu.vector_store %arg32[%swap3A_1585], %sub3A_1584 {strides = array<i32>} : memref<2048xf32, #tpu.memory_space<vmem>>, vector<16xf32>,
          %convert_element_type3A_1587 = arith.sitofp %convert_element_type3A_1578 : vector<16xi32> to vector<16xf32>
          %sub3A_1588 = arith.subf %mul3A_1575, %convert_element_type3A_1587 : vector<16xf32>
          %swap3A_1589 = arith.index_cast %mul3A_1511 : i32 to index
          %swap3A_1590 = tpu.vector_load %arg33[%swap3A_1589] {strides = array<i32>} : memref<2048xf32, #tpu.memory_space<vmem>>, vector<16xf32>,
          tpu.vector_store %arg33[%swap3A_1589], %sub3A_1588 {strides = array<i32>} : memref<2048xf32, #tpu.memory_space<vmem>>, vector<16xf32>,
          %mul3A_1591 = arith.constant 262144 : i32
          %mul3A_1592 = vector.broadcast %mul3A_1591 : i32 to vector<16xi32>
          %mul3A_1593 = arith.muli %add3A_1558, %mul3A_1592 : vector<16xi32>
          %mul3A_1594 = arith.constant 4096 : i32
          %mul3A_1595 = vector.broadcast %mul3A_1594 : i32 to vector<16xi32>
          %mul3A_1596 = arith.muli %convert_element_type3A_1578, %mul3A_1595 : vector<16xi32>
          %add3A_1597 = arith.addi %mul3A_1593, %mul3A_1596 : vector<16xi32>
          %mul3A_1598 = arith.constant 64 : i32
          %mul3A_1599 = vector.broadcast %mul3A_1598 : i32 to vector<16xi32>
          %mul3A_1600 = arith.muli %convert_element_type3A_1577, %mul3A_1599 : vector<16xi32>
          %add3A_1601 = arith.addi %add3A_1597, %mul3A_1600 : vector<16xi32>
          %add3A_1602 = arith.constant 64 : i32
          %add3A_1603 = vector.broadcast %add3A_1602 : i32 to vector<16xi32>
          %add3A_1604 = arith.addi %add3A_1601, %add3A_1603 : vector<16xi32>
          %add3A_1605 = arith.constant 4096 : i32
          %add3A_1606 = vector.broadcast %add3A_1605 : i32 to vector<16xi32>
          %add3A_1607 = arith.addi %add3A_1601, %add3A_1606 : vector<16xi32>
          %add3A_1608 = arith.constant 4096 : i32
          %add3A_1609 = vector.broadcast %add3A_1608 : i32 to vector<16xi32>
          %add3A_1610 = arith.addi %add3A_1604, %add3A_1609 : vector<16xi32>
          %add3A_1611 = arith.addi %add3A_1601, %convert_element_type3A_1576 : vector<16xi32>
          %add3A_1612 = arith.addi %add3A_1604, %convert_element_type3A_1576 : vector<16xi32>
          %add3A_1613 = arith.addi %add3A_1607, %convert_element_type3A_1576 : vector<16xi32>
          %add3A_1614 = arith.addi %add3A_1610, %convert_element_type3A_1576 : vector<16xi32>
          %swap3A_1615 = arith.index_cast %mul3A_1511 : i32 to index
          %swap3A_1616 = tpu.vector_load %arg15[%swap3A_1615] {strides = array<i32>} : memref<2048xi32, #tpu.memory_space<vmem>>, vector<16xi32>,
          tpu.vector_store %arg15[%swap3A_1615], %add3A_1611 {strides = array<i32>} : memref<2048xi32, #tpu.memory_space<vmem>>, vector<16xi32>,
          %add3A_1617 = arith.constant 1 : i32
          %add3A_1618 = vector.broadcast %add3A_1617 : i32 to vector<16xi32>
          %add3A_1619 = arith.addi %add3A_1611, %add3A_1618 : vector<16xi32>
          %swap3A_1620 = arith.index_cast %mul3A_1511 : i32 to index
          %swap3A_1621 = tpu.vector_load %arg16[%swap3A_1620] {strides = array<i32>} : memref<2048xi32, #tpu.memory_space<vmem>>, vector<16xi32>,
          tpu.vector_store %arg16[%swap3A_1620], %add3A_1619 {strides = array<i32>} : memref<2048xi32, #tpu.memory_space<vmem>>, vector<16xi32>,
          %swap3A_1622 = arith.index_cast %mul3A_1511 : i32 to index
          %swap3A_1623 = tpu.vector_load %arg17[%swap3A_1622] {strides = array<i32>} : memref<2048xi32, #tpu.memory_space<vmem>>, vector<16xi32>,
          tpu.vector_store %arg17[%swap3A_1622], %add3A_1612 {strides = array<i32>} : memref<2048xi32, #tpu.memory_space<vmem>>, vector<16xi32>,
          %add3A_1624 = arith.constant 1 : i32
          %add3A_1625 = vector.broadcast %add3A_1624 : i32 to vector<16xi32>
          %add3A_1626 = arith.addi %add3A_1612, %add3A_1625 : vector<16xi32>
          %swap3A_1627 = arith.index_cast %mul3A_1511 : i32 to index
          %swap3A_1628 = tpu.vector_load %arg18[%swap3A_1627] {strides = array<i32>} : memref<2048xi32, #tpu.memory_space<vmem>>, vector<16xi32>,
          tpu.vector_store %arg18[%swap3A_1627], %add3A_1626 {strides = array<i32>} : memref<2048xi32, #tpu.memory_space<vmem>>, vector<16xi32>,
          %swap3A_1629 = arith.index_cast %mul3A_1511 : i32 to index
          %swap3A_1630 = tpu.vector_load %arg19[%swap3A_1629] {strides = array<i32>} : memref<2048xi32, #tpu.memory_space<vmem>>, vector<16xi32>,
          tpu.vector_store %arg19[%swap3A_1629], %add3A_1613 {strides = array<i32>} : memref<2048xi32, #tpu.memory_space<vmem>>, vector<16xi32>,
          %add3A_1631 = arith.constant 1 : i32
          %add3A_1632 = vector.broadcast %add3A_1631 : i32 to vector<16xi32>
          %add3A_1633 = arith.addi %add3A_1613, %add3A_1632 : vector<16xi32>
          %swap3A_1634 = arith.index_cast %mul3A_1511 : i32 to index
          %swap3A_1635 = tpu.vector_load %arg20[%swap3A_1634] {strides = array<i32>} : memref<2048xi32, #tpu.memory_space<vmem>>, vector<16xi32>,
          tpu.vector_store %arg20[%swap3A_1634], %add3A_1633 {strides = array<i32>} : memref<2048xi32, #tpu.memory_space<vmem>>, vector<16xi32>,
          %swap3A_1636 = arith.index_cast %mul3A_1511 : i32 to index
          %swap3A_1637 = tpu.vector_load %arg21[%swap3A_1636] {strides = array<i32>} : memref<2048xi32, #tpu.memory_space<vmem>>, vector<16xi32>,
          tpu.vector_store %arg21[%swap3A_1636], %add3A_1614 {strides = array<i32>} : memref<2048xi32, #tpu.memory_space<vmem>>, vector<16xi32>,
          %add3A_1638 = arith.constant 1 : i32
          %add3A_1639 = vector.broadcast %add3A_1638 : i32 to vector<16xi32>
          %add3A_1640 = arith.addi %add3A_1614, %add3A_1639 : vector<16xi32>
          %swap3A_1641 = arith.index_cast %mul3A_1511 : i32 to index
          %swap3A_1642 = tpu.vector_load %arg22[%swap3A_1641] {strides = array<i32>} : memref<2048xi32, #tpu.memory_space<vmem>>, vector<16xi32>,
          tpu.vector_store %arg22[%swap3A_1641], %add3A_1640 {strides = array<i32>} : memref<2048xi32, #tpu.memory_space<vmem>>, vector<16xi32>,
        }
        %scan3A_1353 = arith.constant 64 : i32
        %dma_start3A_1354 = arith.constant 0 : i32
        %dma_start3A_1355 = tpu.memref_slice %arg5[%dma_start3A_1354] : memref<16777216xf32, #tpu.memory_space<hbm>> -> memref<16777216xf32, #tpu.memory_space<hbm>>
        tpu.enqueue_indirect_dma source(%dma_start3A_1355 : memref<16777216xf32, #tpu.memory_space<hbm>>) target(%arg23 : memref<2048xf32, #tpu.memory_space<vmem>>) offsets(%arg15 : memref<2048xi32, #tpu.memory_space<vmem>>) semaphore(%arg36 : memref<!tpu.dma_semaphore, #tpu.memory_space<semaphore_mem>>)
        %dma_start3A_1356 = arith.constant 0 : i32
        %dma_start3A_1357 = tpu.memref_slice %arg5[%dma_start3A_1356] : memref<16777216xf32, #tpu.memory_space<hbm>> -> memref<16777216xf32, #tpu.memory_space<hbm>>
        tpu.enqueue_indirect_dma source(%dma_start3A_1357 : memref<16777216xf32, #tpu.memory_space<hbm>>) target(%arg24 : memref<2048xf32, #tpu.memory_space<vmem>>) offsets(%arg16 : memref<2048xi32, #tpu.memory_space<vmem>>) semaphore(%arg36 : memref<!tpu.dma_semaphore, #tpu.memory_space<semaphore_mem>>)
        %dma_start3A_1358 = arith.constant 0 : i32
        %dma_start3A_1359 = tpu.memref_slice %arg5[%dma_start3A_1358] : memref<16777216xf32, #tpu.memory_space<hbm>> -> memref<16777216xf32, #tpu.memory_space<hbm>>
        tpu.enqueue_indirect_dma source(%dma_start3A_1359 : memref<16777216xf32, #tpu.memory_space<hbm>>) target(%arg25 : memref<2048xf32, #tpu.memory_space<vmem>>) offsets(%arg17 : memref<2048xi32, #tpu.memory_space<vmem>>) semaphore(%arg36 : memref<!tpu.dma_semaphore, #tpu.memory_space<semaphore_mem>>)
        %dma_start3A_1360 = arith.constant 0 : i32
        %dma_start3A_1361 = tpu.memref_slice %arg5[%dma_start3A_1360] : memref<16777216xf32, #tpu.memory_space<hbm>> -> memref<16777216xf32, #tpu.memory_space<hbm>>
        tpu.enqueue_indirect_dma source(%dma_start3A_1361 : memref<16777216xf32, #tpu.memory_space<hbm>>) target(%arg26 : memref<2048xf32, #tpu.memory_space<vmem>>) offsets(%arg18 : memref<2048xi32, #tpu.memory_space<vmem>>) semaphore(%arg36 : memref<!tpu.dma_semaphore, #tpu.memory_space<semaphore_mem>>)
        %dma_start3A_1362 = arith.constant 0 : i32
        %dma_start3A_1363 = tpu.memref_slice %arg5[%dma_start3A_1362] : memref<16777216xf32, #tpu.memory_space<hbm>> -> memref<16777216xf32, #tpu.memory_space<hbm>>
        tpu.enqueue_indirect_dma source(%dma_start3A_1363 : memref<16777216xf32, #tpu.memory_space<hbm>>) target(%arg27 : memref<2048xf32, #tpu.memory_space<vmem>>) offsets(%arg19 : memref<2048xi32, #tpu.memory_space<vmem>>) semaphore(%arg36 : memref<!tpu.dma_semaphore, #tpu.memory_space<semaphore_mem>>)
        %dma_start3A_1364 = arith.constant 0 : i32
        %dma_start3A_1365 = tpu.memref_slice %arg5[%dma_start3A_1364] : memref<16777216xf32, #tpu.memory_space<hbm>> -> memref<16777216xf32, #tpu.memory_space<hbm>>
        tpu.enqueue_indirect_dma source(%dma_start3A_1365 : memref<16777216xf32, #tpu.memory_space<hbm>>) target(%arg28 : memref<2048xf32, #tpu.memory_space<vmem>>) offsets(%arg20 : memref<2048xi32, #tpu.memory_space<vmem>>) semaphore(%arg36 : memref<!tpu.dma_semaphore, #tpu.memory_space<semaphore_mem>>)
        %dma_start3A_1366 = arith.constant 0 : i32
        %dma_start3A_1367 = tpu.memref_slice %arg5[%dma_start3A_1366] : memref<16777216xf32, #tpu.memory_space<hbm>> -> memref<16777216xf32, #tpu.memory_space<hbm>>
        tpu.enqueue_indirect_dma source(%dma_start3A_1367 : memref<16777216xf32, #tpu.memory_space<hbm>>) target(%arg29 : memref<2048xf32, #tpu.memory_space<vmem>>) offsets(%arg21 : memref<2048xi32, #tpu.memory_space<vmem>>) semaphore(%arg36 : memref<!tpu.dma_semaphore, #tpu.memory_space<semaphore_mem>>)
        %dma_start3A_1368 = arith.constant 0 : i32
        %dma_start3A_1369 = tpu.memref_slice %arg5[%dma_start3A_1368] : memref<16777216xf32, #tpu.memory_space<hbm>> -> memref<16777216xf32, #tpu.memory_space<hbm>>
        tpu.enqueue_indirect_dma source(%dma_start3A_1369 : memref<16777216xf32, #tpu.memory_space<hbm>>) target(%arg30 : memref<2048xf32, #tpu.memory_space<vmem>>) offsets(%arg22 : memref<2048xi32, #tpu.memory_space<vmem>>) semaphore(%arg36 : memref<!tpu.dma_semaphore, #tpu.memory_space<semaphore_mem>>)
      } else {
      }
      %dma_wait3A_1310 = arith.constant 0 : i32
      %dma_wait3A_1311 = tpu.memref_slice %arg5[%dma_wait3A_1310] : memref<16777216xf32, #tpu.memory_space<hbm>> -> memref<16777216xf32, #tpu.memory_space<hbm>>
      tpu.wait_indirect_dma semaphore(%arg62 : memref<!tpu.dma_semaphore, #tpu.memory_space<semaphore_mem>>) src(%dma_wait3A_1311 : memref<16777216xf32, #tpu.memory_space<hbm>>) dst(%arg49 : memref<2048xf32, #tpu.memory_space<vmem>>)
      %dma_wait3A_1312 = arith.constant 0 : i32
      %dma_wait3A_1313 = tpu.memref_slice %arg5[%dma_wait3A_1312] : memref<16777216xf32, #tpu.memory_space<hbm>> -> memref<16777216xf32, #tpu.memory_space<hbm>>
      tpu.wait_indirect_dma semaphore(%arg62 : memref<!tpu.dma_semaphore, #tpu.memory_space<semaphore_mem>>) src(%dma_wait3A_1313 : memref<16777216xf32, #tpu.memory_space<hbm>>) dst(%arg50 : memref<2048xf32, #tpu.memory_space<vmem>>)
      %dma_wait3A_1314 = arith.constant 0 : i32
      %dma_wait3A_1315 = tpu.memref_slice %arg5[%dma_wait3A_1314] : memref<16777216xf32, #tpu.memory_space<hbm>> -> memref<16777216xf32, #tpu.memory_space<hbm>>
      tpu.wait_indirect_dma semaphore(%arg62 : memref<!tpu.dma_semaphore, #tpu.memory_space<semaphore_mem>>) src(%dma_wait3A_1315 : memref<16777216xf32, #tpu.memory_space<hbm>>) dst(%arg51 : memref<2048xf32, #tpu.memory_space<vmem>>)
      %dma_wait3A_1316 = arith.constant 0 : i32
      %dma_wait3A_1317 = tpu.memref_slice %arg5[%dma_wait3A_1316] : memref<16777216xf32, #tpu.memory_space<hbm>> -> memref<16777216xf32, #tpu.memory_space<hbm>>
      tpu.wait_indirect_dma semaphore(%arg62 : memref<!tpu.dma_semaphore, #tpu.memory_space<semaphore_mem>>) src(%dma_wait3A_1317 : memref<16777216xf32, #tpu.memory_space<hbm>>) dst(%arg52 : memref<2048xf32, #tpu.memory_space<vmem>>)
      %dma_wait3A_1318 = arith.constant 0 : i32
      %dma_wait3A_1319 = tpu.memref_slice %arg5[%dma_wait3A_1318] : memref<16777216xf32, #tpu.memory_space<hbm>> -> memref<16777216xf32, #tpu.memory_space<hbm>>
      tpu.wait_indirect_dma semaphore(%arg62 : memref<!tpu.dma_semaphore, #tpu.memory_space<semaphore_mem>>) src(%dma_wait3A_1319 : memref<16777216xf32, #tpu.memory_space<hbm>>) dst(%arg53 : memref<2048xf32, #tpu.memory_space<vmem>>)
      %dma_wait3A_1320 = arith.constant 0 : i32
      %dma_wait3A_1321 = tpu.memref_slice %arg5[%dma_wait3A_1320] : memref<16777216xf32, #tpu.memory_space<hbm>> -> memref<16777216xf32, #tpu.memory_space<hbm>>
      tpu.wait_indirect_dma semaphore(%arg62 : memref<!tpu.dma_semaphore, #tpu.memory_space<semaphore_mem>>) src(%dma_wait3A_1321 : memref<16777216xf32, #tpu.memory_space<hbm>>) dst(%arg54 : memref<2048xf32, #tpu.memory_space<vmem>>)
      %dma_wait3A_1322 = arith.constant 0 : i32
      %dma_wait3A_1323 = tpu.memref_slice %arg5[%dma_wait3A_1322] : memref<16777216xf32, #tpu.memory_space<hbm>> -> memref<16777216xf32, #tpu.memory_space<hbm>>
      tpu.wait_indirect_dma semaphore(%arg62 : memref<!tpu.dma_semaphore, #tpu.memory_space<semaphore_mem>>) src(%dma_wait3A_1323 : memref<16777216xf32, #tpu.memory_space<hbm>>) dst(%arg55 : memref<2048xf32, #tpu.memory_space<vmem>>)
      %dma_wait3A_1324 = arith.constant 0 : i32
      %dma_wait3A_1325 = tpu.memref_slice %arg5[%dma_wait3A_1324] : memref<16777216xf32, #tpu.memory_space<hbm>> -> memref<16777216xf32, #tpu.memory_space<hbm>>
      tpu.wait_indirect_dma semaphore(%arg62 : memref<!tpu.dma_semaphore, #tpu.memory_space<semaphore_mem>>) src(%dma_wait3A_1325 : memref<16777216xf32, #tpu.memory_space<hbm>>) dst(%arg56 : memref<2048xf32, #tpu.memory_space<vmem>>)
      %scan3A_1326 = arith.constant 0 : i32
      %scan3A_1327 = arith.constant 0 : i32
      %scan3A_1328 = arith.constant 128 : i32
      %scan3A_1329 = arith.addi %scan3A_1327, %scan3A_1328 : i32
      %scan3A_1330 = arith.constant 1 : i32
      scf.for %scan3A_1334 = %scan3A_1327 to %scan3A_1329 step %scan3A_1330  : i32 {
        %mul3A_1335 = arith.constant 16 : i32
        %mul3A_1336 = arith.muli %scan3A_1334, %mul3A_1335 : i32
        %get3A = arith.index_cast %mul3A_1336 : i32 to index
        %get3A_1337 = tpu.vector_load %arg57[%get3A] {strides = array<i32>} : memref<2048xf32, #tpu.memory_space<vmem>>, vector<16xf32>,
        %get3A_1338 = arith.index_cast %mul3A_1336 : i32 to index
        %get3A_1339 = tpu.vector_load %arg58[%get3A_1338] {strides = array<i32>} : memref<2048xf32, #tpu.memory_space<vmem>>, vector<16xf32>,
        %get3A_1340 = arith.index_cast %mul3A_1336 : i32 to index
        %get3A_1341 = tpu.vector_load %arg59[%get3A_1340] {strides = array<i32>} : memref<2048xf32, #tpu.memory_space<vmem>>, vector<16xf32>,
        %sub3A_1342 = arith.subf %broadcast_in_dim3A_1213, %get3A_1337 : vector<16xf32>
        %sub3A_1343 = arith.subf %broadcast_in_dim3A_1213, %get3A_1339 : vector<16xf32>
        %sub3A_1344 = arith.subf %broadcast_in_dim3A_1213, %get3A_1341 : vector<16xf32>
        %get3A_1345 = arith.index_cast %mul3A_1336 : i32 to index
        %get3A_1346 = tpu.vector_load %arg49[%get3A_1345] {strides = array<i32>} : memref<2048xf32, #tpu.memory_space<vmem>>, vector<16xf32>,
        %mul3A_1347 = arith.mulf %sub3A_1342, %get3A_1346 : vector<16xf32>
        %get3A_1348 = arith.index_cast %mul3A_1336 : i32 to index
        %get3A_1349 = tpu.vector_load %arg50[%get3A_1348] {strides = array<i32>} : memref<2048xf32, #tpu.memory_space<vmem>>, vector<16xf32>,
        %mul3A_1350 = arith.mulf %get3A_1337, %get3A_1349 : vector<16xf32>
        %add3A_1351 = arith.addf %mul3A_1347, %mul3A_1350 : vector<16xf32>
        %mul3A_1352 = arith.mulf %sub3A_1343, %add3A_1351 : vector<16xf32>
        %get3A_1353 = arith.index_cast %mul3A_1336 : i32 to index
        %get3A_1354 = tpu.vector_load %arg51[%get3A_1353] {strides = array<i32>} : memref<2048xf32, #tpu.memory_space<vmem>>, vector<16xf32>,
        %mul3A_1355 = arith.mulf %sub3A_1342, %get3A_1354 : vector<16xf32>
        %get3A_1356 = arith.index_cast %mul3A_1336 : i32 to index
        %get3A_1357 = tpu.vector_load %arg52[%get3A_1356] {strides = array<i32>} : memref<2048xf32, #tpu.memory_space<vmem>>, vector<16xf32>,
        %mul3A_1358 = arith.mulf %get3A_1337, %get3A_1357 : vector<16xf32>
        %add3A_1359 = arith.addf %mul3A_1355, %mul3A_1358 : vector<16xf32>
        %mul3A_1360 = arith.mulf %get3A_1339, %add3A_1359 : vector<16xf32>
        %add3A_1361 = arith.addf %mul3A_1352, %mul3A_1360 : vector<16xf32>
        %get3A_1362 = arith.index_cast %mul3A_1336 : i32 to index
        %get3A_1363 = tpu.vector_load %arg53[%get3A_1362] {strides = array<i32>} : memref<2048xf32, #tpu.memory_space<vmem>>, vector<16xf32>,
        %mul3A_1364 = arith.mulf %sub3A_1342, %get3A_1363 : vector<16xf32>
        %get3A_1365 = arith.index_cast %mul3A_1336 : i32 to index
        %get3A_1366 = tpu.vector_load %arg54[%get3A_1365] {strides = array<i32>} : memref<2048xf32, #tpu.memory_space<vmem>>, vector<16xf32>,
        %mul3A_1367 = arith.mulf %get3A_1337, %get3A_1366 : vector<16xf32>
        %add3A_1368 = arith.addf %mul3A_1364, %mul3A_1367 : vector<16xf32>
        %mul3A_1369 = arith.mulf %sub3A_1343, %add3A_1368 : vector<16xf32>
        %get3A_1370 = arith.index_cast %mul3A_1336 : i32 to index
        %get3A_1371 = tpu.vector_load %arg55[%get3A_1370] {strides = array<i32>} : memref<2048xf32, #tpu.memory_space<vmem>>, vector<16xf32>,
        %mul3A_1372 = arith.mulf %sub3A_1342, %get3A_1371 : vector<16xf32>
        %get3A_1373 = arith.index_cast %mul3A_1336 : i32 to index
        %get3A_1374 = tpu.vector_load %arg56[%get3A_1373] {strides = array<i32>} : memref<2048xf32, #tpu.memory_space<vmem>>, vector<16xf32>,
        %mul3A_1375 = arith.mulf %get3A_1337, %get3A_1374 : vector<16xf32>
        %add3A_1376 = arith.addf %mul3A_1372, %mul3A_1375 : vector<16xf32>
        %mul3A_1377 = arith.mulf %get3A_1339, %add3A_1376 : vector<16xf32>
        %add3A_1378 = arith.addf %mul3A_1369, %mul3A_1377 : vector<16xf32>
        %mul3A_1379 = arith.mulf %sub3A_1344, %add3A_1361 : vector<16xf32>
        %mul3A_1380 = arith.mulf %get3A_1341, %add3A_1378 : vector<16xf32>
        %add3A_1381 = arith.addf %mul3A_1379, %mul3A_1380 : vector<16xf32>
        %swap3A_1382 = arith.index_cast %mul3A_1336 : i32 to index
        %swap3A_1383 = tpu.vector_load %arg61[%swap3A_1382] {strides = array<i32>} : memref<2048xf32, #tpu.memory_space<vmem>>, vector<16xf32>,
        tpu.vector_store %arg61[%swap3A_1382], %add3A_1381 {strides = array<i32>} : memref<2048xf32, #tpu.memory_space<vmem>>, vector<16xf32>,
      }
      %scan3A_1331 = arith.constant 128 : i32
      %dma_start3A_1332 = arith.constant 0 : i32
      %dma_start3A_1333 = tpu.memref_slice %arg8[%dma_start3A_1332] : memref<2097152xf32, #tpu.memory_space<hbm>> -> memref<2097152xf32, #tpu.memory_space<hbm>>
      tpu.enqueue_indirect_dma source(%arg61 : memref<2048xf32, #tpu.memory_space<vmem>>) target(%dma_start3A_1333 : memref<2097152xf32, #tpu.memory_space<hbm>>) offsets(%arg60 : memref<2048xi32, #tpu.memory_space<vmem>>) semaphore(%arg63 : memref<!tpu.dma_semaphore, #tpu.memory_space<semaphore_mem>>)
    }
    %scan3A_1243 = arith.constant 16 : i32
    %dma_wait3A = arith.constant 0 : i32
    %dma_wait3A_1244 = tpu.memref_slice %arg8[%dma_wait3A] : memref<2097152xf32, #tpu.memory_space<hbm>> -> memref<2097152xf32, #tpu.memory_space<hbm>>
    tpu.wait_indirect_dma semaphore(%arg37 : memref<!tpu.dma_semaphore, #tpu.memory_space<semaphore_mem>>) src(%arg35 : memref<2048xf32, #tpu.memory_space<vmem>>) dst(%dma_wait3A_1244 : memref<2097152xf32, #tpu.memory_space<hbm>>)
    %dma_wait3A_1245 = arith.constant 0 : i32
    %dma_wait3A_1246 = tpu.memref_slice %arg8[%dma_wait3A_1245] : memref<2097152xf32, #tpu.memory_space<hbm>> -> memref<2097152xf32, #tpu.memory_space<hbm>>
    tpu.wait_indirect_dma semaphore(%arg63 : memref<!tpu.dma_semaphore, #tpu.memory_space<semaphore_mem>>) src(%arg61 : memref<2048xf32, #tpu.memory_space<vmem>>) dst(%dma_wait3A_1246 : memref<2097152xf32, #tpu.memory_space<hbm>>)
    return
  }
}

#map = affine_map<(d0, d1) -> (0)>
#map1 = affine_map<(d0, d1) -> (0, 0)>
module attributes {stable_mosaic.version = 14 : i64} {
  func.func @alpha_grid_hist_sc(%arg0: i32, %arg1: i32, %arg2: memref<2097152xf32, #tpu.memory_space<hbm>>, %arg3: memref<2097152xf32, #tpu.memory_space<hbm>>, %arg4: memref<2097152xf32, #tpu.memory_space<hbm>>, %arg5: memref<6x16xf32, #tpu.memory_space<hbm>>, %arg6: memref<32x64xi32, #tpu.memory_space<hbm>>, %arg7: memref<2048xf32, #tpu.memory_space<vmem>>, %arg8: memref<2048xf32, #tpu.memory_space<vmem>>, %arg9: memref<2048xf32, #tpu.memory_space<vmem>>, %arg10: memref<64xi32, #tpu.memory_space<vmem>>, %arg11: memref<6x16xf32, #tpu.memory_space<vmem>>) attributes {dimension_semantics = [#tpu.dimension_semantics<core_parallel>, #tpu.dimension_semantics<subcore_parallel>], iteration_bounds = array<i64: 2, 16>, scalar_prefetch = 0 : i64, scratch_operands = 5 : i64, tpu.core_type = #tpu.core_type<sc_vector_subcore>, window_params = [{transform_indices = #map}, {transform_indices = #map}, {transform_indices = #map}, {transform_indices = #map1}, {transform_indices = #map1}]} {
    %mul3A = arith.constant 16 : i32
    %mul3A_0 = arith.muli %arg0, %mul3A : i32
    %add3A = arith.addi %mul3A_0, %arg1 : i32
    "tpu.region"() ({
      %run_scoped3A = tpu.sem_alloc : memref<!tpu.dma_semaphore, #tpu.memory_space<semaphore_mem>>
      tpu.enqueue_dma source(%arg5 : memref<6x16xf32, #tpu.memory_space<hbm>>) target(%arg11 : memref<6x16xf32, #tpu.memory_space<vmem>>) target_semaphore(%run_scoped3A : memref<!tpu.dma_semaphore, #tpu.memory_space<semaphore_mem>>)
      tpu.wait_dma2 semaphore(%run_scoped3A : memref<!tpu.dma_semaphore, #tpu.memory_space<semaphore_mem>>) src(%arg5 : memref<6x16xf32, #tpu.memory_space<hbm>>) dst(%arg11 : memref<6x16xf32, #tpu.memory_space<vmem>>)
      tpu.yield
    }) : () -> ()
    %broadcast_in_dim3A = arith.constant 0 : i32
    %broadcast_in_dim3A_1 = vector.broadcast %broadcast_in_dim3A : i32 to vector<16xi32>
    %swap3A = arith.constant 0 : index
    %swap3A_2 = tpu.vector_load %arg10[%swap3A] {strides = array<i32>} : memref<64xi32, #tpu.memory_space<vmem>>, vector<16xi32>,
    tpu.vector_store %arg10[%swap3A], %broadcast_in_dim3A_1 {strides = array<i32>} : memref<64xi32, #tpu.memory_space<vmem>>, vector<16xi32>,
    %swap3A_3 = arith.constant 16 : index
    %swap3A_4 = tpu.vector_load %arg10[%swap3A_3] {strides = array<i32>} : memref<64xi32, #tpu.memory_space<vmem>>, vector<16xi32>,
    tpu.vector_store %arg10[%swap3A_3], %broadcast_in_dim3A_1 {strides = array<i32>} : memref<64xi32, #tpu.memory_space<vmem>>, vector<16xi32>,
    %swap3A_5 = arith.constant 32 : index
    %swap3A_6 = tpu.vector_load %arg10[%swap3A_5] {strides = array<i32>} : memref<64xi32, #tpu.memory_space<vmem>>, vector<16xi32>,
    tpu.vector_store %arg10[%swap3A_5], %broadcast_in_dim3A_1 {strides = array<i32>} : memref<64xi32, #tpu.memory_space<vmem>>, vector<16xi32>,
    %swap3A_7 = arith.constant 48 : index
    %swap3A_8 = tpu.vector_load %arg10[%swap3A_7] {strides = array<i32>} : memref<64xi32, #tpu.memory_space<vmem>>, vector<16xi32>,
    tpu.vector_store %arg10[%swap3A_7], %broadcast_in_dim3A_1 {strides = array<i32>} : memref<64xi32, #tpu.memory_space<vmem>>, vector<16xi32>,
    %broadcast_in_dim3A_9 = arith.constant 1 : i32
    %broadcast_in_dim3A_10 = vector.broadcast %broadcast_in_dim3A_9 : i32 to vector<16xi32>
    %scan3A = arith.constant 0 : i32
    %scan3A_11 = arith.constant 0 : i32
    %scan3A_12 = arith.constant 32 : i32
    %scan3A_13 = arith.addi %scan3A_11, %scan3A_12 : i32
    %scan3A_14 = arith.constant 1 : i32
    scf.for %scan3A_16 = %scan3A_11 to %scan3A_13 step %scan3A_14  : i32 {
      %mul3A_17 = arith.constant 65536 : i32
      %mul3A_18 = arith.muli %add3A, %mul3A_17 : i32
      %mul3A_19 = arith.constant 2048 : i32
      %mul3A_20 = arith.muli %scan3A_16, %mul3A_19 : i32
      %add3A_21 = arith.addi %mul3A_18, %mul3A_20 : i32
      "tpu.region"() ({
        %run_scoped3A = tpu.sem_alloc : memref<!tpu.dma_semaphore, #tpu.memory_space<semaphore_mem>>
        %dma_start3A = tpu.memref_slice %arg2[%add3A_21] : memref<2097152xf32, #tpu.memory_space<hbm>> -> memref<2048xf32, #tpu.memory_space<hbm>>
        %dma_start3A_27 = tpu.memref_slice %arg2[%add3A_21] : memref<2097152xf32, #tpu.memory_space<hbm>> -> memref<2048xf32, #tpu.memory_space<hbm>>
        tpu.enqueue_dma source(%dma_start3A_27 : memref<2048xf32, #tpu.memory_space<hbm>>) target(%arg7 : memref<2048xf32, #tpu.memory_space<vmem>>) target_semaphore(%run_scoped3A : memref<!tpu.dma_semaphore, #tpu.memory_space<semaphore_mem>>)
        %dma_wait3A = tpu.memref_slice %arg2[%add3A_21] : memref<2097152xf32, #tpu.memory_space<hbm>> -> memref<2048xf32, #tpu.memory_space<hbm>>
        %dma_wait3A_28 = tpu.memref_slice %arg2[%add3A_21] : memref<2097152xf32, #tpu.memory_space<hbm>> -> memref<2048xf32, #tpu.memory_space<hbm>>
        tpu.wait_dma2 semaphore(%run_scoped3A : memref<!tpu.dma_semaphore, #tpu.memory_space<semaphore_mem>>) src(%dma_wait3A_28 : memref<2048xf32, #tpu.memory_space<hbm>>) dst(%arg7 : memref<2048xf32, #tpu.memory_space<vmem>>)
        tpu.yield
      }) : () -> ()
      "tpu.region"() ({
        %run_scoped3A = tpu.sem_alloc : memref<!tpu.dma_semaphore, #tpu.memory_space<semaphore_mem>>
        %dma_start3A = tpu.memref_slice %arg3[%add3A_21] : memref<2097152xf32, #tpu.memory_space<hbm>> -> memref<2048xf32, #tpu.memory_space<hbm>>
        %dma_start3A_27 = tpu.memref_slice %arg3[%add3A_21] : memref<2097152xf32, #tpu.memory_space<hbm>> -> memref<2048xf32, #tpu.memory_space<hbm>>
        tpu.enqueue_dma source(%dma_start3A_27 : memref<2048xf32, #tpu.memory_space<hbm>>) target(%arg8 : memref<2048xf32, #tpu.memory_space<vmem>>) target_semaphore(%run_scoped3A : memref<!tpu.dma_semaphore, #tpu.memory_space<semaphore_mem>>)
        %dma_wait3A = tpu.memref_slice %arg3[%add3A_21] : memref<2097152xf32, #tpu.memory_space<hbm>> -> memref<2048xf32, #tpu.memory_space<hbm>>
        %dma_wait3A_28 = tpu.memref_slice %arg3[%add3A_21] : memref<2097152xf32, #tpu.memory_space<hbm>> -> memref<2048xf32, #tpu.memory_space<hbm>>
        tpu.wait_dma2 semaphore(%run_scoped3A : memref<!tpu.dma_semaphore, #tpu.memory_space<semaphore_mem>>) src(%dma_wait3A_28 : memref<2048xf32, #tpu.memory_space<hbm>>) dst(%arg8 : memref<2048xf32, #tpu.memory_space<vmem>>)
        tpu.yield
      }) : () -> ()
      "tpu.region"() ({
        %run_scoped3A = tpu.sem_alloc : memref<!tpu.dma_semaphore, #tpu.memory_space<semaphore_mem>>
        %dma_start3A = tpu.memref_slice %arg4[%add3A_21] : memref<2097152xf32, #tpu.memory_space<hbm>> -> memref<2048xf32, #tpu.memory_space<hbm>>
        %dma_start3A_27 = tpu.memref_slice %arg4[%add3A_21] : memref<2097152xf32, #tpu.memory_space<hbm>> -> memref<2048xf32, #tpu.memory_space<hbm>>
        tpu.enqueue_dma source(%dma_start3A_27 : memref<2048xf32, #tpu.memory_space<hbm>>) target(%arg9 : memref<2048xf32, #tpu.memory_space<vmem>>) target_semaphore(%run_scoped3A : memref<!tpu.dma_semaphore, #tpu.memory_space<semaphore_mem>>)
        %dma_wait3A = tpu.memref_slice %arg4[%add3A_21] : memref<2097152xf32, #tpu.memory_space<hbm>> -> memref<2048xf32, #tpu.memory_space<hbm>>
        %dma_wait3A_28 = tpu.memref_slice %arg4[%add3A_21] : memref<2097152xf32, #tpu.memory_space<hbm>> -> memref<2048xf32, #tpu.memory_space<hbm>>
        tpu.wait_dma2 semaphore(%run_scoped3A : memref<!tpu.dma_semaphore, #tpu.memory_space<semaphore_mem>>) src(%dma_wait3A_28 : memref<2048xf32, #tpu.memory_space<hbm>>) dst(%arg9 : memref<2048xf32, #tpu.memory_space<vmem>>)
        tpu.yield
      }) : () -> ()
      %scan3A_22 = arith.constant 0 : i32
      %scan3A_23 = arith.constant 128 : i32
      %scan3A_24 = arith.addi %scan3A_22, %scan3A_23 : i32
      %scan3A_25 = arith.constant 1 : i32
      scf.for %scan3A_27 = %scan3A_22 to %scan3A_24 step %scan3A_25  : i32 {
        %mul3A_28 = arith.constant 16 : i32
        %mul3A_29 = arith.muli %scan3A_27, %mul3A_28 : i32
        %get3A = arith.index_cast %mul3A_29 : i32 to index
        %get3A_30 = tpu.vector_load %arg7[%get3A] {strides = array<i32>} : memref<2048xf32, #tpu.memory_space<vmem>>, vector<16xf32>,
        %get3A_31 = arith.constant 0 : i32
        %get3A_32 = arith.index_cast %get3A_31 : i32 to index
        %get3A_33 = arith.constant 0 : index
        %get3A_34 = tpu.vector_load %arg11[%get3A_32, %get3A_33] {strides = array<i32>} : memref<6x16xf32, #tpu.memory_space<vmem>>, vector<16xf32>,
        %sub3A = arith.subf %get3A_30, %get3A_34 : vector<16xf32>
        %get3A_35 = arith.constant 3 : i32
        %get3A_36 = arith.index_cast %get3A_35 : i32 to index
        %get3A_37 = arith.constant 0 : index
        %get3A_38 = tpu.vector_load %arg11[%get3A_36, %get3A_37] {strides = array<i32>} : memref<6x16xf32, #tpu.memory_space<vmem>>, vector<16xf32>,
        %mul3A_39 = arith.mulf %sub3A, %get3A_38 : vector<16xf32>
        %get3A_40 = arith.index_cast %mul3A_29 : i32 to index
        %get3A_41 = tpu.vector_load %arg8[%get3A_40] {strides = array<i32>} : memref<2048xf32, #tpu.memory_space<vmem>>, vector<16xf32>,
        %get3A_42 = arith.constant 1 : i32
        %get3A_43 = arith.index_cast %get3A_42 : i32 to index
        %get3A_44 = arith.constant 0 : index
        %get3A_45 = tpu.vector_load %arg11[%get3A_43, %get3A_44] {strides = array<i32>} : memref<6x16xf32, #tpu.memory_space<vmem>>, vector<16xf32>,
        %sub3A_46 = arith.subf %get3A_41, %get3A_45 : vector<16xf32>
        %get3A_47 = arith.constant 4 : i32
        %get3A_48 = arith.index_cast %get3A_47 : i32 to index
        %get3A_49 = arith.constant 0 : index
        %get3A_50 = tpu.vector_load %arg11[%get3A_48, %get3A_49] {strides = array<i32>} : memref<6x16xf32, #tpu.memory_space<vmem>>, vector<16xf32>,
        %mul3A_51 = arith.mulf %sub3A_46, %get3A_50 : vector<16xf32>
        %get3A_52 = arith.index_cast %mul3A_29 : i32 to index
        %get3A_53 = tpu.vector_load %arg9[%get3A_52] {strides = array<i32>} : memref<2048xf32, #tpu.memory_space<vmem>>, vector<16xf32>,
        %get3A_54 = arith.constant 2 : i32
        %get3A_55 = arith.index_cast %get3A_54 : i32 to index
        %get3A_56 = arith.constant 0 : index
        %get3A_57 = tpu.vector_load %arg11[%get3A_55, %get3A_56] {strides = array<i32>} : memref<6x16xf32, #tpu.memory_space<vmem>>, vector<16xf32>,
        %sub3A_58 = arith.subf %get3A_53, %get3A_57 : vector<16xf32>
        %get3A_59 = arith.constant 5 : i32
        %get3A_60 = arith.index_cast %get3A_59 : i32 to index
        %get3A_61 = arith.constant 0 : index
        %get3A_62 = tpu.vector_load %arg11[%get3A_60, %get3A_61] {strides = array<i32>} : memref<6x16xf32, #tpu.memory_space<vmem>>, vector<16xf32>,
        %mul3A_63 = arith.mulf %sub3A_58, %get3A_62 : vector<16xf32>
        %convert_element_type3A = arith.fptosi %mul3A_39 : vector<16xf32> to vector<16xi32>
        %convert_element_type3A_64 = arith.fptosi %mul3A_51 : vector<16xf32> to vector<16xi32>
        %convert_element_type3A_65 = arith.fptosi %mul3A_63 : vector<16xf32> to vector<16xi32>
        %mul3A_66 = arith.constant 16 : i32
        %mul3A_67 = vector.broadcast %mul3A_66 : i32 to vector<16xi32>
        %mul3A_68 = arith.muli %convert_element_type3A, %mul3A_67 : vector<16xi32>
        %mul3A_69 = arith.constant 4 : i32
        %mul3A_70 = vector.broadcast %mul3A_69 : i32 to vector<16xi32>
        %mul3A_71 = arith.muli %convert_element_type3A_64, %mul3A_70 : vector<16xi32>
        %add3A_72 = arith.addi %mul3A_68, %mul3A_71 : vector<16xi32>
        %add3A_73 = arith.addi %add3A_72, %convert_element_type3A_65 : vector<16xi32>
        tpu.vector_store_idx %arg10[%add3A_73], %broadcast_in_dim3A_10 {add = true} : memref<64xi32, #tpu.memory_space<vmem>>[vector<16xi32>], vector<16xi32>,
      }
      %scan3A_26 = arith.constant 128 : i32
    }
    %scan3A_15 = arith.constant 32 : i32
    "tpu.region"() ({
      %run_scoped3A = tpu.sem_alloc : memref<!tpu.dma_semaphore, #tpu.memory_space<semaphore_mem>>
      %dma_start3A = arith.constant 0 : i32
      %dma_start3A_16 = tpu.memref_slice %arg6[%add3A, %dma_start3A] : memref<32x64xi32, #tpu.memory_space<hbm>> -> memref<1x64xi32, #tpu.memory_space<hbm>>
      %dma_start3A_17 = tpu.memref_squeeze %dma_start3A_16 : memref<1x64xi32, #tpu.memory_space<hbm>> -> memref<64xi32, #tpu.memory_space<hbm>>
      %dma_start3A_18 = arith.constant 0 : i32
      %dma_start3A_19 = tpu.memref_slice %arg6[%add3A, %dma_start3A_18] : memref<32x64xi32, #tpu.memory_space<hbm>> -> memref<1x64xi32, #tpu.memory_space<hbm>>
      %dma_start3A_20 = tpu.memref_squeeze %dma_start3A_19 : memref<1x64xi32, #tpu.memory_space<hbm>> -> memref<64xi32, #tpu.memory_space<hbm>>
      tpu.enqueue_dma source(%arg10 : memref<64xi32, #tpu.memory_space<vmem>>) target(%dma_start3A_20 : memref<64xi32, #tpu.memory_space<hbm>>) target_semaphore(%run_scoped3A : memref<!tpu.dma_semaphore, #tpu.memory_space<semaphore_mem>>)
      %dma_wait3A = arith.constant 0 : i32
      %dma_wait3A_21 = tpu.memref_slice %arg6[%add3A, %dma_wait3A] : memref<32x64xi32, #tpu.memory_space<hbm>> -> memref<1x64xi32, #tpu.memory_space<hbm>>
      %dma_wait3A_22 = tpu.memref_squeeze %dma_wait3A_21 : memref<1x64xi32, #tpu.memory_space<hbm>> -> memref<64xi32, #tpu.memory_space<hbm>>
      %dma_wait3A_23 = arith.constant 0 : i32
      %dma_wait3A_24 = tpu.memref_slice %arg6[%add3A, %dma_wait3A_23] : memref<32x64xi32, #tpu.memory_space<hbm>> -> memref<1x64xi32, #tpu.memory_space<hbm>>
      %dma_wait3A_25 = tpu.memref_squeeze %dma_wait3A_24 : memref<1x64xi32, #tpu.memory_space<hbm>> -> memref<64xi32, #tpu.memory_space<hbm>>
      tpu.wait_dma2 semaphore(%run_scoped3A : memref<!tpu.dma_semaphore, #tpu.memory_space<semaphore_mem>>) src(%arg10 : memref<64xi32, #tpu.memory_space<vmem>>) dst(%dma_wait3A_25 : memref<64xi32, #tpu.memory_space<hbm>>)
      tpu.yield
    }) : () -> ()
    return
  }
}

</mosaic_0001>

<sc_bundles>
// kernel: alpha_grid_hist_sc.3.cloned.1.call-start
scs
__scs_entry_jumppad:
0x0: {  	(pc) =	sbr.rel $0x88, $3  }
0x1: {  	(tag) =	ssettag $0x0;
	lr =	simm.s32 $0x1  }
0x2: {  	[smem:$0x3F9E] =	sst lr;
	_ =	strace $0xD0000000  }
0x3: {  	_ = 	snop  }
0x4: {  	_ = 	snop  }
0x5: {  	_ = 	snop  }
0x6: {  	_ = 	snop  }
0x7: {  	_ = 	snop  }
__scs_overlays_trampoline_lowered:
0x8: {  	[smem:$0x3FAD] =	sst s0  }
0x9: {  	[smem:$0x3FAE] =	sst s1  }
0xa: {  	[smem:$0x3FAF] =	sst s2  }
0xb: {  	[smem:$0x3FB0] =	sst s3  }
0xc: {  	[smem:$0x3FB1] =	sst s4  }
0xd: {  	[smem:$0x3FB2] =	sst s5  }
0xe: {  	[smem:$0x3FB3] =	sst s6  }
0xf: {  	[smem:$0x3FB4] =	sst s7  }
0x10: {  	[smem:$0x3FB5] =	sst s8  }
0x11: {  	[smem:$0x3FB6] =	sst s9;
	s0 =	simm.s32 @!p0 $0x0  }
0x12: {  	s1 =	sld [smem:$0x3F9C];
	s0 =	simm.s32 @p0 $0x1  }
0x13: {  	[smem:$0x3FB7] =	sst s0;
	s0 =	simm.s32 @!p1 $0x0  }
0x14: {  	s2 =	sld [smem:$0x3F9B];
	s0 =	simm.s32 @p1 $0x1  }
0x15: {  	[smem:$0x3FB8] =	sst s0;
	s0 =	simm.s32 @!p2 $0x0  }
0x16: {  	s3 =	sld [smem:$0x3FDB];
	s0 =	simm.s32 @p2 $0x1  }
0x17: {  	s4 =	simm.s32 $0x1BF5;
	[smem:$0x3FBA] =	sst s0  }
0x18: {  	s0 =	sld [smem:$0x3F9D];
	_ =	swait.ge [sflag:s4], $0x0  }
0x19: {  	s7 =	sld [smem:$0x3F9E]  }
0x1a: {  	s8 =	sadd.s32 $0xFFFFE003, lr  }
0x1b: {  	s9 =	sadd.s32 $0xFFFFFEF7, lr;
	s5 =	simm.s32 $0xFFFFFFFF;
	p2 =	slt.u32 s8, $0xFFFFF086  }
0x1c: {  	p1 =	slt.u32 s9, $0xF7A;
	s5 =	simm.s32 @!p2 $0x0  }
0x1d: {  	s5 =	simm.s32 @p1 $0x1;
	p0 =	seq.s32 s7, s2  }
0x1e: {  	s7 =	smul.u32 @!p0 $0xF7A, s2;
	p2 =	seq.s32 @!p0 s5, $0x0  }
0x1f: {  	s9 =	smul.u32 $0xF7A, s1;
	s8 =	simm.s32 @!p0 $0x1BF5;
	p2 =	por !p2, p0  }
0x20: {  	[sflag:s8] =	ssyncset.s32 @!p0 $0xFFFFF086;
	s6 =	sadd.s32 @!p0 s3, s7;
	s7 =	simm.s32 @!p0 $0x108  }
0x21: {  	s3 =	sadd.s32 s3, s9;
	s6 =	sadd.s32 @!p0 $0x88, s6;
	s7 =	simm.s32 @p2 $0x1082  }
0x22: {  	[simem:s7], [sflag:s8] =	dma.local @!p0 [hbm:s6], $0xF7A  }
0x23: {  	s9 =	sor.u32 $0xD0000000, s2;
	s6 =	simm.s32 $0x108;
	_ =	swait.ge @!p0 [sflag:s8], $0x0  }
0x24: {  	s3 =	sadd.s32 $0x88, s3;
	s6 =	simm.s32 @!p1 $0x1082;
	[sflag:s4] =	ssyncset.s32 $0xFFFFF086  }
0x25: {  	[simem:s6], [sflag:s4] =	dma.local [hbm:s3], $0xF7A  }
0x26: {  	[smem:$0x3F9E] =	sst s1;
	(tag) =	ssettag s2;
	_ =	strace s9  }
0x27: {  	s1 =	sld [smem:$0x3FAE]  }
0x28: {  	s2 =	sld [smem:$0x3FAF]  }
0x29: {  	s4 =	sld [smem:$0x3FB1]  }
0x2a: {  	p0 =	seq.s32 s5, $0x0;
	s5 =	sld [smem:$0x3FB2]  }
0x2b: {  	s6 =	sld [smem:$0x3FB3]  }
0x2c: {  	s7 =	sld [smem:$0x3FB4]  }
0x2d: {  	s3 =	simm.s32 $0x108;
	s8 =	sld [smem:$0x3FB5]  }
0x2e: {  	s3 =	simm.s32 @!p0 $0x1082;
	s9 =	sld [smem:$0x3FB6]  }
0x2f: {  	lr =	sadd.s32 s0, s3;
	s0 =	sld [smem:$0x3FAD]  }
0x30: {  	s3 =	sld [smem:$0x3FB0]  }
0x31: {  	[smem:$0x3FB9] =	sst s10  }
0x32: {  	s10 =	sld [smem:$0x3FB7];
	_ =	sdelay $0x3  }
0x33: {  	p0 =	seq.s32 s10, $0x1;
	s10 =	sld [smem:$0x3FB9];
	_ =	sdelay $0x3  }
0x34: {  	[smem:$0x3FB9] =	sst s10  }
0x35: {  	s10 =	sld [smem:$0x3FB8];
	_ =	sdelay $0x3  }
0x36: {  	p1 =	seq.s32 s10, $0x1;
	s10 =	sld [smem:$0x3FB9];
	_ =	sdelay $0x3  }
0x37: {  	[smem:$0x3FB9] =	sst s10  }
0x38: {  	s10 =	sld [smem:$0x3FBA]  }
0x39: {  	_ = 	snop;
	(pc) =	sbr.ind lr, $3  }
0x3a: {  	_ = 	snop  }
0x3b: {  	_ = 	snop  }
0x3c: {  	p2 =	seq.s32 s10, $0x1;
	s10 =	sld [smem:$0x3FB9]  }
0x3d: {  	_ =	shalt  }
0x3e: {  	_ =	shalt  }
0x3f: {  	_ =	shalt  }
0x40: {  	_ =	shalt  }
0x41: {  	_ =	shalt  }
0x42: {  	_ =	shalt  }
0x43: {  	_ =	shalt  }
0x44: {  	_ =	shalt  }
0x45: {  	_ =	shalt  }
0x46: {  	_ =	shalt  }
0x47: {  	_ =	shalt  }
0x48: {  	_ =	shalt  }
0x49: {  	_ =	shalt  }
0x4a: {  	_ =	shalt  }
0x4b: {  	_ =	shalt  }
0x4c: {  	_ =	shalt  }
0x4d: {  	_ =	shalt  }
0x4e: {  	_ =	shalt  }
0x4f: {  	_ =	shalt  }
0x50: {  	_ =	shalt  }
0x51: {  	_ =	shalt  }
0x52: {  	_ =	shalt  }
0x53: {  	_ =	shalt  }
0x54: {  	_ =	shalt  }
0x55: {  	_ =	shalt  }
0x56: {  	_ =	shalt  }
0x57: {  	_ =	shalt  }
0x58: {  	_ =	shalt  }
0x59: {  	_ =	shalt  }
0x5a: {  	_ =	shalt  }
0x5b: {  	_ =	shalt  }
0x5c: {  	_ =	shalt  }
0x5d: {  	_ =	shalt  }
0x5e: {  	_ =	shalt  }
0x5f: {  	_ =	shalt  }
0x60: {  	_ =	shalt  }
0x61: {  	_ =	shalt  }
0x62: {  	_ =	shalt  }
0x63: {  	_ =	shalt  }
0x64: {  	_ =	shalt  }
0x65: {  	_ =	shalt  }
0x66: {  	_ =	shalt  }
0x67: {  	_ =	shalt  }
0x68: {  	_ =	shalt  }
0x69: {  	_ =	shalt  }
0x6a: {  	_ =	shalt  }
0x6b: {  	_ =	shalt  }
0x6c: {  	_ =	shalt  }
0x6d: {  	_ =	shalt  }
0x6e: {  	_ =	shalt  }
0x6f: {  	_ =	shalt  }
0x70: {  	_ =	shalt  }
0x71: {  	_ =	shalt  }
0x72: {  	_ =	shalt  }
0x73: {  	_ =	shalt  }
0x74: {  	_ =	shalt  }
0x75: {  	_ =	shalt  }
0x76: {  	_ =	shalt  }
0x77: {  	_ =	shalt  }
0x78: {  	_ =	shalt  }
0x79: {  	_ =	shalt  }
0x7a: {  	_ =	shalt  }
0x7b: {  	_ =	shalt  }
0x7c: {  	_ =	shalt  }
0x7d: {  	_ =	shalt  }
0x7e: {  	_ =	shalt  }
0x7f: {  	_ =	shalt  }
0x80: {  	_ =	shalt  }
0x81: {  	_ =	shalt  }
0x82: {  	_ =	shalt  }
0x83: {  	_ =	shalt  }
0x84: {  	_ =	shalt  }
0x85: {  	_ =	shalt  }
0x86: {  	_ =	shalt  }
0x87: {  	_ =	shalt  }
.Lfunc_end0:
.L_simem_size_0:
called_computation.1_lowered:
.L_overlay_start_0:
0x88: {  	s2 =	sld [smem:$0x3FD9]  }
0x89: {  	s3 =	sld [smem:$0x3FFE];
	_ =	sdelay $0x1  }
0x8a: {  	s1 =	srdreg.scid  }
0x8b: {  	s0 =	sand.u32 $0x1, s1  }
0x8c: {  	s17 =	sshll.u32 s0, $0xA;
	s2 =	sadd.s32 s3, s2  }
0x8d: {  	s2 =	sadd.s32 s2, s17  }
0x8e: {  	[smem:$0x3FC5] =	sst s2  }
0x8f: {  	_ = 	snop  }
0x90: {  	(tm) =	ssettm $0x1  }
0x91: {  	s18 =	sld [smem:$0x3FFB];
	_ =	sdelay $0x3  }
0x92: {  	_ =	strace s18  }
0x93: {  	s2 =	sld [smem:$0x3FFC];
	_ =	sdelay $0x3  }
0x94: {  	_ =	strace s2  }
0x95: {  	s2 =	sld [smem:$0x3FFD];
	_ =	sdelay $0x3  }
0x96: {  	_ =	strace s2  }
0x97: {  	_ =	strace $0x8FFFFFFF  }
0x98: {  	s19 =	sld [smem:$0x3FDB];
	_ =	sdelay $0x1  }
0x99: {  	s20 =	simm.s32 $_scs_section_size  }
0x9a: {  	s4 =	simm.s32 $_size__tile_overlayer_lowered;
	s5 =	simm.s32 $_tile_overlayer_lowered  }
0x9b: {  	s6 =	simm.s32 $0x1BFF;
	s21 =	sshll.u32 s5, $0x1;
	s3 =	sadd.s32 s20, s19  }
0x9c: {  	s22 =	simm.s32 $0x0;
	s4 =	sshll.u32 s4, $0x1;
	s5 =	sadd.s32 s21, s3  }
0x9d: {  	[timem:s22], [sflag:s6] =	dma.local [hbm:s5], s4  }
0x9e: {  	_ =	swait.ge [sflag:s6], s4  }
0x9f: {  	s4 =	ssub.s32 $0x0, s4;
	[sflag:s6] =	ssyncset.done $0x0  }
0xa0: {  	[sflag:s6] =	ssyncadd.s32 s4;
	_ =	sdelay $0x1  }
0xa1: {  	s23 =	simm.s32 $0x1B8B  }
0xa2: {  	_ =	swait.ge [sflag:s23], $0x1  }
0xa3: {  	[sflag:s23] =	ssyncset.done $0x0  }
0xa4: {  	[sflag:s23] =	ssyncadd.s32 $0xFFFFFFFF  }
0xa5: {  	s4 =	sld [smem:$0x0]  }
0xa6: {  	s5 =	sand.u32 $0xFFFFFFFE, s1  }
0xa7: {  	p0 =	sne.s32 s1, s5  }
0xa8: {  	s5 =	sshll.u32 @p0 s5, $0xE  }
0xa9: {  	s5 =	sadd.s32 @p0 $0x11B8D, s5;
	s6 =	sshll.u32 @p0 s4, $0x11  }
0xaa: {  	s5 =	sor.u32 @p0 s6, s5  }
0xab: {  	[sflag:s5] =	ssyncadd.remote.s32 @p0 $0x1;
	_ =	sdelay $0x1  }
0xac: {  	s5 =	simm.s32 @p0 $0x1B8D  }
0xad: {  	_ =	swait.eq @p0 [sflag:s5], $0x1  }
0xae: {  	[sflag:s5] =	ssyncadd.s32 @p0 $0xFFFFFFFF  }
0xaf: {  	s6 =	sshll.u32 @!p0 s1, $0xE  }
0xb0: {  	s6 =	sor.u32 @!p0 $0x4000, s6;
	s5 =	simm.s32 @!p0 $0x1B8D  }
0xb1: {  	s4 =	sshll.u32 @!p0 s4, $0x11;
	s6 =	sadd.s32 @!p0 $0x11B8D, s6;
	_ =	swait.eq @!p0 [sflag:s5], $0x1  }
0xb2: {  	s4 =	sor.u32 @!p0 s4, s6;
	[sflag:s5] =	ssyncadd.s32 @!p0 $0xFFFFFFFF  }
0xb3: {  	s25 =	simm.s32 $0x1B8E;
	s24 =	sld [smem:$0x3FFE];
	[sflag:s4] =	ssyncadd.remote.s32 @!p0 $0x1  }
0xb4: {  	s26 =	simm.s32 $execute0_lowered;
	[smem:$0x3FD2] =	sst s25  }
0xb5: {  	s5 =	sshll.u32 s26, $0x1;
	_ =	strace $0x80000049;
	[dreg:$0x1] =	wrdreg $0xFFFFFFFF  }
0xb6: {  	s28 =	simm.s32 $_size_execute0_lowered;
	s3 =	sadd.s32 s3, s5;
	[dreg:$0x0] =	wrdreg $0x0  }
0xb7: {  	s5 =	sshll.u32 s28, $0x1;
	[dreg:$0x2] =	wrdreg s3  }
0xb8: {  	[dreg:$0x3] =	wrdreg s5  }
0xb9: {  	[dreg:$0x4] =	wrdreg $0xC0  }
0xba: {  	_ =	task [dreg:s22], $0x5FFFF  }
0xbb: {  	[dreg:$0x1] =	wrdreg $0xFFFFFFFF  }
0xbc: {  	[dreg:$0x0] =	wrdreg $0x60  }
0xbd: {  	[dreg:$0x2] =	wrdreg s24  }
0xbe: {  	[dreg:$0x3] =	wrdreg $0xA  }
0xbf: {  	_ =	task.clear_ibuf [dreg:s22], $0x4FFFF;
	_ =	strace $0x90000049  }
0xc0: {  	s29 =	simm.s32 $0xA;
	_ =	strace $0x8000004B  }
0xc1: {  	_ =	swait.ge [sflag:s29], $0x1  }
0xc2: {  	[sflag:s29] =	ssyncadd.s32 $0xFFFFFFFF  }
0xc3: {  	_ =	strace $0x9000004B  }
0xc4: {  	_ =	sfence  }
0xc5: {  	s30 =	sld [smem:$0x0];
	_ =	sdelay $0x2  }
0xc6: {  	s31 =	sshll.u32 s1, $0xD;
	s1 =	sshrl.u32 s1, $0x2  }
0xc7: {  	s4 =	sand.u32 $0x4000, s31;
	s1 =	sadd.s32 s1, s30  }
0xc8: {  	s0 =	sor.u32 s4, s0;
	s1 =	sshll.u32 s1, $0x11  }
0xc9: {  	s0 =	sor.u32 s1, s0  }
0xca: {  	s0 =	sadd.s32 $0x8F2B, s0  }
0xcb: {  	[sflag:s0] =	ssyncadd.remote.s32 $0x1  }
0xcc: {  	_ =	sfence.sel $0xFFFF  }
0xcd: {  	[dreg:$0x0] =	wrdreg $0xFFFFFFFF;
	(pc) =	sbr.abs _section_cstart, $3  }
0xce: {  	[dreg:$0x1] =	wrdreg $0xFFFFFFFF  }
0xcf: {  	_ =	task.clear_ibuf [dreg:s22], $0x2FFFF;
	_ =	strace $0x9FFFFFFF  }
0xd0: {  	(tm) =	ssettm $0x7FFFFFFF  }
0xd1: {  	_ =	shalt  }
tec
execute0_lowered:
.L_overlay_start_1:
0x0: {  	(tag) =	ssettag $0x1  }
0x1: {  	s6 =	rddreg [dreg:$0x0]  }
0x2: {  	s0 =	rddreg [dreg:$0x1];
	s1 =	simm.s32 $0x0  }
0x3: {  	s2 =	srdreg.scid;
	s12 =	simm.s32 $0x800;
	s13 =	simm.s32 $0x1000  }
0x4: {  	s14 =	simm.s32 $0x1800;
	s15 =	simm.s32 $0x0;
	s19 =	simm.s32 $0x0  }
0x5: {  	[smem:$0x7FF] =	sst s1;
	s3 =	sadd.s32 $0x281000, s6;
	s7 =	sand.u32 $0x1, s2  }
0x6: {  	s4 =	sadd.s32 $0x241000, s6;
	s2 =	stileid.u32;
	s5 =	sadd.s32 $0x201000, s6  }
0x7: {  	_ =	strace $0x8000004A;
	s8 =	sshll.u32 s7, $0x4;
	s9 =	sshll.u32 s2, $0x4  }
0x8: {  	s7 =	ssub.s32 $0x2, s7;
	s8 =	sor.u32 s2, s8;
	s9 =	sand.u32 $0x70, s9  }
0x9: {  	s11 =	sshrl.u32 s7, $0x1;
	s10 =	sshll.u32 s8, $0x4;
	s9 =	sadd.s32 s9, s6  }
0xa: {  	s6 =	sadd.s32 $0x2C1000, s6;
	s11 =	ssub.s32 s7, s11;
	s10 =	sand.u32 $0x180, s10  }
0xb: {  	s7 =	sshll.u32 s8, $0xD;
	s9 =	sadd.s32 s10, s9;
	s10 =	simm.s32 $0x1880  }
0xc: {  	v0 =	vimm.s32 $0x0;
	v1 =	vimm.s32 $0x1;
	s8 =	sadd.s32 $0x2C1200, s9;
	s9 =	smax.u32 s11, $0x1;
	s11 =	simm.s32 $0x1  }
.LBB2_1:
0xd: {  	[tilespmem:s10], [sflag:$0x1] =	stream.linear.gather [hbm4b:s6+s1], $0x300, $0x38;
	[tilespmem:$0x1C80] =	vst v63  }
0xe: {  	_ =	swait.ge [sflag:s11], $0x300  }
0xf: {  	[sflag:s11] =	ssyncset.done $0x0  }
0x10: {  	[sflag:s11] =	ssyncadd.s32 $0xFFFFFD00  }
0x11: {  	[tilespmem:$0x1800] =	vst v0  }
0x12: {  	[tilespmem:$0x1810] =	vst v0  }
0x13: {  	[tilespmem:$0x1820] =	vst v0  }
0x14: {  	s16 =	simm.s32 $0x0;
	[tilespmem:$0x1830] =	vst v0  }
.LBB2_2:
0x15: {  	s17 =	sshll.u32 s16, $0x8  }
0x16: {  	s17 =	sadd.s32 s7, s17  }
0x17: {  	s18 =	sadd.s32 s3, s17  }
0x18: {  	[tilespmem:s19], [sflag:$0x1] =	stream.linear.gather [hbm4b:s18+s19], $0x800, $0x38;
	[tilespmem:$0x1C80] =	vst v63  }
0x19: {  	_ =	swait.ge [sflag:s11], $0x800  }
0x1a: {  	[sflag:s11] =	ssyncset.done $0x0  }
0x1b: {  	s30 =	sadd.s32 s4, s17;
	[sflag:s11] =	ssyncadd.s32 $0xFFFFF800  }
0x1c: {  	[tilespmem:s12], [sflag:$0x1] =	stream.linear.gather [hbm4b:s30+s19], $0x800, $0x38;
	[tilespmem:$0x1C80] =	vst v63  }
0x1d: {  	_ =	swait.ge [sflag:s11], $0x800  }
0x1e: {  	[sflag:s11] =	ssyncset.done $0x0  }
0x1f: {  	s17 =	sadd.s32 s5, s17;
	[sflag:s11] =	ssyncadd.s32 $0xFFFFF800  }
0x20: {  	[tilespmem:s13], [sflag:$0x1] =	stream.linear.gather [hbm4b:s17+s19], $0x800, $0x38;
	[tilespmem:$0x1C80] =	vst v63  }
0x21: {  	_ =	swait.ge [sflag:s11], $0x800  }
0x22: {  	[sflag:s11] =	ssyncset.done $0x0  }
0x23: {  	s31 =	simm.s32 $0x0;
	[sflag:s11] =	ssyncadd.s32 $0xFFFFF800  }
0x24: {  	v2 =	vld [tilespmem:s31+$0x1000]  }
0x25: {  	v3 =	vld [tilespmem:$0x1980]  }
0x26: {  	v4 =	vld [tilespmem:$0x1880]  }
0x27: {  	v5 =	vld [tilespmem:s31+$0x0]  }
0x28: {  	s17 =	simm.s32 $0x40;
	v6 =	vld [tilespmem:s31+$0x800]  }
.LBB2_3:
0x29: {  	p0 =	sne.s32 s17, $0x1FC0;
	v7 =	vld [tilespmem:$0x1900]  }
0x2a: {  	v8 =	vld [tilespmem:$0x1A00]  }
0x2b: {  	v9 =	vld [tilespmem:$0x1A80]  }
0x2c: {  	v10 =	vld [tilespmem:$0x1B00];
	_ =	sdelay $0x1  }
0x2d: {  	v4 =	vsub.f32 v5, v4;
	v5 =	vsub.f32 v6, v7  }
0x2e: {  	v2 =	vsub.f32 v2, v3  }
0x2f: {  	v3 =	vmul.f32 v8, v4;
	v4 =	vmul.f32 v9, v5  }
0x30: {  	v2 =	vmul.f32 v10, v2  }
0x31: {  	v3 =	vtrunc.f32 v3;
	v4 =	vtrunc.f32 v4  }
0x32: {  	v3 =	vcvt.f32.s32 v3;
	v4 =	vcvt.f32.s32 v4  }
0x33: {  	v2 =	vtrunc.f32 v2  }
0x34: {  	v2 =	vcvt.f32.s32 v2;
	v3 =	vshll.u32 v3, $0x4;
	v4 =	vshll.u32 v4, $0x2  }
0x35: {  	v3 =	vadd.s32 v3, v4  }
0x36: {  	v2 =	vadd.s32 v2, v3;
	_ =	sdelay $0x4  }
0x37: {  	s18 =	sshra.s32 s17, $0x2;
	[tilespmem:v2+s14+$0x0] =	vst.idx.add.s32.msk $0xffff, v1  }
.Ltmp0:
0x38: {  	v2 =	vld [tilespmem:s18+$0x1000];
	(pc) =	sbr.rel @p0 .LBB2_3-.Ltmp0, $4  }
0x39: {  	v3 =	vld [tilespmem:$0x1980]  }
0x3a: {  	v4 =	vld [tilespmem:$0x1880]  }
0x3b: {  	v5 =	vld [tilespmem:s18+$0x0]  }
0x3c: {  	s17 =	sadd.s32 $0x40, s17;
	v6 =	vld [tilespmem:s18+$0x800]  }
0x3d: {  	v7 =	vld [tilespmem:$0x1900]  }
0x3e: {  	v8 =	vld [tilespmem:$0x1A00]  }
0x3f: {  	v9 =	vld [tilespmem:$0x1A80]  }
0x40: {  	v10 =	vld [tilespmem:$0x1B00];
	_ =	sdelay $0x1  }
0x41: {  	v4 =	vsub.f32 v5, v4;
	v62 =	vsub.f32 v6, v7  }
0x42: {  	v2 =	vsub.f32 v2, v3  }
0x43: {  	v3 =	vmul.f32 v8, v4;
	v63 =	vmul.f32 v9, v62  }
0x44: {  	v2 =	vmul.f32 v10, v2  }
0x45: {  	v3 =	vtrunc.f32 v3;
	v4 =	vtrunc.f32 v63  }
0x46: {  	v3 =	vcvt.f32.s32 v3;
	v4 =	vcvt.f32.s32 v4  }
0x47: {  	v2 =	vtrunc.f32 v2  }
0x48: {  	v2 =	vcvt.f32.s32 v2;
	v3 =	vshll.u32 v3, $0x4;
	v4 =	vshll.u32 v4, $0x2  }
0x49: {  	s16 =	sadd.s32 $0x1, s16;
	v3 =	vadd.s32 v3, v4  }
0x4a: {  	p0 =	sne.s32 s16, $0x20;
	v2 =	vadd.s32 v2, v3  }
.Ltmp1:
0x4b: {  	_ = 	snop;
	(pc) =	sbr.rel @p0 .LBB2_2-.Ltmp1, $2  }
0x4c: {  	_ =	sdelay $0x2  }
0x4d: {  	[tilespmem:v2+s14+$0x0] =	vst.idx.add.s32.msk $0xffff, v1  }
0x4e: {  	s15 =	sadd.s32 $0x1, s15  }
0x4f: {  	p0 =	sne.s32 s15, s9  }
.Ltmp2:
0x50: {  	_ = 	snop;
	(pc) =	sbr.rel @p0 .LBB2_1-.Ltmp2, $4  }
0x51: {  	[hbm4b:s8+s1] =	stream.linear.scatter [tilespmem:s14], [sflag:$0x1], $0x80, $0x38;
	[tilespmem:$0x1C80] =	vst v63  }
0x52: {  	_ =	swait.ge [sflag:s11], $0x80  }
0x53: {  	[sflag:s11] =	ssyncset.done $0x0  }
0x54: {  	[sflag:s11] =	ssyncadd.s32 $0xFFFFFF80  }
0x55: {  	_ =	sfence.sel $0x180000  }
0x56: {  	[bflag:$0x0] =	sbarrier.arrive $0xFFFF  }
0x57: {  	p0 =	sne.s32 s2, $0x0;
	_ =	strace $0x9000004A  }
0x58: {  	s0 =	sadd.s32 @!p0 $0x100000, s0;
	[bflag:$0x2] =	sbarrier.arrive $0xFFFF  }
0x59: {  	[sflag:s0] =	ssyncadd.tile.s32 @!p0 $0x1;
	_ =	shalt  }
.Lfunc_end2:
_tile_overlayer_lowered:
.L_overlay_start_2:
0x5a: {  	(tag) =	ssettag $0x2  }
0x5b: {  	s0 =	rddreg [dreg:$0x0];
	s2 =	stileid.u32  }
0x5c: {  	s1 =	rddreg [dreg:$0x1];
	p0 =	sne.s32 s2, $0x0  }
0x5d: {  	s3 =	rddreg [dreg:$0x2];
	[bflag:$0x3] =	sbarrier.arrive $0xFFFF;
	s2 =	simm.s32 @!p0 $0x1C01  }
0x5e: {  	[timem:s3], [sflag:s2] =	dma.local @!p0 [hbm:s0], s1  }
0x5f: {  	s0 =	simm.s32 @!p0 $0x1  }
0x60: {  	_ =	swait.ge @!p0 [sflag:s0], s1  }
0x61: {  	s1 =	ssub.s32 @!p0 $0x0, s1;
	[sflag:s0] =	ssyncset.done @!p0 $0x0  }
0x62: {  	[sflag:s0] =	ssyncadd.s32 @!p0 s1  }
0x63: {  	[bflag:$0x3] =	sbarrier.arrive $0xFFFF  }
0x64: {  	_ =	shalt  }

// kernel: alpha_grid_sample_sc.3.cloned.1.call-start
scs
__scs_entry_jumppad:
0x0: {  	(pc) =	sbr.rel $0x88, $3  }
0x1: {  	(tag) =	ssettag $0x0;
	lr =	simm.s32 $0x1  }
0x2: {  	[smem:$0x3F9E] =	sst lr;
	_ =	strace $0xD0000000  }
0x3: {  	_ = 	snop  }
0x4: {  	_ = 	snop  }
0x5: {  	_ = 	snop  }
0x6: {  	_ = 	snop  }
0x7: {  	_ = 	snop  }
__scs_overlays_trampoline_lowered:
0x8: {  	[smem:$0x3FAD] =	sst s0  }
0x9: {  	[smem:$0x3FAE] =	sst s1  }
0xa: {  	[smem:$0x3FAF] =	sst s2  }
0xb: {  	[smem:$0x3FB0] =	sst s3  }
0xc: {  	[smem:$0x3FB1] =	sst s4  }
0xd: {  	[smem:$0x3FB2] =	sst s5  }
0xe: {  	[smem:$0x3FB3] =	sst s6  }
0xf: {  	[smem:$0x3FB4] =	sst s7  }
0x10: {  	[smem:$0x3FB5] =	sst s8  }
0x11: {  	[smem:$0x3FB6] =	sst s9;
	s0 =	simm.s32 @!p0 $0x0  }
0x12: {  	s1 =	sld [smem:$0x3F9C];
	s0 =	simm.s32 @p0 $0x1  }
0x13: {  	[smem:$0x3FB7] =	sst s0;
	s0 =	simm.s32 @!p1 $0x0  }
0x14: {  	s2 =	sld [smem:$0x3F9B];
	s0 =	simm.s32 @p1 $0x1  }
0x15: {  	[smem:$0x3FB8] =	sst s0;
	s0 =	simm.s32 @!p2 $0x0  }
0x16: {  	s3 =	sld [smem:$0x3FDB];
	s0 =	simm.s32 @p2 $0x1  }
0x17: {  	s4 =	simm.s32 $0x1BF5;
	[smem:$0x3FBA] =	sst s0  }
0x18: {  	s0 =	sld [smem:$0x3F9D];
	_ =	swait.ge [sflag:s4], $0x0  }
0x19: {  	s7 =	sld [smem:$0x3F9E]  }
0x1a: {  	s8 =	sadd.s32 $0xFFFFE003, lr  }
0x1b: {  	s9 =	sadd.s32 $0xFFFFFEF7, lr;
	s5 =	simm.s32 $0xFFFFFFFF;
	p2 =	slt.u32 s8, $0xFFFFF086  }
0x1c: {  	p1 =	slt.u32 s9, $0xF7A;
	s5 =	simm.s32 @!p2 $0x0  }
0x1d: {  	s5 =	simm.s32 @p1 $0x1;
	p0 =	seq.s32 s7, s2  }
0x1e: {  	s7 =	smul.u32 @!p0 $0xF7A, s2;
	p2 =	seq.s32 @!p0 s5, $0x0  }
0x1f: {  	s9 =	smul.u32 $0xF7A, s1;
	s8 =	simm.s32 @!p0 $0x1BF5;
	p2 =	por !p2, p0  }
0x20: {  	[sflag:s8] =	ssyncset.s32 @!p0 $0xFFFFF086;
	s6 =	sadd.s32 @!p0 s3, s7;
	s7 =	simm.s32 @!p0 $0x108  }
0x21: {  	s3 =	sadd.s32 s3, s9;
	s6 =	sadd.s32 @!p0 $0x88, s6;
	s7 =	simm.s32 @p2 $0x1082  }
0x22: {  	[simem:s7], [sflag:s8] =	dma.local @!p0 [hbm:s6], $0xF7A  }
0x23: {  	s9 =	sor.u32 $0xD0000000, s2;
	s6 =	simm.s32 $0x108;
	_ =	swait.ge @!p0 [sflag:s8], $0x0  }
0x24: {  	s3 =	sadd.s32 $0x88, s3;
	s6 =	simm.s32 @!p1 $0x1082;
	[sflag:s4] =	ssyncset.s32 $0xFFFFF086  }
0x25: {  	[simem:s6], [sflag:s4] =	dma.local [hbm:s3], $0xF7A  }
0x26: {  	[smem:$0x3F9E] =	sst s1;
	(tag) =	ssettag s2;
	_ =	strace s9  }
0x27: {  	s1 =	sld [smem:$0x3FAE]  }
0x28: {  	s2 =	sld [smem:$0x3FAF]  }
0x29: {  	s4 =	sld [smem:$0x3FB1]  }
0x2a: {  	p0 =	seq.s32 s5, $0x0;
	s5 =	sld [smem:$0x3FB2]  }
0x2b: {  	s6 =	sld [smem:$0x3FB3]  }
0x2c: {  	s7 =	sld [smem:$0x3FB4]  }
0x2d: {  	s3 =	simm.s32 $0x108;
	s8 =	sld [smem:$0x3FB5]  }
0x2e: {  	s3 =	simm.s32 @!p0 $0x1082;
	s9 =	sld [smem:$0x3FB6]  }
0x2f: {  	lr =	sadd.s32 s0, s3;
	s0 =	sld [smem:$0x3FAD]  }
0x30: {  	s3 =	sld [smem:$0x3FB0]  }
0x31: {  	[smem:$0x3FB9] =	sst s10  }
0x32: {  	s10 =	sld [smem:$0x3FB7];
	_ =	sdelay $0x3  }
0x33: {  	p0 =	seq.s32 s10, $0x1;
	s10 =	sld [smem:$0x3FB9];
	_ =	sdelay $0x3  }
0x34: {  	[smem:$0x3FB9] =	sst s10  }
0x35: {  	s10 =	sld [smem:$0x3FB8];
	_ =	sdelay $0x3  }
0x36: {  	p1 =	seq.s32 s10, $0x1;
	s10 =	sld [smem:$0x3FB9];
	_ =	sdelay $0x3  }
0x37: {  	[smem:$0x3FB9] =	sst s10  }
0x38: {  	s10 =	sld [smem:$0x3FBA]  }
0x39: {  	_ = 	snop;
	(pc) =	sbr.ind lr, $3  }
0x3a: {  	_ = 	snop  }
0x3b: {  	_ = 	snop  }
0x3c: {  	p2 =	seq.s32 s10, $0x1;
	s10 =	sld [smem:$0x3FB9]  }
0x3d: {  	_ =	shalt  }
0x3e: {  	_ =	shalt  }
0x3f: {  	_ =	shalt  }
0x40: {  	_ =	shalt  }
0x41: {  	_ =	shalt  }
0x42: {  	_ =	shalt  }
0x43: {  	_ =	shalt  }
0x44: {  	_ =	shalt  }
0x45: {  	_ =	shalt  }
0x46: {  	_ =	shalt  }
0x47: {  	_ =	shalt  }
0x48: {  	_ =	shalt  }
0x49: {  	_ =	shalt  }
0x4a: {  	_ =	shalt  }
0x4b: {  	_ =	shalt  }
0x4c: {  	_ =	shalt  }
0x4d: {  	_ =	shalt  }
0x4e: {  	_ =	shalt  }
0x4f: {  	_ =	shalt  }
0x50: {  	_ =	shalt  }
0x51: {  	_ =	shalt  }
0x52: {  	_ =	shalt  }
0x53: {  	_ =	shalt  }
0x54: {  	_ =	shalt  }
0x55: {  	_ =	shalt  }
0x56: {  	_ =	shalt  }
0x57: {  	_ =	shalt  }
0x58: {  	_ =	shalt  }
0x59: {  	_ =	shalt  }
0x5a: {  	_ =	shalt  }
0x5b: {  	_ =	shalt  }
0x5c: {  	_ =	shalt  }
0x5d: {  	_ =	shalt  }
0x5e: {  	_ =	shalt  }
0x5f: {  	_ =	shalt  }
0x60: {  	_ =	shalt  }
0x61: {  	_ =	shalt  }
0x62: {  	_ =	shalt  }
0x63: {  	_ =	shalt  }
0x64: {  	_ =	shalt  }
0x65: {  	_ =	shalt  }
0x66: {  	_ =	shalt  }
0x67: {  	_ =	shalt  }
0x68: {  	_ =	shalt  }
0x69: {  	_ =	shalt  }
0x6a: {  	_ =	shalt  }
0x6b: {  	_ =	shalt  }
0x6c: {  	_ =	shalt  }
0x6d: {  	_ =	shalt  }
0x6e: {  	_ =	shalt  }
0x6f: {  	_ =	shalt  }
0x70: {  	_ =	shalt  }
0x71: {  	_ =	shalt  }
0x72: {  	_ =	shalt  }
0x73: {  	_ =	shalt  }
0x74: {  	_ =	shalt  }
0x75: {  	_ =	shalt  }
0x76: {  	_ =	shalt  }
0x77: {  	_ =	shalt  }
0x78: {  	_ =	shalt  }
0x79: {  	_ =	shalt  }
0x7a: {  	_ =	shalt  }
0x7b: {  	_ =	shalt  }
0x7c: {  	_ =	shalt  }
0x7d: {  	_ =	shalt  }
0x7e: {  	_ =	shalt  }
0x7f: {  	_ =	shalt  }
0x80: {  	_ =	shalt  }
0x81: {  	_ =	shalt  }
0x82: {  	_ =	shalt  }
0x83: {  	_ =	shalt  }
0x84: {  	_ =	shalt  }
0x85: {  	_ =	shalt  }
0x86: {  	_ =	shalt  }
0x87: {  	_ =	shalt  }
.Lfunc_end0:
.L_simem_size_0:
called_computation.2_lowered:
.L_overlay_start_0:
0x88: {  	s2 =	sld [smem:$0x3FD9]  }
0x89: {  	s3 =	sld [smem:$0x3FFE];
	_ =	sdelay $0x1  }
0x8a: {  	s1 =	srdreg.scid  }
0x8b: {  	s0 =	sand.u32 $0x1, s1  }
0x8c: {  	s17 =	sshll.u32 s0, $0xA;
	s2 =	sadd.s32 s3, s2  }
0x8d: {  	s2 =	sadd.s32 s2, s17  }
0x8e: {  	[smem:$0x3FC5] =	sst s2  }
0x8f: {  	_ = 	snop  }
0x90: {  	s2 =	sld [smem:$0x3FD0];
	(tm) =	ssettm $0x1  }
0x91: {  	s18 =	sld [smem:$0x3FFB];
	_ =	sdelay $0x3  }
0x92: {  	_ =	strace s18  }
0x93: {  	s3 =	sld [smem:$0x3FFC];
	_ =	sdelay $0x3  }
0x94: {  	_ =	strace s3  }
0x95: {  	s3 =	sld [smem:$0x3FFD];
	_ =	sdelay $0x3  }
0x96: {  	_ =	strace s3  }
0x97: {  	_ =	strace $0x8FFFFFFF  }
0x98: {  	s19 =	sld [smem:$0x3FDB];
	_ =	sdelay $0x1  }
0x99: {  	s4 =	simm.s32 $_scs_section_size  }
0x9a: {  	s5 =	simm.s32 $_size__tile_overlayer_lowered;
	s6 =	simm.s32 $_tile_overlayer_lowered  }
0x9b: {  	s22 =	simm.s32 $0x1BFF;
	s21 =	sshll.u32 s6, $0x1;
	s3 =	sadd.s32 s4, s19  }
0x9c: {  	s7 =	simm.s32 $0x0;
	s20 =	sshll.u32 s5, $0x1;
	s5 =	sadd.s32 s21, s3  }
0x9d: {  	[timem:s7], [sflag:s22] =	dma.local [hbm:s5], s20  }
0x9e: {  	_ =	swait.ge [sflag:s22], s20  }
0x9f: {  	s4 =	ssub.s32 $0x0, s20;
	[sflag:s22] =	ssyncset.done $0x0  }
0xa0: {  	[sflag:s22] =	ssyncadd.s32 s4;
	_ =	sdelay $0x1  }
0xa1: {  	s23 =	simm.s32 $0x1B8B  }
0xa2: {  	_ =	swait.ge [sflag:s23], $0x1  }
0xa3: {  	[sflag:s23] =	ssyncset.done $0x0  }
0xa4: {  	s25 =	simm.s32 $0x1B8E;
	s24 =	sld [smem:$0x3FFE];
	[sflag:s23] =	ssyncadd.s32 $0xFFFFFFFF  }
0xa5: {  	s26 =	simm.s32 $execute0_lowered;
	[smem:$0x3FD2] =	sst s25  }
0xa6: {  	s5 =	sshll.u32 s26, $0x1;
	_ =	strace $0x8000004C;
	[dreg:$0x1] =	wrdreg $0xFFFFFFFF  }
0xa7: {  	s28 =	simm.s32 $_size_execute0_lowered;
	s3 =	sadd.s32 s3, s5;
	[dreg:$0x0] =	wrdreg $0x0  }
0xa8: {  	s5 =	sshll.u32 s28, $0x1;
	[dreg:$0x2] =	wrdreg s3  }
0xa9: {  	[dreg:$0x3] =	wrdreg s5  }
0xaa: {  	[dreg:$0x4] =	wrdreg $0xC0  }
0xab: {  	_ =	task [dreg:s7], $0x5FFFF  }
0xac: {  	[dreg:$0x1] =	wrdreg $0xFFFFFFFF  }
0xad: {  	[dreg:$0x0] =	wrdreg $0x60  }
0xae: {  	[dreg:$0x2] =	wrdreg s24  }
0xaf: {  	[dreg:$0x3] =	wrdreg s2  }
0xb0: {  	[dreg:$0x4] =	wrdreg $0x9  }
0xb1: {  	_ =	task.clear_ibuf [dreg:s7], $0x5FFFF;
	_ =	strace $0x9000004C  }
0xb2: {  	s29 =	simm.s32 $0x9;
	_ =	strace $0x8000004E  }
0xb3: {  	_ =	swait.ge [sflag:s29], $0x1  }
0xb4: {  	[sflag:s29] =	ssyncadd.s32 $0xFFFFFFFF  }
0xb5: {  	_ =	strace $0x9000004E  }
0xb6: {  	_ =	sfence  }
0xb7: {  	s30 =	sld [smem:$0x0];
	_ =	sdelay $0x2  }
0xb8: {  	s31 =	sshll.u32 s1, $0xD;
	s1 =	sshrl.u32 s1, $0x2  }
0xb9: {  	s3 =	sand.u32 $0x4000, s31;
	s1 =	sadd.s32 s1, s30  }
0xba: {  	s0 =	sor.u32 s3, s0;
	s1 =	sshll.u32 s1, $0x11  }
0xbb: {  	s0 =	sor.u32 s1, s0  }
0xbc: {  	s0 =	sadd.s32 $0x8F2B, s0  }
0xbd: {  	[sflag:s0] =	ssyncadd.remote.s32 $0x1  }
0xbe: {  	_ =	sfence.sel $0xFFFF  }
0xbf: {  	[dreg:$0x0] =	wrdreg $0xFFFFFFFF;
	(pc) =	sbr.abs _section_cstart, $3  }
0xc0: {  	[dreg:$0x1] =	wrdreg $0xFFFFFFFF  }
0xc1: {  	_ =	task.clear_ibuf [dreg:s7], $0x2FFFF;
	_ =	strace $0x9FFFFFFF  }
0xc2: {  	(tm) =	ssettm $0x7FFFFFFF  }
0xc3: {  	_ =	shalt  }
tec
execute0_lowered:
.L_overlay_start_1:
0x0: {  	(tag) =	ssettag $0x1  }
0x1: {  	s0 =	srdreg.scid  }
0x2: {  	s0 =	sand.u32 $0x1, s0  }
0x3: {  	s2 =	stileid.u32;
	s1 =	sshll.u32 s0, $0x4  }
0x4: {  	s1 =	sor.u32 s2, s1  }
0x5: {  	v63 =	vmov s1  }
0x6: {  	v0 =	vimm.s32 $0x0;
	vm0 =	veq.s32 v63, $0x1F  }
0x7: {  	v0 =	vsel vm0, $0xFFFFFFFF, v0  }
0x8: {  	vm10 =	vgt.u32 v63, $0x1D;
	[tilespmem:$0x1FCF0] =	vst v0;
	v0 =	vimm.s32 $0x0  }
0x9: {  	v0 =	vsel vm10, $0xFFFFFFFF, v0  }
0xa: {  	vm11 =	vgt.u32 v63, $0x1C;
	[tilespmem:$0x1FD00] =	vst v0;
	v0 =	vimm.s32 $0x0  }
0xb: {  	v0 =	vsel vm11, $0xFFFFFFFF, v0  }
0xc: {  	vm12 =	vgt.u32 v63, $0x1B;
	[tilespmem:$0x1FD10] =	vst v0;
	v0 =	vimm.s32 $0x0  }
0xd: {  	v0 =	vsel vm12, $0xFFFFFFFF, v0  }
0xe: {  	vm13 =	vgt.u32 v63, $0x1A;
	[tilespmem:$0x1FD20] =	vst v0;
	v0 =	vimm.s32 $0x0  }
0xf: {  	v0 =	vsel vm13, $0xFFFFFFFF, v0  }
0x10: {  	vm14 =	vgt.u32 v63, $0x19;
	[tilespmem:$0x1FD30] =	vst v0;
	v0 =	vimm.s32 $0x0  }
0x11: {  	v0 =	vsel vm14, $0xFFFFFFFF, v0  }
0x12: {  	vm15 =	vgt.u32 v63, $0x18;
	[tilespmem:$0x1FD40] =	vst v0;
	v0 =	vimm.s32 $0x0  }
0x13: {  	v0 =	vsel vm15, $0xFFFFFFFF, v0  }
0x14: {  	vm4 =	vgt.u32 v63, $0x17;
	[tilespmem:$0x1FD50] =	vst v0;
	v0 =	vimm.s32 $0x0  }
0x15: {  	v0 =	vsel vm4, $0xFFFFFFFF, v0  }
0x16: {  	vm5 =	vgt.u32 v63, $0x16;
	[tilespmem:$0x1FD60] =	vst v0;
	v0 =	vimm.s32 $0x0  }
0x17: {  	v0 =	vsel vm5, $0xFFFFFFFF, v0  }
0x18: {  	vm6 =	vgt.u32 v63, $0x15;
	[tilespmem:$0x1FD70] =	vst v0;
	v0 =	vimm.s32 $0x0  }
0x19: {  	v0 =	vsel vm6, $0xFFFFFFFF, v0  }
0x1a: {  	vm7 =	vgt.u32 v63, $0x14;
	[tilespmem:$0x1FD80] =	vst v0;
	v0 =	vimm.s32 $0x0  }
0x1b: {  	v0 =	vsel vm7, $0xFFFFFFFF, v0  }
0x1c: {  	vm8 =	vgt.u32 v63, $0x13;
	[tilespmem:$0x1FD90] =	vst v0;
	v0 =	vimm.s32 $0x0  }
0x1d: {  	v0 =	vsel vm8, $0xFFFFFFFF, v0  }
0x1e: {  	vm9 =	vgt.u32 v63, $0x12;
	[tilespmem:$0x1FDA0] =	vst v0;
	v0 =	vimm.s32 $0x0  }
0x1f: {  	v0 =	vsel vm9, $0xFFFFFFFF, v0  }
0x20: {  	vm10 =	vgt.u32 v63, $0x11;
	[tilespmem:$0x1FDB0] =	vst v0;
	v0 =	vimm.s32 $0x0  }
0x21: {  	v0 =	vsel vm10, $0xFFFFFFFF, v0  }
0x22: {  	vm11 =	vgt.u32 v63, $0x10;
	[tilespmem:$0x1FDC0] =	vst v0;
	v0 =	vimm.s32 $0x0  }
0x23: {  	v1 =	vimm.s32 $0x0;
	vm12 =	vgt.u32 v63, $0xF;
	v0 =	vsel vm11, $0xFFFFFFFF, v0  }
0x24: {  	v1 =	vsel vm12, $0xFFFFFFFF, v1;
	[tilespmem:$0x1FDD0] =	vst v0;
	v0 =	vlaneseq.u32  }
0x25: {  	[tilespmem:$0x1FDE0] =	vst v1;
	v1 =	vor.u32 $0x80, v0  }
0x26: {  	[tilespmem:$0x1FDF0] =	vst v1;
	v1 =	vor.u32 $0x100, v0  }
0x27: {  	[tilespmem:$0x1FE00] =	vst v1;
	v1 =	vor.u32 $0x180, v0  }
0x28: {  	[tilespmem:$0x1FE10] =	vst v1;
	v1 =	vor.u32 $0x200, v0  }
0x29: {  	[tilespmem:$0x1FE20] =	vst v1;
	v1 =	vor.u32 $0x280, v0  }
0x2a: {  	[tilespmem:$0x1FE30] =	vst v1;
	v1 =	vor.u32 $0x300, v0  }
0x2b: {  	[tilespmem:$0x1FE40] =	vst v1;
	v1 =	vor.u32 $0x380, v0  }
0x2c: {  	s8 =	rddreg [dreg:$0x0];
	s3 =	simm.s32 $0x0;
	[tilespmem:$0x1FE50] =	vst v1;
	v1 =	vor.u32 $0x400, v0  }
0x2d: {  	[smem:$0x7FF] =	sst s3;
	[tilespmem:$0x1FE60] =	vst v1;
	v1 =	vor.u32 $0x480, v0  }
0x2e: {  	s2 =	rddreg [dreg:$0x1];
	_ =	strace $0x8000004D;
	[tilespmem:$0x1FE70] =	vst v1;
	v1 =	vor.u32 $0x500, v0  }
0x2f: {  	[tilespmem:$0x1FE80] =	vst v1;
	v1 =	vor.u32 $0x580, v0  }
0x30: {  	[tilespmem:$0x1FE90] =	vst v1;
	v1 =	vor.u32 $0x600, v0  }
0x31: {  	[tilespmem:$0x1FEA0] =	vst v1;
	v1 =	vor.u32 $0x680, v0  }
0x32: {  	[tilespmem:$0x1FEB0] =	vst v1;
	v1 =	vor.u32 $0x700, v0  }
0x33: {  	[tilespmem:$0x1FEC0] =	vst v1;
	v1 =	vor.u32 $0x780, v0  }
0x34: {  	[tilespmem:$0x1FED0] =	vst v1;
	v1 =	vor.u32 $0x800, v0  }
0x35: {  	[tilespmem:$0x1FEE0] =	vst v1;
	v1 =	vor.u32 $0x880, v0  }
0x36: {  	[tilespmem:$0x1FEF0] =	vst v1;
	v1 =	vor.u32 $0x900, v0  }
0x37: {  	vm13 =	vgt.u32 v63, $0xE;
	[tilespmem:$0x1FF00] =	vst v1;
	v1 =	vimm.s32 $0x0  }
0x38: {  	v1 =	vsel vm13, $0xFFFFFFFF, v1  }
0x39: {  	vm12 =	vgt.u32 v63, $0x3;
	vm14 =	vgt.u32 v63, $0xD;
	[tilespmem:$0x1FF10] =	vst v1;
	v1 =	vimm.s32 $0x0  }
0x3a: {  	vm15 =	vgt.u32 v63, $0xC;
	vm4 =	vgt.u32 v63, $0xB;
	v1 =	vsel vm14, $0xFFFFFFFF, v1  }
0x3b: {  	vm5 =	vgt.u32 v63, $0xA;
	vm6 =	vgt.u32 v63, $0x9;
	[tilespmem:$0x1FF20] =	vst v1;
	v1 =	vimm.s32 $0x0  }
0x3c: {  	vm7 =	vgt.u32 v63, $0x8;
	vm8 =	vgt.u32 v63, $0x7;
	v1 =	vsel vm15, $0xFFFFFFFF, v1  }
0x3d: {  	vm9 =	vgt.u32 v63, $0x6;
	vm10 =	vgt.u32 v63, $0x5;
	[tilespmem:$0x1FF30] =	vst v1;
	v1 =	vimm.s32 $0x0  }
0x3e: {  	vm11 =	vgt.u32 v63, $0x4;
	v19 =	vor.u32 $0x980, v0;
	v1 =	vsel vm4, $0xFFFFFFFF, v1  }
0x3f: {  	v20 =	vor.u32 $0xA00, v0;
	v21 =	vor.u32 $0xA80, v0;
	[tilespmem:$0x1FF40] =	vst v1;
	v1 =	vimm.s32 $0x0  }
0x40: {  	v22 =	vor.u32 $0xB00, v0;
	v23 =	vor.u32 $0xB80, v0;
	v1 =	vsel vm5, $0xFFFFFFFF, v1  }
0x41: {  	v24 =	vor.u32 $0xC00, v0;
	v25 =	vor.u32 $0xC80, v0;
	[tilespmem:$0x1FF50] =	vst v1;
	v1 =	vimm.s32 $0x0  }
0x42: {  	v26 =	vor.u32 $0xD00, v0;
	v27 =	vor.u32 $0xD80, v0;
	v1 =	vsel vm6, $0xFFFFFFFF, v1  }
0x43: {  	v28 =	vor.u32 $0xE00, v0;
	v29 =	vor.u32 $0xE80, v0;
	[tilespmem:$0x1FF60] =	vst v1;
	v1 =	vimm.s32 $0x0  }
0x44: {  	v30 =	vor.u32 $0xF00, v0;
	v31 =	vor.u32 $0xF80, v0;
	v1 =	vsel vm7, $0xFFFFFFFF, v1  }
0x45: {  	v32 =	vor.u32 $0x10, v0;
	v33 =	vor.u32 $0x90, v0;
	[tilespmem:$0x1FF70] =	vst v1;
	v1 =	vimm.s32 $0x0  }
0x46: {  	v34 =	vor.u32 $0x110, v0;
	v35 =	vor.u32 $0x190, v0;
	v1 =	vsel vm8, $0xFFFFFFFF, v1  }
0x47: {  	v36 =	vor.u32 $0x210, v0;
	v37 =	vor.u32 $0x290, v0;
	[tilespmem:$0x1FF80] =	vst v1;
	v1 =	vimm.s32 $0x0  }
0x48: {  	s17 =	simm.s32 $0x5;
	s21 =	simm.s32 $0x1000;
	v38 =	vor.u32 $0x310, v0;
	v39 =	vor.u32 $0x390, v0;
	v1 =	vsel vm9, $0xFFFFFFFF, v1  }
0x49: {  	s22 =	simm.s32 $0x800;
	s16 =	simm.s32 $0x15480;
	s11 =	simm.s32 $0x12480;
	v40 =	vor.u32 $0x410, v0;
	v41 =	vor.u32 $0x490, v0;
	[tilespmem:$0x1FF90] =	vst v1;
	v1 =	vimm.s32 $0x0  }
0x4a: {  	s12 =	simm.s32 $0x16480;
	s13 =	simm.s32 $0x1;
	s14 =	simm.s32 $0xC480;
	v42 =	vor.u32 $0x510, v0;
	v43 =	vor.u32 $0x590, v0;
	v1 =	vsel vm10, $0xFFFFFFFF, v1  }
0x4b: {  	s15 =	simm.s32 $0xCC80;
	s19 =	simm.s32 $0x18480;
	s20 =	simm.s32 $0x18C80;
	v44 =	vor.u32 $0x610, v0;
	v45 =	vor.u32 $0x690, v0;
	[tilespmem:$0x1FFA0] =	vst v1;
	v1 =	vimm.s32 $0x0  }
0x4c: {  	s4 =	sadd.s32 $0x281000, s8;
	s5 =	sadd.s32 $0x241000, s8;
	s6 =	sadd.s32 $0x201000, s8;
	v46 =	vor.u32 $0x710, v0;
	v47 =	vor.u32 $0x790, v0;
	v1 =	vsel vm11, $0xFFFFFFFF, v1  }
0x4d: {  	s18 =	simm.s32 $0x3;
	s7 =	sadd.s32 $0x1000, s8;
	s9 =	sadd.s32 $0x2C1200, s8;
	v48 =	vor.u32 $0x810, v0;
	v49 =	vor.u32 $0x890, v0;
	[tilespmem:$0x1FFB0] =	vst v1;
	v1 =	vimm.s32 $0x0  }
0x4e: {  	s8 =	sadd.s32 $0x2C1000, s8;
	s26 =	sshll.u32 s1, $0xD;
	v50 =	vor.u32 $0x910, v0;
	v51 =	vor.u32 $0x990, v0;
	[dreg:$0x3] =	wrdreg s9;
	v1 =	vsel vm12, $0xFFFFFFFF, v1  }
0x4f: {  	s0 =	ssub.s32 $0x2, s0;
	s28 =	sadd.s32 s4, s26;
	v52 =	vor.u32 $0xA10, v0;
	[dreg:$0x4] =	wrdreg s8;
	vm13 =	vgt.u32 v63, $0x2;
	[tilespmem:$0x1FFC0] =	vst v1;
	v1 =	vimm.s32 $0x0  }
0x50: {  	s25 =	sshrl.u32 s0, $0x1;
	s29 =	sadd.s32 s5, s26;
	v53 =	vor.u32 $0xA90, v0;
	v54 =	vor.u32 $0xB10, v0;
	[dreg:$0x5] =	wrdreg s28;
	v1 =	vsel vm13, $0xFFFFFFFF, v1  }
0x51: {  	s10 =	sshll.u32 s1, $0x10;
	s30 =	sadd.s32 s6, s26;
	v55 =	vor.u32 $0xB90, v0;
	[dreg:$0x6] =	wrdreg s29;
	vm14 =	vgt.u32 v63, $0x1;
	[tilespmem:$0x1FFD0] =	vst v1;
	v1 =	vimm.s32 $0x0  }
0x52: {  	s0 =	ssub.s32 s0, s25;
	s31 =	sor.u32 $0x1000, s10;
	v56 =	vor.u32 $0xC10, v0;
	v57 =	vor.u32 $0xC90, v0;
	[dreg:$0x7] =	wrdreg s30;
	v1 =	vsel vm14, $0xFFFFFFFF, v1  }
0x53: {  	s23 =	simm.s32 $0x2;
	s0 =	smax.u32 s0, $0x1;
	v58 =	vor.u32 $0xD10, v0;
	[dreg:$0x8] =	wrdreg s31;
	vm15 =	veq.s32 v63, $0x0;
	[tilespmem:$0x1FFE0] =	vst v1;
	v1 =	vimm.s32 $0x0  }
0x54: {  	s1 =	simm.s32 $0x14C80;
	s26 =	simm.s32 $0x0;
	v59 =	vor.u32 $0xD90, v0;
	v60 =	vor.u32 $0xE10, v0;
	[dreg:$0x9] =	wrdreg s0;
	v1 =	vsel vm15, $0xFFFFFFFF, v1  }
0x55: {  	v61 =	vor.u32 $0xE90, v0;
	v62 =	vor.u32 $0xF10, v0;
	s0 =	simm.s32 $0x11480;
	s8 =	simm.s32 $0x11C80;
	s9 =	simm.s32 $0x15C80;
	[tilespmem:$0x1FFF0] =	vst v1  }
.LBB2_1:
0x56: {  	[dreg:$0xa] =	wrdreg s26  }
0x57: {  	s24 =	rddreg [dreg:$0x4];
	s25 =	simm.s32 $0x1080  }
0x58: {  	[tilespmem:s25], [sflag:$0x5] =	stream.linear.gather [hbm4b:s24+s3], $0x300, $0x38;
	[tilespmem:$0x19480] =	vst v63  }
0x59: {  	_ =	swait.ge [sflag:s17], $0x300  }
0x5a: {  	[sflag:s17] =	ssyncset.done $0x0  }
0x5b: {  	s28 =	rddreg [dreg:$0x3];
	[sflag:s17] =	ssyncadd.s32 $0xFFFFFD00  }
0x5c: {  	[tilespmem:s3], [sflag:$0x5] =	stream.linear.gather [hbm4b:s28+s3], $0x1000, $0x38;
	[tilespmem:$0x19480] =	vst v63  }
0x5d: {  	_ =	swait.ge [sflag:s17], $0x1000  }
0x5e: {  	v2 =	vld [tilespmem:$0x1FDF0]  }
0x5f: {  	v3 =	vld [tilespmem:$0x1FE00]  }
0x60: {  	v14 =	vld [tilespmem:$0x1FFE0]  }
0x61: {  	v4 =	vld [tilespmem:$0x1FE10]  }
0x62: {  	v5 =	vld [tilespmem:$0x1FE20]  }
0x63: {  	v6 =	vld [tilespmem:$0x1FE30]  }
0x64: {  	v8 =	vld [tilespmem:$0x1FE40]  }
0x65: {  	vm1 =	vnez.u8 v14;
	v14 =	vld [tilespmem:$0x1FFF0]  }
0x66: {  	[sflag:s17] =	ssyncset.done $0x0;
	v9 =	vld [tilespmem:$0x1FE50]  }
0x67: {  	v10 =	vld [tilespmem:$0x1FE60];
	[sflag:s17] =	ssyncadd.s32 $0xFFFFF000  }
0x68: {  	v1 =	vld.idx.msk [tilespmem:v0+s3+$0x0], $0xffff  }
0x69: {  	v2 =	vld.idx.msk [tilespmem:v2+s3+$0x0], $0xffff  }
0x6a: {  	vm13 =	vnez.u8 v14;
	v14 =	vld [tilespmem:$0x1FFD0]  }
0x6b: {  	v3 =	vld.idx.msk [tilespmem:v3+s3+$0x0], $0xffff  }
0x6c: {  	v11 =	vld [tilespmem:$0x1FE70]  }
0x6d: {  	v15 =	vld [tilespmem:$0x1FEC0]  }
0x6e: {  	v4 =	vld.idx.msk [tilespmem:v4+s3+$0x0], $0xffff;
	v7 =	vadd.s32 v1, v2;
	v1 =	vadd.s32 $0xFFFFFFFF, v1  }
0x6f: {  	v5 =	vld.idx.msk [tilespmem:v5+s3+$0x0], $0xffff;
	v2 =	vnsel vm1, $0x0, v2;
	v1 =	vsel vm13, $0xFFFFFFFF, v1;
	vm0 =	vnez.u8 v14  }
0x70: {  	v7 =	vadd.s32 v3, v7;
	v1 =	vadd.s32 v2, v1;
	v2 =	vld [tilespmem:$0x1FFC0];
	v3 =	vnsel vm0, $0x0, v3  }
0x71: {  	v1 =	vadd.s32 v3, v1;
	v3 =	vld [tilespmem:$0x1FFB0]  }
0x72: {  	v6 =	vld.idx.msk [tilespmem:v6+s3+$0x0], $0xffff  }
0x73: {  	v8 =	vld.idx.msk [tilespmem:v8+s3+$0x0], $0xffff  }
0x74: {  	v9 =	vld.idx.msk [tilespmem:v9+s3+$0x0], $0xffff  }
0x75: {  	v10 =	vld.idx.msk [tilespmem:v10+s3+$0x0], $0xffff;
	v7 =	vadd.s32 v4, v7;
	vm4 =	vnez.u8 v2  }
0x76: {  	v11 =	vld.idx.msk [tilespmem:v11+s3+$0x0], $0xffff;
	v7 =	vadd.s32 v5, v7;
	v2 =	vnsel vm4, $0x0, v4;
	vm2 =	vnez.u8 v3  }
0x77: {  	v7 =	vadd.s32 v6, v7;
	v1 =	vadd.s32 v2, v1;
	v2 =	vld [tilespmem:$0x1FFA0];
	v3 =	vnsel vm2, $0x0, v5  }
0x78: {  	v7 =	vadd.s32 v8, v7;
	v1 =	vadd.s32 v3, v1;
	v3 =	vld [tilespmem:$0x1FF90]  }
0x79: {  	v7 =	vadd.s32 v9, v7  }
0x7a: {  	v12 =	vld [tilespmem:$0x1FE80];
	v7 =	vadd.s32 v10, v7  }
0x7b: {  	v4 =	vadd.s32 v11, v7;
	v7 =	vld.idx.msk [tilespmem:v15+s3+$0x0], $0xffff  }
0x7c: {  	v15 =	vld [tilespmem:$0x1FED0];
	vm6 =	vnez.u8 v2  }
0x7d: {  	v2 =	vnsel vm6, $0x0, v6;
	vm7 =	vnez.u8 v3  }
0x7e: {  	v1 =	vadd.s32 v2, v1;
	v2 =	vld [tilespmem:$0x1FF80];
	v3 =	vnsel vm7, $0x0, v8  }
0x7f: {  	v1 =	vadd.s32 v3, v1;
	v3 =	vld [tilespmem:$0x1FF70];
	_ =	sdelay $0x1  }
0x80: {  	v13 =	vld [tilespmem:$0x1FE90]  }
0x81: {  	v63 =	vld [tilespmem:$0x1FEA0]  }
0x82: {  	v12 =	vld.idx.msk [tilespmem:v12+s3+$0x0], $0xffff;
	vm8 =	vnez.u8 v2  }
0x83: {  	v5 =	vld.idx.msk [tilespmem:v15+s3+$0x0], $0xffff;
	v2 =	vnsel vm8, $0x0, v9;
	vm10 =	vnez.u8 v3  }
0x84: {  	v1 =	vadd.s32 v2, v1;
	v2 =	vld [tilespmem:$0x1FF60];
	v3 =	vnsel vm10, $0x0, v10  }
0x85: {  	v1 =	vadd.s32 v3, v1;
	v3 =	vld [tilespmem:$0x1FF50]  }
0x86: {  	v15 =	vld [tilespmem:$0x1FEE0];
	_ =	sdelay $0x2  }
0x87: {  	v14 =	vld [tilespmem:$0x1FEB0];
	vm11 =	vnez.u8 v2  }
0x88: {  	v13 =	vld.idx.msk [tilespmem:v13+s3+$0x0], $0xffff;
	v2 =	vnsel vm11, $0x0, v11;
	vm12 =	vnez.u8 v3  }
0x89: {  	v1 =	vadd.s32 v2, v1;
	v2 =	vld [tilespmem:$0x1FF40];
	v3 =	vnsel vm12, $0x0, v12  }
0x8a: {  	v1 =	vadd.s32 v3, v1;
	v3 =	vld [tilespmem:$0x1FF30]  }
0x8b: {  	v63 =	vld.idx.msk [tilespmem:v63+s3+$0x0], $0xffff  }
0x8c: {  	v6 =	vld.idx.msk [tilespmem:v15+s3+$0x0], $0xffff  }
0x8d: {  	v15 =	vld [tilespmem:$0x1FEF0]  }
0x8e: {  	vm9 =	vnez.u8 v2  }
0x8f: {  	v14 =	vld.idx.msk [tilespmem:v14+s3+$0x0], $0xffff;
	v2 =	vnsel vm9, $0x0, v13;
	vm5 =	vnez.u8 v3  }
0x90: {  	v1 =	vadd.s32 v2, v1;
	v2 =	vld [tilespmem:$0x1FF20];
	v3 =	vnsel vm5, $0x0, v63  }
0x91: {  	v1 =	vadd.s32 v3, v1;
	v3 =	vld [tilespmem:$0x1FF10];
	_ =	sdelay $0x3  }
0x92: {  	v8 =	vld.idx.msk [tilespmem:v15+s3+$0x0], $0xffff;
	vm15 =	vnez.u8 v2  }
0x93: {  	v15 =	vld [tilespmem:$0x1FF00];
	v2 =	vnsel vm15, $0x0, v14;
	vm14 =	vnez.u8 v3  }
0x94: {  	v1 =	vadd.s32 v2, v1;
	v2 =	vld [tilespmem:$0x1FDE0];
	v3 =	vnsel vm14, $0x0, v7  }
0x95: {  	v1 =	vadd.s32 v3, v1;
	v3 =	vld [tilespmem:$0x1FDD0];
	_ =	sdelay $0x3  }
0x96: {  	vm3 =	vnez.u8 v2  }
0x97: {  	v2 =	vnsel vm3, $0x0, v5;
	vm14 =	vnez.u8 v3  }
0x98: {  	v1 =	vadd.s32 v2, v1;
	v2 =	vld [tilespmem:$0x1FDC0];
	v3 =	vnsel vm14, $0x0, v6  }
0x99: {  	v1 =	vadd.s32 v3, v1;
	v3 =	vld [tilespmem:$0x1FDB0]  }
0x9a: {  	v9 =	vld.idx.msk [tilespmem:v15+s3+$0x0], $0xffff;
	_ =	sdelay $0x2  }
0x9b: {  	vm14 =	vnez.u8 v2  }
0x9c: {  	v10 =	vld.idx.msk [tilespmem:v19+s3+$0x0], $0xffff;
	v2 =	vnsel vm14, $0x0, v8;
	vm14 =	vnez.u8 v3  }
0x9d: {  	v1 =	vadd.s32 v2, v1;
	v2 =	vld [tilespmem:$0x1FDA0];
	v3 =	vnsel vm14, $0x0, v9  }
0x9e: {  	v1 =	vadd.s32 v3, v1;
	v3 =	vld [tilespmem:$0x1FD90]  }
0x9f: {  	v11 =	vld.idx.msk [tilespmem:v20+s3+$0x0], $0xffff;
	_ =	sdelay $0x2  }
0xa0: {  	vm14 =	vnez.u8 v2  }
0xa1: {  	v4 =	vadd.s32 v12, v4;
	v12 =	vld.idx.msk [tilespmem:v21+s3+$0x0], $0xffff;
	v2 =	vnsel vm14, $0x0, v10;
	vm14 =	vnez.u8 v3  }
0xa2: {  	v1 =	vadd.s32 v2, v1;
	v2 =	vld [tilespmem:$0x1FD80];
	v3 =	vnsel vm14, $0x0, v11  }
0xa3: {  	v1 =	vadd.s32 v3, v1;
	v3 =	vld [tilespmem:$0x1FD70]  }
0xa4: {  	v4 =	vadd.s32 v13, v4;
	v13 =	vld.idx.msk [tilespmem:v22+s3+$0x0], $0xffff;
	_ =	sdelay $0x2  }
0xa5: {  	vm14 =	vnez.u8 v2  }
0xa6: {  	v4 =	vadd.s32 v63, v4;
	v63 =	vld.idx.msk [tilespmem:v23+s3+$0x0], $0xffff;
	v2 =	vnsel vm14, $0x0, v12;
	vm14 =	vnez.u8 v3  }
0xa7: {  	v1 =	vadd.s32 v2, v1;
	v2 =	vld [tilespmem:$0x1FD60];
	v3 =	vnsel vm14, $0x0, v13  }
0xa8: {  	v1 =	vadd.s32 v3, v1;
	v3 =	vld [tilespmem:$0x1FD50]  }
0xa9: {  	v4 =	vadd.s32 v14, v4;
	v14 =	vld.idx.msk [tilespmem:v24+s3+$0x0], $0xffff;
	_ =	sdelay $0x2  }
0xaa: {  	vm14 =	vnez.u8 v2  }
0xab: {  	v4 =	vadd.s32 v7, v4;
	v7 =	vld.idx.msk [tilespmem:v25+s3+$0x0], $0xffff;
	v2 =	vnsel vm14, $0x0, v63;
	vm14 =	vnez.u8 v3  }
0xac: {  	v4 =	vadd.s32 v5, v4;
	v1 =	vadd.s32 v2, v1;
	v2 =	vld [tilespmem:$0x1FD40];
	v3 =	vnsel vm14, $0x0, v14  }
0xad: {  	v4 =	vadd.s32 v6, v4;
	v1 =	vadd.s32 v3, v1;
	v3 =	vld [tilespmem:$0x1FD30]  }
0xae: {  	v4 =	vadd.s32 v8, v4;
	v5 =	vld.idx.msk [tilespmem:v26+s3+$0x0], $0xffff  }
0xaf: {  	v4 =	vadd.s32 v9, v4  }
0xb0: {  	v4 =	vadd.s32 v10, v4  }
0xb1: {  	v4 =	vadd.s32 v11, v4;
	v6 =	vld.idx.msk [tilespmem:v27+s3+$0x0], $0xffff;
	vm14 =	vnez.u8 v2  }
0xb2: {  	v4 =	vadd.s32 v12, v4;
	v8 =	vld.idx.msk [tilespmem:v28+s3+$0x0], $0xffff;
	v2 =	vnsel vm14, $0x0, v7;
	vm14 =	vnez.u8 v3  }
0xb3: {  	v4 =	vadd.s32 v13, v4;
	v1 =	vadd.s32 v2, v1;
	v2 =	vld [tilespmem:$0x1FD20];
	v3 =	vnsel vm14, $0x0, v5  }
0xb4: {  	v4 =	vadd.s32 v63, v4;
	v1 =	vadd.s32 v3, v1;
	v3 =	vld [tilespmem:$0x1FD10]  }
0xb5: {  	v4 =	vadd.s32 v14, v4;
	v9 =	vld.idx.msk [tilespmem:v29+s3+$0x0], $0xffff  }
0xb6: {  	v4 =	vadd.s32 v7, v4;
	v10 =	vld.idx.msk [tilespmem:v30+s3+$0x0], $0xffff  }
0xb7: {  	v15 =	vld.idx.msk [tilespmem:v31+s3+$0x0], $0xffff;
	v4 =	vadd.s32 v5, v4  }
0xb8: {  	v4 =	vadd.s32 v6, v4;
	vm14 =	vnez.u8 v2  }
0xb9: {  	v4 =	vadd.s32 v8, v4;
	v2 =	vnsel vm14, $0x0, v6;
	vm14 =	vnez.u8 v3  }
0xba: {  	v4 =	vadd.s32 v9, v4;
	v1 =	vadd.s32 v2, v1;
	v2 =	vld [tilespmem:$0x1FD00];
	v3 =	vnsel vm14, $0x0, v8  }
0xbb: {  	v4 =	vadd.s32 v10, v4;
	v1 =	vadd.s32 v3, v1;
	v3 =	vld [tilespmem:$0x1FCF0]  }
0xbc: {  	v4 =	vadd.s32 v15, v4  }
0xbd: {  	(xrf0) =	vadd.scan.msk.s32 $0xffff, v4;
	_ =	sdelay $0x1  }
0xbe: {  	vm14 =	vnez.u8 v2  }
0xbf: {  	v2 =	vnsel vm14, $0x0, v9;
	vm0 =	vnez.u8 v3  }
0xc0: {  	v1 =	vadd.s32 v2, v1;
	v3 =	vnsel vm0, $0x0, v10  }
0xc1: {  	v1 =	vadd.s32 v3, v1  }
0xc2: {  	v63, _, _ =	vpop (xrf0);
	v1 =	vsub.s32 v1, v4  }
0xc3: {  	v1 =	vadd.s32 v63, v1  }
0xc4: {  	[tilespmem:$0x1000] =	vst v1  }
0xc5: {  	v1 =	vld.idx.msk [tilespmem:v32+s3+$0x0], $0xffff  }
0xc6: {  	v2 =	vld.idx.msk [tilespmem:v33+s3+$0x0], $0xffff  }
0xc7: {  	v3 =	vld.idx.msk [tilespmem:v34+s3+$0x0], $0xffff;
	_ =	sdelay $0x3  }
0xc8: {  	v15 =	vadd.s32 v1, v2  }
0xc9: {  	v7 =	vadd.s32 v3, v15;
	v15 =	vld [tilespmem:$0x1FFD0];
	_ =	sdelay $0x1  }
0xca: {  	v4 =	vld.idx.msk [tilespmem:v35+s3+$0x0], $0xffff  }
0xcb: {  	v5 =	vld.idx.msk [tilespmem:v36+s3+$0x0], $0xffff;
	v1 =	vadd.s32 $0xFFFFFFFF, v1  }
0xcc: {  	v14 =	vbroadcast v63, $0xF;
	v6 =	vld.idx.msk [tilespmem:v37+s3+$0x0], $0xffff;
	v2 =	vnsel vm1, $0x0, v2;
	v1 =	vsel vm13, $0xFFFFFFFF, v1  }
0xcd: {  	v8 =	vld.idx.msk [tilespmem:v38+s3+$0x0], $0xffff;
	v1 =	vadd.s32 v2, v1;
	vm13 =	vnez.u8 v15  }
0xce: {  	v9 =	vld.idx.msk [tilespmem:v39+s3+$0x0], $0xffff;
	v1 =	vadd.s32 v14, v1;
	v3 =	vnsel vm13, $0x0, v3  }
0xcf: {  	v10 =	vld.idx.msk [tilespmem:v40+s3+$0x0], $0xffff;
	v7 =	vadd.s32 v4, v7;
	v2 =	vnsel vm4, $0x0, v4;
	v1 =	vadd.s32 v3, v1  }
0xd0: {  	v11 =	vld.idx.msk [tilespmem:v41+s3+$0x0], $0xffff;
	v7 =	vadd.s32 v5, v7;
	v5 =	vnsel vm2, $0x0, v5;
	v1 =	vadd.s32 v2, v1  }
0xd1: {  	v12 =	vld.idx.msk [tilespmem:v42+s3+$0x0], $0xffff;
	v3 =	vnsel vm6, $0x0, v6;
	v1 =	vadd.s32 v5, v1  }
0xd2: {  	v13 =	vld.idx.msk [tilespmem:v43+s3+$0x0], $0xffff;
	v2 =	vnsel vm7, $0x0, v8;
	v1 =	vadd.s32 v3, v1  }
0xd3: {  	v5 =	vnsel vm8, $0x0, v9;
	v1 =	vadd.s32 v2, v1  }
0xd4: {  	v7 =	vadd.s32 v6, v7;
	v3 =	vnsel vm10, $0x0, v10;
	v1 =	vadd.s32 v5, v1  }
0xd5: {  	v7 =	vadd.s32 v8, v7;
	v2 =	vnsel vm11, $0x0, v11;
	v1 =	vadd.s32 v3, v1  }
0xd6: {  	v7 =	vadd.s32 v9, v7;
	v15 =	vld.idx.msk [tilespmem:v44+s3+$0x0], $0xffff;
	v5 =	vnsel vm12, $0x0, v12;
	v1 =	vadd.s32 v2, v1  }
0xd7: {  	v4 =	vadd.s32 v10, v7;
	v7 =	vld.idx.msk [tilespmem:v45+s3+$0x0], $0xffff;
	v3 =	vnsel vm9, $0x0, v13;
	v1 =	vadd.s32 v5, v1  }
0xd8: {  	v1 =	vadd.s32 v3, v1;
	v3 =	vld [tilespmem:$0x1FF10]  }
0xd9: {  	v14 =	vld.idx.msk [tilespmem:v46+s3+$0x0], $0xffff;
	_ =	sdelay $0x2  }
0xda: {  	v2 =	vnsel vm5, $0x0, v15  }
0xdb: {  	v5 =	vnsel vm15, $0x0, v7;
	v1 =	vadd.s32 v2, v1;
	vm2 =	vnez.u8 v3  }
0xdc: {  	v6 =	vld.idx.msk [tilespmem:v47+s3+$0x0], $0xffff;
	v1 =	vadd.s32 v5, v1;
	v3 =	vnsel vm2, $0x0, v14  }
0xdd: {  	v1 =	vadd.s32 v3, v1;
	v3 =	vld [tilespmem:$0x1FDD0]  }
0xde: {  	v8 =	vld.idx.msk [tilespmem:v48+s3+$0x0], $0xffff;
	_ =	sdelay $0x3  }
0xdf: {  	v9 =	vld.idx.msk [tilespmem:v49+s3+$0x0], $0xffff;
	v2 =	vnsel vm3, $0x0, v6;
	vm13 =	vnez.u8 v3  }
0xe0: {  	v1 =	vadd.s32 v2, v1;
	v2 =	vld [tilespmem:$0x1FDC0];
	v3 =	vnsel vm13, $0x0, v8  }
0xe1: {  	v1 =	vadd.s32 v3, v1;
	v3 =	vld [tilespmem:$0x1FDB0]  }
0xe2: {  	v10 =	vld.idx.msk [tilespmem:v50+s3+$0x0], $0xffff;
	_ =	sdelay $0x2  }
0xe3: {  	vm12 =	vnez.u8 v2  }
0xe4: {  	v4 =	vadd.s32 v11, v4;
	v11 =	vld.idx.msk [tilespmem:v51+s3+$0x0], $0xffff;
	v2 =	vnsel vm12, $0x0, v9;
	vm11 =	vnez.u8 v3  }
0xe5: {  	v1 =	vadd.s32 v2, v1;
	v2 =	vld [tilespmem:$0x1FDA0];
	v3 =	vnsel vm11, $0x0, v10  }
0xe6: {  	v1 =	vadd.s32 v3, v1;
	v3 =	vld [tilespmem:$0x1FD90]  }
0xe7: {  	v4 =	vadd.s32 v12, v4;
	v12 =	vld.idx.msk [tilespmem:v52+s3+$0x0], $0xffff;
	_ =	sdelay $0x2  }
0xe8: {  	vm10 =	vnez.u8 v2  }
0xe9: {  	v4 =	vadd.s32 v13, v4;
	v13 =	vld.idx.msk [tilespmem:v53+s3+$0x0], $0xffff;
	v2 =	vnsel vm10, $0x0, v11;
	vm9 =	vnez.u8 v3  }
0xea: {  	v1 =	vadd.s32 v2, v1;
	v2 =	vld [tilespmem:$0x1FD80];
	v3 =	vnsel vm9, $0x0, v12  }
0xeb: {  	v1 =	vadd.s32 v3, v1;
	v3 =	vld [tilespmem:$0x1FD70]  }
0xec: {  	v4 =	vadd.s32 v15, v4;
	v15 =	vld.idx.msk [tilespmem:v54+s3+$0x0], $0xffff;
	_ =	sdelay $0x2  }
0xed: {  	vm8 =	vnez.u8 v2  }
0xee: {  	v4 =	vadd.s32 v7, v4;
	v7 =	vld.idx.msk [tilespmem:v55+s3+$0x0], $0xffff;
	v2 =	vnsel vm8, $0x0, v13;
	vm7 =	vnez.u8 v3  }
0xef: {  	v1 =	vadd.s32 v2, v1;
	v2 =	vld [tilespmem:$0x1FD60];
	v3 =	vnsel vm7, $0x0, v15  }
0xf0: {  	v4 =	vadd.s32 v14, v4;
	v1 =	vadd.s32 v3, v1;
	v3 =	vld [tilespmem:$0x1FD50]  }
0xf1: {  	v4 =	vadd.s32 v6, v4;
	v14 =	vld.idx.msk [tilespmem:v56+s3+$0x0], $0xffff  }
0xf2: {  	v4 =	vadd.s32 v8, v4  }
0xf3: {  	v4 =	vadd.s32 v9, v4  }
0xf4: {  	v4 =	vadd.s32 v10, v4;
	v6 =	vld.idx.msk [tilespmem:v57+s3+$0x0], $0xffff;
	vm6 =	vnez.u8 v2  }
0xf5: {  	v4 =	vadd.s32 v11, v4;
	v5 =	vld.idx.msk [tilespmem:v58+s3+$0x0], $0xffff;
	v2 =	vnsel vm6, $0x0, v7;
	vm5 =	vnez.u8 v3  }
0xf6: {  	v4 =	vadd.s32 v12, v4;
	v1 =	vadd.s32 v2, v1;
	v2 =	vld [tilespmem:$0x1FD40];
	v3 =	vnsel vm5, $0x0, v14  }
0xf7: {  	v16 =	vor.u32 $0xF90, v0;
	v4 =	vadd.s32 v13, v4;
	v1 =	vadd.s32 v3, v1;
	v3 =	vld [tilespmem:$0x1FD30]  }
0xf8: {  	v4 =	vadd.s32 v15, v4;
	v8 =	vld.idx.msk [tilespmem:v59+s3+$0x0], $0xffff  }
0xf9: {  	v4 =	vadd.s32 v7, v4;
	v9 =	vld.idx.msk [tilespmem:v60+s3+$0x0], $0xffff  }
0xfa: {  	v4 =	vadd.s32 v14, v4;
	v10 =	vld.idx.msk [tilespmem:v61+s3+$0x0], $0xffff  }
0xfb: {  	v4 =	vadd.s32 v6, v4;
	v11 =	vld.idx.msk [tilespmem:v62+s3+$0x0], $0xffff;
	vm1 =	vnez.u8 v2  }
0xfc: {  	v4 =	vadd.s32 v5, v4;
	v12 =	vld.idx.msk [tilespmem:v16+s3+$0x0], $0xffff;
	v2 =	vnsel vm1, $0x0, v6;
	vm4 =	vnez.u8 v3  }
0xfd: {  	v4 =	vadd.s32 v8, v4;
	v1 =	vadd.s32 v2, v1;
	v2 =	vld [tilespmem:$0x1FD20];
	v3 =	vnsel vm4, $0x0, v5  }
0xfe: {  	v4 =	vadd.s32 v9, v4;
	v1 =	vadd.s32 v3, v1;
	v3 =	vld [tilespmem:$0x1FD10]  }
0xff: {  	v4 =	vadd.s32 v10, v4  }
0x100: {  	v4 =	vadd.s32 v11, v4  }
0x101: {  	v4 =	vadd.s32 v12, v4  }
0x102: {  	(xrf0) =	vadd.scan.msk.s32 $0xffff, v4;
	vm3 =	vnez.u8 v2  }
0x103: {  	v2 =	vnsel vm3, $0x0, v8;
	vm15 =	vnez.u8 v3  }
0x104: {  	v1 =	vadd.s32 v2, v1;
	v3 =	vnsel vm15, $0x0, v9  }
0x105: {  	v2 =	vnsel vm14, $0x0, v10;
	v1 =	vadd.s32 v3, v1  }
0x106: {  	v3 =	vnsel vm0, $0x0, v11;
	v1 =	vadd.s32 v2, v1;
	v2 =	vor.u32 $0x20, v0  }
0x107: {  	v1 =	vadd.s32 v3, v1;
	v3 =	vor.u32 $0xA0, v0  }
0x108: {  	v13 =	vor.u32 $0x120, v0;
	v12, _, _ =	vpop (xrf0);
	v1 =	vsub.s32 v1, v4  }
0x109: {  	v1 =	vadd.s32 v12, v1  }
0x10a: {  	[tilespmem:$0x1010] =	vst v1  }
0x10b: {  	v2 =	vld.idx.msk [tilespmem:v2+s3+$0x0], $0xffff  }
0x10c: {  	v3 =	vld.idx.msk [tilespmem:v3+s3+$0x0], $0xffff  }
0x10d: {  	v4 =	vld.idx.msk [tilespmem:v13+s3+$0x0], $0xffff;
	_ =	sdelay $0x3  }
0x10e: {  	(v2sf) =	vpush v63, $0xF;
	v63 =	vadd.s32 v2, v3  }
0x10f: {  	(v2sf) =	vpush v12, $0xF;
	v12 =	vadd.s32 v4, v63;
	v63 =	vld [tilespmem:$0x1FFE0];
	_ =	sdelay $0x4  }
0x110: {  	vm14 =	vnez.u8 v63;
	v63 =	vld [tilespmem:$0x1FFD0]  }
0x111: {  	v14 =	vor.u32 $0x1A0, v0;
	_ =	sdelay $0x2  }
0x112: {  	v16 =	vld [tilespmem:$0x1FFB0]  }
0x113: {  	v1 =	vor.u32 $0x220, v0;
	v3 =	vnsel vm14, $0x0, v3;
	vm14 =	vnez.u8 v63;
	v63 =	vld [tilespmem:$0x1FFC0]  }
0x114: {  	v6 =	vld.idx.msk [tilespmem:v14+s3+$0x0], $0xffff;
	_ =	sdelay $0x3  }
0x115: {  	v15 =	vor.u32 $0x2A0, v0;
	v1 =	vld.idx.msk [tilespmem:v1+s3+$0x0], $0xffff;
	vm15 =	vnez.u8 v63  }
0x116: {  	v12 =	vadd.s32 v6, v12;
	v6 =	vnsel vm15, $0x0, v6;
	vm15 =	vnez.u8 v16;
	v16 =	vld [tilespmem:$0x1FFA0]  }
0x117: {  	v8 =	vor.u32 $0x320, v0;
	_ =	sdelay $0x1  }
0x118: {  	v17 =	vld [tilespmem:$0x1FF80]  }
0x119: {  	v9 =	vor.u32 $0x3A0, v0;
	v7 =	vld.idx.msk [tilespmem:v15+s3+$0x0], $0xffff  }
0x11a: {  	v12 =	vadd.s32 v1, v12;
	v1 =	vnsel vm15, $0x0, v1;
	vm15 =	vnez.u8 v16;
	v16 =	vld [tilespmem:$0x1FF90]  }
0x11b: {  	v8 =	vld.idx.msk [tilespmem:v8+s3+$0x0], $0xffff;
	_ =	sdelay $0x2  }
0x11c: {  	v10 =	vor.u32 $0x420, v0  }
0x11d: {  	v9 =	vld.idx.msk [tilespmem:v9+s3+$0x0], $0xffff;
	v12 =	vadd.s32 v7, v12;
	v7 =	vnsel vm15, $0x0, v7;
	vm15 =	vnez.u8 v16  }
0x11e: {  	v12 =	vadd.s32 v8, v12;
	v8 =	vnsel vm15, $0x0, v8;
	vm15 =	vnez.u8 v17;
	v17 =	vld [tilespmem:$0x1FF70];
	_ =	sdelay $0x3  }
0x11f: {  	v5 =	vor.u32 $0x4A0, v0;
	v10 =	vld.idx.msk [tilespmem:v10+s3+$0x0], $0xffff  }
0x120: {  	v12 =	vadd.s32 v9, v12;
	v9 =	vnsel vm15, $0x0, v9;
	vm15 =	vnez.u8 v17;
	v17 =	vld [tilespmem:$0x1FF60]  }
0x121: {  	v11 =	vor.u32 $0x520, v0;
	_ =	sdelay $0x1  }
0x122: {  	v18 =	vld [tilespmem:$0x1FFF0]  }
0x123: {  	v5 =	vld.idx.msk [tilespmem:v5+s3+$0x0], $0xffff  }
0x124: {  	v12 =	vadd.s32 v10, v12;
	v10 =	vnsel vm15, $0x0, v10;
	vm15 =	vnez.u8 v17;
	v17 =	vld [tilespmem:$0x1FF50]  }
0x125: {  	v13 =	vor.u32 $0x5A0, v0;
	v11 =	vld.idx.msk [tilespmem:v11+s3+$0x0], $0xffff  }
0x126: {  	v14 =	vor.u32 $0x620, v0;
	_ =	sdelay $0x1  }
0x127: {  	v2 =	vadd.s32 $0xFFFFFFFF, v2  }
0x128: {  	v12 =	vadd.s32 v5, v12;
	v5 =	vnsel vm15, $0x0, v5;
	vm15 =	vnez.u8 v17  }
0x129: {  	v13 =	vld.idx.msk [tilespmem:v13+s3+$0x0], $0xffff;
	v12 =	vadd.s32 v11, v12;
	v11 =	vnsel vm15, $0x0, v11;
	vm15 =	vnez.u8 v18  }
0x12a: {  	v14 =	vld.idx.msk [tilespmem:v14+s3+$0x0], $0xffff;
	v2 =	vsel vm15, $0xFFFFFFFF, v2  }
0x12b: {  	v4 =	vnsel vm14, $0x0, v4;
	v18 =	vld [tilespmem:$0x1FF40];
	v2 =	vadd.s32 v3, v2  }
0x12c: {  	v15 =	vor.u32 $0x6A0, v0;
	v2 =	vadd.s32 v4, v2;
	v4 =	vld [tilespmem:$0x1FF30]  }
0x12d: {  	v63 =	vor.u32 $0x7A0, v0  }
0x12e: {  	v12 =	vadd.s32 v13, v12;
	v16 =	vor.u32 $0x720, v0  }
0x12f: {  	v3 =	vadd.s32 v14, v12;
	v12 =	vor.u32 $0x920, v0;
	v2 =	vadd.s32 v6, v2  }
0x130: {  	vm15 =	vnez.u8 v18;
	v18 =	vor.u32 $0x8A0, v0;
	v1 =	vadd.s32 v1, v2;
	v2 =	vld [tilespmem:$0x1FF20]  }
0x131: {  	v15 =	vld.idx.msk [tilespmem:v15+s3+$0x0], $0xffff;
	v17 =	vor.u32 $0x820, v0;
	v13 =	vnsel vm15, $0x0, v13;
	vm15 =	vnez.u8 v4  }
0x132: {  	v4 =	vnsel vm15, $0x0, v14;
	v14 =	vld.idx.msk [tilespmem:v63+s3+$0x0], $0xffff;
	v63 =	vor.u32 $0x9A0, v0  }
0x133: {  	v16 =	vld.idx.msk [tilespmem:v16+s3+$0x0], $0xffff  }
0x134: {  	v12 =	vld.idx.msk [tilespmem:v12+s3+$0x0], $0xffff  }
0x135: {  	s29 =	spop (v2sf);
	vm0 =	vnez.u8 v2;
	v18 =	vld.idx.msk [tilespmem:v18+s3+$0x0], $0xffff  }
0x136: {  	s30 =	spop (v2sf);
	v3 =	vadd.s32 v15, v3;
	v2 =	vnsel vm0, $0x0, v15;
	v15 =	vld.idx.msk [tilespmem:v17+s3+$0x0], $0xffff  }
0x137: {  	s24 =	sadd.s32 s29, s30;
	v63 =	vld.idx.msk [tilespmem:v63+s3+$0x0], $0xffff;
	[tilespmem:$0x1FCE0] =	vst v4  }
0x138: {  	v1 =	vadd.s32 s24, v1;
	v4 =	vld [tilespmem:$0x1FDE0]  }
0x139: {  	v6 =	vor.u32 $0xA20, v0;
	v1 =	vadd.s32 v7, v1  }
0x13a: {  	v3 =	vadd.s32 v16, v3;
	v1 =	vadd.s32 v8, v1;
	v17 =	vor.u32 $0xAA0, v0  }
0x13b: {  	v16 =	vnsel vm2, $0x0, v16;
	v7 =	vor.u32 $0xB20, v0;
	v1 =	vadd.s32 v9, v1  }
0x13c: {  	v8 =	vor.u32 $0xBA0, v0;
	v9 =	vor.u32 $0xC20, v0;
	v1 =	vadd.s32 v10, v1  }
0x13d: {  	v10 =	vor.u32 $0xCA0, v0;
	v3 =	vadd.s32 v14, v3;
	vm2 =	vnez.u8 v4;
	v4 =	vld [tilespmem:$0x1FCE0]  }
0x13e: {  	v1 =	vadd.s32 v5, v1;
	v5 =	vor.u32 $0xD20, v0;
	v3 =	vadd.s32 v15, v3;
	v6 =	vld.idx.msk [tilespmem:v6+s3+$0x0], $0xffff  }
0x13f: {  	v1 =	vadd.s32 v11, v1;
	v11 =	vor.u32 $0xDA0, v0;
	v3 =	vadd.s32 v18, v3;
	v17 =	vld.idx.msk [tilespmem:v17+s3+$0x0], $0xffff  }
0x140: {  	v1 =	vadd.s32 v13, v1;
	v13 =	vor.u32 $0xE20, v0;
	v3 =	vadd.s32 v12, v3;
	v7 =	vld.idx.msk [tilespmem:v7+s3+$0x0], $0xffff  }
0x141: {  	v15 =	vnsel vm13, $0x0, v15;
	v12 =	vnsel vm11, $0x0, v12;
	v3 =	vadd.s32 v63, v3;
	v8 =	vld.idx.msk [tilespmem:v8+s3+$0x0], $0xffff  }
0x142: {  	v9 =	vld.idx.msk [tilespmem:v9+s3+$0x0], $0xffff;
	v14 =	vnsel vm2, $0x0, v14;
	v1 =	vadd.s32 v4, v1;
	v4 =	vor.u32 $0xEA0, v0  }
0x143: {  	v10 =	vld.idx.msk [tilespmem:v10+s3+$0x0], $0xffff;
	v3 =	vadd.s32 v6, v3;
	v1 =	vadd.s32 v2, v1;
	v2 =	vor.u32 $0xF20, v0  }
0x144: {  	v5 =	vld.idx.msk [tilespmem:v5+s3+$0x0], $0xffff;
	v3 =	vadd.s32 v17, v3;
	v1 =	vadd.s32 v16, v1;
	v16 =	vor.u32 $0xFA0, v0  }
0x145: {  	v63 =	vnsel vm10, $0x0, v63;
	v11 =	vld.idx.msk [tilespmem:v11+s3+$0x0], $0xffff;
	v3 =	vadd.s32 v7, v3;
	v1 =	vadd.s32 v14, v1  }
0x146: {  	v13 =	vld.idx.msk [tilespmem:v13+s3+$0x0], $0xffff;
	v14 =	vnsel vm12, $0x0, v18;
	v3 =	vadd.s32 v8, v3;
	v1 =	vadd.s32 v15, v1  }
0x147: {  	v6 =	vnsel vm9, $0x0, v6;
	v3 =	vadd.s32 v9, v3;
	v4 =	vld.idx.msk [tilespmem:v4+s3+$0x0], $0xffff;
	v1 =	vadd.s32 v14, v1  }
0x148: {  	v15 =	vnsel vm7, $0x0, v7;
	v3 =	vadd.s32 v10, v3;
	v2 =	vld.idx.msk [tilespmem:v2+s3+$0x0], $0xffff;
	v1 =	vadd.s32 v12, v1  }
0x149: {  	v14 =	vnsel vm5, $0x0, v9;
	v3 =	vadd.s32 v5, v3;
	v12 =	vld.idx.msk [tilespmem:v16+s3+$0x0], $0xffff;
	v1 =	vadd.s32 v63, v1  }
0x14a: {  	v63 =	vnsel vm8, $0x0, v17;
	v3 =	vadd.s32 v11, v3;
	v1 =	vadd.s32 v6, v1  }
0x14b: {  	v9 =	vld [tilespmem:$0x1FD10];
	v3 =	vadd.s32 v13, v3;
	v1 =	vadd.s32 v63, v1;
	v63 =	vnsel vm6, $0x0, v8  }
0x14c: {  	v3 =	vadd.s32 v4, v3;
	v1 =	vadd.s32 v15, v1;
	v15 =	vnsel vm1, $0x0, v10;
	v10 =	vld [tilespmem:$0x1FD00]  }
0x14d: {  	v3 =	vadd.s32 v2, v3;
	v1 =	vadd.s32 v63, v1;
	v63 =	vnsel vm3, $0x0, v11;
	v11 =	vld [tilespmem:$0x1FCF0]  }
0x14e: {  	v3 =	vadd.s32 v12, v3;
	v1 =	vadd.s32 v14, v1  }
0x14f: {  	v5 =	vnsel vm4, $0x0, v5;
	(xrf0) =	vadd.scan.msk.s32 $0xffff, v3;
	v1 =	vadd.s32 v15, v1  }
0x150: {  	vm2 =	vnez.u8 v9;
	v1 =	vadd.s32 v5, v1  }
0x151: {  	v5 =	vnsel vm2, $0x0, v13;
	v1 =	vadd.s32 v63, v1;
	vm3 =	vnez.u8 v10  }
0x152: {  	v4 =	vnsel vm3, $0x0, v4;
	v1 =	vadd.s32 v5, v1;
	vm1 =	vnez.u8 v11  }
0x153: {  	v12 =	vor.u32 $0x30, v0;
	v2 =	vnsel vm1, $0x0, v2;
	v1 =	vadd.s32 v4, v1  }
0x154: {  	v1 =	vadd.s32 v2, v1;
	v2 =	vor.u32 $0xB0, v0  }
0x155: {  	v13, _, _ =	vpop (xrf0);
	v1 =	vsub.s32 v1, v3;
	v3 =	vor.u32 $0x130, v0  }
0x156: {  	v1 =	vadd.s32 v13, v1  }
0x157: {  	[tilespmem:$0x1020] =	vst v1  }
0x158: {  	v4 =	vld.idx.msk [tilespmem:v12+s3+$0x0], $0xffff  }
0x159: {  	v2 =	vld.idx.msk [tilespmem:v2+s3+$0x0], $0xffff  }
0x15a: {  	v3 =	vld.idx.msk [tilespmem:v3+s3+$0x0], $0xffff;
	_ =	sdelay $0x3  }
0x15b: {  	v63 =	vadd.s32 v4, v2  }
0x15c: {  	v12 =	vadd.s32 v3, v63;
	v63 =	vld [tilespmem:$0x1FFE0]  }
0x15d: {  	v14 =	vor.u32 $0x1B0, v0;
	_ =	sdelay $0x2  }
0x15e: {  	v16 =	vld [tilespmem:$0x1FFB0]  }
0x15f: {  	v1 =	vor.u32 $0x230, v0;
	vm1 =	vnez.u8 v63;
	v63 =	vld [tilespmem:$0x1FFC0]  }
0x160: {  	v6 =	vld.idx.msk [tilespmem:v14+s3+$0x0], $0xffff;
	_ =	sdelay $0x3  }
0x161: {  	v15 =	vor.u32 $0x2B0, v0;
	v1 =	vld.idx.msk [tilespmem:v1+s3+$0x0], $0xffff;
	v3 =	vnsel vm14, $0x0, v3;
	vm14 =	vnez.u8 v63  }
0x162: {  	v12 =	vadd.s32 v6, v12;
	v6 =	vnsel vm14, $0x0, v6;
	vm14 =	vnez.u8 v16;
	v16 =	vld [tilespmem:$0x1FFA0]  }
0x163: {  	v8 =	vor.u32 $0x330, v0;
	_ =	sdelay $0x1  }
0x164: {  	v17 =	vld [tilespmem:$0x1FF80]  }
0x165: {  	v9 =	vor.u32 $0x3B0, v0;
	v10 =	vor.u32 $0x430, v0;
	v7 =	vld.idx.msk [tilespmem:v15+s3+$0x0], $0xffff  }
0x166: {  	v12 =	vadd.s32 v1, v12;
	v1 =	vnsel vm14, $0x0, v1;
	vm14 =	vnez.u8 v16;
	v16 =	vld [tilespmem:$0x1FF90]  }
0x167: {  	v8 =	vld.idx.msk [tilespmem:v8+s3+$0x0], $0xffff  }
0x168: {  	v63 =	vor.u32 $0x6B0, v0;
	_ =	sdelay $0x1  }
0x169: {  	v5 =	vor.u32 $0x4B0, v0;
	v11 =	vor.u32 $0x530, v0;
	v9 =	vld.idx.msk [tilespmem:v9+s3+$0x0], $0xffff  }
0x16a: {  	v10 =	vld.idx.msk [tilespmem:v10+s3+$0x0], $0xffff;
	v12 =	vadd.s32 v7, v12;
	v7 =	vnsel vm14, $0x0, v7;
	vm14 =	vnez.u8 v16  }
0x16b: {  	v12 =	vadd.s32 v8, v12;
	v8 =	vnsel vm14, $0x0, v8;
	vm14 =	vnez.u8 v17;
	v17 =	vld [tilespmem:$0x1FF70]  }
0x16c: {  	v15 =	vld.idx.msk [tilespmem:v63+s3+$0x0], $0xffff  }
0x16d: {  	(v2sf) =	vpush v13, $0xF;
	v63 =	vld [tilespmem:$0x1FFF0]  }
0x16e: {  	v5 =	vld.idx.msk [tilespmem:v5+s3+$0x0], $0xffff  }
0x16f: {  	v13 =	vor.u32 $0x5B0, v0;
	v14 =	vor.u32 $0x630, v0;
	v11 =	vld.idx.msk [tilespmem:v11+s3+$0x0], $0xffff  }
0x170: {  	v12 =	vadd.s32 v9, v12;
	v9 =	vnsel vm14, $0x0, v9;
	vm14 =	vnez.u8 v17;
	v17 =	vld [tilespmem:$0x1FF60]  }
0x171: {  	v18 =	vld [tilespmem:$0x1FF50]  }
0x172: {  	v2 =	vnsel vm1, $0x0, v2;
	v12 =	vadd.s32 v10, v12;
	vm1 =	vnez.u8 v63;
	v63 =	vld [tilespmem:$0x1FF40]  }
0x173: {  	v4 =	vadd.s32 $0xFFFFFFFF, v4;
	v12 =	vadd.s32 v5, v12  }
0x174: {  	v13 =	vld.idx.msk [tilespmem:v13+s3+$0x0], $0xffff;
	v12 =	vadd.s32 v11, v12;
	v16 =	vor.u32 $0x730, v0;
	v4 =	vsel vm1, $0xFFFFFFFF, v4  }
0x175: {  	v14 =	vld.idx.msk [tilespmem:v14+s3+$0x0], $0xffff;
	v10 =	vnsel vm14, $0x0, v10;
	vm14 =	vnez.u8 v17;
	v17 =	vor.u32 $0x7B0, v0  }
0x176: {  	v5 =	vnsel vm14, $0x0, v5;
	vm14 =	vnez.u8 v18;
	v18 =	vor.u32 $0x830, v0  }
0x177: {  	v11 =	vnsel vm14, $0x0, v11;
	vm14 =	vnez.u8 v63;
	v63 =	vor.u32 $0x8B0, v0  }
0x178: {  	v2 =	vadd.s32 v2, v4  }
0x179: {  	v12 =	vadd.s32 v13, v12;
	v2 =	vadd.s32 v3, v2;
	v16 =	vld.idx.msk [tilespmem:v16+s3+$0x0], $0xffff  }
0x17a: {  	v4 =	vadd.s32 v14, v12;
	v3 =	vnsel vm15, $0x0, v14;
	v2 =	vadd.s32 v6, v2;
	v14 =	vld.idx.msk [tilespmem:v17+s3+$0x0], $0xffff  }
0x17b: {  	v4 =	vadd.s32 v15, v4;
	v1 =	vadd.s32 v1, v2;
	v2 =	vnsel vm0, $0x0, v15;
	v15 =	vld.idx.msk [tilespmem:v18+s3+$0x0], $0xffff  }
0x17c: {  	s31 =	spop (v2sf);
	v63 =	vld.idx.msk [tilespmem:v63+s3+$0x0], $0xffff;
	[tilespmem:$0x1FCE0] =	vst v5  }
0x17d: {  	v5 =	vld [tilespmem:$0x1FF10]  }
0x17e: {  	v12 =	vor.u32 $0x930, v0  }
0x17f: {  	v17 =	vor.u32 $0x9B0, v0;
	_ =	sdelay $0x2  }
0x180: {  	v13 =	vnsel vm14, $0x0, v13;
	vm14 =	vnez.u8 v5;
	v5 =	vld [tilespmem:$0x1FCE0]  }
0x181: {  	v12 =	vld.idx.msk [tilespmem:v12+s3+$0x0], $0xffff  }
0x182: {  	v17 =	vld.idx.msk [tilespmem:v17+s3+$0x0], $0xffff;
	[tilespmem:$0x1FCE0] =	vst v3  }
0x183: {  	v3 =	vld [tilespmem:$0x1FDE0]  }
0x184: {  	s24 =	sadd.s32 s24, s31  }
0x185: {  	v1 =	vadd.s32 s24, v1  }
0x186: {  	v1 =	vadd.s32 v7, v1  }
0x187: {  	v1 =	vadd.s32 v8, v1  }
0x188: {  	v1 =	vadd.s32 v9, v1;
	vm15 =	vnez.u8 v3;
	v3 =	vld [tilespmem:$0x1FCE0]  }
0x189: {  	v1 =	vadd.s32 v10, v1  }
0x18a: {  	v6 =	vor.u32 $0xA30, v0;
	v7 =	vor.u32 $0xB30, v0;
	v1 =	vadd.s32 v5, v1  }
0x18b: {  	v8 =	vor.u32 $0xBB0, v0;
	v18 =	vor.u32 $0xAB0, v0;
	v1 =	vadd.s32 v11, v1  }
0x18c: {  	v9 =	vor.u32 $0xC30, v0;
	v4 =	vadd.s32 v16, v4;
	v1 =	vadd.s32 v13, v1  }
0x18d: {  	v10 =	vor.u32 $0xCB0, v0;
	v4 =	vadd.s32 v14, v4;
	v1 =	vadd.s32 v3, v1  }
0x18e: {  	v4 =	vadd.s32 v15, v4;
	v16 =	vnsel vm14, $0x0, v16;
	v1 =	vadd.s32 v2, v1  }
0x18f: {  	v4 =	vadd.s32 v63, v4;
	v6 =	vld.idx.msk [tilespmem:v6+s3+$0x0], $0xffff;
	v14 =	vnsel vm15, $0x0, v14;
	v1 =	vadd.s32 v16, v1  }
0x190: {  	v63 =	vnsel vm12, $0x0, v63;
	v18 =	vld.idx.msk [tilespmem:v18+s3+$0x0], $0xffff;
	v1 =	vadd.s32 v14, v1;
	v14 =	vnsel vm13, $0x0, v15  }
0x191: {  	v5 =	vor.u32 $0xD30, v0;
	v4 =	vadd.s32 v12, v4;
	v1 =	vadd.s32 v14, v1  }
0x192: {  	v12 =	vnsel vm11, $0x0, v12;
	v7 =	vld.idx.msk [tilespmem:v7+s3+$0x0], $0xffff;
	v11 =	vor.u32 $0xDB0, v0;
	v1 =	vadd.s32 v63, v1  }
0x193: {  	v8 =	vld.idx.msk [tilespmem:v8+s3+$0x0], $0xffff;
	v4 =	vadd.s32 v17, v4;
	v63 =	vnsel vm10, $0x0, v17;
	v1 =	vadd.s32 v12, v1  }
0x194: {  	v9 =	vld.idx.msk [tilespmem:v9+s3+$0x0], $0xffff;
	v4 =	vadd.s32 v6, v4;
	v6 =	vnsel vm9, $0x0, v6;
	v1 =	vadd.s32 v63, v1  }
0x195: {  	v10 =	vld.idx.msk [tilespmem:v10+s3+$0x0], $0xffff;
	v13 =	vor.u32 $0xE30, v0;
	v14 =	vnsel vm8, $0x0, v18;
	v1 =	vadd.s32 v6, v1  }
0x196: {  	v3 =	vor.u32 $0xEB0, v0;
	v1 =	vadd.s32 v14, v1;
	v14 =	vld [tilespmem:$0x1FD40]  }
0x197: {  	v5 =	vld.idx.msk [tilespmem:v5+s3+$0x0], $0xffff;
	v4 =	vadd.s32 v18, v4;
	v15 =	vnsel vm7, $0x0, v7  }
0x198: {  	v2 =	vor.u32 $0xF30, v0;
	v4 =	vadd.s32 v7, v4;
	v1 =	vadd.s32 v15, v1;
	v15 =	vld [tilespmem:$0x1FD20]  }
0x199: {  	v11 =	vld.idx.msk [tilespmem:v11+s3+$0x0], $0xffff;
	v16 =	vor.u32 $0xFB0, v0;
	v4 =	vadd.s32 v8, v4  }
0x19a: {  	v13 =	vld.idx.msk [tilespmem:v13+s3+$0x0], $0xffff;
	v4 =	vadd.s32 v9, v4;
	v9 =	vnsel vm5, $0x0, v9;
	v63 =	vnsel vm6, $0x0, v8  }
0x19b: {  	v3 =	vld.idx.msk [tilespmem:v3+s3+$0x0], $0xffff;
	v4 =	vadd.s32 v10, v4;
	v1 =	vadd.s32 v63, v1;
	vm13 =	vnez.u8 v14  }
0x19c: {  	v4 =	vadd.s32 v5, v4;
	v1 =	vadd.s32 v9, v1;
	v6 =	vnsel vm13, $0x0, v10  }
0x19d: {  	v2 =	vld.idx.msk [tilespmem:v2+s3+$0x0], $0xffff;
	v5 =	vnsel vm4, $0x0, v5;
	vm14 =	vnez.u8 v15;
	v1 =	vadd.s32 v6, v1  }
0x19e: {  	v12 =	vld.idx.msk [tilespmem:v16+s3+$0x0], $0xffff;
	v4 =	vadd.s32 v11, v4;
	v1 =	vadd.s32 v5, v1;
	v5 =	vnsel vm14, $0x0, v11  }
0x19f: {  	v4 =	vadd.s32 v13, v4;
	v63 =	vnsel vm2, $0x0, v13;
	v1 =	vadd.s32 v5, v1  }
0x1a0: {  	v4 =	vadd.s32 v3, v4;
	v3 =	vnsel vm3, $0x0, v3;
	v1 =	vadd.s32 v63, v1  }
0x1a1: {  	v1 =	vadd.s32 v3, v1;
	v3 =	vld [tilespmem:$0x1FCF0]  }
0x1a2: {  	v4 =	vadd.s32 v2, v4  }
0x1a3: {  	v4 =	vadd.s32 v12, v4  }
0x1a4: {  	(xrf0) =	vadd.scan.msk.s32 $0xffff, v4;
	_ =	sdelay $0x1  }
0x1a5: {  	vm15 =	vnez.u8 v3  }
0x1a6: {  	v2 =	vnsel vm15, $0x0, v2;
	_ =	sdelay $0x1  }
0x1a7: {  	v1 =	vadd.s32 v2, v1  }
0x1a8: {  	v1 =	vsub.s32 v1, v4;
	v2, _, _ =	vpop (xrf0)  }
0x1a9: {  	v1 =	vadd.s32 v2, v1  }
0x1aa: {  	s26 =	simm.s32 $0x1480;
	s25 =	rddreg [dreg:$0x5];
	[tilespmem:$0x1030] =	vst v1  }
0x1ab: {  	[tilespmem:s26], [sflag:$0x5] =	stream.linear.gather [hbm4b:s25+s3], $0x800, $0x38;
	[tilespmem:$0x19480] =	vst v63  }
0x1ac: {  	_ =	swait.ge [sflag:s17], $0x800  }
0x1ad: {  	[sflag:s17] =	ssyncset.done $0x0  }
0x1ae: {  	s29 =	simm.s32 $0x1C80;
	s28 =	rddreg [dreg:$0x6];
	[sflag:s17] =	ssyncadd.s32 $0xFFFFF800  }
0x1af: {  	[tilespmem:s29], [sflag:$0x5] =	stream.linear.gather [hbm4b:s28+s3], $0x800, $0x38;
	[tilespmem:$0x19480] =	vst v63  }
0x1b0: {  	_ =	swait.ge [sflag:s17], $0x800  }
0x1b1: {  	[sflag:s17] =	ssyncset.done $0x0  }
0x1b2: {  	s31 =	simm.s32 $0x2480;
	s30 =	rddreg [dreg:$0x7];
	[sflag:s17] =	ssyncadd.s32 $0xFFFFF800  }
0x1b3: {  	[tilespmem:s31], [sflag:$0x5] =	stream.linear.gather [hbm4b:s30+s3], $0x800, $0x38;
	[tilespmem:$0x19480] =	vst v63  }
0x1b4: {  	_ =	swait.ge [sflag:s17], $0x800  }
0x1b5: {  	[sflag:s17] =	ssyncset.done $0x0  }
0x1b6: {  	s24 =	simm.s32 $0x0;
	[sflag:s17] =	ssyncadd.s32 $0xFFFFF800  }
.LBB2_2:
0x1b7: {  	v2 =	vld [tilespmem:$0x1080]  }
0x1b8: {  	v3 =	vld [tilespmem:$0x1200]  }
0x1b9: {  	v5 =	vld [tilespmem:$0x1100]  }
0x1ba: {  	s25 =	sshra.s32 s24, $0x2;
	v7 =	vld [tilespmem:$0x1180]  }
0x1bb: {  	v1 =	vld [tilespmem:s25+$0x1480]  }
0x1bc: {  	v4 =	vld [tilespmem:s25+$0x1C80]  }
0x1bd: {  	v6 =	vld [tilespmem:s25+$0x2480]  }
0x1be: {  	v8 =	vld [tilespmem:$0x1280]  }
0x1bf: {  	v9 =	vld [tilespmem:$0x1300];
	_ =	sdelay $0x1  }
0x1c0: {  	v1 =	vsub.f32 v1, v2;
	v2 =	vsub.f32 v4, v5  }
0x1c1: {  	v63 =	vsub.f32 v6, v7  }
0x1c2: {  	v1 =	vmul.f32 v3, v1;
	v2 =	vmul.f32 v8, v2  }
0x1c3: {  	v3 =	vmul.f32 v9, v63  }
0x1c4: {  	v9 =	vtrunc.f32 v1;
	v10 =	vtrunc.f32 v2  }
0x1c5: {  	v4 =	vcvt.f32.s32 v9;
	v5 =	vcvt.f32.s32 v10  }
0x1c6: {  	v11 =	vtrunc.f32 v3  }
0x1c7: {  	v6 =	vcvt.f32.s32 v11;
	v12 =	vshll.u32 v4, $0x4;
	v13 =	vshll.u32 v5, $0x2  }
0x1c8: {  	v7 =	vadd.s32 v12, v13  }
0x1c9: {  	v7 =	vadd.s32 v6, v7  }
0x1ca: {  	(xrf1) =	vunique.msk.u32 $0xffff, v7;
	_ =	sdelay $0x8  }
0x1cb: {  	v4 =	vcvt.s32.f32 v4  }
0x1cc: {  	v5 =	vcvt.s32.f32 v5  }
0x1cd: {  	v14 =	vcvt.s32.f32 v6;
	v1 =	vsub.f32 v1, v4  }
0x1ce: {  	v2 =	vsub.f32 v2, v5  }
0x1cf: {  	v3 =	vsub.f32 v3, v14;
	v1 =	vmul.f32 $6.300000000e+01, v1  }
0x1d0: {  	v2 =	vmul.f32 $6.300000000e+01, v2;
	_, v15, vm15 =	vpop (xrf1)  }
0x1d1: {  	v3 =	vmul.f32 $6.300000000e+01, v3;
	v12 =	vtrunc.f32 v1;
	v63 =	vld.idx.msk [tilespmem:v7+s21+$0x0], $0xffff  }
0x1d2: {  	v13 =	vtrunc.f32 v2;
	v6 =	vcvt.f32.s32 v12  }
0x1d3: {  	v14 =	vtrunc.f32 v3;
	v8 =	vcvt.f32.s32 v13  }
0x1d4: {  	v9 =	vcvt.f32.s32 v14;
	v10 =	vcvt.s32.f32 v6  }
0x1d5: {  	v11 =	vcvt.s32.f32 v8  }
0x1d6: {  	v1 =	vsub.f32 v1, v10;
	v5 =	vadd.s32 v63, v15;
	[tilespmem:v7+s21+$0x0] =	vst.idx.add.s32.msk vm15, v15;
	v15 =	vcvt.s32.f32 v9  }
0x1d7: {  	v2 =	vsub.f32 v2, v11;
	v10 =	vshll.u32 v8, $0x6;
	v63 =	vshll.u32 v7, $0x12;
	[tilespmem:s25+$0xC480] =	vst v5  }
0x1d8: {  	v11 =	vadd.s32 v63, v10;
	[tilespmem:s25+$0xAC80] =	vst v1;
	v1 =	vsub.f32 v3, v15;
	v3 =	vshll.u32 v9, $0xC  }
0x1d9: {  	[tilespmem:s25+$0xB480] =	vst v2;
	v2 =	vadd.s32 v3, v11  }
0x1da: {  	[tilespmem:s25+$0xBC80] =	vst v1;
	v1 =	vadd.s32 v6, v2  }
0x1db: {  	[tilespmem:s25+$0x2C80] =	vst v1;
	v2 =	vadd.s32 $0x1, v1  }
0x1dc: {  	v3 =	vadd.s32 $0x40, v1;
	[tilespmem:s25+$0x3480] =	vst v2  }
0x1dd: {  	[tilespmem:s25+$0x3C80] =	vst v3;
	v2 =	vadd.s32 $0x41, v1  }
0x1de: {  	v3 =	vadd.s32 $0x1000, v1;
	[tilespmem:s25+$0x4480] =	vst v2  }
0x1df: {  	[tilespmem:s25+$0x4C80] =	vst v3;
	v2 =	vadd.s32 $0x1001, v1  }
0x1e0: {  	v4 =	vld [tilespmem:s25+$0x1C90];
	v3 =	vadd.s32 $0x1040, v1;
	[tilespmem:s25+$0x5480] =	vst v2  }
0x1e1: {  	v13 =	vld [tilespmem:s25+$0x2490];
	v1 =	vadd.s32 $0x1041, v1;
	[tilespmem:s25+$0x5C80] =	vst v3  }
0x1e2: {  	[tilespmem:s25+$0x6480] =	vst v1;
	v1 =	vld [tilespmem:s25+$0x1490]  }
0x1e3: {  	v2 =	vld [tilespmem:$0x1080]  }
0x1e4: {  	v3 =	vld [tilespmem:$0x1200]  }
0x1e5: {  	v12 =	vld [tilespmem:$0x1100]  }
0x1e6: {  	v14 =	vld [tilespmem:$0x1180]  }
0x1e7: {  	v15 =	vld [tilespmem:$0x1280]  }
0x1e8: {  	v63 =	vld [tilespmem:$0x1300];
	_ =	sdelay $0x1  }
0x1e9: {  	v1 =	vsub.f32 v1, v2;
	v2 =	vsub.f32 v4, v12  }
0x1ea: {  	v11 =	vsub.f32 v13, v14  }
0x1eb: {  	v1 =	vmul.f32 v3, v1;
	v2 =	vmul.f32 v15, v2  }
0x1ec: {  	v3 =	vmul.f32 v63, v11  }
0x1ed: {  	v12 =	vtrunc.f32 v1;
	v13 =	vtrunc.f32 v2  }
0x1ee: {  	v4 =	vcvt.f32.s32 v12;
	v5 =	vcvt.f32.s32 v13  }
0x1ef: {  	v14 =	vtrunc.f32 v3  }
0x1f0: {  	v6 =	vcvt.f32.s32 v14;
	v15 =	vshll.u32 v4, $0x4;
	v63 =	vshll.u32 v5, $0x2  }
0x1f1: {  	v7 =	vadd.s32 v15, v63  }
0x1f2: {  	v7 =	vadd.s32 v6, v7  }
0x1f3: {  	(xrf1) =	vunique.msk.u32 $0xffff, v7;
	_ =	sdelay $0x8  }
0x1f4: {  	v4 =	vcvt.s32.f32 v4  }
0x1f5: {  	v5 =	vcvt.s32.f32 v5  }
0x1f6: {  	v12 =	vcvt.s32.f32 v6;
	v1 =	vsub.f32 v1, v4  }
0x1f7: {  	v2 =	vsub.f32 v2, v5  }
0x1f8: {  	v3 =	vsub.f32 v3, v12;
	v1 =	vmul.f32 $6.300000000e+01, v1  }
0x1f9: {  	v2 =	vmul.f32 $6.300000000e+01, v2;
	_, v4, vm11 =	vpop (xrf1)  }
0x1fa: {  	v3 =	vmul.f32 $6.300000000e+01, v3;
	v13 =	vtrunc.f32 v1;
	v5 =	vld.idx.msk [tilespmem:v7+s21+$0x0], $0xffff  }
0x1fb: {  	v14 =	vtrunc.f32 v2;
	v6 =	vcvt.f32.s32 v13  }
0x1fc: {  	v15 =	vtrunc.f32 v3;
	v8 =	vcvt.f32.s32 v14  }
0x1fd: {  	v9 =	vcvt.f32.s32 v15;
	v63 =	vcvt.s32.f32 v6  }
0x1fe: {  	v12 =	vcvt.s32.f32 v8  }
0x1ff: {  	v13 =	vcvt.s32.f32 v9;
	v1 =	vsub.f32 v1, v63;
	v5 =	vadd.s32 v5, v4;
	[tilespmem:v7+s21+$0x0] =	vst.idx.add.s32.msk vm11, v4  }
0x200: {  	v14 =	vshll.u32 v7, $0x12;
	v15 =	vshll.u32 v8, $0x6;
	v2 =	vsub.f32 v2, v12;
	[tilespmem:s25+$0xC490] =	vst v5  }
0x201: {  	v63 =	vadd.s32 v14, v15;
	[tilespmem:s25+$0xAC90] =	vst v1;
	v1 =	vsub.f32 v3, v13;
	v3 =	vshll.u32 v9, $0xC  }
0x202: {  	[tilespmem:s25+$0xB490] =	vst v2;
	v2 =	vadd.s32 v3, v63  }
0x203: {  	[tilespmem:s25+$0xBC90] =	vst v1;
	v1 =	vadd.s32 v6, v2  }
0x204: {  	[tilespmem:s25+$0x2C90] =	vst v1;
	v2 =	vadd.s32 $0x1, v1  }
0x205: {  	v3 =	vadd.s32 $0x40, v1;
	[tilespmem:s25+$0x3490] =	vst v2  }
0x206: {  	p0 =	sne.s32 s24, $0x1F80;
	[tilespmem:s25+$0x3C90] =	vst v3;
	v2 =	vadd.s32 $0x41, v1  }
.Ltmp0:
0x207: {  	v3 =	vadd.s32 $0x1000, v1;
	[tilespmem:s25+$0x4490] =	vst v2;
	(pc) =	sbr.rel @p0 .LBB2_2-.Ltmp0, $4  }
0x208: {  	[tilespmem:s25+$0x4C90] =	vst v3;
	v2 =	vadd.s32 $0x1001, v1  }
0x209: {  	v3 =	vadd.s32 $0x1040, v1;
	[tilespmem:s25+$0x5490] =	vst v2  }
0x20a: {  	v1 =	vadd.s32 $0x1041, v1;
	[tilespmem:s25+$0x5C90] =	vst v3  }
0x20b: {  	s24 =	sadd.s32 $0x80, s24;
	[tilespmem:s25+$0x6490] =	vst v1  }
0x20c: {  	s24 =	simm.s32 $0x2C80;
	s25 =	simm.s32 $0x6C80  }
0x20d: {  	[tilespmem:s25], [sflag:$0x1] =	stream.indirect.gather [hbm4b:s7+s22], $0x1, s24, s22, $0xb8;
	[tilespmem:$0x19480] =	vst v63  }
0x20e: {  	s30 =	simm.s32 $0x3480;
	s31 =	simm.s32 $0x7480  }
0x20f: {  	[tilespmem:s31], [sflag:$0x1] =	stream.indirect.gather [hbm4b:s7+s22], $0x1, s30, s22, $0xb8;
	[tilespmem:$0x19480] =	vst v63  }
0x210: {  	s26 =	simm.s32 $0x7C80;
	s25 =	simm.s32 $0x3C80  }
0x211: {  	[tilespmem:s26], [sflag:$0x1] =	stream.indirect.gather [hbm4b:s7+s22], $0x1, s25, s22, $0xb8;
	[tilespmem:$0x19480] =	vst v63  }
0x212: {  	s28 =	simm.s32 $0x4480;
	s29 =	simm.s32 $0x8480  }
0x213: {  	[tilespmem:s29], [sflag:$0x1] =	stream.indirect.gather [hbm4b:s7+s22], $0x1, s28, s22, $0xb8;
	[tilespmem:$0x19480] =	vst v63  }
0x214: {  	s30 =	simm.s32 $0x4C80;
	s31 =	simm.s32 $0x8C80  }
0x215: {  	[tilespmem:s31], [sflag:$0x1] =	stream.indirect.gather [hbm4b:s7+s22], $0x1, s30, s22, $0xb8;
	[tilespmem:$0x19480] =	vst v63  }
0x216: {  	s25 =	simm.s32 $0x5480;
	s26 =	simm.s32 $0x9480  }
0x217: {  	[tilespmem:s26], [sflag:$0x1] =	stream.indirect.gather [hbm4b:s7+s22], $0x1, s25, s22, $0xb8;
	[tilespmem:$0x19480] =	vst v63  }
0x218: {  	s24 =	simm.s32 $0x0;
	s28 =	simm.s32 $0x5C80;
	s29 =	simm.s32 $0x9C80  }
0x219: {  	[tilespmem:s29], [sflag:$0x1] =	stream.indirect.gather [hbm4b:s7+s22], $0x1, s28, s22, $0xb8;
	[tilespmem:$0x19480] =	vst v63  }
0x21a: {  	s30 =	simm.s32 $0x6480;
	s31 =	simm.s32 $0xA480;
	s25 =	simm.s32 $0x0  }
0x21b: {  	[tilespmem:s31], [sflag:$0x1] =	stream.indirect.gather [hbm4b:s7+s22], $0x1, s30, s22, $0xb8;
	[tilespmem:$0x19480] =	vst v63  }
.LBB2_4:
0x21c: {  	p0 =	seq.s32 s25, $0x0;
	s26 =	sshll.u32 s25, $0xC  }
0x21d: {  	s28 =	simm.s32 @!p0 $0x4;
	s29 =	sor.u32 s26, s10  }
0x21e: {  	_ =	swait.ge @!p0 [sflag:s28], $0x800;
	s29 =	sshrl.u32 s29, $0x3  }
0x21f: {  	[sflag:s28] =	ssyncset.done @!p0 $0x0;
	s29 =	sor.u32 $0x100, s29  }
0x220: {  	s30 =	simm.s32 $0xD480;
	[sflag:s28] =	ssyncadd.s32 @!p0 $0xFFFFF800;
	s28 =	sadd.s32 s4, s29  }
0x221: {  	[tilespmem:s30], [sflag:$0x5] =	stream.linear.gather [hbm4b:s28+s24], $0x800, $0x38;
	[tilespmem:$0x19480] =	vst v63  }
0x222: {  	_ =	swait.ge [sflag:s17], $0x800  }
0x223: {  	[sflag:s17] =	ssyncset.done $0x0  }
0x224: {  	s31 =	simm.s32 $0xDC80;
	s28 =	sadd.s32 s5, s29;
	[sflag:s17] =	ssyncadd.s32 $0xFFFFF800  }
0x225: {  	[tilespmem:s31], [sflag:$0x5] =	stream.linear.gather [hbm4b:s28+s24], $0x800, $0x38;
	[tilespmem:$0x19480] =	vst v63  }
0x226: {  	_ =	swait.ge [sflag:s17], $0x800  }
0x227: {  	[sflag:s17] =	ssyncset.done $0x0  }
0x228: {  	s28 =	sadd.s32 s6, s29;
	s31 =	simm.s32 $0xE480;
	[sflag:s17] =	ssyncadd.s32 $0xFFFFF800  }
0x229: {  	[tilespmem:s31], [sflag:$0x5] =	stream.linear.gather [hbm4b:s28+s24], $0x800, $0x38;
	[tilespmem:$0x19480] =	vst v63  }
0x22a: {  	_ =	swait.ge [sflag:s17], $0x800  }
0x22b: {  	[sflag:s17] =	ssyncset.done $0x0  }
0x22c: {  	s28 =	simm.s32 $0x0;
	[sflag:s17] =	ssyncadd.s32 $0xFFFFF800  }
.LBB2_5:
0x22d: {  	v2 =	vld [tilespmem:$0x1080]  }
0x22e: {  	v3 =	vld [tilespmem:$0x1200]  }
0x22f: {  	v5 =	vld [tilespmem:$0x1100]  }
0x230: {  	s29 =	sshra.s32 s28, $0x2;
	v7 =	vld [tilespmem:$0x1180]  }
0x231: {  	v1 =	vld [tilespmem:s29+$0xD480]  }
0x232: {  	v4 =	vld [tilespmem:s29+$0xDC80]  }
0x233: {  	v6 =	vld [tilespmem:s29+$0xE480]  }
0x234: {  	v8 =	vld [tilespmem:$0x1280]  }
0x235: {  	v9 =	vld [tilespmem:$0x1300];
	_ =	sdelay $0x1  }
0x236: {  	v1 =	vsub.f32 v1, v2;
	v2 =	vsub.f32 v4, v5  }
0x237: {  	v63 =	vsub.f32 v6, v7  }
0x238: {  	v1 =	vmul.f32 v3, v1;
	v2 =	vmul.f32 v8, v2  }
0x239: {  	v3 =	vmul.f32 v9, v63  }
0x23a: {  	v9 =	vtrunc.f32 v1;
	v10 =	vtrunc.f32 v2  }
0x23b: {  	v4 =	vcvt.f32.s32 v9;
	v5 =	vcvt.f32.s32 v10  }
0x23c: {  	v11 =	vtrunc.f32 v3  }
0x23d: {  	v6 =	vcvt.f32.s32 v11;
	v12 =	vshll.u32 v4, $0x4;
	v13 =	vshll.u32 v5, $0x2  }
0x23e: {  	v7 =	vadd.s32 v12, v13  }
0x23f: {  	v7 =	vadd.s32 v6, v7  }
0x240: {  	(xrf1) =	vunique.msk.u32 $0xffff, v7;
	_ =	sdelay $0x8  }
0x241: {  	v4 =	vcvt.s32.f32 v4  }
0x242: {  	v5 =	vcvt.s32.f32 v5  }
0x243: {  	v14 =	vcvt.s32.f32 v6;
	v1 =	vsub.f32 v1, v4  }
0x244: {  	v2 =	vsub.f32 v2, v5  }
0x245: {  	v3 =	vsub.f32 v3, v14;
	v1 =	vmul.f32 $6.300000000e+01, v1  }
0x246: {  	v2 =	vmul.f32 $6.300000000e+01, v2;
	_, v15, vm15 =	vpop (xrf1)  }
0x247: {  	v3 =	vmul.f32 $6.300000000e+01, v3;
	v12 =	vtrunc.f32 v1;
	v63 =	vld.idx.msk [tilespmem:v7+s21+$0x0], $0xffff  }
0x248: {  	v13 =	vtrunc.f32 v2;
	v6 =	vcvt.f32.s32 v12  }
0x249: {  	v14 =	vtrunc.f32 v3;
	v8 =	vcvt.f32.s32 v13  }
0x24a: {  	v9 =	vcvt.f32.s32 v14;
	v10 =	vcvt.s32.f32 v6  }
0x24b: {  	v11 =	vcvt.s32.f32 v8  }
0x24c: {  	v1 =	vsub.f32 v1, v10;
	v5 =	vadd.s32 v63, v15;
	[tilespmem:v7+s21+$0x0] =	vst.idx.add.s32.msk vm15, v15;
	v15 =	vcvt.s32.f32 v9  }
0x24d: {  	v2 =	vsub.f32 v2, v11;
	v10 =	vshll.u32 v8, $0x6;
	v63 =	vshll.u32 v7, $0x12;
	[tilespmem:s29+$0x18480] =	vst v5  }
0x24e: {  	v11 =	vadd.s32 v63, v10;
	[tilespmem:s29+$0x16C80] =	vst v1;
	v1 =	vsub.f32 v3, v15;
	v3 =	vshll.u32 v9, $0xC  }
0x24f: {  	[tilespmem:s29+$0x17480] =	vst v2;
	v2 =	vadd.s32 v3, v11  }
0x250: {  	[tilespmem:s29+$0x17C80] =	vst v1;
	v1 =	vadd.s32 v6, v2  }
0x251: {  	[tilespmem:s29+$0xEC80] =	vst v1;
	v2 =	vadd.s32 $0x1, v1  }
0x252: {  	v3 =	vadd.s32 $0x40, v1;
	[tilespmem:s29+$0xF480] =	vst v2  }
0x253: {  	[tilespmem:s29+$0xFC80] =	vst v3;
	v2 =	vadd.s32 $0x41, v1  }
0x254: {  	v3 =	vadd.s32 $0x1000, v1;
	[tilespmem:s29+$0x10480] =	vst v2  }
0x255: {  	[tilespmem:s29+$0x10C80] =	vst v3;
	v2 =	vadd.s32 $0x1001, v1  }
0x256: {  	v4 =	vld [tilespmem:s29+$0xDC90];
	v3 =	vadd.s32 $0x1040, v1;
	[tilespmem:s29+$0x11480] =	vst v2  }
0x257: {  	v13 =	vld [tilespmem:s29+$0xE490];
	v1 =	vadd.s32 $0x1041, v1;
	[tilespmem:s29+$0x11C80] =	vst v3  }
0x258: {  	[tilespmem:s29+$0x12480] =	vst v1;
	v1 =	vld [tilespmem:s29+$0xD490]  }
0x259: {  	v2 =	vld [tilespmem:$0x1080]  }
0x25a: {  	v3 =	vld [tilespmem:$0x1200]  }
0x25b: {  	v12 =	vld [tilespmem:$0x1100]  }
0x25c: {  	v14 =	vld [tilespmem:$0x1180]  }
0x25d: {  	v15 =	vld [tilespmem:$0x1280]  }
0x25e: {  	v63 =	vld [tilespmem:$0x1300];
	_ =	sdelay $0x1  }
0x25f: {  	v1 =	vsub.f32 v1, v2;
	v2 =	vsub.f32 v4, v12  }
0x260: {  	v11 =	vsub.f32 v13, v14  }
0x261: {  	v1 =	vmul.f32 v3, v1;
	v2 =	vmul.f32 v15, v2  }
0x262: {  	v3 =	vmul.f32 v63, v11  }
0x263: {  	v12 =	vtrunc.f32 v1;
	v13 =	vtrunc.f32 v2  }
0x264: {  	v4 =	vcvt.f32.s32 v12;
	v5 =	vcvt.f32.s32 v13  }
0x265: {  	v14 =	vtrunc.f32 v3  }
0x266: {  	v6 =	vcvt.f32.s32 v14;
	v15 =	vshll.u32 v4, $0x4;
	v63 =	vshll.u32 v5, $0x2  }
0x267: {  	v7 =	vadd.s32 v15, v63  }
0x268: {  	v7 =	vadd.s32 v6, v7  }
0x269: {  	(xrf1) =	vunique.msk.u32 $0xffff, v7;
	_ =	sdelay $0x8  }
0x26a: {  	v4 =	vcvt.s32.f32 v4  }
0x26b: {  	v5 =	vcvt.s32.f32 v5  }
0x26c: {  	v12 =	vcvt.s32.f32 v6;
	v1 =	vsub.f32 v1, v4  }
0x26d: {  	v2 =	vsub.f32 v2, v5  }
0x26e: {  	v3 =	vsub.f32 v3, v12;
	v1 =	vmul.f32 $6.300000000e+01, v1  }
0x26f: {  	v2 =	vmul.f32 $6.300000000e+01, v2;
	_, v4, vm11 =	vpop (xrf1)  }
0x270: {  	v3 =	vmul.f32 $6.300000000e+01, v3;
	v13 =	vtrunc.f32 v1;
	v5 =	vld.idx.msk [tilespmem:v7+s21+$0x0], $0xffff  }
0x271: {  	v14 =	vtrunc.f32 v2;
	v6 =	vcvt.f32.s32 v13  }
0x272: {  	v15 =	vtrunc.f32 v3;
	v8 =	vcvt.f32.s32 v14  }
0x273: {  	v9 =	vcvt.f32.s32 v15;
	v63 =	vcvt.s32.f32 v6  }
0x274: {  	v12 =	vcvt.s32.f32 v8  }
0x275: {  	v13 =	vcvt.s32.f32 v9;
	v1 =	vsub.f32 v1, v63;
	v5 =	vadd.s32 v5, v4;
	[tilespmem:v7+s21+$0x0] =	vst.idx.add.s32.msk vm11, v4  }
0x276: {  	v14 =	vshll.u32 v7, $0x12;
	v15 =	vshll.u32 v8, $0x6;
	v2 =	vsub.f32 v2, v12;
	[tilespmem:s29+$0x18490] =	vst v5  }
0x277: {  	v63 =	vadd.s32 v14, v15;
	[tilespmem:s29+$0x16C90] =	vst v1;
	v1 =	vsub.f32 v3, v13;
	v3 =	vshll.u32 v9, $0xC  }
0x278: {  	[tilespmem:s29+$0x17490] =	vst v2;
	v2 =	vadd.s32 v3, v63  }
0x279: {  	[tilespmem:s29+$0x17C90] =	vst v1;
	v1 =	vadd.s32 v6, v2  }
0x27a: {  	[tilespmem:s29+$0xEC90] =	vst v1;
	v2 =	vadd.s32 $0x1, v1  }
0x27b: {  	v3 =	vadd.s32 $0x40, v1;
	[tilespmem:s29+$0xF490] =	vst v2  }
0x27c: {  	p0 =	sne.s32 s28, $0x1F80;
	[tilespmem:s29+$0xFC90] =	vst v3;
	v2 =	vadd.s32 $0x41, v1  }
.Ltmp1:
0x27d: {  	v3 =	vadd.s32 $0x1000, v1;
	[tilespmem:s29+$0x10490] =	vst v2;
	(pc) =	sbr.rel @p0 .LBB2_5-.Ltmp1, $4  }
0x27e: {  	[tilespmem:s29+$0x10C90] =	vst v3;
	v2 =	vadd.s32 $0x1001, v1  }
0x27f: {  	v3 =	vadd.s32 $0x1040, v1;
	[tilespmem:s29+$0x11490] =	vst v2  }
0x280: {  	v1 =	vadd.s32 $0x1041, v1;
	[tilespmem:s29+$0x11C90] =	vst v3  }
0x281: {  	s28 =	sadd.s32 $0x80, s28;
	[tilespmem:s29+$0x12490] =	vst v1  }
0x282: {  	s28 =	simm.s32 $0xEC80;
	s29 =	simm.s32 $0x12C80  }
0x283: {  	[tilespmem:s29], [sflag:$0x3] =	stream.indirect.gather [hbm4b:s7+s22], $0x1, s28, s22, $0xb8;
	[tilespmem:$0x19480] =	vst v63  }
0x284: {  	s28 =	simm.s32 $0xF480;
	s29 =	simm.s32 $0x13480  }
0x285: {  	[tilespmem:s29], [sflag:$0x3] =	stream.indirect.gather [hbm4b:s7+s22], $0x1, s28, s22, $0xb8;
	[tilespmem:$0x19480] =	vst v63  }
0x286: {  	s28 =	simm.s32 $0xFC80;
	s29 =	simm.s32 $0x13C80  }
0x287: {  	[tilespmem:s29], [sflag:$0x3] =	stream.indirect.gather [hbm4b:s7+s22], $0x1, s28, s22, $0xb8;
	[tilespmem:$0x19480] =	vst v63  }
0x288: {  	s28 =	simm.s32 $0x10480;
	s29 =	simm.s32 $0x14480  }
0x289: {  	[tilespmem:s29], [sflag:$0x3] =	stream.indirect.gather [hbm4b:s7+s22], $0x1, s28, s22, $0xb8;
	[tilespmem:$0x19480] =	vst v63  }
0x28a: {  	s28 =	simm.s32 $0x10C80  }
0x28b: {  	[tilespmem:s1], [sflag:$0x3] =	stream.indirect.gather [hbm4b:s7+s22], $0x1, s28, s22, $0xb8;
	[tilespmem:$0x19480] =	vst v63  }
0x28c: {  	_ = 	snop  }
0x28d: {  	[tilespmem:s16], [sflag:$0x3] =	stream.indirect.gather [hbm4b:s7+s22], $0x1, s0, s22, $0xb8;
	[tilespmem:$0x19480] =	vst v63  }
0x28e: {  	_ = 	snop  }
0x28f: {  	[tilespmem:s9], [sflag:$0x3] =	stream.indirect.gather [hbm4b:s7+s22], $0x1, s8, s22, $0xb8;
	[tilespmem:$0x19480] =	vst v63  }
0x290: {  	_ = 	snop  }
0x291: {  	[tilespmem:s12], [sflag:$0x3] =	stream.indirect.gather [hbm4b:s7+s22], $0x1, s11, s22, $0xb8;
	[tilespmem:$0x19480] =	vst v63  }
0x292: {  	_ =	swait.ge [sflag:s13], $0x800  }
0x293: {  	[sflag:s13] =	ssyncset.done $0x0  }
0x294: {  	[sflag:s13] =	ssyncadd.s32 $0xFFFFF800  }
0x295: {  	_ =	swait.ge [sflag:s13], $0x800  }
0x296: {  	[sflag:s13] =	ssyncset.done $0x0  }
0x297: {  	[sflag:s13] =	ssyncadd.s32 $0xFFFFF800  }
0x298: {  	_ =	swait.ge [sflag:s13], $0x800  }
0x299: {  	[sflag:s13] =	ssyncset.done $0x0  }
0x29a: {  	[sflag:s13] =	ssyncadd.s32 $0xFFFFF800  }
0x29b: {  	_ =	swait.ge [sflag:s13], $0x800  }
0x29c: {  	[sflag:s13] =	ssyncset.done $0x0  }
0x29d: {  	[sflag:s13] =	ssyncadd.s32 $0xFFFFF800  }
0x29e: {  	_ =	swait.ge [sflag:s13], $0x800  }
0x29f: {  	[sflag:s13] =	ssyncset.done $0x0  }
0x2a0: {  	[sflag:s13] =	ssyncadd.s32 $0xFFFFF800  }
0x2a1: {  	_ =	swait.ge [sflag:s13], $0x800  }
0x2a2: {  	[sflag:s13] =	ssyncset.done $0x0  }
0x2a3: {  	[sflag:s13] =	ssyncadd.s32 $0xFFFFF800  }
0x2a4: {  	_ =	swait.ge [sflag:s13], $0x800  }
0x2a5: {  	[sflag:s13] =	ssyncset.done $0x0  }
0x2a6: {  	[sflag:s13] =	ssyncadd.s32 $0xFFFFF800  }
0x2a7: {  	_ =	swait.ge [sflag:s13], $0x800  }
0x2a8: {  	[sflag:s13] =	ssyncset.done $0x0  }
0x2a9: {  	s28 =	simm.s32 $0x0;
	[sflag:s13] =	ssyncadd.s32 $0xFFFFF800  }
0x2aa: {  	v63 =	vld [tilespmem:s28+$0xB480]  }
0x2ab: {  	v3 =	vld [tilespmem:s28+$0x6C80]  }
0x2ac: {  	v2 =	vld [tilespmem:s28+$0x7480]  }
0x2ad: {  	v6 =	vld [tilespmem:s28+$0x7C80]  }
0x2ae: {  	v4 =	vld [tilespmem:s28+$0x8480]  }
0x2af: {  	v7 =	vld [tilespmem:s28+$0xAC80]  }
0x2b0: {  	v8 =	vld [tilespmem:s28+$0x9480]  }
0x2b1: {  	v9 =	vld [tilespmem:s28+$0xA480]  }
0x2b2: {  	v10 =	vld [tilespmem:s28+$0x8C80]  }
0x2b3: {  	v11 =	vld [tilespmem:s28+$0x9C80]  }
0x2b4: {  	s29 =	simm.s32 $0x10;
	v1 =	vld [tilespmem:s28+$0xBC80]  }
0x2b5: {  	v5 =	vld [tilespmem:s29+$0x6C80];
	v12 =	vmul.f32 v2, v7;
	v13 =	vsub.f32 $1.000000000e+00, v7  }
0x2b6: {  	v2 =	vld [tilespmem:s29+$0xB480];
	v14 =	vmul.f32 v4, v7;
	v15 =	vmul.f32 v8, v7  }
0x2b7: {  	v4 =	vld [tilespmem:s29+$0x7480];
	v16 =	vmul.f32 v3, v13;
	v17 =	vmul.f32 v6, v13  }
0x2b8: {  	v9 =	vmul.f32 v9, v7;
	v8 =	vld [tilespmem:s29+$0x8480];
	v6 =	vsub.f32 $1.000000000e+00, v63;
	v10 =	vmul.f32 v10, v13  }
0x2b9: {  	v7 =	vld [tilespmem:s29+$0xAC80];
	v11 =	vmul.f32 v11, v13;
	v16 =	vadd.f32 v12, v16;
	v14 =	vadd.f32 v14, v17  }
0x2ba: {  	v3 =	vld [tilespmem:s29+$0x7C80];
	v13 =	vadd.f32 v15, v10  }
0x2bb: {  	s30 =	simm.s32 $0x80;
	v12 =	vadd.f32 v9, v11;
	v9 =	vld [tilespmem:s29+$0x9480];
	v10 =	vmul.f32 v16, v6;
	v11 =	vmul.f32 v14, v63  }
.LBB2_7:
0x2bc: {  	_ = 	snop  }
0x2bd: {  	p0 =	sne.s32 s30, $0x1FC0;
	v14 =	vld [tilespmem:s29+$0xA480];
	v6 =	vmul.f32 v13, v6;
	v12 =	vmul.f32 v12, v63;
	v63 =	vmov v2  }
0x2be: {  	v15 =	vsub.f32 $1.000000000e+00, v1;
	v13 =	vld [tilespmem:s29+$0x8C80];
	v10 =	vadd.f32 v11, v10  }
0x2bf: {  	v16 =	vld [tilespmem:s29+$0x9C80];
	v6 =	vadd.f32 v12, v6;
	v17 =	vmul.f32 v8, v7;
	v8 =	vsub.f32 $1.000000000e+00, v7  }
0x2c0: {  	s31 =	sshra.s32 s30, $0x2;
	v11 =	vld [tilespmem:s29+$0xBC80];
	v12 =	vmul.f32 v4, v7;
	v10 =	vmul.f32 v10, v15  }
0x2c1: {  	v2 =	vld [tilespmem:s31+$0xB480];
	v1 =	vmul.f32 v6, v1;
	v5 =	vmul.f32 v5, v8  }
0x2c2: {  	v9 =	vmul.f32 v9, v7;
	v15 =	vld [tilespmem:s31+$0x6C80];
	v14 =	vmul.f32 v14, v7  }
.Ltmp2:
0x2c3: {  	v7 =	vmul.f32 v3, v8;
	v4 =	vld [tilespmem:s31+$0x7480];
	v18 =	vadd.f32 v1, v10;
	v5 =	vadd.f32 v12, v5;
	(pc) =	sbr.rel @p0 .LBB2_7-.Ltmp2, $4  }
0x2c4: {  	v6 =	vsub.f32 $1.000000000e+00, v63;
	v10 =	vmul.f32 v13, v8;
	v3 =	vld [tilespmem:s31+$0x7C80];
	v16 =	vmul.f32 v16, v8  }
0x2c5: {  	v17 =	vadd.f32 v17, v7;
	v8 =	vld [tilespmem:s31+$0x8480];
	[tilespmem:s28+$0xCC80] =	vst v18;
	v1 =	vmov v11;
	s28 =	smov.u32 s29;
	s29 =	smov.u32 s31  }
0x2c6: {  	v13 =	vadd.f32 v9, v10;
	v7 =	vld [tilespmem:s29+$0xAC80];
	v12 =	vadd.f32 v14, v16  }
0x2c7: {  	s30 =	sadd.s32 $0x40, s30;
	v10 =	vmul.f32 v5, v6;
	v11 =	vmul.f32 v17, v63;
	v9 =	vld [tilespmem:s29+$0x9480];
	v5 =	vmov v15  }
0x2c8: {  	v14 =	vld [tilespmem:s29+$0xA480]  }
0x2c9: {  	v15 =	vld [tilespmem:s29+$0x8C80]  }
0x2ca: {  	v16 =	vld [tilespmem:s29+$0x9C80]  }
0x2cb: {  	v6 =	vmul.f32 v13, v6;
	v17 =	vsub.f32 $1.000000000e+00, v7  }
0x2cc: {  	v4 =	vmul.f32 v4, v7;
	v8 =	vmul.f32 v8, v7  }
0x2cd: {  	v9 =	vmul.f32 v9, v7;
	v5 =	vmul.f32 v5, v17  }
0x2ce: {  	v7 =	vmul.f32 v14, v7;
	v3 =	vmul.f32 v3, v17  }
0x2cf: {  	v13 =	vsub.f32 $1.000000000e+00, v2;
	v14 =	vmul.f32 v15, v17;
	v15 =	vmul.f32 v16, v17  }
0x2d0: {  	v4 =	vadd.f32 v4, v5;
	v5 =	vld [tilespmem:s29+$0xBC80];
	v3 =	vadd.f32 v8, v3  }
0x2d1: {  	v8 =	vmul.f32 v12, v63;
	v9 =	vadd.f32 v9, v14;
	v7 =	vadd.f32 v7, v15  }
0x2d2: {  	v10 =	vadd.f32 v11, v10;
	v4 =	vmul.f32 v4, v13;
	v3 =	vmul.f32 v3, v2  }
0x2d3: {  	v63 =	vsub.f32 $1.000000000e+00, v1;
	v9 =	vmul.f32 v9, v13;
	v2 =	vmul.f32 v7, v2  }
0x2d4: {  	v6 =	vadd.f32 v8, v6;
	v3 =	vadd.f32 v3, v4  }
0x2d5: {  	v2 =	vadd.f32 v2, v9;
	v15 =	vsub.f32 $1.000000000e+00, v5  }
0x2d6: {  	v63 =	vmul.f32 v10, v63;
	v1 =	vmul.f32 v6, v1  }
0x2d7: {  	p0 =	seq.s32 s25, $0xF;
	v2 =	vmul.f32 v2, v5;
	v3 =	vmul.f32 v3, v15  }
.Ltmp3:
0x2d8: {  	v1 =	vadd.f32 v1, v63;
	(pc) =	sbr.rel @p0 .LBB2_12-.Ltmp3, $4  }
0x2d9: {  	v2 =	vadd.f32 v2, v3  }
0x2da: {  	[tilespmem:s28+$0xCC80] =	vst v1  }
0x2db: {  	[tilespmem:s29+$0xCC80] =	vst v2  }
0x2dc: {  	[hbm4b:s2+s22] =	stream.indirect.scatter [tilespmem:s15], [sflag:$0x2], $0x1, s14, s22, $0xb8;
	[tilespmem:$0x19480] =	vst v63  }
0x2dd: {  	_ =	swait.ge [sflag:s23], $0x800  }
0x2de: {  	s28 =	rddreg [dreg:$0x8]  }
0x2df: {  	s26 =	sadd.s32 s26, s28  }
0x2e0: {  	s30 =	simm.s32 $0x1480;
	[sflag:s23] =	ssyncset.done $0x0;
	s28 =	sshrl.u32 s26, $0x3  }
0x2e1: {  	[sflag:s23] =	ssyncadd.s32 $0xFFFFF800;
	s26 =	simm.s32 $0x0;
	s29 =	sadd.s32 s4, s28  }
0x2e2: {  	[tilespmem:s30], [sflag:$0x5] =	stream.linear.gather [hbm4b:s29+s26], $0x800, $0x38;
	[tilespmem:$0x19480] =	vst v63  }
0x2e3: {  	_ =	swait.ge [sflag:s17], $0x800  }
0x2e4: {  	[sflag:s17] =	ssyncset.done $0x0  }
0x2e5: {  	s31 =	simm.s32 $0x1C80;
	s29 =	sadd.s32 s5, s28;
	[sflag:s17] =	ssyncadd.s32 $0xFFFFF800  }
0x2e6: {  	[tilespmem:s31], [sflag:$0x5] =	stream.linear.gather [hbm4b:s29+s26], $0x800, $0x38;
	[tilespmem:$0x19480] =	vst v63  }
0x2e7: {  	_ =	swait.ge [sflag:s17], $0x800  }
0x2e8: {  	[sflag:s17] =	ssyncset.done $0x0  }
0x2e9: {  	s28 =	sadd.s32 s6, s28;
	s31 =	simm.s32 $0x2480;
	[sflag:s17] =	ssyncadd.s32 $0xFFFFF800  }
0x2ea: {  	[tilespmem:s31], [sflag:$0x5] =	stream.linear.gather [hbm4b:s28+s26], $0x800, $0x38;
	[tilespmem:$0x19480] =	vst v63  }
0x2eb: {  	_ =	swait.ge [sflag:s17], $0x800  }
0x2ec: {  	[sflag:s17] =	ssyncset.done $0x0  }
0x2ed: {  	[sflag:s17] =	ssyncadd.s32 $0xFFFFF800  }
.LBB2_10:
0x2ee: {  	v2 =	vld [tilespmem:$0x1080]  }
0x2ef: {  	v3 =	vld [tilespmem:$0x1200]  }
0x2f0: {  	v5 =	vld [tilespmem:$0x1100]  }
0x2f1: {  	s28 =	sshra.s32 s26, $0x2;
	v7 =	vld [tilespmem:$0x1180]  }
0x2f2: {  	v1 =	vld [tilespmem:s28+$0x1480]  }
0x2f3: {  	v4 =	vld [tilespmem:s28+$0x1C80]  }
0x2f4: {  	v6 =	vld [tilespmem:s28+$0x2480]  }
0x2f5: {  	v8 =	vld [tilespmem:$0x1280]  }
0x2f6: {  	v9 =	vld [tilespmem:$0x1300];
	_ =	sdelay $0x1  }
0x2f7: {  	v1 =	vsub.f32 v1, v2;
	v2 =	vsub.f32 v4, v5  }
0x2f8: {  	v63 =	vsub.f32 v6, v7  }
0x2f9: {  	v1 =	vmul.f32 v3, v1;
	v2 =	vmul.f32 v8, v2  }
0x2fa: {  	v3 =	vmul.f32 v9, v63  }
0x2fb: {  	v9 =	vtrunc.f32 v1;
	v10 =	vtrunc.f32 v2  }
0x2fc: {  	v4 =	vcvt.f32.s32 v9;
	v5 =	vcvt.f32.s32 v10  }
0x2fd: {  	v11 =	vtrunc.f32 v3  }
0x2fe: {  	v6 =	vcvt.f32.s32 v11;
	v12 =	vshll.u32 v4, $0x4;
	v13 =	vshll.u32 v5, $0x2  }
0x2ff: {  	v7 =	vadd.s32 v12, v13  }
0x300: {  	v7 =	vadd.s32 v6, v7  }
0x301: {  	(xrf1) =	vunique.msk.u32 $0xffff, v7;
	_ =	sdelay $0x8  }
0x302: {  	v4 =	vcvt.s32.f32 v4  }
0x303: {  	v5 =	vcvt.s32.f32 v5  }
0x304: {  	v14 =	vcvt.s32.f32 v6;
	v1 =	vsub.f32 v1, v4  }
0x305: {  	v2 =	vsub.f32 v2, v5  }
0x306: {  	v3 =	vsub.f32 v3, v14;
	v1 =	vmul.f32 $6.300000000e+01, v1  }
0x307: {  	v2 =	vmul.f32 $6.300000000e+01, v2;
	_, v15, vm15 =	vpop (xrf1)  }
0x308: {  	v3 =	vmul.f32 $6.300000000e+01, v3;
	v12 =	vtrunc.f32 v1;
	v63 =	vld.idx.msk [tilespmem:v7+s21+$0x0], $0xffff  }
0x309: {  	v13 =	vtrunc.f32 v2;
	v6 =	vcvt.f32.s32 v12  }
0x30a: {  	v14 =	vtrunc.f32 v3;
	v8 =	vcvt.f32.s32 v13  }
0x30b: {  	v9 =	vcvt.f32.s32 v14;
	v10 =	vcvt.s32.f32 v6  }
0x30c: {  	v11 =	vcvt.s32.f32 v8  }
0x30d: {  	v1 =	vsub.f32 v1, v10;
	v5 =	vadd.s32 v63, v15;
	[tilespmem:v7+s21+$0x0] =	vst.idx.add.s32.msk vm15, v15;
	v15 =	vcvt.s32.f32 v9  }
0x30e: {  	v2 =	vsub.f32 v2, v11;
	v10 =	vshll.u32 v8, $0x6;
	v63 =	vshll.u32 v7, $0x12;
	[tilespmem:s28+$0xC480] =	vst v5  }
0x30f: {  	v11 =	vadd.s32 v63, v10;
	[tilespmem:s28+$0xAC80] =	vst v1;
	v1 =	vsub.f32 v3, v15;
	v3 =	vshll.u32 v9, $0xC  }
0x310: {  	[tilespmem:s28+$0xB480] =	vst v2;
	v2 =	vadd.s32 v3, v11  }
0x311: {  	[tilespmem:s28+$0xBC80] =	vst v1;
	v1 =	vadd.s32 v6, v2  }
0x312: {  	[tilespmem:s28+$0x2C80] =	vst v1;
	v2 =	vadd.s32 $0x1, v1  }
0x313: {  	v3 =	vadd.s32 $0x40, v1;
	[tilespmem:s28+$0x3480] =	vst v2  }
0x314: {  	[tilespmem:s28+$0x3C80] =	vst v3;
	v2 =	vadd.s32 $0x41, v1  }
0x315: {  	v3 =	vadd.s32 $0x1000, v1;
	[tilespmem:s28+$0x4480] =	vst v2  }
0x316: {  	[tilespmem:s28+$0x4C80] =	vst v3;
	v2 =	vadd.s32 $0x1001, v1  }
0x317: {  	v4 =	vld [tilespmem:s28+$0x1C90];
	v3 =	vadd.s32 $0x1040, v1;
	[tilespmem:s28+$0x5480] =	vst v2  }
0x318: {  	v13 =	vld [tilespmem:s28+$0x2490];
	v1 =	vadd.s32 $0x1041, v1;
	[tilespmem:s28+$0x5C80] =	vst v3  }
0x319: {  	[tilespmem:s28+$0x6480] =	vst v1;
	v1 =	vld [tilespmem:s28+$0x1490]  }
0x31a: {  	v2 =	vld [tilespmem:$0x1080]  }
0x31b: {  	v3 =	vld [tilespmem:$0x1200]  }
0x31c: {  	v12 =	vld [tilespmem:$0x1100]  }
0x31d: {  	v14 =	vld [tilespmem:$0x1180]  }
0x31e: {  	v15 =	vld [tilespmem:$0x1280]  }
0x31f: {  	v63 =	vld [tilespmem:$0x1300];
	_ =	sdelay $0x1  }
0x320: {  	v1 =	vsub.f32 v1, v2;
	v2 =	vsub.f32 v4, v12  }
0x321: {  	v11 =	vsub.f32 v13, v14  }
0x322: {  	v1 =	vmul.f32 v3, v1;
	v2 =	vmul.f32 v15, v2  }
0x323: {  	v3 =	vmul.f32 v63, v11  }
0x324: {  	v12 =	vtrunc.f32 v1;
	v13 =	vtrunc.f32 v2  }
0x325: {  	v4 =	vcvt.f32.s32 v12;
	v5 =	vcvt.f32.s32 v13  }
0x326: {  	v14 =	vtrunc.f32 v3  }
0x327: {  	v6 =	vcvt.f32.s32 v14;
	v15 =	vshll.u32 v4, $0x4;
	v63 =	vshll.u32 v5, $0x2  }
0x328: {  	v7 =	vadd.s32 v15, v63  }
0x329: {  	v7 =	vadd.s32 v6, v7  }
0x32a: {  	(xrf1) =	vunique.msk.u32 $0xffff, v7;
	_ =	sdelay $0x8  }
0x32b: {  	v4 =	vcvt.s32.f32 v4  }
0x32c: {  	v5 =	vcvt.s32.f32 v5  }
0x32d: {  	v12 =	vcvt.s32.f32 v6;
	v1 =	vsub.f32 v1, v4  }
0x32e: {  	v2 =	vsub.f32 v2, v5  }
0x32f: {  	v3 =	vsub.f32 v3, v12;
	v1 =	vmul.f32 $6.300000000e+01, v1  }
0x330: {  	v2 =	vmul.f32 $6.300000000e+01, v2;
	_, v4, vm11 =	vpop (xrf1)  }
0x331: {  	v3 =	vmul.f32 $6.300000000e+01, v3;
	v13 =	vtrunc.f32 v1;
	v5 =	vld.idx.msk [tilespmem:v7+s21+$0x0], $0xffff  }
0x332: {  	v14 =	vtrunc.f32 v2;
	v6 =	vcvt.f32.s32 v13  }
0x333: {  	v15 =	vtrunc.f32 v3;
	v8 =	vcvt.f32.s32 v14  }
0x334: {  	v9 =	vcvt.f32.s32 v15;
	v63 =	vcvt.s32.f32 v6  }
0x335: {  	v12 =	vcvt.s32.f32 v8  }
0x336: {  	v13 =	vcvt.s32.f32 v9;
	v1 =	vsub.f32 v1, v63;
	v5 =	vadd.s32 v5, v4;
	[tilespmem:v7+s21+$0x0] =	vst.idx.add.s32.msk vm11, v4  }
0x337: {  	v14 =	vshll.u32 v7, $0x12;
	v15 =	vshll.u32 v8, $0x6;
	v2 =	vsub.f32 v2, v12;
	[tilespmem:s28+$0xC490] =	vst v5  }
0x338: {  	v63 =	vadd.s32 v14, v15;
	[tilespmem:s28+$0xAC90] =	vst v1;
	v1 =	vsub.f32 v3, v13;
	v3 =	vshll.u32 v9, $0xC  }
0x339: {  	[tilespmem:s28+$0xB490] =	vst v2;
	v2 =	vadd.s32 v3, v63  }
0x33a: {  	[tilespmem:s28+$0xBC90] =	vst v1;
	v1 =	vadd.s32 v6, v2  }
0x33b: {  	[tilespmem:s28+$0x2C90] =	vst v1;
	v2 =	vadd.s32 $0x1, v1  }
0x33c: {  	v3 =	vadd.s32 $0x40, v1;
	[tilespmem:s28+$0x3490] =	vst v2  }
0x33d: {  	p0 =	sne.s32 s26, $0x1F80;
	[tilespmem:s28+$0x3C90] =	vst v3;
	v2 =	vadd.s32 $0x41, v1  }
.Ltmp4:
0x33e: {  	v3 =	vadd.s32 $0x1000, v1;
	[tilespmem:s28+$0x4490] =	vst v2;
	(pc) =	sbr.rel @p0 .LBB2_10-.Ltmp4, $4  }
0x33f: {  	[tilespmem:s28+$0x4C90] =	vst v3;
	v2 =	vadd.s32 $0x1001, v1  }
0x340: {  	v3 =	vadd.s32 $0x1040, v1;
	[tilespmem:s28+$0x5490] =	vst v2  }
0x341: {  	v1 =	vadd.s32 $0x1041, v1;
	[tilespmem:s28+$0x5C90] =	vst v3  }
0x342: {  	s26 =	sadd.s32 $0x80, s26;
	[tilespmem:s28+$0x6490] =	vst v1  }
0x343: {  	s26 =	simm.s32 $0x2C80;
	s28 =	simm.s32 $0x6C80  }
0x344: {  	[tilespmem:s28], [sflag:$0x1] =	stream.indirect.gather [hbm4b:s7+s22], $0x1, s26, s22, $0xb8;
	[tilespmem:$0x19480] =	vst v63  }
0x345: {  	s30 =	simm.s32 $0x3480;
	s31 =	simm.s32 $0x7480  }
0x346: {  	[tilespmem:s31], [sflag:$0x1] =	stream.indirect.gather [hbm4b:s7+s22], $0x1, s30, s22, $0xb8;
	[tilespmem:$0x19480] =	vst v63  }
0x347: {  	s29 =	simm.s32 $0x3C80;
	s30 =	simm.s32 $0x7C80  }
0x348: {  	[tilespmem:s30], [sflag:$0x1] =	stream.indirect.gather [hbm4b:s7+s22], $0x1, s29, s22, $0xb8;
	[tilespmem:$0x19480] =	vst v63  }
0x349: {  	s31 =	simm.s32 $0x4480;
	s29 =	simm.s32 $0x8480  }
0x34a: {  	[tilespmem:s29], [sflag:$0x1] =	stream.indirect.gather [hbm4b:s7+s22], $0x1, s31, s22, $0xb8;
	[tilespmem:$0x19480] =	vst v63  }
0x34b: {  	s30 =	simm.s32 $0x4C80;
	s31 =	simm.s32 $0x8C80  }
0x34c: {  	[tilespmem:s31], [sflag:$0x1] =	stream.indirect.gather [hbm4b:s7+s22], $0x1, s30, s22, $0xb8;
	[tilespmem:$0x19480] =	vst v63  }
0x34d: {  	s29 =	simm.s32 $0x5480;
	s30 =	simm.s32 $0x9480  }
0x34e: {  	[tilespmem:s30], [sflag:$0x1] =	stream.indirect.gather [hbm4b:s7+s22], $0x1, s29, s22, $0xb8;
	[tilespmem:$0x19480] =	vst v63  }
0x34f: {  	s31 =	simm.s32 $0x5C80;
	s29 =	simm.s32 $0x9C80  }
0x350: {  	[tilespmem:s29], [sflag:$0x1] =	stream.indirect.gather [hbm4b:s7+s22], $0x1, s31, s22, $0xb8;
	[tilespmem:$0x19480] =	vst v63  }
0x351: {  	s30 =	simm.s32 $0x6480;
	s31 =	simm.s32 $0xA480  }
0x352: {  	[tilespmem:s31], [sflag:$0x1] =	stream.indirect.gather [hbm4b:s7+s22], $0x1, s30, s22, $0xb8;
	[tilespmem:$0x19480] =	vst v63  }
.LBB2_12:
0x353: {  	_ =	swait.ge [sflag:s18], $0x800  }
0x354: {  	[sflag:s18] =	ssyncset.done $0x0  }
0x355: {  	[sflag:s18] =	ssyncadd.s32 $0xFFFFF800  }
0x356: {  	_ =	swait.ge [sflag:s18], $0x800  }
0x357: {  	[sflag:s18] =	ssyncset.done $0x0  }
0x358: {  	[sflag:s18] =	ssyncadd.s32 $0xFFFFF800  }
0x359: {  	_ =	swait.ge [sflag:s18], $0x800  }
0x35a: {  	[sflag:s18] =	ssyncset.done $0x0  }
0x35b: {  	[sflag:s18] =	ssyncadd.s32 $0xFFFFF800  }
0x35c: {  	_ =	swait.ge [sflag:s18], $0x800  }
0x35d: {  	[sflag:s18] =	ssyncset.done $0x0  }
0x35e: {  	[sflag:s18] =	ssyncadd.s32 $0xFFFFF800  }
0x35f: {  	_ =	swait.ge [sflag:s18], $0x800  }
0x360: {  	[sflag:s18] =	ssyncset.done $0x0  }
0x361: {  	[sflag:s18] =	ssyncadd.s32 $0xFFFFF800  }
0x362: {  	_ =	swait.ge [sflag:s18], $0x800  }
0x363: {  	[sflag:s18] =	ssyncset.done $0x0  }
0x364: {  	[sflag:s18] =	ssyncadd.s32 $0xFFFFF800  }
0x365: {  	_ =	swait.ge [sflag:s18], $0x800  }
0x366: {  	[sflag:s18] =	ssyncset.done $0x0  }
0x367: {  	[sflag:s18] =	ssyncadd.s32 $0xFFFFF800  }
0x368: {  	_ =	swait.ge [sflag:s18], $0x800  }
0x369: {  	[sflag:s18] =	ssyncset.done $0x0  }
0x36a: {  	s26 =	simm.s32 $0x0;
	[sflag:s18] =	ssyncadd.s32 $0xFFFFF800  }
0x36b: {  	v63 =	vld [tilespmem:s26+$0x17480]  }
0x36c: {  	v3 =	vld [tilespmem:s26+$0x12C80]  }
0x36d: {  	v2 =	vld [tilespmem:s26+$0x13480]  }
0x36e: {  	v6 =	vld [tilespmem:s26+$0x13C80]  }
0x36f: {  	v4 =	vld [tilespmem:s26+$0x14480]  }
0x370: {  	v7 =	vld [tilespmem:s26+$0x16C80]  }
0x371: {  	v8 =	vld [tilespmem:s26+$0x15480]  }
0x372: {  	v9 =	vld [tilespmem:s26+$0x16480]  }
0x373: {  	v10 =	vld [tilespmem:s26+$0x14C80]  }
0x374: {  	v11 =	vld [tilespmem:s26+$0x15C80]  }
0x375: {  	s28 =	simm.s32 $0x10;
	v1 =	vld [tilespmem:s26+$0x17C80]  }
0x376: {  	v5 =	vld [tilespmem:s28+$0x12C80];
	v12 =	vmul.f32 v2, v7;
	v13 =	vsub.f32 $1.000000000e+00, v7  }
0x377: {  	v2 =	vld [tilespmem:s28+$0x17480];
	v14 =	vmul.f32 v4, v7;
	v15 =	vmul.f32 v8, v7  }
0x378: {  	v4 =	vld [tilespmem:s28+$0x13480];
	v16 =	vmul.f32 v3, v13;
	v17 =	vmul.f32 v6, v13  }
0x379: {  	v9 =	vmul.f32 v9, v7;
	v8 =	vld [tilespmem:s28+$0x14480];
	v6 =	vsub.f32 $1.000000000e+00, v63;
	v10 =	vmul.f32 v10, v13  }
0x37a: {  	v7 =	vld [tilespmem:s28+$0x16C80];
	v11 =	vmul.f32 v11, v13;
	v16 =	vadd.f32 v12, v16;
	v14 =	vadd.f32 v14, v17  }
0x37b: {  	v3 =	vld [tilespmem:s28+$0x13C80];
	v13 =	vadd.f32 v15, v10  }
0x37c: {  	s29 =	simm.s32 $0x80;
	v12 =	vadd.f32 v9, v11;
	v9 =	vld [tilespmem:s28+$0x15480];
	v10 =	vmul.f32 v16, v6;
	v11 =	vmul.f32 v14, v63  }
.LBB2_13:
0x37d: {  	_ = 	snop  }
0x37e: {  	p0 =	sne.s32 s29, $0x1FC0;
	v14 =	vld [tilespmem:s28+$0x16480];
	v6 =	vmul.f32 v13, v6;
	v12 =	vmul.f32 v12, v63;
	v63 =	vmov v2  }
0x37f: {  	v15 =	vsub.f32 $1.000000000e+00, v1;
	v13 =	vld [tilespmem:s28+$0x14C80];
	v10 =	vadd.f32 v11, v10  }
0x380: {  	v16 =	vld [tilespmem:s28+$0x15C80];
	v6 =	vadd.f32 v12, v6;
	v17 =	vmul.f32 v8, v7;
	v8 =	vsub.f32 $1.000000000e+00, v7  }
0x381: {  	s30 =	sshra.s32 s29, $0x2;
	v11 =	vld [tilespmem:s28+$0x17C80];
	v12 =	vmul.f32 v4, v7;
	v10 =	vmul.f32 v10, v15  }
0x382: {  	v2 =	vld [tilespmem:s30+$0x17480];
	v1 =	vmul.f32 v6, v1;
	v5 =	vmul.f32 v5, v8  }
0x383: {  	v9 =	vmul.f32 v9, v7;
	v15 =	vld [tilespmem:s30+$0x12C80];
	v14 =	vmul.f32 v14, v7  }
.Ltmp5:
0x384: {  	v7 =	vmul.f32 v3, v8;
	v4 =	vld [tilespmem:s30+$0x13480];
	v18 =	vadd.f32 v1, v10;
	v5 =	vadd.f32 v12, v5;
	(pc) =	sbr.rel @p0 .LBB2_13-.Ltmp5, $4  }
0x385: {  	v6 =	vsub.f32 $1.000000000e+00, v63;
	v10 =	vmul.f32 v13, v8;
	v3 =	vld [tilespmem:s30+$0x13C80];
	v16 =	vmul.f32 v16, v8  }
0x386: {  	v17 =	vadd.f32 v17, v7;
	v8 =	vld [tilespmem:s30+$0x14480];
	[tilespmem:s26+$0x18C80] =	vst v18;
	v1 =	vmov v11;
	s26 =	smov.u32 s28;
	s28 =	smov.u32 s30  }
0x387: {  	v13 =	vadd.f32 v9, v10;
	v7 =	vld [tilespmem:s28+$0x16C80];
	v12 =	vadd.f32 v14, v16  }
0x388: {  	s29 =	sadd.s32 $0x40, s29;
	v10 =	vmul.f32 v5, v6;
	v11 =	vmul.f32 v17, v63;
	v9 =	vld [tilespmem:s28+$0x15480];
	v5 =	vmov v15  }
0x389: {  	v14 =	vld [tilespmem:s28+$0x16480]  }
0x38a: {  	v15 =	vld [tilespmem:s28+$0x14C80]  }
0x38b: {  	v16 =	vld [tilespmem:s28+$0x15C80]  }
0x38c: {  	v6 =	vmul.f32 v13, v6;
	v17 =	vsub.f32 $1.000000000e+00, v7  }
0x38d: {  	v4 =	vmul.f32 v4, v7;
	v8 =	vmul.f32 v8, v7  }
0x38e: {  	v9 =	vmul.f32 v9, v7;
	v5 =	vmul.f32 v5, v17  }
0x38f: {  	v7 =	vmul.f32 v14, v7;
	v3 =	vmul.f32 v3, v17  }
0x390: {  	v13 =	vsub.f32 $1.000000000e+00, v2;
	v14 =	vmul.f32 v15, v17;
	v15 =	vmul.f32 v16, v17  }
0x391: {  	v4 =	vadd.f32 v4, v5;
	v5 =	vld [tilespmem:s28+$0x17C80];
	v3 =	vadd.f32 v8, v3  }
0x392: {  	v8 =	vmul.f32 v12, v63;
	v9 =	vadd.f32 v9, v14;
	v7 =	vadd.f32 v7, v15  }
0x393: {  	v10 =	vadd.f32 v11, v10;
	v4 =	vmul.f32 v4, v13;
	v3 =	vmul.f32 v3, v2  }
0x394: {  	v63 =	vsub.f32 $1.000000000e+00, v1;
	v9 =	vmul.f32 v9, v13;
	v2 =	vmul.f32 v7, v2  }
0x395: {  	v6 =	vadd.f32 v8, v6;
	v3 =	vadd.f32 v3, v4  }
0x396: {  	v2 =	vadd.f32 v2, v9;
	v15 =	vsub.f32 $1.000000000e+00, v5  }
0x397: {  	s25 =	sadd.s32 $0x1, s25;
	v63 =	vmul.f32 v10, v63;
	v1 =	vmul.f32 v6, v1  }
0x398: {  	p0 =	sne.s32 s25, $0x10;
	v2 =	vmul.f32 v2, v5;
	v3 =	vmul.f32 v3, v15  }
.Ltmp6:
0x399: {  	v1 =	vadd.f32 v1, v63;
	(pc) =	sbr.rel @p0 .LBB2_4-.Ltmp6, $4  }
0x39a: {  	v2 =	vadd.f32 v2, v3  }
0x39b: {  	[tilespmem:s26+$0x18C80] =	vst v1  }
0x39c: {  	[tilespmem:s28+$0x18C80] =	vst v2  }
0x39d: {  	[hbm4b:s2+s22] =	stream.indirect.scatter [tilespmem:s20], [sflag:$0x4], $0x1, s19, s22, $0xb8;
	[tilespmem:$0x19480] =	vst v63  }
0x39e: {  	_ =	swait.ge [sflag:s23], $0x800  }
0x39f: {  	[sflag:s23] =	ssyncset.done $0x0  }
0x3a0: {  	s25 =	simm.s32 $0x4;
	[sflag:s23] =	ssyncadd.s32 $0xFFFFF800  }
0x3a1: {  	_ =	swait.ge [sflag:s25], $0x800  }
0x3a2: {  	s26 =	rddreg [dreg:$0xa]  }
0x3a3: {  	s24 =	rddreg [dreg:$0x9];
	s26 =	sadd.s32 $0x1, s26  }
0x3a4: {  	p0 =	sne.s32 s26, s24  }
.Ltmp7:
0x3a5: {  	_ = 	snop;
	(pc) =	sbr.rel @p0 .LBB2_1-.Ltmp7, $3  }
0x3a6: {  	_ =	sdelay $0x1  }
0x3a7: {  	[sflag:s25] =	ssyncset.done $0x0  }
0x3a8: {  	[sflag:s25] =	ssyncadd.s32 $0xFFFFF800  }
0x3a9: {  	_ =	sfence.sel $0x180000  }
0x3aa: {  	[bflag:$0x0] =	sbarrier.arrive $0xFFFF  }
0x3ab: {  	_ =	strace $0x9000004D  }
0x3ac: {  	s0 =	stileid.u32;
	[bflag:$0x2] =	sbarrier.arrive $0xFFFF  }
0x3ad: {  	p0 =	sne.s32 s0, $0x0;
	s0 =	rddreg [dreg:$0x2]  }
0x3ae: {  	s0 =	sadd.s32 @!p0 $0x100000, s0  }
0x3af: {  	[sflag:s0] =	ssyncadd.tile.s32 @!p0 $0x1;
	_ =	shalt  }
.Lfunc_end2:
_tile_overlayer_lowered:
.L_overlay_start_2:
0x3b0: {  	(tag) =	ssettag $0x2  }
0x3b1: {  	s0 =	rddreg [dreg:$0x0];
	s2 =	stileid.u32  }
0x3b2: {  	s1 =	rddreg [dreg:$0x1];
	p0 =	sne.s32 s2, $0x0  }
0x3b3: {  	s3 =	rddreg [dreg:$0x2];
	[bflag:$0x3] =	sbarrier.arrive $0xFFFF;
	s2 =	simm.s32 @!p0 $0x1C05  }
0x3b4: {  	[timem:s3], [sflag:s2] =	dma.local @!p0 [hbm:s0], s1  }
0x3b5: {  	s0 =	simm.s32 @!p0 $0x5  }
0x3b6: {  	_ =	swait.ge @!p0 [sflag:s0], s1  }
0x3b7: {  	s1 =	ssub.s32 @!p0 $0x0, s1;
	[sflag:s0] =	ssyncset.done @!p0 $0x0  }
0x3b8: {  	[sflag:s0] =	ssyncadd.s32 @!p0 s1  }
0x3b9: {  	[bflag:$0x3] =	sbarrier.arrive $0xFFFF  }
0x3ba: {  	_ =	shalt  }

// kernel: sparse-core-data-format-call.cloned.1.call-start
scs
called_computation_lowered:
.L_overlay_start_0:
0x0: {  	s2 =	sld [smem:$0x3FD9]  }
0x1: {  	s3 =	sld [smem:$0x3FFE];
	_ =	sdelay $0x1  }
0x2: {  	s1 =	srdreg.scid  }
0x3: {  	s0 =	sand.u32 $0x1, s1  }
0x4: {  	s18 =	sshll.u32 s0, $0xA;
	s2 =	sadd.s32 s3, s2  }
0x5: {  	s2 =	sadd.s32 s2, s18  }
0x6: {  	[smem:$0x3FC5] =	sst s2  }
0x7: {  	_ = 	snop  }
0x8: {  	s2 =	sld [smem:$0x3FC8];
	(tm) =	ssettm $0x1  }
0x9: {  	s19 =	sld [smem:$0x3FFB];
	_ =	sdelay $0x3  }
0xa: {  	_ =	strace s19  }
0xb: {  	s3 =	sld [smem:$0x3FFC];
	_ =	sdelay $0x3  }
0xc: {  	_ =	strace s3  }
0xd: {  	s3 =	sld [smem:$0x3FFD];
	_ =	sdelay $0x3  }
0xe: {  	_ =	strace s3  }
0xf: {  	_ =	strace $0x8FFFFFFF  }
0x10: {  	s20 =	sld [smem:$0x3FDB];
	_ =	sdelay $0x1  }
0x11: {  	s4 =	simm.s32 $_scs_section_size  }
0x12: {  	s5 =	simm.s32 $_size__tile_overlayer_lowered;
	s6 =	simm.s32 $_tile_overlayer_lowered  }
0x13: {  	s23 =	simm.s32 $0x1BFF;
	s22 =	sshll.u32 s6, $0x1;
	s3 =	sadd.s32 s4, s20  }
0x14: {  	s7 =	simm.s32 $0x0;
	s21 =	sshll.u32 s5, $0x1;
	s5 =	sadd.s32 s22, s3  }
0x15: {  	[timem:s7], [sflag:s23] =	dma.local [hbm:s5], s21  }
0x16: {  	_ =	swait.ge [sflag:s23], s21  }
0x17: {  	s4 =	ssub.s32 $0x0, s21;
	[sflag:s23] =	ssyncset.done $0x0  }
0x18: {  	[sflag:s23] =	ssyncadd.s32 s4;
	_ =	sdelay $0x1  }
0x19: {  	s24 =	simm.s32 $0x1B8B  }
0x1a: {  	_ =	swait.ge [sflag:s24], $0x1  }
0x1b: {  	[sflag:s24] =	ssyncset.done $0x0  }
0x1c: {  	s26 =	simm.s32 $0x1B8E;
	s25 =	sld [smem:$0x3FFE];
	[sflag:s24] =	ssyncadd.s32 $0xFFFFFFFF  }
0x1d: {  	s27 =	simm.s32 $execute0_lowered;
	[smem:$0x3FD2] =	sst s26  }
0x1e: {  	s5 =	sshll.u32 s27, $0x1;
	_ =	strace $0x80000046;
	[dreg:$0x1] =	wrdreg $0xFFFFFFFF  }
0x1f: {  	s28 =	simm.s32 $_size_execute0_lowered;
	s3 =	sadd.s32 s3, s5;
	[dreg:$0x0] =	wrdreg $0x0  }
0x20: {  	s5 =	sshll.u32 s28, $0x1;
	[dreg:$0x2] =	wrdreg s3  }
0x21: {  	[dreg:$0x3] =	wrdreg s5  }
0x22: {  	[dreg:$0x4] =	wrdreg $0xC0  }
0x23: {  	_ =	task [dreg:s7], $0x5FFFF  }
0x24: {  	[dreg:$0x1] =	wrdreg $0xFFFFFFFF  }
0x25: {  	[dreg:$0x0] =	wrdreg $0x60  }
0x26: {  	[dreg:$0x2] =	wrdreg s2  }
0x27: {  	[dreg:$0x3] =	wrdreg s25  }
0x28: {  	[dreg:$0x4] =	wrdreg $0x9  }
0x29: {  	_ =	task.clear_ibuf [dreg:s7], $0x5FFFF;
	_ =	strace $0x90000046  }
0x2a: {  	s29 =	simm.s32 $0x9;
	_ =	strace $0x80000048  }
0x2b: {  	_ =	swait.ge [sflag:s29], $0x1  }
0x2c: {  	[sflag:s29] =	ssyncadd.s32 $0xFFFFFFFF  }
0x2d: {  	_ =	strace $0x90000048  }
0x2e: {  	_ =	sfence  }
0x2f: {  	s30 =	sld [smem:$0x0];
	_ =	sdelay $0x2  }
0x30: {  	s31 =	sshll.u32 s1, $0xD;
	s1 =	sshrl.u32 s1, $0x2  }
0x31: {  	s3 =	sand.u32 $0x4000, s31;
	s1 =	sadd.s32 s1, s30  }
0x32: {  	s0 =	sor.u32 s3, s0;
	s1 =	sshll.u32 s1, $0x11  }
0x33: {  	s0 =	sor.u32 s1, s0  }
0x34: {  	s0 =	sadd.s32 $0x8F2B, s0  }
0x35: {  	[sflag:s0] =	ssyncadd.remote.s32 $0x1  }
0x36: {  	_ =	sfence.sel $0xFFFF  }
0x37: {  	[dreg:$0x0] =	wrdreg $0xFFFFFFFF;
	(pc) =	sbr.abs _section_cstart, $3  }
0x38: {  	[dreg:$0x1] =	wrdreg $0xFFFFFFFF  }
0x39: {  	_ =	task.clear_ibuf [dreg:s7], $0x2FFFF;
	_ =	strace $0x9FFFFFFF  }
0x3a: {  	(tm) =	ssettm $0x7FFFFFFF  }
0x3b: {  	_ =	shalt  }
tec
execute0_lowered:
.L_overlay_start_1:
0x0: {  	(tag) =	ssettag $0x1  }
0x1: {  	s0 =	srdreg.scid  }
0x2: {  	s1 =	sshll.u32 s0, $0x4  }
0x3: {  	s2 =	rddreg [dreg:$0x0];
	s0 =	stileid.u32;
	s1 =	sand.u32 $0x10, s1  }
0x4: {  	s4 =	rddreg [dreg:$0x1];
	s7 =	simm.s32 $0x1;
	s1 =	sor.u32 s0, s1  }
0x5: {  	s8 =	simm.s32 $0x2;
	s9 =	simm.s32 $0x0;
	s3 =	sshll.u32 s1, $0x3  }
0x6: {  	s12 =	simm.s32 $0x0;
	s11 =	simm.s32 $0x0;
	s6 =	ssub.s32 $0x2000, s3  }
.Ltmp0:
0x7: {  	s4 =	sadd.s32 $0x1000, s4;
	s5 =	sand.u32 $0xF8, s6;
	(pc) =	sbr.rel .LBB1_1-.Ltmp0, $4  }
0x8: {  	s1 =	rddreg [dreg:$0x2];
	_ =	strace $0x80000047;
	p0 =	sne.s32 s5, $0x0  }
0x9: {  	s6 =	sshrl.u32 s6, $0x8;
	s5 =	simm.s32 $0x1;
	s7 =	simm.s32 @!p0 $0x0  }
0xa: {  	s10 =	smov.u32 s3;
	[sflag:s5] =	ssyncpa.u1 $0x0;
	s6 =	sadd.s32 s7, s6  }
0xb: {  	[sflag:s8] =	ssyncpa.u1 $0x0;
	s8 =	simm.s32 $0x0;
	s7 =	sadd.s32 $0x1, s6  }
.LBB1_9:
0xc: {  	s14 =	sadd.s32 $0x100, s10  }
0xd: {  	p1 =	sgt.s32 s14, $0x1FFF  }
0xe: {  	s14 =	smov.u32 @p1 s3;
	p1 =	sne.s32 s11, s7  }
.Ltmp1:
0xf: {  	p0 =	slt.u32 s11, $0x2;
	(pc) =	sbr.rel @!p1 .LBB1_10-.Ltmp1, $4  }
0x10: {  	s13 =	simm.s32 @!p0 $0x2  }
0x11: {  	s15 =	sadd.s32 $0x1, s11;
	_ =	swait.ge @!p0 [sflag:s13], $0x4000  }
0x12: {  	s12 =	smov.u32 s10;
	s9 =	sadd.s32 $0x4000, s9;
	[sflag:s13] =	ssyncset.done @!p0 $0x0  }
0x13: {  	s11 =	smov.u32 s15;
	s10 =	smov.u32 s14;
	[sflag:s13] =	ssyncadd.s32 @!p0 $0xFFFFC000  }
.LBB1_1:
0x14: {  	p0 =	sge.u32 s11, s6  }
0x15: {  	s13 =	sxor.u32 @!p0 $0xFFFFFFFF, s11  }
0x16: {  	s31 =	sadd.s32 $0xFFFFFFFF, s11;
	s14 =	sshll.u32 @!p0 s10, $0x8;
	s13 =	sshll.u32 @!p0 s13, $0xE  }
0x17: {  	s15 =	simm.s32 @!p0 $0x0;
	s14 =	sadd.s32 @!p0 s2, s14;
	s13 =	sand.u32 @!p0 $0x4000, s13  }
0x18: {  	[tilespmem:s13], [sflag:$0x1] =	stream.linear.gather @!p0 [hbm4b:s14+s15], $0x4000, $0x38;
	[tilespmem:$0x10000] =	vst v63  }
0x19: {  	p0 =	sge.u32 s31, s6  }
.Ltmp2:
0x1a: {  	_ = 	snop;
	(pc) =	sbr.rel @p0 .LBB1_9-.Ltmp2, $1  }
0x1b: {  	_ =	sdelay $0x3  }
0x1c: {  	s13 =	sshll.u32 s9, $0x2;
	_ =	swait.ge [sflag:s5], $0x4000;
	s14 =	sshll.u32 s11, $0xE  }
0x1d: {  	s16 =	simm.s32 $0x0;
	s17 =	simm.s32 $0x0;
	s15 =	sand.u32 $0x10000, s13  }
0x1e: {  	[sflag:s5] =	ssyncset.done $0x0;
	s31 =	sand.u32 $0x4000, s14;
	s14 =	sshrl.u32 s15, $0x2  }
0x1f: {  	[sflag:s5] =	ssyncadd.s32 $0xFFFFC000;
	s13 =	sor.u32 $0x8000, s31;
	s15 =	sor.u32 $0x8000, s14  }
.LBB1_3:
0x20: {  	s18 =	sshra.s32 s16, $0x2  }
0x21: {  	v0 =	vmov s18;
	_ =	sdelay $0x3  }
0x22: {  	p1 =	por $0x1, $0x1;
	s18 =	simm.s32 $0x0  }
.LBB1_4:
0x23: {  	_ = 	snop  }
0x24: {  	s19 =	sshll.u32 s18, $0xA  }
0x25: {  	s19 =	sand.u32 $0x3FFFFC00, s19  }
0x26: {  	s19 =	sadd.s32 s19, s14  }
0x27: {  	v5 =	vld.idx.msk [tilespmem:v0+s19+$0x70 ss:$0x1], $0xffff  }
0x28: {  	v6 =	vld.idx.msk [tilespmem:v0+s19+$0x10 ss:$0x1], $0xffff  }
0x29: {  	v7 =	vld.idx.msk [tilespmem:v0+s19+$0x20 ss:$0x1], $0xffff  }
0x2a: {  	s31 =	sshll.u32 s18, $0x7;
	v1 =	vld.idx.msk [tilespmem:v0+s19+$0x30 ss:$0x1], $0xffff  }
0x2b: {  	s18 =	sand.u32 $0x3FFFFF80, s31;
	v2 =	vld.idx.msk [tilespmem:v0+s19+$0x40 ss:$0x1], $0xffff  }
0x2c: {  	s18 =	sadd.s32 s18, s15;
	v3 =	vld.idx.msk [tilespmem:v0+s19+$0x50 ss:$0x1], $0xffff  }
0x2d: {  	v4 =	vld.idx.msk [tilespmem:v0+s19+$0x60 ss:$0x1], $0xffff;
	[tilespmem:v0+s18+$0x70 ss:$0x1] =	vst.idx.msk $0xffff, v5  }
0x2e: {  	v5 =	vld.idx.msk [tilespmem:v0+s19+$0x0 ss:$0x1], $0xffff;
	[tilespmem:v0+s18+$0x10 ss:$0x1] =	vst.idx.msk $0xffff, v6;
	s19 =	sadd.s32 $0x80, s19  }
0x2f: {  	p0 =	por p1, p1;
	s20 =	simm.s32 $0x6;
	[tilespmem:v0+s18+$0x20 ss:$0x1] =	vst.idx.msk $0xffff, v7;
	v6 =	vld.idx.msk [tilespmem:v0+s19+$0x70 ss:$0x1], $0xffff  }
.LBB1_5:
0x30: {  	p1 =	sne.s32 s20, $0x1;
	v7 =	vld.idx.msk [tilespmem:v0+s19+$0x10 ss:$0x1], $0xffff;
	[tilespmem:v0+s18+$0x30 ss:$0x1] =	vst.idx.msk $0xffff, v1  }
0x31: {  	v8 =	vld.idx.msk [tilespmem:v0+s19+$0x20 ss:$0x1], $0xffff;
	[tilespmem:v0+s18+$0x40 ss:$0x1] =	vst.idx.msk $0xffff, v2  }
0x32: {  	v1 =	vld.idx.msk [tilespmem:v0+s19+$0x30 ss:$0x1], $0xffff;
	[tilespmem:v0+s18+$0x50 ss:$0x1] =	vst.idx.msk $0xffff, v3  }
.Ltmp3:
0x33: {  	v2 =	vld.idx.msk [tilespmem:v0+s19+$0x40 ss:$0x1], $0xffff;
	[tilespmem:v0+s18+$0x60 ss:$0x1] =	vst.idx.msk $0xffff, v4;
	(pc) =	sbr.rel @p1 .LBB1_5-.Ltmp3, $4  }
0x34: {  	v3 =	vld.idx.msk [tilespmem:v0+s19+$0x50 ss:$0x1], $0xffff;
	[tilespmem:v0+s18+$0x0 ss:$0x1] =	vst.idx.msk $0xffff, v5;
	s18 =	sadd.s32 $0x100, s18  }
0x35: {  	v4 =	vld.idx.msk [tilespmem:v0+s19+$0x60 ss:$0x1], $0xffff;
	[tilespmem:v0+s18+$0x70 ss:$0x1] =	vst.idx.msk $0xffff, v6  }
0x36: {  	v5 =	vld.idx.msk [tilespmem:v0+s19+$0x0 ss:$0x1], $0xffff;
	[tilespmem:v0+s18+$0x10 ss:$0x1] =	vst.idx.msk $0xffff, v7;
	s19 =	sadd.s32 $0x80, s19  }
0x37: {  	s20 =	sadd.s32 $0xFFFFFFFF, s20;
	v6 =	vld.idx.msk [tilespmem:v0+s19+$0x70 ss:$0x1], $0xffff;
	[tilespmem:v0+s18+$0x20 ss:$0x1] =	vst.idx.msk $0xffff, v8  }
0x38: {  	_ =	sdelay $0x3  }
0x39: {  	[tilespmem:v0+s18+$0x30 ss:$0x1] =	vst.idx.msk $0xffff, v1  }
0x3a: {  	v1 =	vld.idx.msk [tilespmem:v0+s19+$0x10 ss:$0x1], $0xffff;
	[tilespmem:v0+s18+$0x40 ss:$0x1] =	vst.idx.msk $0xffff, v2  }
0x3b: {  	v2 =	vld.idx.msk [tilespmem:v0+s19+$0x20 ss:$0x1], $0xffff;
	[tilespmem:v0+s18+$0x50 ss:$0x1] =	vst.idx.msk $0xffff, v3  }
0x3c: {  	v61 =	vld.idx.msk [tilespmem:v0+s19+$0x40 ss:$0x1], $0xffff;
	[tilespmem:v0+s18+$0x60 ss:$0x1] =	vst.idx.msk $0xffff, v4  }
0x3d: {  	s31 =	sadd.s32 $0x100, s18;
	v62 =	vld.idx.msk [tilespmem:v0+s19+$0x50 ss:$0x1], $0xffff;
	[tilespmem:v0+s18+$0x0 ss:$0x1] =	vst.idx.msk $0xffff, v5  }
0x3e: {  	v63 =	vld.idx.msk [tilespmem:v0+s19+$0x60 ss:$0x1], $0xffff;
	[tilespmem:v0+s31+$0x70 ss:$0x1] =	vst.idx.msk $0xffff, v6  }
0x3f: {  	v3 =	vld.idx.msk [tilespmem:v0+s19+$0x30 ss:$0x1], $0xffff;
	[tilespmem:v0+s31+$0x10 ss:$0x1] =	vst.idx.msk $0xffff, v1  }
0x40: {  	v1 =	vld.idx.msk [tilespmem:v0+s19+$0x0 ss:$0x1], $0xffff;
	[tilespmem:v0+s31+$0x20 ss:$0x1] =	vst.idx.msk $0xffff, v2  }
.Ltmp4:
0x41: {  	[tilespmem:v0+s31+$0x40 ss:$0x1] =	vst.idx.msk $0xffff, v61;
	(pc) =	sbr.rel @p0 .LBB1_4-.Ltmp4, $4  }
0x42: {  	[tilespmem:v0+s31+$0x50 ss:$0x1] =	vst.idx.msk $0xffff, v62  }
0x43: {  	[tilespmem:v0+s31+$0x60 ss:$0x1] =	vst.idx.msk $0xffff, v63  }
0x44: {  	[tilespmem:v0+s31+$0x30 ss:$0x1] =	vst.idx.msk $0xffff, v3  }
0x45: {  	p1 =	por $0x0, $0x0;
	s18 =	simm.s32 $0x1;
	[tilespmem:v0+s31+$0x0 ss:$0x1] =	vst.idx.msk $0xffff, v1  }
0x46: {  	s17 =	sadd.s32 $0x1, s17  }
0x47: {  	p0 =	sne.s32 s17, $0x8  }
.Ltmp5:
0x48: {  	_ = 	snop;
	(pc) =	sbr.rel @p0 .LBB1_3-.Ltmp5, $2  }
0x49: {  	_ =	sdelay $0x2  }
0x4a: {  	s16 =	sadd.s32 $0x2000, s16  }
.Ltmp6:
0x4b: {  	(pc) =	sbr.rel .LBB1_9-.Ltmp6, $4  }
0x4c: {  	_ = 	snop  }
0x4d: {  	s12 =	sshll.u32 s12, $0x8  }
0x4e: {  	s12 =	sadd.s32 s4, s12  }
0x4f: {  	[hbm4b:s12+s8] =	stream.linear.scatter [tilespmem:s13], [sflag:$0x2], $0x4000, $0x38;
	[tilespmem:$0x10000] =	vst v63  }
.LBB1_10:
0x50: {  	_ =	sfence.sel $0x180000  }
0x51: {  	s2 =	simm.s32 $0x1;
	[bflag:$0x0] =	sbarrier.arrive $0xFFFF  }
0x52: {  	s31 =	simm.s32 $0x2;
	[sflag:s2] =	ssyncpa.u1 $0x1  }
0x53: {  	[sflag:s31] =	ssyncpa.u1 $0x1  }
0x54: {  	p0 =	sne.s32 s0, $0x0;
	_ =	strace $0x90000047  }
0x55: {  	s0 =	sadd.s32 @!p0 $0x100000, s1;
	[bflag:$0x2] =	sbarrier.arrive $0xFFFF  }
0x56: {  	[sflag:s0] =	ssyncadd.tile.s32 @!p0 $0x1;
	_ =	shalt  }
.Lfunc_end1:
_tile_overlayer_lowered:
.L_overlay_start_2:
0x57: {  	(tag) =	ssettag $0x2  }
0x58: {  	s0 =	rddreg [dreg:$0x0];
	s2 =	stileid.u32  }
0x59: {  	s1 =	rddreg [dreg:$0x1];
	p0 =	sne.s32 s2, $0x0  }
0x5a: {  	s3 =	rddreg [dreg:$0x2];
	[bflag:$0x3] =	sbarrier.arrive $0xFFFF;
	s2 =	simm.s32 @!p0 $0x1C01  }
0x5b: {  	[timem:s3], [sflag:s2] =	dma.local @!p0 [hbm:s0], s1  }
0x5c: {  	s0 =	simm.s32 @!p0 $0x1  }
0x5d: {  	_ =	swait.ge @!p0 [sflag:s0], s1  }
0x5e: {  	s1 =	ssub.s32 @!p0 $0x0, s1;
	[sflag:s0] =	ssyncset.done @!p0 $0x0  }
0x5f: {  	[sflag:s0] =	ssyncadd.s32 @!p0 s1  }
0x60: {  	[bflag:$0x3] =	sbarrier.arrive $0xFFFF  }
0x61: {  	_ =	shalt  }

</sc_bundles>
